<compile_context>
chip_gen: v7x
topology: tpu7x:2x2x1
jax: 0.10.2.dev20260603
libtpu: 0.0.44.dev20260713+nightly
codegen_flags: <defaults>
</compile_context>

<pallas_src>
import jax
import jax.numpy as jnp
from jax import lax
from jax.experimental import pallas as pl
from jax.experimental.pallas import tpu as pltpu
from jax.experimental.pallas import tpu_sc as plsc

B = 4
T = 2048
D = 1024
L = 16
NC = 2
NS = 16
NW = NC * NS
PER = (B * T) // NW
VPT = PER // L
VPR = T // L
R = 16
NCH = PER // R
NB = 6
NF = 5


def _body(inp_hbm, tab_hbm, out_hbm, row_v, chunk_v, idx_v, buf_v, *sems):
    wid = lax.axis_index("c") * NS + lax.axis_index("s")
    row = wid // (T // PER)
    ch = wid % (T // PER)

    c_row = pltpu.async_copy(inp_hbm.at[pl.ds(row * T, T)], row_v, sems[0])
    c_chk = pltpu.async_copy(inp_hbm.at[pl.ds(wid * PER, PER)], chunk_v, sems[1])
    c_row.wait()
    c_chk.wait()

    zeros = jnp.zeros((L,), jnp.int32)
    lane = lax.iota(jnp.int32, L)
    last = jnp.broadcast_to(jnp.int32(L - 1), (L,))

    def nonzero_mask(v):
        return lax.shift_right_logical(v | (zeros - v), 31)

    def scan16(x):
        s = x
        for d in (1, 2, 4, 8):
            shifted = s.at[jnp.maximum(lane - d, 0)].get(mode="promise_in_bounds")
            s = s + jnp.clip(lane - (d - 1), 0, 1) * shifted
        return s

    def splat_last(s):
        return s.at[last].get(mode="promise_in_bounds")

    chvec = jnp.broadcast_to(ch, (L,))
    sumvec = zeros
    for c2 in range(T // PER):
        csum = zeros
        for j in range(VPT):
            csum = csum + nonzero_mask(row_v[pl.ds((c2 * VPT + j) * L, L)])
        sumvec = sumvec + jnp.clip(chvec - c2, 0, 1) * csum
    prefix = splat_last(scan16(sumvec))

    carry = prefix
    for j in range(VPT):
        v = chunk_v[pl.ds(j * L, L)]
        mi = nonzero_mask(v)
        s = scan16(mi)
        pos = (carry + s) * mi
        idx_v[j // (R // L), pl.ds((j % (R // L)) * L, L)] = pos
        carry = carry + splat_last(s)

    base = wid * PER
    gsems = sems[:NB]
    osems = sems[NB:]

    def gather(k):
        return pltpu.async_copy(
            tab_hbm.at[idx_v.at[(k + row * 4) % NCH]],
            buf_v.at[pl.ds((k % NB) * R, R)], gsems[k % NB])

    def outpair(m):
        return pltpu.async_copy(
            buf_v.at[pl.ds(((2 * m) % NB) * R, 2 * R)],
            out_hbm.at[pl.ds(base + ((2 * m + row * 4) % NCH) * R, 2 * R)],
            osems[m % (NB // 2)])

    gs = [gather(k) for k in range(min(NF, NCH))]
    os_ = []
    for k in range(NCH):
        gs[k].wait()
        if k % 2 == 1:
            os_.append(outpair((k - 1) // 2))
        nxt = k + NF
        if nxt < NCH:
            if nxt - NB >= 0 and (nxt - NB) % 2 == 0:
                os_[(nxt - NB) // 2].wait()
            gs.append(gather(nxt))
    for m in range(max(0, (NCH - NB) // 2), NCH // 2):
        os_[m].wait()


@jax.jit
def _sc_embed(flat_inp, table):
    mesh = plsc.VectorSubcoreMesh(
        core_axis_name="c", subcore_axis_name="s", num_cores=NC, num_subcores=NS
    )
    return pl.kernel(
        _body,
        out_type=jax.ShapeDtypeStruct((B * T, D), jnp.float32),
        mesh=mesh,
        scratch_types=[
            pltpu.VMEM((T,), jnp.int32),
            pltpu.VMEM((PER,), jnp.int32),
            pltpu.VMEM((NCH, R), jnp.int32),
            pltpu.VMEM((NB * R, D), jnp.float32),
        ] + [pltpu.SemaphoreType.DMA] * (NB + NB // 2),
    )(flat_inp, table)


def kernel(input, embeddings):
    flat = input.reshape(-1).astype(jnp.int32)
    out = _sc_embed(flat, embeddings.astype(jnp.float32))
    return out.reshape(B, T, D)

# --- scband reference (transcript-rebuilt; emitter-appended) ---
"""Pipeline reference for scband-sinusoidal-positional-embedding-52553219834603 (READ-ONLY COPY).

The authoritative reference and input builder live on the scoring server;
editing this copy changes nothing except your own understanding.
"""

import jax, jax.numpy as jnp
import numpy as np
import math

EMBEDDING_DIM = 1024
PADDING_IDX = 0
INIT_SIZE = 4096
B, T = 4, 2048
VOCAB = 32000


def _get_embeddings(num_embeddings, embedding_dim, padding_idx=None):
    half_dim = embedding_dim // 2
    t = jnp.exp(jnp.arange(half_dim, dtype=jnp.float32) * (-math.log(10000.0) / (half_dim - 1)))
    embedding_t = jnp.arange(num_embeddings, dtype=jnp.float32)[:, None] * t[None, :]
    embeddings = jnp.concatenate([jnp.sin(embedding_t), jnp.cos(embedding_t)], axis=1)
    if embedding_dim % 2 == 1:
        embeddings = jnp.concatenate([embeddings, jnp.zeros((num_embeddings, 1), dtype=jnp.float32)], axis=1)
    if padding_idx is not None:
        embeddings = embeddings.at[padding_idx, :].set(0.0)
    return embeddings.astype(jnp.float32)


def setup_inputs(seed: int = 0) -> dict:
    key = jax.random.key(seed)
    k_inp = jax.random.fold_in(key, 1)
    inp = jax.random.randint(k_inp, (B, T), 0, VOCAB, dtype=jnp.int64 if jax.config.jax_enable_x64 else jnp.int32)
    inp = inp.astype(jnp.int32)
    embeddings = _get_embeddings(INIT_SIZE, EMBEDDING_DIM, PADDING_IDX)
    return {"input": inp, "embeddings": embeddings}


def reference(input, embeddings):
    # _make_positions: positions = cumsum(mask, dim=1) * mask + padding_idx
    mask = (input != PADDING_IDX).astype(jnp.int32)
    positions = jnp.cumsum(mask, axis=1) * mask + PADDING_IDX
    Bc, Tc = input.shape
    out = jnp.take(embeddings, positions.reshape(-1), axis=0).reshape(Bc, Tc, -1)
    return out

if __name__ == "__main__":
    import jax
    _d = setup_inputs()
    print(jax.jit(kernel)(*tuple(_d.values())))

</pallas_src>

<mosaic_0001>
#map = affine_map<(d0, d1) -> (0)>
#map1 = affine_map<(d0, d1) -> (0, 0)>
module attributes {stable_mosaic.version = 14 : i64} {
  func.func @_body(%arg0: i32, %arg1: i32, %arg2: memref<8192xi32, #tpu.memory_space<hbm>>, %arg3: memref<4096x1024xf32, #tpu.memory_space<hbm>>, %arg4: memref<8192x1024xf32, #tpu.memory_space<hbm>>, %arg5: memref<2048xi32, #tpu.memory_space<vmem>>, %arg6: memref<256xi32, #tpu.memory_space<vmem>>, %arg7: memref<16x16xi32, #tpu.memory_space<vmem>>, %arg8: memref<96x1024xf32, #tpu.memory_space<vmem>>, %arg9: memref<!tpu.dma_semaphore, #tpu.memory_space<semaphore_mem>>, %arg10: memref<!tpu.dma_semaphore, #tpu.memory_space<semaphore_mem>>, %arg11: memref<!tpu.dma_semaphore, #tpu.memory_space<semaphore_mem>>, %arg12: memref<!tpu.dma_semaphore, #tpu.memory_space<semaphore_mem>>, %arg13: memref<!tpu.dma_semaphore, #tpu.memory_space<semaphore_mem>>, %arg14: memref<!tpu.dma_semaphore, #tpu.memory_space<semaphore_mem>>, %arg15: memref<!tpu.dma_semaphore, #tpu.memory_space<semaphore_mem>>, %arg16: memref<!tpu.dma_semaphore, #tpu.memory_space<semaphore_mem>>, %arg17: memref<!tpu.dma_semaphore, #tpu.memory_space<semaphore_mem>>) attributes {dimension_semantics = [#tpu.dimension_semantics<core_parallel>, #tpu.dimension_semantics<subcore_parallel>], iteration_bounds = array<i64: 2, 16>, scalar_prefetch = 0 : i64, scratch_operands = 13 : i64, tpu.core_type = #tpu.core_type<sc_vector_subcore>, window_params = [{transform_indices = #map}, {transform_indices = #map1}, {transform_indices = #map1}]} {
    %mul3A = arith.constant 16 : i32
    %mul3A_0 = arith.muli %arg0, %mul3A : i32
    %add3A = arith.addi %mul3A_0, %arg1 : i32
    %jit3A = arith.constant 8 : i32
    %div3A = arith.divsi %add3A, %jit3A : i32
    %sign3A = arith.constant 0 : i32
    %sign3A_1 = arith.cmpi sgt, %add3A, %sign3A : i32
    %sign3A_2 = arith.extui %sign3A_1 : i1 to i32
    %sign3A_3 = arith.constant 0 : i32
    %sign3A_4 = arith.cmpi slt, %add3A, %sign3A_3 : i32
    %sign3A_5 = arith.extui %sign3A_4 : i1 to i32
    %sign3A_6 = arith.subi %sign3A_2, %sign3A_5 : i32
    %sign3A_7 = arith.constant 0 : i32
    %sign3A_8 = arith.cmpi sgt, %jit3A, %sign3A_7 : i32
    %sign3A_9 = arith.extui %sign3A_8 : i1 to i32
    %sign3A_10 = arith.constant 0 : i32
    %sign3A_11 = arith.cmpi slt, %jit3A, %sign3A_10 : i32
    %sign3A_12 = arith.extui %sign3A_11 : i1 to i32
    %sign3A_13 = arith.subi %sign3A_9, %sign3A_12 : i32
    %ne3A = arith.cmpi ne, %sign3A_6, %sign3A_13 : i32
    %rem3A = arith.remsi %add3A, %jit3A : i32
    %ne3A_14 = arith.constant 0 : i32
    %ne3A_15 = arith.cmpi ne, %rem3A, %ne3A_14 : i32
    %and3A = arith.andi %ne3A, %ne3A_15 : i1
    %sub3A = arith.constant 1 : i32
    %sub3A_16 = arith.subi %div3A, %sub3A : i32
    %select_n3A = arith.select %and3A, %sub3A_16, %div3A : i32
    %jit3A_17 = arith.constant 8 : i32
    %eq3A = arith.constant 0 : i32
    %eq3A_18 = arith.cmpi eq, %jit3A_17, %eq3A : i32
    %jit3A_19 = arith.constant 1 : i32
    %select_n3A_20 = arith.select %eq3A_18, %jit3A_19, %jit3A_17 : i32
    %rem3A_21 = arith.remsi %add3A, %select_n3A_20 : i32
    %ne3A_22 = arith.constant 0 : i32
    %ne3A_23 = arith.cmpi ne, %rem3A_21, %ne3A_22 : i32
    %lt3A = arith.constant 0 : i32
    %lt3A_24 = arith.cmpi slt, %rem3A_21, %lt3A : i32
    %lt3A_25 = arith.constant 0 : i32
    %lt3A_26 = arith.cmpi slt, %select_n3A_20, %lt3A_25 : i32
    %ne3A_27 = arith.xori %lt3A_24, %lt3A_26 : i1
    %and3A_28 = arith.andi %ne3A_27, %ne3A_23 : i1
    %add3A_29 = arith.addi %rem3A_21, %select_n3A_20 : i32
    %select_n3A_30 = arith.select %and3A_28, %add3A_29, %rem3A_21 : i32
    %mul3A_31 = arith.constant 2048 : i32
    %mul3A_32 = arith.muli %select_n3A, %mul3A_31 : i32
    %dma_start3A = tpu.memref_slice %arg2[%mul3A_32] : memref<8192xi32, #tpu.memory_space<hbm>> -> memref<2048xi32, #tpu.memory_space<hbm>>
    %dma_start3A_33 = tpu.memref_slice %arg2[%mul3A_32] : memref<8192xi32, #tpu.memory_space<hbm>> -> memref<2048xi32, #tpu.memory_space<hbm>>
    tpu.enqueue_dma source(%dma_start3A_33 : memref<2048xi32, #tpu.memory_space<hbm>>) target(%arg5 : memref<2048xi32, #tpu.memory_space<vmem>>) target_semaphore(%arg9 : memref<!tpu.dma_semaphore, #tpu.memory_space<semaphore_mem>>)
    %mul3A_34 = arith.constant 256 : i32
    %mul3A_35 = arith.muli %add3A, %mul3A_34 : i32
    %dma_start3A_36 = tpu.memref_slice %arg2[%mul3A_35] : memref<8192xi32, #tpu.memory_space<hbm>> -> memref<256xi32, #tpu.memory_space<hbm>>
    %dma_start3A_37 = tpu.memref_slice %arg2[%mul3A_35] : memref<8192xi32, #tpu.memory_space<hbm>> -> memref<256xi32, #tpu.memory_space<hbm>>
    tpu.enqueue_dma source(%dma_start3A_37 : memref<256xi32, #tpu.memory_space<hbm>>) target(%arg6 : memref<256xi32, #tpu.memory_space<vmem>>) target_semaphore(%arg10 : memref<!tpu.dma_semaphore, #tpu.memory_space<semaphore_mem>>)
    %dma_wait3A = tpu.memref_slice %arg2[%mul3A_32] : memref<8192xi32, #tpu.memory_space<hbm>> -> memref<2048xi32, #tpu.memory_space<hbm>>
    %dma_wait3A_38 = tpu.memref_slice %arg2[%mul3A_32] : memref<8192xi32, #tpu.memory_space<hbm>> -> memref<2048xi32, #tpu.memory_space<hbm>>
    tpu.wait_dma2 semaphore(%arg9 : memref<!tpu.dma_semaphore, #tpu.memory_space<semaphore_mem>>) src(%dma_wait3A_38 : memref<2048xi32, #tpu.memory_space<hbm>>) dst(%arg5 : memref<2048xi32, #tpu.memory_space<vmem>>)
    %dma_wait3A_39 = tpu.memref_slice %arg2[%mul3A_35] : memref<8192xi32, #tpu.memory_space<hbm>> -> memref<256xi32, #tpu.memory_space<hbm>>
    %dma_wait3A_40 = tpu.memref_slice %arg2[%mul3A_35] : memref<8192xi32, #tpu.memory_space<hbm>> -> memref<256xi32, #tpu.memory_space<hbm>>
    tpu.wait_dma2 semaphore(%arg10 : memref<!tpu.dma_semaphore, #tpu.memory_space<semaphore_mem>>) src(%dma_wait3A_40 : memref<256xi32, #tpu.memory_space<hbm>>) dst(%arg6 : memref<256xi32, #tpu.memory_space<vmem>>)
    %broadcast_in_dim3A = arith.constant 0 : i32
    %broadcast_in_dim3A_41 = vector.broadcast %broadcast_in_dim3A : i32 to vector<16xi32>
    %iota3A = tpu.iota {dimensions = array<i32: 0>} : vector<16xi32>
    %broadcast_in_dim3A_42 = arith.constant 15 : i32
    %broadcast_in_dim3A_43 = vector.broadcast %broadcast_in_dim3A_42 : i32 to vector<16xi32>
    %broadcast_in_dim3A_44 = vector.broadcast %select_n3A_30 : i32 to vector<16xi32>
    %get3A = arith.constant 0 : index
    %get3A_45 = tpu.vector_load %arg5[%get3A] {strides = array<i32>} : memref<2048xi32, #tpu.memory_space<vmem>>, vector<16xi32>,
    %get3A_46 = vector.shape_cast %get3A_45 : vector<16xi32> to vector<16xi32>
    %sub3A_47 = arith.subi %broadcast_in_dim3A_41, %get3A_46 : vector<16xi32>
    %or3A = arith.ori %get3A_46, %sub3A_47 : vector<16xi32>
    %shift_right_logical3A = arith.constant 31 : i32
    %shift_right_logical3A_48 = vector.broadcast %shift_right_logical3A : i32 to vector<16xi32>
    %shift_right_logical3A_49 = arith.shrui %or3A, %shift_right_logical3A_48 : vector<16xi32>
    %add3A_50 = arith.addi %broadcast_in_dim3A_41, %shift_right_logical3A_49 : vector<16xi32>
    %get3A_51 = arith.constant 16 : index
    %get3A_52 = tpu.vector_load %arg5[%get3A_51] {strides = array<i32>} : memref<2048xi32, #tpu.memory_space<vmem>>, vector<16xi32>,
    %get3A_53 = vector.shape_cast %get3A_52 : vector<16xi32> to vector<16xi32>
    %sub3A_54 = arith.subi %broadcast_in_dim3A_41, %get3A_53 : vector<16xi32>
    %or3A_55 = arith.ori %get3A_53, %sub3A_54 : vector<16xi32>
    %shift_right_logical3A_56 = arith.constant 31 : i32
    %shift_right_logical3A_57 = vector.broadcast %shift_right_logical3A_56 : i32 to vector<16xi32>
    %shift_right_logical3A_58 = arith.shrui %or3A_55, %shift_right_logical3A_57 : vector<16xi32>
    %add3A_59 = arith.addi %add3A_50, %shift_right_logical3A_58 : vector<16xi32>
    %get3A_60 = arith.constant 32 : index
    %get3A_61 = tpu.vector_load %arg5[%get3A_60] {strides = array<i32>} : memref<2048xi32, #tpu.memory_space<vmem>>, vector<16xi32>,
    %get3A_62 = vector.shape_cast %get3A_61 : vector<16xi32> to vector<16xi32>
    %sub3A_63 = arith.subi %broadcast_in_dim3A_41, %get3A_62 : vector<16xi32>
    %or3A_64 = arith.ori %get3A_62, %sub3A_63 : vector<16xi32>
    %shift_right_logical3A_65 = arith.constant 31 : i32
    %shift_right_logical3A_66 = vector.broadcast %shift_right_logical3A_65 : i32 to vector<16xi32>
    %shift_right_logical3A_67 = arith.shrui %or3A_64, %shift_right_logical3A_66 : vector<16xi32>
    %add3A_68 = arith.addi %add3A_59, %shift_right_logical3A_67 : vector<16xi32>
    %get3A_69 = arith.constant 48 : index
    %get3A_70 = tpu.vector_load %arg5[%get3A_69] {strides = array<i32>} : memref<2048xi32, #tpu.memory_space<vmem>>, vector<16xi32>,
    %get3A_71 = vector.shape_cast %get3A_70 : vector<16xi32> to vector<16xi32>
    %sub3A_72 = arith.subi %broadcast_in_dim3A_41, %get3A_71 : vector<16xi32>
    %or3A_73 = arith.ori %get3A_71, %sub3A_72 : vector<16xi32>
    %shift_right_logical3A_74 = arith.constant 31 : i32
    %shift_right_logical3A_75 = vector.broadcast %shift_right_logical3A_74 : i32 to vector<16xi32>
    %shift_right_logical3A_76 = arith.shrui %or3A_73, %shift_right_logical3A_75 : vector<16xi32>
    %add3A_77 = arith.addi %add3A_68, %shift_right_logical3A_76 : vector<16xi32>
    %get3A_78 = arith.constant 64 : index
    %get3A_79 = tpu.vector_load %arg5[%get3A_78] {strides = array<i32>} : memref<2048xi32, #tpu.memory_space<vmem>>, vector<16xi32>,
    %get3A_80 = vector.shape_cast %get3A_79 : vector<16xi32> to vector<16xi32>
    %sub3A_81 = arith.subi %broadcast_in_dim3A_41, %get3A_80 : vector<16xi32>
    %or3A_82 = arith.ori %get3A_80, %sub3A_81 : vector<16xi32>
    %shift_right_logical3A_83 = arith.constant 31 : i32
    %shift_right_logical3A_84 = vector.broadcast %shift_right_logical3A_83 : i32 to vector<16xi32>
    %shift_right_logical3A_85 = arith.shrui %or3A_82, %shift_right_logical3A_84 : vector<16xi32>
    %add3A_86 = arith.addi %add3A_77, %shift_right_logical3A_85 : vector<16xi32>
    %get3A_87 = arith.constant 80 : index
    %get3A_88 = tpu.vector_load %arg5[%get3A_87] {strides = array<i32>} : memref<2048xi32, #tpu.memory_space<vmem>>, vector<16xi32>,
    %get3A_89 = vector.shape_cast %get3A_88 : vector<16xi32> to vector<16xi32>
    %sub3A_90 = arith.subi %broadcast_in_dim3A_41, %get3A_89 : vector<16xi32>
    %or3A_91 = arith.ori %get3A_89, %sub3A_90 : vector<16xi32>
    %shift_right_logical3A_92 = arith.constant 31 : i32
    %shift_right_logical3A_93 = vector.broadcast %shift_right_logical3A_92 : i32 to vector<16xi32>
    %shift_right_logical3A_94 = arith.shrui %or3A_91, %shift_right_logical3A_93 : vector<16xi32>
    %add3A_95 = arith.addi %add3A_86, %shift_right_logical3A_94 : vector<16xi32>
    %get3A_96 = arith.constant 96 : index
    %get3A_97 = tpu.vector_load %arg5[%get3A_96] {strides = array<i32>} : memref<2048xi32, #tpu.memory_space<vmem>>, vector<16xi32>,
    %get3A_98 = vector.shape_cast %get3A_97 : vector<16xi32> to vector<16xi32>
    %sub3A_99 = arith.subi %broadcast_in_dim3A_41, %get3A_98 : vector<16xi32>
    %or3A_100 = arith.ori %get3A_98, %sub3A_99 : vector<16xi32>
    %shift_right_logical3A_101 = arith.constant 31 : i32
    %shift_right_logical3A_102 = vector.broadcast %shift_right_logical3A_101 : i32 to vector<16xi32>
    %shift_right_logical3A_103 = arith.shrui %or3A_100, %shift_right_logical3A_102 : vector<16xi32>
    %add3A_104 = arith.addi %add3A_95, %shift_right_logical3A_103 : vector<16xi32>
    %get3A_105 = arith.constant 112 : index
    %get3A_106 = tpu.vector_load %arg5[%get3A_105] {strides = array<i32>} : memref<2048xi32, #tpu.memory_space<vmem>>, vector<16xi32>,
    %get3A_107 = vector.shape_cast %get3A_106 : vector<16xi32> to vector<16xi32>
    %sub3A_108 = arith.subi %broadcast_in_dim3A_41, %get3A_107 : vector<16xi32>
    %or3A_109 = arith.ori %get3A_107, %sub3A_108 : vector<16xi32>
    %shift_right_logical3A_110 = arith.constant 31 : i32
    %shift_right_logical3A_111 = vector.broadcast %shift_right_logical3A_110 : i32 to vector<16xi32>
    %shift_right_logical3A_112 = arith.shrui %or3A_109, %shift_right_logical3A_111 : vector<16xi32>
    %add3A_113 = arith.addi %add3A_104, %shift_right_logical3A_112 : vector<16xi32>
    %get3A_114 = arith.constant 128 : index
    %get3A_115 = tpu.vector_load %arg5[%get3A_114] {strides = array<i32>} : memref<2048xi32, #tpu.memory_space<vmem>>, vector<16xi32>,
    %get3A_116 = vector.shape_cast %get3A_115 : vector<16xi32> to vector<16xi32>
    %sub3A_117 = arith.subi %broadcast_in_dim3A_41, %get3A_116 : vector<16xi32>
    %or3A_118 = arith.ori %get3A_116, %sub3A_117 : vector<16xi32>
    %shift_right_logical3A_119 = arith.constant 31 : i32
    %shift_right_logical3A_120 = vector.broadcast %shift_right_logical3A_119 : i32 to vector<16xi32>
    %shift_right_logical3A_121 = arith.shrui %or3A_118, %shift_right_logical3A_120 : vector<16xi32>
    %add3A_122 = arith.addi %add3A_113, %shift_right_logical3A_121 : vector<16xi32>
    %get3A_123 = arith.constant 144 : index
    %get3A_124 = tpu.vector_load %arg5[%get3A_123] {strides = array<i32>} : memref<2048xi32, #tpu.memory_space<vmem>>, vector<16xi32>,
    %get3A_125 = vector.shape_cast %get3A_124 : vector<16xi32> to vector<16xi32>
    %sub3A_126 = arith.subi %broadcast_in_dim3A_41, %get3A_125 : vector<16xi32>
    %or3A_127 = arith.ori %get3A_125, %sub3A_126 : vector<16xi32>
    %shift_right_logical3A_128 = arith.constant 31 : i32
    %shift_right_logical3A_129 = vector.broadcast %shift_right_logical3A_128 : i32 to vector<16xi32>
    %shift_right_logical3A_130 = arith.shrui %or3A_127, %shift_right_logical3A_129 : vector<16xi32>
    %add3A_131 = arith.addi %add3A_122, %shift_right_logical3A_130 : vector<16xi32>
    %get3A_132 = arith.constant 160 : index
    %get3A_133 = tpu.vector_load %arg5[%get3A_132] {strides = array<i32>} : memref<2048xi32, #tpu.memory_space<vmem>>, vector<16xi32>,
    %get3A_134 = vector.shape_cast %get3A_133 : vector<16xi32> to vector<16xi32>
    %sub3A_135 = arith.subi %broadcast_in_dim3A_41, %get3A_134 : vector<16xi32>
    %or3A_136 = arith.ori %get3A_134, %sub3A_135 : vector<16xi32>
    %shift_right_logical3A_137 = arith.constant 31 : i32
    %shift_right_logical3A_138 = vector.broadcast %shift_right_logical3A_137 : i32 to vector<16xi32>
    %shift_right_logical3A_139 = arith.shrui %or3A_136, %shift_right_logical3A_138 : vector<16xi32>
    %add3A_140 = arith.addi %add3A_131, %shift_right_logical3A_139 : vector<16xi32>
    %get3A_141 = arith.constant 176 : index
    %get3A_142 = tpu.vector_load %arg5[%get3A_141] {strides = array<i32>} : memref<2048xi32, #tpu.memory_space<vmem>>, vector<16xi32>,
    %get3A_143 = vector.shape_cast %get3A_142 : vector<16xi32> to vector<16xi32>
    %sub3A_144 = arith.subi %broadcast_in_dim3A_41, %get3A_143 : vector<16xi32>
    %or3A_145 = arith.ori %get3A_143, %sub3A_144 : vector<16xi32>
    %shift_right_logical3A_146 = arith.constant 31 : i32
    %shift_right_logical3A_147 = vector.broadcast %shift_right_logical3A_146 : i32 to vector<16xi32>
    %shift_right_logical3A_148 = arith.shrui %or3A_145, %shift_right_logical3A_147 : vector<16xi32>
    %add3A_149 = arith.addi %add3A_140, %shift_right_logical3A_148 : vector<16xi32>
    %get3A_150 = arith.constant 192 : index
    %get3A_151 = tpu.vector_load %arg5[%get3A_150] {strides = array<i32>} : memref<2048xi32, #tpu.memory_space<vmem>>, vector<16xi32>,
    %get3A_152 = vector.shape_cast %get3A_151 : vector<16xi32> to vector<16xi32>
    %sub3A_153 = arith.subi %broadcast_in_dim3A_41, %get3A_152 : vector<16xi32>
    %or3A_154 = arith.ori %get3A_152, %sub3A_153 : vector<16xi32>
    %shift_right_logical3A_155 = arith.constant 31 : i32
    %shift_right_logical3A_156 = vector.broadcast %shift_right_logical3A_155 : i32 to vector<16xi32>
    %shift_right_logical3A_157 = arith.shrui %or3A_154, %shift_right_logical3A_156 : vector<16xi32>
    %add3A_158 = arith.addi %add3A_149, %shift_right_logical3A_157 : vector<16xi32>
    %get3A_159 = arith.constant 208 : index
    %get3A_160 = tpu.vector_load %arg5[%get3A_159] {strides = array<i32>} : memref<2048xi32, #tpu.memory_space<vmem>>, vector<16xi32>,
    %get3A_161 = vector.shape_cast %get3A_160 : vector<16xi32> to vector<16xi32>
    %sub3A_162 = arith.subi %broadcast_in_dim3A_41, %get3A_161 : vector<16xi32>
    %or3A_163 = arith.ori %get3A_161, %sub3A_162 : vector<16xi32>
    %shift_right_logical3A_164 = arith.constant 31 : i32
    %shift_right_logical3A_165 = vector.broadcast %shift_right_logical3A_164 : i32 to vector<16xi32>
    %shift_right_logical3A_166 = arith.shrui %or3A_163, %shift_right_logical3A_165 : vector<16xi32>
    %add3A_167 = arith.addi %add3A_158, %shift_right_logical3A_166 : vector<16xi32>
    %get3A_168 = arith.constant 224 : index
    %get3A_169 = tpu.vector_load %arg5[%get3A_168] {strides = array<i32>} : memref<2048xi32, #tpu.memory_space<vmem>>, vector<16xi32>,
    %get3A_170 = vector.shape_cast %get3A_169 : vector<16xi32> to vector<16xi32>
    %sub3A_171 = arith.subi %broadcast_in_dim3A_41, %get3A_170 : vector<16xi32>
    %or3A_172 = arith.ori %get3A_170, %sub3A_171 : vector<16xi32>
    %shift_right_logical3A_173 = arith.constant 31 : i32
    %shift_right_logical3A_174 = vector.broadcast %shift_right_logical3A_173 : i32 to vector<16xi32>
    %shift_right_logical3A_175 = arith.shrui %or3A_172, %shift_right_logical3A_174 : vector<16xi32>
    %add3A_176 = arith.addi %add3A_167, %shift_right_logical3A_175 : vector<16xi32>
    %get3A_177 = arith.constant 240 : index
    %get3A_178 = tpu.vector_load %arg5[%get3A_177] {strides = array<i32>} : memref<2048xi32, #tpu.memory_space<vmem>>, vector<16xi32>,
    %get3A_179 = vector.shape_cast %get3A_178 : vector<16xi32> to vector<16xi32>
    %sub3A_180 = arith.subi %broadcast_in_dim3A_41, %get3A_179 : vector<16xi32>
    %or3A_181 = arith.ori %get3A_179, %sub3A_180 : vector<16xi32>
    %shift_right_logical3A_182 = arith.constant 31 : i32
    %shift_right_logical3A_183 = vector.broadcast %shift_right_logical3A_182 : i32 to vector<16xi32>
    %shift_right_logical3A_184 = arith.shrui %or3A_181, %shift_right_logical3A_183 : vector<16xi32>
    %add3A_185 = arith.addi %add3A_176, %shift_right_logical3A_184 : vector<16xi32>
    %sub3A_186 = arith.constant 0 : i32
    %sub3A_187 = vector.broadcast %sub3A_186 : i32 to vector<16xi32>
    %sub3A_188 = arith.subi %broadcast_in_dim3A_44, %sub3A_187 : vector<16xi32>
    %jit3A_189 = arith.constant 0 : i32
    %jit3A_190 = arith.constant 1 : i32
    %max3A = vector.broadcast %jit3A_189 : i32 to vector<16xi32>
    %max3A_191 = arith.maxsi %max3A, %sub3A_188 : vector<16xi32>
    %min3A = vector.broadcast %jit3A_190 : i32 to vector<16xi32>
    %min3A_192 = arith.minsi %min3A, %max3A_191 : vector<16xi32>
    %mul3A_193 = arith.muli %min3A_192, %add3A_185 : vector<16xi32>
    %add3A_194 = arith.addi %broadcast_in_dim3A_41, %mul3A_193 : vector<16xi32>
    %get3A_195 = arith.constant 256 : index
    %get3A_196 = tpu.vector_load %arg5[%get3A_195] {strides = array<i32>} : memref<2048xi32, #tpu.memory_space<vmem>>, vector<16xi32>,
    %get3A_197 = vector.shape_cast %get3A_196 : vector<16xi32> to vector<16xi32>
    %sub3A_198 = arith.subi %broadcast_in_dim3A_41, %get3A_197 : vector<16xi32>
    %or3A_199 = arith.ori %get3A_197, %sub3A_198 : vector<16xi32>
    %shift_right_logical3A_200 = arith.constant 31 : i32
    %shift_right_logical3A_201 = vector.broadcast %shift_right_logical3A_200 : i32 to vector<16xi32>
    %shift_right_logical3A_202 = arith.shrui %or3A_199, %shift_right_logical3A_201 : vector<16xi32>
    %add3A_203 = arith.addi %broadcast_in_dim3A_41, %shift_right_logical3A_202 : vector<16xi32>
    %get3A_204 = arith.constant 272 : index
    %get3A_205 = tpu.vector_load %arg5[%get3A_204] {strides = array<i32>} : memref<2048xi32, #tpu.memory_space<vmem>>, vector<16xi32>,
    %get3A_206 = vector.shape_cast %get3A_205 : vector<16xi32> to vector<16xi32>
    %sub3A_207 = arith.subi %broadcast_in_dim3A_41, %get3A_206 : vector<16xi32>
    %or3A_208 = arith.ori %get3A_206, %sub3A_207 : vector<16xi32>
    %shift_right_logical3A_209 = arith.constant 31 : i32
    %shift_right_logical3A_210 = vector.broadcast %shift_right_logical3A_209 : i32 to vector<16xi32>
    %shift_right_logical3A_211 = arith.shrui %or3A_208, %shift_right_logical3A_210 : vector<16xi32>
    %add3A_212 = arith.addi %add3A_203, %shift_right_logical3A_211 : vector<16xi32>
    %get3A_213 = arith.constant 288 : index
    %get3A_214 = tpu.vector_load %arg5[%get3A_213] {strides = array<i32>} : memref<2048xi32, #tpu.memory_space<vmem>>, vector<16xi32>,
    %get3A_215 = vector.shape_cast %get3A_214 : vector<16xi32> to vector<16xi32>
    %sub3A_216 = arith.subi %broadcast_in_dim3A_41, %get3A_215 : vector<16xi32>
    %or3A_217 = arith.ori %get3A_215, %sub3A_216 : vector<16xi32>
    %shift_right_logical3A_218 = arith.constant 31 : i32
    %shift_right_logical3A_219 = vector.broadcast %shift_right_logical3A_218 : i32 to vector<16xi32>
    %shift_right_logical3A_220 = arith.shrui %or3A_217, %shift_right_logical3A_219 : vector<16xi32>
    %add3A_221 = arith.addi %add3A_212, %shift_right_logical3A_220 : vector<16xi32>
    %get3A_222 = arith.constant 304 : index
    %get3A_223 = tpu.vector_load %arg5[%get3A_222] {strides = array<i32>} : memref<2048xi32, #tpu.memory_space<vmem>>, vector<16xi32>,
    %get3A_224 = vector.shape_cast %get3A_223 : vector<16xi32> to vector<16xi32>
    %sub3A_225 = arith.subi %broadcast_in_dim3A_41, %get3A_224 : vector<16xi32>
    %or3A_226 = arith.ori %get3A_224, %sub3A_225 : vector<16xi32>
    %shift_right_logical3A_227 = arith.constant 31 : i32
    %shift_right_logical3A_228 = vector.broadcast %shift_right_logical3A_227 : i32 to vector<16xi32>
    %shift_right_logical3A_229 = arith.shrui %or3A_226, %shift_right_logical3A_228 : vector<16xi32>
    %add3A_230 = arith.addi %add3A_221, %shift_right_logical3A_229 : vector<16xi32>
    %get3A_231 = arith.constant 320 : index
    %get3A_232 = tpu.vector_load %arg5[%get3A_231] {strides = array<i32>} : memref<2048xi32, #tpu.memory_space<vmem>>, vector<16xi32>,
    %get3A_233 = vector.shape_cast %get3A_232 : vector<16xi32> to vector<16xi32>
    %sub3A_234 = arith.subi %broadcast_in_dim3A_41, %get3A_233 : vector<16xi32>
    %or3A_235 = arith.ori %get3A_233, %sub3A_234 : vector<16xi32>
    %shift_right_logical3A_236 = arith.constant 31 : i32
    %shift_right_logical3A_237 = vector.broadcast %shift_right_logical3A_236 : i32 to vector<16xi32>
    %shift_right_logical3A_238 = arith.shrui %or3A_235, %shift_right_logical3A_237 : vector<16xi32>
    %add3A_239 = arith.addi %add3A_230, %shift_right_logical3A_238 : vector<16xi32>
    %get3A_240 = arith.constant 336 : index
    %get3A_241 = tpu.vector_load %arg5[%get3A_240] {strides = array<i32>} : memref<2048xi32, #tpu.memory_space<vmem>>, vector<16xi32>,
    %get3A_242 = vector.shape_cast %get3A_241 : vector<16xi32> to vector<16xi32>
    %sub3A_243 = arith.subi %broadcast_in_dim3A_41, %get3A_242 : vector<16xi32>
    %or3A_244 = arith.ori %get3A_242, %sub3A_243 : vector<16xi32>
    %shift_right_logical3A_245 = arith.constant 31 : i32
    %shift_right_logical3A_246 = vector.broadcast %shift_right_logical3A_245 : i32 to vector<16xi32>
    %shift_right_logical3A_247 = arith.shrui %or3A_244, %shift_right_logical3A_246 : vector<16xi32>
    %add3A_248 = arith.addi %add3A_239, %shift_right_logical3A_247 : vector<16xi32>
    %get3A_249 = arith.constant 352 : index
    %get3A_250 = tpu.vector_load %arg5[%get3A_249] {strides = array<i32>} : memref<2048xi32, #tpu.memory_space<vmem>>, vector<16xi32>,
    %get3A_251 = vector.shape_cast %get3A_250 : vector<16xi32> to vector<16xi32>
    %sub3A_252 = arith.subi %broadcast_in_dim3A_41, %get3A_251 : vector<16xi32>
    %or3A_253 = arith.ori %get3A_251, %sub3A_252 : vector<16xi32>
    %shift_right_logical3A_254 = arith.constant 31 : i32
    %shift_right_logical3A_255 = vector.broadcast %shift_right_logical3A_254 : i32 to vector<16xi32>
    %shift_right_logical3A_256 = arith.shrui %or3A_253, %shift_right_logical3A_255 : vector<16xi32>
    %add3A_257 = arith.addi %add3A_248, %shift_right_logical3A_256 : vector<16xi32>
    %get3A_258 = arith.constant 368 : index
    %get3A_259 = tpu.vector_load %arg5[%get3A_258] {strides = array<i32>} : memref<2048xi32, #tpu.memory_space<vmem>>, vector<16xi32>,
    %get3A_260 = vector.shape_cast %get3A_259 : vector<16xi32> to vector<16xi32>
    %sub3A_261 = arith.subi %broadcast_in_dim3A_41, %get3A_260 : vector<16xi32>
    %or3A_262 = arith.ori %get3A_260, %sub3A_261 : vector<16xi32>
    %shift_right_logical3A_263 = arith.constant 31 : i32
    %shift_right_logical3A_264 = vector.broadcast %shift_right_logical3A_263 : i32 to vector<16xi32>
    %shift_right_logical3A_265 = arith.shrui %or3A_262, %shift_right_logical3A_264 : vector<16xi32>
    %add3A_266 = arith.addi %add3A_257, %shift_right_logical3A_265 : vector<16xi32>
    %get3A_267 = arith.constant 384 : index
    %get3A_268 = tpu.vector_load %arg5[%get3A_267] {strides = array<i32>} : memref<2048xi32, #tpu.memory_space<vmem>>, vector<16xi32>,
    %get3A_269 = vector.shape_cast %get3A_268 : vector<16xi32> to vector<16xi32>
    %sub3A_270 = arith.subi %broadcast_in_dim3A_41, %get3A_269 : vector<16xi32>
    %or3A_271 = arith.ori %get3A_269, %sub3A_270 : vector<16xi32>
    %shift_right_logical3A_272 = arith.constant 31 : i32
    %shift_right_logical3A_273 = vector.broadcast %shift_right_logical3A_272 : i32 to vector<16xi32>
    %shift_right_logical3A_274 = arith.shrui %or3A_271, %shift_right_logical3A_273 : vector<16xi32>
    %add3A_275 = arith.addi %add3A_266, %shift_right_logical3A_274 : vector<16xi32>
    %get3A_276 = arith.constant 400 : index
    %get3A_277 = tpu.vector_load %arg5[%get3A_276] {strides = array<i32>} : memref<2048xi32, #tpu.memory_space<vmem>>, vector<16xi32>,
    %get3A_278 = vector.shape_cast %get3A_277 : vector<16xi32> to vector<16xi32>
    %sub3A_279 = arith.subi %broadcast_in_dim3A_41, %get3A_278 : vector<16xi32>
    %or3A_280 = arith.ori %get3A_278, %sub3A_279 : vector<16xi32>
    %shift_right_logical3A_281 = arith.constant 31 : i32
    %shift_right_logical3A_282 = vector.broadcast %shift_right_logical3A_281 : i32 to vector<16xi32>
    %shift_right_logical3A_283 = arith.shrui %or3A_280, %shift_right_logical3A_282 : vector<16xi32>
    %add3A_284 = arith.addi %add3A_275, %shift_right_logical3A_283 : vector<16xi32>
    %get3A_285 = arith.constant 416 : index
    %get3A_286 = tpu.vector_load %arg5[%get3A_285] {strides = array<i32>} : memref<2048xi32, #tpu.memory_space<vmem>>, vector<16xi32>,
    %get3A_287 = vector.shape_cast %get3A_286 : vector<16xi32> to vector<16xi32>
    %sub3A_288 = arith.subi %broadcast_in_dim3A_41, %get3A_287 : vector<16xi32>
    %or3A_289 = arith.ori %get3A_287, %sub3A_288 : vector<16xi32>
    %shift_right_logical3A_290 = arith.constant 31 : i32
    %shift_right_logical3A_291 = vector.broadcast %shift_right_logical3A_290 : i32 to vector<16xi32>
    %shift_right_logical3A_292 = arith.shrui %or3A_289, %shift_right_logical3A_291 : vector<16xi32>
    %add3A_293 = arith.addi %add3A_284, %shift_right_logical3A_292 : vector<16xi32>
    %get3A_294 = arith.constant 432 : index
    %get3A_295 = tpu.vector_load %arg5[%get3A_294] {strides = array<i32>} : memref<2048xi32, #tpu.memory_space<vmem>>, vector<16xi32>,
    %get3A_296 = vector.shape_cast %get3A_295 : vector<16xi32> to vector<16xi32>
    %sub3A_297 = arith.subi %broadcast_in_dim3A_41, %get3A_296 : vector<16xi32>
    %or3A_298 = arith.ori %get3A_296, %sub3A_297 : vector<16xi32>
    %shift_right_logical3A_299 = arith.constant 31 : i32
    %shift_right_logical3A_300 = vector.broadcast %shift_right_logical3A_299 : i32 to vector<16xi32>
    %shift_right_logical3A_301 = arith.shrui %or3A_298, %shift_right_logical3A_300 : vector<16xi32>
    %add3A_302 = arith.addi %add3A_293, %shift_right_logical3A_301 : vector<16xi32>
    %get3A_303 = arith.constant 448 : index
    %get3A_304 = tpu.vector_load %arg5[%get3A_303] {strides = array<i32>} : memref<2048xi32, #tpu.memory_space<vmem>>, vector<16xi32>,
    %get3A_305 = vector.shape_cast %get3A_304 : vector<16xi32> to vector<16xi32>
    %sub3A_306 = arith.subi %broadcast_in_dim3A_41, %get3A_305 : vector<16xi32>
    %or3A_307 = arith.ori %get3A_305, %sub3A_306 : vector<16xi32>
    %shift_right_logical3A_308 = arith.constant 31 : i32
    %shift_right_logical3A_309 = vector.broadcast %shift_right_logical3A_308 : i32 to vector<16xi32>
    %shift_right_logical3A_310 = arith.shrui %or3A_307, %shift_right_logical3A_309 : vector<16xi32>
    %add3A_311 = arith.addi %add3A_302, %shift_right_logical3A_310 : vector<16xi32>
    %get3A_312 = arith.constant 464 : index
    %get3A_313 = tpu.vector_load %arg5[%get3A_312] {strides = array<i32>} : memref<2048xi32, #tpu.memory_space<vmem>>, vector<16xi32>,
    %get3A_314 = vector.shape_cast %get3A_313 : vector<16xi32> to vector<16xi32>
    %sub3A_315 = arith.subi %broadcast_in_dim3A_41, %get3A_314 : vector<16xi32>
    %or3A_316 = arith.ori %get3A_314, %sub3A_315 : vector<16xi32>
    %shift_right_logical3A_317 = arith.constant 31 : i32
    %shift_right_logical3A_318 = vector.broadcast %shift_right_logical3A_317 : i32 to vector<16xi32>
    %shift_right_logical3A_319 = arith.shrui %or3A_316, %shift_right_logical3A_318 : vector<16xi32>
    %add3A_320 = arith.addi %add3A_311, %shift_right_logical3A_319 : vector<16xi32>
    %get3A_321 = arith.constant 480 : index
    %get3A_322 = tpu.vector_load %arg5[%get3A_321] {strides = array<i32>} : memref<2048xi32, #tpu.memory_space<vmem>>, vector<16xi32>,
    %get3A_323 = vector.shape_cast %get3A_322 : vector<16xi32> to vector<16xi32>
    %sub3A_324 = arith.subi %broadcast_in_dim3A_41, %get3A_323 : vector<16xi32>
    %or3A_325 = arith.ori %get3A_323, %sub3A_324 : vector<16xi32>
    %shift_right_logical3A_326 = arith.constant 31 : i32
    %shift_right_logical3A_327 = vector.broadcast %shift_right_logical3A_326 : i32 to vector<16xi32>
    %shift_right_logical3A_328 = arith.shrui %or3A_325, %shift_right_logical3A_327 : vector<16xi32>
    %add3A_329 = arith.addi %add3A_320, %shift_right_logical3A_328 : vector<16xi32>
    %get3A_330 = arith.constant 496 : index
    %get3A_331 = tpu.vector_load %arg5[%get3A_330] {strides = array<i32>} : memref<2048xi32, #tpu.memory_space<vmem>>, vector<16xi32>,
    %get3A_332 = vector.shape_cast %get3A_331 : vector<16xi32> to vector<16xi32>
    %sub3A_333 = arith.subi %broadcast_in_dim3A_41, %get3A_332 : vector<16xi32>
    %or3A_334 = arith.ori %get3A_332, %sub3A_333 : vector<16xi32>
    %shift_right_logical3A_335 = arith.constant 31 : i32
    %shift_right_logical3A_336 = vector.broadcast %shift_right_logical3A_335 : i32 to vector<16xi32>
    %shift_right_logical3A_337 = arith.shrui %or3A_334, %shift_right_logical3A_336 : vector<16xi32>
    %add3A_338 = arith.addi %add3A_329, %shift_right_logical3A_337 : vector<16xi32>
    %sub3A_339 = arith.constant 1 : i32
    %sub3A_340 = vector.broadcast %sub3A_339 : i32 to vector<16xi32>
    %sub3A_341 = arith.subi %broadcast_in_dim3A_44, %sub3A_340 : vector<16xi32>
    %jit3A_342 = arith.constant 0 : i32
    %jit3A_343 = arith.constant 1 : i32
    %max3A_344 = vector.broadcast %jit3A_342 : i32 to vector<16xi32>
    %max3A_345 = arith.maxsi %max3A_344, %sub3A_341 : vector<16xi32>
    %min3A_346 = vector.broadcast %jit3A_343 : i32 to vector<16xi32>
    %min3A_347 = arith.minsi %min3A_346, %max3A_345 : vector<16xi32>
    %mul3A_348 = arith.muli %min3A_347, %add3A_338 : vector<16xi32>
    %add3A_349 = arith.addi %add3A_194, %mul3A_348 : vector<16xi32>
    %get3A_350 = arith.constant 512 : index
    %get3A_351 = tpu.vector_load %arg5[%get3A_350] {strides = array<i32>} : memref<2048xi32, #tpu.memory_space<vmem>>, vector<16xi32>,
    %get3A_352 = vector.shape_cast %get3A_351 : vector<16xi32> to vector<16xi32>
    %sub3A_353 = arith.subi %broadcast_in_dim3A_41, %get3A_352 : vector<16xi32>
    %or3A_354 = arith.ori %get3A_352, %sub3A_353 : vector<16xi32>
    %shift_right_logical3A_355 = arith.constant 31 : i32
    %shift_right_logical3A_356 = vector.broadcast %shift_right_logical3A_355 : i32 to vector<16xi32>
    %shift_right_logical3A_357 = arith.shrui %or3A_354, %shift_right_logical3A_356 : vector<16xi32>
    %add3A_358 = arith.addi %broadcast_in_dim3A_41, %shift_right_logical3A_357 : vector<16xi32>
    %get3A_359 = arith.constant 528 : index
    %get3A_360 = tpu.vector_load %arg5[%get3A_359] {strides = array<i32>} : memref<2048xi32, #tpu.memory_space<vmem>>, vector<16xi32>,
    %get3A_361 = vector.shape_cast %get3A_360 : vector<16xi32> to vector<16xi32>
    %sub3A_362 = arith.subi %broadcast_in_dim3A_41, %get3A_361 : vector<16xi32>
    %or3A_363 = arith.ori %get3A_361, %sub3A_362 : vector<16xi32>
    %shift_right_logical3A_364 = arith.constant 31 : i32
    %shift_right_logical3A_365 = vector.broadcast %shift_right_logical3A_364 : i32 to vector<16xi32>
    %shift_right_logical3A_366 = arith.shrui %or3A_363, %shift_right_logical3A_365 : vector<16xi32>
    %add3A_367 = arith.addi %add3A_358, %shift_right_logical3A_366 : vector<16xi32>
    %get3A_368 = arith.constant 544 : index
    %get3A_369 = tpu.vector_load %arg5[%get3A_368] {strides = array<i32>} : memref<2048xi32, #tpu.memory_space<vmem>>, vector<16xi32>,
    %get3A_370 = vector.shape_cast %get3A_369 : vector<16xi32> to vector<16xi32>
    %sub3A_371 = arith.subi %broadcast_in_dim3A_41, %get3A_370 : vector<16xi32>
    %or3A_372 = arith.ori %get3A_370, %sub3A_371 : vector<16xi32>
    %shift_right_logical3A_373 = arith.constant 31 : i32
    %shift_right_logical3A_374 = vector.broadcast %shift_right_logical3A_373 : i32 to vector<16xi32>
    %shift_right_logical3A_375 = arith.shrui %or3A_372, %shift_right_logical3A_374 : vector<16xi32>
    %add3A_376 = arith.addi %add3A_367, %shift_right_logical3A_375 : vector<16xi32>
    %get3A_377 = arith.constant 560 : index
    %get3A_378 = tpu.vector_load %arg5[%get3A_377] {strides = array<i32>} : memref<2048xi32, #tpu.memory_space<vmem>>, vector<16xi32>,
    %get3A_379 = vector.shape_cast %get3A_378 : vector<16xi32> to vector<16xi32>
    %sub3A_380 = arith.subi %broadcast_in_dim3A_41, %get3A_379 : vector<16xi32>
    %or3A_381 = arith.ori %get3A_379, %sub3A_380 : vector<16xi32>
    %shift_right_logical3A_382 = arith.constant 31 : i32
    %shift_right_logical3A_383 = vector.broadcast %shift_right_logical3A_382 : i32 to vector<16xi32>
    %shift_right_logical3A_384 = arith.shrui %or3A_381, %shift_right_logical3A_383 : vector<16xi32>
    %add3A_385 = arith.addi %add3A_376, %shift_right_logical3A_384 : vector<16xi32>
    %get3A_386 = arith.constant 576 : index
    %get3A_387 = tpu.vector_load %arg5[%get3A_386] {strides = array<i32>} : memref<2048xi32, #tpu.memory_space<vmem>>, vector<16xi32>,
    %get3A_388 = vector.shape_cast %get3A_387 : vector<16xi32> to vector<16xi32>
    %sub3A_389 = arith.subi %broadcast_in_dim3A_41, %get3A_388 : vector<16xi32>
    %or3A_390 = arith.ori %get3A_388, %sub3A_389 : vector<16xi32>
    %shift_right_logical3A_391 = arith.constant 31 : i32
    %shift_right_logical3A_392 = vector.broadcast %shift_right_logical3A_391 : i32 to vector<16xi32>
    %shift_right_logical3A_393 = arith.shrui %or3A_390, %shift_right_logical3A_392 : vector<16xi32>
    %add3A_394 = arith.addi %add3A_385, %shift_right_logical3A_393 : vector<16xi32>
    %get3A_395 = arith.constant 592 : index
    %get3A_396 = tpu.vector_load %arg5[%get3A_395] {strides = array<i32>} : memref<2048xi32, #tpu.memory_space<vmem>>, vector<16xi32>,
    %get3A_397 = vector.shape_cast %get3A_396 : vector<16xi32> to vector<16xi32>
    %sub3A_398 = arith.subi %broadcast_in_dim3A_41, %get3A_397 : vector<16xi32>
    %or3A_399 = arith.ori %get3A_397, %sub3A_398 : vector<16xi32>
    %shift_right_logical3A_400 = arith.constant 31 : i32
    %shift_right_logical3A_401 = vector.broadcast %shift_right_logical3A_400 : i32 to vector<16xi32>
    %shift_right_logical3A_402 = arith.shrui %or3A_399, %shift_right_logical3A_401 : vector<16xi32>
    %add3A_403 = arith.addi %add3A_394, %shift_right_logical3A_402 : vector<16xi32>
    %get3A_404 = arith.constant 608 : index
    %get3A_405 = tpu.vector_load %arg5[%get3A_404] {strides = array<i32>} : memref<2048xi32, #tpu.memory_space<vmem>>, vector<16xi32>,
    %get3A_406 = vector.shape_cast %get3A_405 : vector<16xi32> to vector<16xi32>
    %sub3A_407 = arith.subi %broadcast_in_dim3A_41, %get3A_406 : vector<16xi32>
    %or3A_408 = arith.ori %get3A_406, %sub3A_407 : vector<16xi32>
    %shift_right_logical3A_409 = arith.constant 31 : i32
    %shift_right_logical3A_410 = vector.broadcast %shift_right_logical3A_409 : i32 to vector<16xi32>
    %shift_right_logical3A_411 = arith.shrui %or3A_408, %shift_right_logical3A_410 : vector<16xi32>
    %add3A_412 = arith.addi %add3A_403, %shift_right_logical3A_411 : vector<16xi32>
    %get3A_413 = arith.constant 624 : index
    %get3A_414 = tpu.vector_load %arg5[%get3A_413] {strides = array<i32>} : memref<2048xi32, #tpu.memory_space<vmem>>, vector<16xi32>,
    %get3A_415 = vector.shape_cast %get3A_414 : vector<16xi32> to vector<16xi32>
    %sub3A_416 = arith.subi %broadcast_in_dim3A_41, %get3A_415 : vector<16xi32>
    %or3A_417 = arith.ori %get3A_415, %sub3A_416 : vector<16xi32>
    %shift_right_logical3A_418 = arith.constant 31 : i32
    %shift_right_logical3A_419 = vector.broadcast %shift_right_logical3A_418 : i32 to vector<16xi32>
    %shift_right_logical3A_420 = arith.shrui %or3A_417, %shift_right_logical3A_419 : vector<16xi32>
    %add3A_421 = arith.addi %add3A_412, %shift_right_logical3A_420 : vector<16xi32>
    %get3A_422 = arith.constant 640 : index
    %get3A_423 = tpu.vector_load %arg5[%get3A_422] {strides = array<i32>} : memref<2048xi32, #tpu.memory_space<vmem>>, vector<16xi32>,
    %get3A_424 = vector.shape_cast %get3A_423 : vector<16xi32> to vector<16xi32>
    %sub3A_425 = arith.subi %broadcast_in_dim3A_41, %get3A_424 : vector<16xi32>
    %or3A_426 = arith.ori %get3A_424, %sub3A_425 : vector<16xi32>
    %shift_right_logical3A_427 = arith.constant 31 : i32
    %shift_right_logical3A_428 = vector.broadcast %shift_right_logical3A_427 : i32 to vector<16xi32>
    %shift_right_logical3A_429 = arith.shrui %or3A_426, %shift_right_logical3A_428 : vector<16xi32>
    %add3A_430 = arith.addi %add3A_421, %shift_right_logical3A_429 : vector<16xi32>
    %get3A_431 = arith.constant 656 : index
    %get3A_432 = tpu.vector_load %arg5[%get3A_431] {strides = array<i32>} : memref<2048xi32, #tpu.memory_space<vmem>>, vector<16xi32>,
    %get3A_433 = vector.shape_cast %get3A_432 : vector<16xi32> to vector<16xi32>
    %sub3A_434 = arith.subi %broadcast_in_dim3A_41, %get3A_433 : vector<16xi32>
    %or3A_435 = arith.ori %get3A_433, %sub3A_434 : vector<16xi32>
    %shift_right_logical3A_436 = arith.constant 31 : i32
    %shift_right_logical3A_437 = vector.broadcast %shift_right_logical3A_436 : i32 to vector<16xi32>
    %shift_right_logical3A_438 = arith.shrui %or3A_435, %shift_right_logical3A_437 : vector<16xi32>
    %add3A_439 = arith.addi %add3A_430, %shift_right_logical3A_438 : vector<16xi32>
    %get3A_440 = arith.constant 672 : index
    %get3A_441 = tpu.vector_load %arg5[%get3A_440] {strides = array<i32>} : memref<2048xi32, #tpu.memory_space<vmem>>, vector<16xi32>,
    %get3A_442 = vector.shape_cast %get3A_441 : vector<16xi32> to vector<16xi32>
    %sub3A_443 = arith.subi %broadcast_in_dim3A_41, %get3A_442 : vector<16xi32>
    %or3A_444 = arith.ori %get3A_442, %sub3A_443 : vector<16xi32>
    %shift_right_logical3A_445 = arith.constant 31 : i32
    %shift_right_logical3A_446 = vector.broadcast %shift_right_logical3A_445 : i32 to vector<16xi32>
    %shift_right_logical3A_447 = arith.shrui %or3A_444, %shift_right_logical3A_446 : vector<16xi32>
    %add3A_448 = arith.addi %add3A_439, %shift_right_logical3A_447 : vector<16xi32>
    %get3A_449 = arith.constant 688 : index
    %get3A_450 = tpu.vector_load %arg5[%get3A_449] {strides = array<i32>} : memref<2048xi32, #tpu.memory_space<vmem>>, vector<16xi32>,
    %get3A_451 = vector.shape_cast %get3A_450 : vector<16xi32> to vector<16xi32>
    %sub3A_452 = arith.subi %broadcast_in_dim3A_41, %get3A_451 : vector<16xi32>
    %or3A_453 = arith.ori %get3A_451, %sub3A_452 : vector<16xi32>
    %shift_right_logical3A_454 = arith.constant 31 : i32
    %shift_right_logical3A_455 = vector.broadcast %shift_right_logical3A_454 : i32 to vector<16xi32>
    %shift_right_logical3A_456 = arith.shrui %or3A_453, %shift_right_logical3A_455 : vector<16xi32>
    %add3A_457 = arith.addi %add3A_448, %shift_right_logical3A_456 : vector<16xi32>
    %get3A_458 = arith.constant 704 : index
    %get3A_459 = tpu.vector_load %arg5[%get3A_458] {strides = array<i32>} : memref<2048xi32, #tpu.memory_space<vmem>>, vector<16xi32>,
    %get3A_460 = vector.shape_cast %get3A_459 : vector<16xi32> to vector<16xi32>
    %sub3A_461 = arith.subi %broadcast_in_dim3A_41, %get3A_460 : vector<16xi32>
    %or3A_462 = arith.ori %get3A_460, %sub3A_461 : vector<16xi32>
    %shift_right_logical3A_463 = arith.constant 31 : i32
    %shift_right_logical3A_464 = vector.broadcast %shift_right_logical3A_463 : i32 to vector<16xi32>
    %shift_right_logical3A_465 = arith.shrui %or3A_462, %shift_right_logical3A_464 : vector<16xi32>
    %add3A_466 = arith.addi %add3A_457, %shift_right_logical3A_465 : vector<16xi32>
    %get3A_467 = arith.constant 720 : index
    %get3A_468 = tpu.vector_load %arg5[%get3A_467] {strides = array<i32>} : memref<2048xi32, #tpu.memory_space<vmem>>, vector<16xi32>,
    %get3A_469 = vector.shape_cast %get3A_468 : vector<16xi32> to vector<16xi32>
    %sub3A_470 = arith.subi %broadcast_in_dim3A_41, %get3A_469 : vector<16xi32>
    %or3A_471 = arith.ori %get3A_469, %sub3A_470 : vector<16xi32>
    %shift_right_logical3A_472 = arith.constant 31 : i32
    %shift_right_logical3A_473 = vector.broadcast %shift_right_logical3A_472 : i32 to vector<16xi32>
    %shift_right_logical3A_474 = arith.shrui %or3A_471, %shift_right_logical3A_473 : vector<16xi32>
    %add3A_475 = arith.addi %add3A_466, %shift_right_logical3A_474 : vector<16xi32>
    %get3A_476 = arith.constant 736 : index
    %get3A_477 = tpu.vector_load %arg5[%get3A_476] {strides = array<i32>} : memref<2048xi32, #tpu.memory_space<vmem>>, vector<16xi32>,
    %get3A_478 = vector.shape_cast %get3A_477 : vector<16xi32> to vector<16xi32>
    %sub3A_479 = arith.subi %broadcast_in_dim3A_41, %get3A_478 : vector<16xi32>
    %or3A_480 = arith.ori %get3A_478, %sub3A_479 : vector<16xi32>
    %shift_right_logical3A_481 = arith.constant 31 : i32
    %shift_right_logical3A_482 = vector.broadcast %shift_right_logical3A_481 : i32 to vector<16xi32>
    %shift_right_logical3A_483 = arith.shrui %or3A_480, %shift_right_logical3A_482 : vector<16xi32>
    %add3A_484 = arith.addi %add3A_475, %shift_right_logical3A_483 : vector<16xi32>
    %get3A_485 = arith.constant 752 : index
    %get3A_486 = tpu.vector_load %arg5[%get3A_485] {strides = array<i32>} : memref<2048xi32, #tpu.memory_space<vmem>>, vector<16xi32>,
    %get3A_487 = vector.shape_cast %get3A_486 : vector<16xi32> to vector<16xi32>
    %sub3A_488 = arith.subi %broadcast_in_dim3A_41, %get3A_487 : vector<16xi32>
    %or3A_489 = arith.ori %get3A_487, %sub3A_488 : vector<16xi32>
    %shift_right_logical3A_490 = arith.constant 31 : i32
    %shift_right_logical3A_491 = vector.broadcast %shift_right_logical3A_490 : i32 to vector<16xi32>
    %shift_right_logical3A_492 = arith.shrui %or3A_489, %shift_right_logical3A_491 : vector<16xi32>
    %add3A_493 = arith.addi %add3A_484, %shift_right_logical3A_492 : vector<16xi32>
    %sub3A_494 = arith.constant 2 : i32
    %sub3A_495 = vector.broadcast %sub3A_494 : i32 to vector<16xi32>
    %sub3A_496 = arith.subi %broadcast_in_dim3A_44, %sub3A_495 : vector<16xi32>
    %jit3A_497 = arith.constant 0 : i32
    %jit3A_498 = arith.constant 1 : i32
    %max3A_499 = vector.broadcast %jit3A_497 : i32 to vector<16xi32>
    %max3A_500 = arith.maxsi %max3A_499, %sub3A_496 : vector<16xi32>
    %min3A_501 = vector.broadcast %jit3A_498 : i32 to vector<16xi32>
    %min3A_502 = arith.minsi %min3A_501, %max3A_500 : vector<16xi32>
    %mul3A_503 = arith.muli %min3A_502, %add3A_493 : vector<16xi32>
    %add3A_504 = arith.addi %add3A_349, %mul3A_503 : vector<16xi32>
    %get3A_505 = arith.constant 768 : index
    %get3A_506 = tpu.vector_load %arg5[%get3A_505] {strides = array<i32>} : memref<2048xi32, #tpu.memory_space<vmem>>, vector<16xi32>,
    %get3A_507 = vector.shape_cast %get3A_506 : vector<16xi32> to vector<16xi32>
    %sub3A_508 = arith.subi %broadcast_in_dim3A_41, %get3A_507 : vector<16xi32>
    %or3A_509 = arith.ori %get3A_507, %sub3A_508 : vector<16xi32>
    %shift_right_logical3A_510 = arith.constant 31 : i32
    %shift_right_logical3A_511 = vector.broadcast %shift_right_logical3A_510 : i32 to vector<16xi32>
    %shift_right_logical3A_512 = arith.shrui %or3A_509, %shift_right_logical3A_511 : vector<16xi32>
    %add3A_513 = arith.addi %broadcast_in_dim3A_41, %shift_right_logical3A_512 : vector<16xi32>
    %get3A_514 = arith.constant 784 : index
    %get3A_515 = tpu.vector_load %arg5[%get3A_514] {strides = array<i32>} : memref<2048xi32, #tpu.memory_space<vmem>>, vector<16xi32>,
    %get3A_516 = vector.shape_cast %get3A_515 : vector<16xi32> to vector<16xi32>
    %sub3A_517 = arith.subi %broadcast_in_dim3A_41, %get3A_516 : vector<16xi32>
    %or3A_518 = arith.ori %get3A_516, %sub3A_517 : vector<16xi32>
    %shift_right_logical3A_519 = arith.constant 31 : i32
    %shift_right_logical3A_520 = vector.broadcast %shift_right_logical3A_519 : i32 to vector<16xi32>
    %shift_right_logical3A_521 = arith.shrui %or3A_518, %shift_right_logical3A_520 : vector<16xi32>
    %add3A_522 = arith.addi %add3A_513, %shift_right_logical3A_521 : vector<16xi32>
    %get3A_523 = arith.constant 800 : index
    %get3A_524 = tpu.vector_load %arg5[%get3A_523] {strides = array<i32>} : memref<2048xi32, #tpu.memory_space<vmem>>, vector<16xi32>,
    %get3A_525 = vector.shape_cast %get3A_524 : vector<16xi32> to vector<16xi32>
    %sub3A_526 = arith.subi %broadcast_in_dim3A_41, %get3A_525 : vector<16xi32>
    %or3A_527 = arith.ori %get3A_525, %sub3A_526 : vector<16xi32>
    %shift_right_logical3A_528 = arith.constant 31 : i32
    %shift_right_logical3A_529 = vector.broadcast %shift_right_logical3A_528 : i32 to vector<16xi32>
    %shift_right_logical3A_530 = arith.shrui %or3A_527, %shift_right_logical3A_529 : vector<16xi32>
    %add3A_531 = arith.addi %add3A_522, %shift_right_logical3A_530 : vector<16xi32>
    %get3A_532 = arith.constant 816 : index
    %get3A_533 = tpu.vector_load %arg5[%get3A_532] {strides = array<i32>} : memref<2048xi32, #tpu.memory_space<vmem>>, vector<16xi32>,
    %get3A_534 = vector.shape_cast %get3A_533 : vector<16xi32> to vector<16xi32>
    %sub3A_535 = arith.subi %broadcast_in_dim3A_41, %get3A_534 : vector<16xi32>
    %or3A_536 = arith.ori %get3A_534, %sub3A_535 : vector<16xi32>
    %shift_right_logical3A_537 = arith.constant 31 : i32
    %shift_right_logical3A_538 = vector.broadcast %shift_right_logical3A_537 : i32 to vector<16xi32>
    %shift_right_logical3A_539 = arith.shrui %or3A_536, %shift_right_logical3A_538 : vector<16xi32>
    %add3A_540 = arith.addi %add3A_531, %shift_right_logical3A_539 : vector<16xi32>
    %get3A_541 = arith.constant 832 : index
    %get3A_542 = tpu.vector_load %arg5[%get3A_541] {strides = array<i32>} : memref<2048xi32, #tpu.memory_space<vmem>>, vector<16xi32>,
    %get3A_543 = vector.shape_cast %get3A_542 : vector<16xi32> to vector<16xi32>
    %sub3A_544 = arith.subi %broadcast_in_dim3A_41, %get3A_543 : vector<16xi32>
    %or3A_545 = arith.ori %get3A_543, %sub3A_544 : vector<16xi32>
    %shift_right_logical3A_546 = arith.constant 31 : i32
    %shift_right_logical3A_547 = vector.broadcast %shift_right_logical3A_546 : i32 to vector<16xi32>
    %shift_right_logical3A_548 = arith.shrui %or3A_545, %shift_right_logical3A_547 : vector<16xi32>
    %add3A_549 = arith.addi %add3A_540, %shift_right_logical3A_548 : vector<16xi32>
    %get3A_550 = arith.constant 848 : index
    %get3A_551 = tpu.vector_load %arg5[%get3A_550] {strides = array<i32>} : memref<2048xi32, #tpu.memory_space<vmem>>, vector<16xi32>,
    %get3A_552 = vector.shape_cast %get3A_551 : vector<16xi32> to vector<16xi32>
    %sub3A_553 = arith.subi %broadcast_in_dim3A_41, %get3A_552 : vector<16xi32>
    %or3A_554 = arith.ori %get3A_552, %sub3A_553 : vector<16xi32>
    %shift_right_logical3A_555 = arith.constant 31 : i32
    %shift_right_logical3A_556 = vector.broadcast %shift_right_logical3A_555 : i32 to vector<16xi32>
    %shift_right_logical3A_557 = arith.shrui %or3A_554, %shift_right_logical3A_556 : vector<16xi32>
    %add3A_558 = arith.addi %add3A_549, %shift_right_logical3A_557 : vector<16xi32>
    %get3A_559 = arith.constant 864 : index
    %get3A_560 = tpu.vector_load %arg5[%get3A_559] {strides = array<i32>} : memref<2048xi32, #tpu.memory_space<vmem>>, vector<16xi32>,
    %get3A_561 = vector.shape_cast %get3A_560 : vector<16xi32> to vector<16xi32>
    %sub3A_562 = arith.subi %broadcast_in_dim3A_41, %get3A_561 : vector<16xi32>
    %or3A_563 = arith.ori %get3A_561, %sub3A_562 : vector<16xi32>
    %shift_right_logical3A_564 = arith.constant 31 : i32
    %shift_right_logical3A_565 = vector.broadcast %shift_right_logical3A_564 : i32 to vector<16xi32>
    %shift_right_logical3A_566 = arith.shrui %or3A_563, %shift_right_logical3A_565 : vector<16xi32>
    %add3A_567 = arith.addi %add3A_558, %shift_right_logical3A_566 : vector<16xi32>
    %get3A_568 = arith.constant 880 : index
    %get3A_569 = tpu.vector_load %arg5[%get3A_568] {strides = array<i32>} : memref<2048xi32, #tpu.memory_space<vmem>>, vector<16xi32>,
    %get3A_570 = vector.shape_cast %get3A_569 : vector<16xi32> to vector<16xi32>
    %sub3A_571 = arith.subi %broadcast_in_dim3A_41, %get3A_570 : vector<16xi32>
    %or3A_572 = arith.ori %get3A_570, %sub3A_571 : vector<16xi32>
    %shift_right_logical3A_573 = arith.constant 31 : i32
    %shift_right_logical3A_574 = vector.broadcast %shift_right_logical3A_573 : i32 to vector<16xi32>
    %shift_right_logical3A_575 = arith.shrui %or3A_572, %shift_right_logical3A_574 : vector<16xi32>
    %add3A_576 = arith.addi %add3A_567, %shift_right_logical3A_575 : vector<16xi32>
    %get3A_577 = arith.constant 896 : index
    %get3A_578 = tpu.vector_load %arg5[%get3A_577] {strides = array<i32>} : memref<2048xi32, #tpu.memory_space<vmem>>, vector<16xi32>,
    %get3A_579 = vector.shape_cast %get3A_578 : vector<16xi32> to vector<16xi32>
    %sub3A_580 = arith.subi %broadcast_in_dim3A_41, %get3A_579 : vector<16xi32>
    %or3A_581 = arith.ori %get3A_579, %sub3A_580 : vector<16xi32>
    %shift_right_logical3A_582 = arith.constant 31 : i32
    %shift_right_logical3A_583 = vector.broadcast %shift_right_logical3A_582 : i32 to vector<16xi32>
    %shift_right_logical3A_584 = arith.shrui %or3A_581, %shift_right_logical3A_583 : vector<16xi32>
    %add3A_585 = arith.addi %add3A_576, %shift_right_logical3A_584 : vector<16xi32>
    %get3A_586 = arith.constant 912 : index
    %get3A_587 = tpu.vector_load %arg5[%get3A_586] {strides = array<i32>} : memref<2048xi32, #tpu.memory_space<vmem>>, vector<16xi32>,
    %get3A_588 = vector.shape_cast %get3A_587 : vector<16xi32> to vector<16xi32>
    %sub3A_589 = arith.subi %broadcast_in_dim3A_41, %get3A_588 : vector<16xi32>
    %or3A_590 = arith.ori %get3A_588, %sub3A_589 : vector<16xi32>
    %shift_right_logical3A_591 = arith.constant 31 : i32
    %shift_right_logical3A_592 = vector.broadcast %shift_right_logical3A_591 : i32 to vector<16xi32>
    %shift_right_logical3A_593 = arith.shrui %or3A_590, %shift_right_logical3A_592 : vector<16xi32>
    %add3A_594 = arith.addi %add3A_585, %shift_right_logical3A_593 : vector<16xi32>
    %get3A_595 = arith.constant 928 : index
    %get3A_596 = tpu.vector_load %arg5[%get3A_595] {strides = array<i32>} : memref<2048xi32, #tpu.memory_space<vmem>>, vector<16xi32>,
    %get3A_597 = vector.shape_cast %get3A_596 : vector<16xi32> to vector<16xi32>
    %sub3A_598 = arith.subi %broadcast_in_dim3A_41, %get3A_597 : vector<16xi32>
    %or3A_599 = arith.ori %get3A_597, %sub3A_598 : vector<16xi32>
    %shift_right_logical3A_600 = arith.constant 31 : i32
    %shift_right_logical3A_601 = vector.broadcast %shift_right_logical3A_600 : i32 to vector<16xi32>
    %shift_right_logical3A_602 = arith.shrui %or3A_599, %shift_right_logical3A_601 : vector<16xi32>
    %add3A_603 = arith.addi %add3A_594, %shift_right_logical3A_602 : vector<16xi32>
    %get3A_604 = arith.constant 944 : index
    %get3A_605 = tpu.vector_load %arg5[%get3A_604] {strides = array<i32>} : memref<2048xi32, #tpu.memory_space<vmem>>, vector<16xi32>,
    %get3A_606 = vector.shape_cast %get3A_605 : vector<16xi32> to vector<16xi32>
    %sub3A_607 = arith.subi %broadcast_in_dim3A_41, %get3A_606 : vector<16xi32>
    %or3A_608 = arith.ori %get3A_606, %sub3A_607 : vector<16xi32>
    %shift_right_logical3A_609 = arith.constant 31 : i32
    %shift_right_logical3A_610 = vector.broadcast %shift_right_logical3A_609 : i32 to vector<16xi32>
    %shift_right_logical3A_611 = arith.shrui %or3A_608, %shift_right_logical3A_610 : vector<16xi32>
    %add3A_612 = arith.addi %add3A_603, %shift_right_logical3A_611 : vector<16xi32>
    %get3A_613 = arith.constant 960 : index
    %get3A_614 = tpu.vector_load %arg5[%get3A_613] {strides = array<i32>} : memref<2048xi32, #tpu.memory_space<vmem>>, vector<16xi32>,
    %get3A_615 = vector.shape_cast %get3A_614 : vector<16xi32> to vector<16xi32>
    %sub3A_616 = arith.subi %broadcast_in_dim3A_41, %get3A_615 : vector<16xi32>
    %or3A_617 = arith.ori %get3A_615, %sub3A_616 : vector<16xi32>
    %shift_right_logical3A_618 = arith.constant 31 : i32
    %shift_right_logical3A_619 = vector.broadcast %shift_right_logical3A_618 : i32 to vector<16xi32>
    %shift_right_logical3A_620 = arith.shrui %or3A_617, %shift_right_logical3A_619 : vector<16xi32>
    %add3A_621 = arith.addi %add3A_612, %shift_right_logical3A_620 : vector<16xi32>
    %get3A_622 = arith.constant 976 : index
    %get3A_623 = tpu.vector_load %arg5[%get3A_622] {strides = array<i32>} : memref<2048xi32, #tpu.memory_space<vmem>>, vector<16xi32>,
    %get3A_624 = vector.shape_cast %get3A_623 : vector<16xi32> to vector<16xi32>
    %sub3A_625 = arith.subi %broadcast_in_dim3A_41, %get3A_624 : vector<16xi32>
    %or3A_626 = arith.ori %get3A_624, %sub3A_625 : vector<16xi32>
    %shift_right_logical3A_627 = arith.constant 31 : i32
    %shift_right_logical3A_628 = vector.broadcast %shift_right_logical3A_627 : i32 to vector<16xi32>
    %shift_right_logical3A_629 = arith.shrui %or3A_626, %shift_right_logical3A_628 : vector<16xi32>
    %add3A_630 = arith.addi %add3A_621, %shift_right_logical3A_629 : vector<16xi32>
    %get3A_631 = arith.constant 992 : index
    %get3A_632 = tpu.vector_load %arg5[%get3A_631] {strides = array<i32>} : memref<2048xi32, #tpu.memory_space<vmem>>, vector<16xi32>,
    %get3A_633 = vector.shape_cast %get3A_632 : vector<16xi32> to vector<16xi32>
    %sub3A_634 = arith.subi %broadcast_in_dim3A_41, %get3A_633 : vector<16xi32>
    %or3A_635 = arith.ori %get3A_633, %sub3A_634 : vector<16xi32>
    %shift_right_logical3A_636 = arith.constant 31 : i32
    %shift_right_logical3A_637 = vector.broadcast %shift_right_logical3A_636 : i32 to vector<16xi32>
    %shift_right_logical3A_638 = arith.shrui %or3A_635, %shift_right_logical3A_637 : vector<16xi32>
    %add3A_639 = arith.addi %add3A_630, %shift_right_logical3A_638 : vector<16xi32>
    %get3A_640 = arith.constant 1008 : index
    %get3A_641 = tpu.vector_load %arg5[%get3A_640] {strides = array<i32>} : memref<2048xi32, #tpu.memory_space<vmem>>, vector<16xi32>,
    %get3A_642 = vector.shape_cast %get3A_641 : vector<16xi32> to vector<16xi32>
    %sub3A_643 = arith.subi %broadcast_in_dim3A_41, %get3A_642 : vector<16xi32>
    %or3A_644 = arith.ori %get3A_642, %sub3A_643 : vector<16xi32>
    %shift_right_logical3A_645 = arith.constant 31 : i32
    %shift_right_logical3A_646 = vector.broadcast %shift_right_logical3A_645 : i32 to vector<16xi32>
    %shift_right_logical3A_647 = arith.shrui %or3A_644, %shift_right_logical3A_646 : vector<16xi32>
    %add3A_648 = arith.addi %add3A_639, %shift_right_logical3A_647 : vector<16xi32>
    %sub3A_649 = arith.constant 3 : i32
    %sub3A_650 = vector.broadcast %sub3A_649 : i32 to vector<16xi32>
    %sub3A_651 = arith.subi %broadcast_in_dim3A_44, %sub3A_650 : vector<16xi32>
    %jit3A_652 = arith.constant 0 : i32
    %jit3A_653 = arith.constant 1 : i32
    %max3A_654 = vector.broadcast %jit3A_652 : i32 to vector<16xi32>
    %max3A_655 = arith.maxsi %max3A_654, %sub3A_651 : vector<16xi32>
    %min3A_656 = vector.broadcast %jit3A_653 : i32 to vector<16xi32>
    %min3A_657 = arith.minsi %min3A_656, %max3A_655 : vector<16xi32>
    %mul3A_658 = arith.muli %min3A_657, %add3A_648 : vector<16xi32>
    %add3A_659 = arith.addi %add3A_504, %mul3A_658 : vector<16xi32>
    %get3A_660 = arith.constant 1024 : index
    %get3A_661 = tpu.vector_load %arg5[%get3A_660] {strides = array<i32>} : memref<2048xi32, #tpu.memory_space<vmem>>, vector<16xi32>,
    %get3A_662 = vector.shape_cast %get3A_661 : vector<16xi32> to vector<16xi32>
    %sub3A_663 = arith.subi %broadcast_in_dim3A_41, %get3A_662 : vector<16xi32>
    %or3A_664 = arith.ori %get3A_662, %sub3A_663 : vector<16xi32>
    %shift_right_logical3A_665 = arith.constant 31 : i32
    %shift_right_logical3A_666 = vector.broadcast %shift_right_logical3A_665 : i32 to vector<16xi32>
    %shift_right_logical3A_667 = arith.shrui %or3A_664, %shift_right_logical3A_666 : vector<16xi32>
    %add3A_668 = arith.addi %broadcast_in_dim3A_41, %shift_right_logical3A_667 : vector<16xi32>
    %get3A_669 = arith.constant 1040 : index
    %get3A_670 = tpu.vector_load %arg5[%get3A_669] {strides = array<i32>} : memref<2048xi32, #tpu.memory_space<vmem>>, vector<16xi32>,
    %get3A_671 = vector.shape_cast %get3A_670 : vector<16xi32> to vector<16xi32>
    %sub3A_672 = arith.subi %broadcast_in_dim3A_41, %get3A_671 : vector<16xi32>
    %or3A_673 = arith.ori %get3A_671, %sub3A_672 : vector<16xi32>
    %shift_right_logical3A_674 = arith.constant 31 : i32
    %shift_right_logical3A_675 = vector.broadcast %shift_right_logical3A_674 : i32 to vector<16xi32>
    %shift_right_logical3A_676 = arith.shrui %or3A_673, %shift_right_logical3A_675 : vector<16xi32>
    %add3A_677 = arith.addi %add3A_668, %shift_right_logical3A_676 : vector<16xi32>
    %get3A_678 = arith.constant 1056 : index
    %get3A_679 = tpu.vector_load %arg5[%get3A_678] {strides = array<i32>} : memref<2048xi32, #tpu.memory_space<vmem>>, vector<16xi32>,
    %get3A_680 = vector.shape_cast %get3A_679 : vector<16xi32> to vector<16xi32>
    %sub3A_681 = arith.subi %broadcast_in_dim3A_41, %get3A_680 : vector<16xi32>
    %or3A_682 = arith.ori %get3A_680, %sub3A_681 : vector<16xi32>
    %shift_right_logical3A_683 = arith.constant 31 : i32
    %shift_right_logical3A_684 = vector.broadcast %shift_right_logical3A_683 : i32 to vector<16xi32>
    %shift_right_logical3A_685 = arith.shrui %or3A_682, %shift_right_logical3A_684 : vector<16xi32>
    %add3A_686 = arith.addi %add3A_677, %shift_right_logical3A_685 : vector<16xi32>
    %get3A_687 = arith.constant 1072 : index
    %get3A_688 = tpu.vector_load %arg5[%get3A_687] {strides = array<i32>} : memref<2048xi32, #tpu.memory_space<vmem>>, vector<16xi32>,
    %get3A_689 = vector.shape_cast %get3A_688 : vector<16xi32> to vector<16xi32>
    %sub3A_690 = arith.subi %broadcast_in_dim3A_41, %get3A_689 : vector<16xi32>
    %or3A_691 = arith.ori %get3A_689, %sub3A_690 : vector<16xi32>
    %shift_right_logical3A_692 = arith.constant 31 : i32
    %shift_right_logical3A_693 = vector.broadcast %shift_right_logical3A_692 : i32 to vector<16xi32>
    %shift_right_logical3A_694 = arith.shrui %or3A_691, %shift_right_logical3A_693 : vector<16xi32>
    %add3A_695 = arith.addi %add3A_686, %shift_right_logical3A_694 : vector<16xi32>
    %get3A_696 = arith.constant 1088 : index
    %get3A_697 = tpu.vector_load %arg5[%get3A_696] {strides = array<i32>} : memref<2048xi32, #tpu.memory_space<vmem>>, vector<16xi32>,
    %get3A_698 = vector.shape_cast %get3A_697 : vector<16xi32> to vector<16xi32>
    %sub3A_699 = arith.subi %broadcast_in_dim3A_41, %get3A_698 : vector<16xi32>
    %or3A_700 = arith.ori %get3A_698, %sub3A_699 : vector<16xi32>
    %shift_right_logical3A_701 = arith.constant 31 : i32
    %shift_right_logical3A_702 = vector.broadcast %shift_right_logical3A_701 : i32 to vector<16xi32>
    %shift_right_logical3A_703 = arith.shrui %or3A_700, %shift_right_logical3A_702 : vector<16xi32>
    %add3A_704 = arith.addi %add3A_695, %shift_right_logical3A_703 : vector<16xi32>
    %get3A_705 = arith.constant 1104 : index
    %get3A_706 = tpu.vector_load %arg5[%get3A_705] {strides = array<i32>} : memref<2048xi32, #tpu.memory_space<vmem>>, vector<16xi32>,
    %get3A_707 = vector.shape_cast %get3A_706 : vector<16xi32> to vector<16xi32>
    %sub3A_708 = arith.subi %broadcast_in_dim3A_41, %get3A_707 : vector<16xi32>
    %or3A_709 = arith.ori %get3A_707, %sub3A_708 : vector<16xi32>
    %shift_right_logical3A_710 = arith.constant 31 : i32
    %shift_right_logical3A_711 = vector.broadcast %shift_right_logical3A_710 : i32 to vector<16xi32>
    %shift_right_logical3A_712 = arith.shrui %or3A_709, %shift_right_logical3A_711 : vector<16xi32>
    %add3A_713 = arith.addi %add3A_704, %shift_right_logical3A_712 : vector<16xi32>
    %get3A_714 = arith.constant 1120 : index
    %get3A_715 = tpu.vector_load %arg5[%get3A_714] {strides = array<i32>} : memref<2048xi32, #tpu.memory_space<vmem>>, vector<16xi32>,
    %get3A_716 = vector.shape_cast %get3A_715 : vector<16xi32> to vector<16xi32>
    %sub3A_717 = arith.subi %broadcast_in_dim3A_41, %get3A_716 : vector<16xi32>
    %or3A_718 = arith.ori %get3A_716, %sub3A_717 : vector<16xi32>
    %shift_right_logical3A_719 = arith.constant 31 : i32
    %shift_right_logical3A_720 = vector.broadcast %shift_right_logical3A_719 : i32 to vector<16xi32>
    %shift_right_logical3A_721 = arith.shrui %or3A_718, %shift_right_logical3A_720 : vector<16xi32>
    %add3A_722 = arith.addi %add3A_713, %shift_right_logical3A_721 : vector<16xi32>
    %get3A_723 = arith.constant 1136 : index
    %get3A_724 = tpu.vector_load %arg5[%get3A_723] {strides = array<i32>} : memref<2048xi32, #tpu.memory_space<vmem>>, vector<16xi32>,
    %get3A_725 = vector.shape_cast %get3A_724 : vector<16xi32> to vector<16xi32>
    %sub3A_726 = arith.subi %broadcast_in_dim3A_41, %get3A_725 : vector<16xi32>
    %or3A_727 = arith.ori %get3A_725, %sub3A_726 : vector<16xi32>
    %shift_right_logical3A_728 = arith.constant 31 : i32
    %shift_right_logical3A_729 = vector.broadcast %shift_right_logical3A_728 : i32 to vector<16xi32>
    %shift_right_logical3A_730 = arith.shrui %or3A_727, %shift_right_logical3A_729 : vector<16xi32>
    %add3A_731 = arith.addi %add3A_722, %shift_right_logical3A_730 : vector<16xi32>
    %get3A_732 = arith.constant 1152 : index
    %get3A_733 = tpu.vector_load %arg5[%get3A_732] {strides = array<i32>} : memref<2048xi32, #tpu.memory_space<vmem>>, vector<16xi32>,
    %get3A_734 = vector.shape_cast %get3A_733 : vector<16xi32> to vector<16xi32>
    %sub3A_735 = arith.subi %broadcast_in_dim3A_41, %get3A_734 : vector<16xi32>
    %or3A_736 = arith.ori %get3A_734, %sub3A_735 : vector<16xi32>
    %shift_right_logical3A_737 = arith.constant 31 : i32
    %shift_right_logical3A_738 = vector.broadcast %shift_right_logical3A_737 : i32 to vector<16xi32>
    %shift_right_logical3A_739 = arith.shrui %or3A_736, %shift_right_logical3A_738 : vector<16xi32>
    %add3A_740 = arith.addi %add3A_731, %shift_right_logical3A_739 : vector<16xi32>
    %get3A_741 = arith.constant 1168 : index
    %get3A_742 = tpu.vector_load %arg5[%get3A_741] {strides = array<i32>} : memref<2048xi32, #tpu.memory_space<vmem>>, vector<16xi32>,
    %get3A_743 = vector.shape_cast %get3A_742 : vector<16xi32> to vector<16xi32>
    %sub3A_744 = arith.subi %broadcast_in_dim3A_41, %get3A_743 : vector<16xi32>
    %or3A_745 = arith.ori %get3A_743, %sub3A_744 : vector<16xi32>
    %shift_right_logical3A_746 = arith.constant 31 : i32
    %shift_right_logical3A_747 = vector.broadcast %shift_right_logical3A_746 : i32 to vector<16xi32>
    %shift_right_logical3A_748 = arith.shrui %or3A_745, %shift_right_logical3A_747 : vector<16xi32>
    %add3A_749 = arith.addi %add3A_740, %shift_right_logical3A_748 : vector<16xi32>
    %get3A_750 = arith.constant 1184 : index
    %get3A_751 = tpu.vector_load %arg5[%get3A_750] {strides = array<i32>} : memref<2048xi32, #tpu.memory_space<vmem>>, vector<16xi32>,
    %get3A_752 = vector.shape_cast %get3A_751 : vector<16xi32> to vector<16xi32>
    %sub3A_753 = arith.subi %broadcast_in_dim3A_41, %get3A_752 : vector<16xi32>
    %or3A_754 = arith.ori %get3A_752, %sub3A_753 : vector<16xi32>
    %shift_right_logical3A_755 = arith.constant 31 : i32
    %shift_right_logical3A_756 = vector.broadcast %shift_right_logical3A_755 : i32 to vector<16xi32>
    %shift_right_logical3A_757 = arith.shrui %or3A_754, %shift_right_logical3A_756 : vector<16xi32>
    %add3A_758 = arith.addi %add3A_749, %shift_right_logical3A_757 : vector<16xi32>
    %get3A_759 = arith.constant 1200 : index
    %get3A_760 = tpu.vector_load %arg5[%get3A_759] {strides = array<i32>} : memref<2048xi32, #tpu.memory_space<vmem>>, vector<16xi32>,
    %get3A_761 = vector.shape_cast %get3A_760 : vector<16xi32> to vector<16xi32>
    %sub3A_762 = arith.subi %broadcast_in_dim3A_41, %get3A_761 : vector<16xi32>
    %or3A_763 = arith.ori %get3A_761, %sub3A_762 : vector<16xi32>
    %shift_right_logical3A_764 = arith.constant 31 : i32
    %shift_right_logical3A_765 = vector.broadcast %shift_right_logical3A_764 : i32 to vector<16xi32>
    %shift_right_logical3A_766 = arith.shrui %or3A_763, %shift_right_logical3A_765 : vector<16xi32>
    %add3A_767 = arith.addi %add3A_758, %shift_right_logical3A_766 : vector<16xi32>
    %get3A_768 = arith.constant 1216 : index
    %get3A_769 = tpu.vector_load %arg5[%get3A_768] {strides = array<i32>} : memref<2048xi32, #tpu.memory_space<vmem>>, vector<16xi32>,
    %get3A_770 = vector.shape_cast %get3A_769 : vector<16xi32> to vector<16xi32>
    %sub3A_771 = arith.subi %broadcast_in_dim3A_41, %get3A_770 : vector<16xi32>
    %or3A_772 = arith.ori %get3A_770, %sub3A_771 : vector<16xi32>
    %shift_right_logical3A_773 = arith.constant 31 : i32
    %shift_right_logical3A_774 = vector.broadcast %shift_right_logical3A_773 : i32 to vector<16xi32>
    %shift_right_logical3A_775 = arith.shrui %or3A_772, %shift_right_logical3A_774 : vector<16xi32>
    %add3A_776 = arith.addi %add3A_767, %shift_right_logical3A_775 : vector<16xi32>
    %get3A_777 = arith.constant 1232 : index
    %get3A_778 = tpu.vector_load %arg5[%get3A_777] {strides = array<i32>} : memref<2048xi32, #tpu.memory_space<vmem>>, vector<16xi32>,
    %get3A_779 = vector.shape_cast %get3A_778 : vector<16xi32> to vector<16xi32>
    %sub3A_780 = arith.subi %broadcast_in_dim3A_41, %get3A_779 : vector<16xi32>
    %or3A_781 = arith.ori %get3A_779, %sub3A_780 : vector<16xi32>
    %shift_right_logical3A_782 = arith.constant 31 : i32
    %shift_right_logical3A_783 = vector.broadcast %shift_right_logical3A_782 : i32 to vector<16xi32>
    %shift_right_logical3A_784 = arith.shrui %or3A_781, %shift_right_logical3A_783 : vector<16xi32>
    %add3A_785 = arith.addi %add3A_776, %shift_right_logical3A_784 : vector<16xi32>
    %get3A_786 = arith.constant 1248 : index
    %get3A_787 = tpu.vector_load %arg5[%get3A_786] {strides = array<i32>} : memref<2048xi32, #tpu.memory_space<vmem>>, vector<16xi32>,
    %get3A_788 = vector.shape_cast %get3A_787 : vector<16xi32> to vector<16xi32>
    %sub3A_789 = arith.subi %broadcast_in_dim3A_41, %get3A_788 : vector<16xi32>
    %or3A_790 = arith.ori %get3A_788, %sub3A_789 : vector<16xi32>
    %shift_right_logical3A_791 = arith.constant 31 : i32
    %shift_right_logical3A_792 = vector.broadcast %shift_right_logical3A_791 : i32 to vector<16xi32>
    %shift_right_logical3A_793 = arith.shrui %or3A_790, %shift_right_logical3A_792 : vector<16xi32>
    %add3A_794 = arith.addi %add3A_785, %shift_right_logical3A_793 : vector<16xi32>
    %get3A_795 = arith.constant 1264 : index
    %get3A_796 = tpu.vector_load %arg5[%get3A_795] {strides = array<i32>} : memref<2048xi32, #tpu.memory_space<vmem>>, vector<16xi32>,
    %get3A_797 = vector.shape_cast %get3A_796 : vector<16xi32> to vector<16xi32>
    %sub3A_798 = arith.subi %broadcast_in_dim3A_41, %get3A_797 : vector<16xi32>
    %or3A_799 = arith.ori %get3A_797, %sub3A_798 : vector<16xi32>
    %shift_right_logical3A_800 = arith.constant 31 : i32
    %shift_right_logical3A_801 = vector.broadcast %shift_right_logical3A_800 : i32 to vector<16xi32>
    %shift_right_logical3A_802 = arith.shrui %or3A_799, %shift_right_logical3A_801 : vector<16xi32>
    %add3A_803 = arith.addi %add3A_794, %shift_right_logical3A_802 : vector<16xi32>
    %sub3A_804 = arith.constant 4 : i32
    %sub3A_805 = vector.broadcast %sub3A_804 : i32 to vector<16xi32>
    %sub3A_806 = arith.subi %broadcast_in_dim3A_44, %sub3A_805 : vector<16xi32>
    %jit3A_807 = arith.constant 0 : i32
    %jit3A_808 = arith.constant 1 : i32
    %max3A_809 = vector.broadcast %jit3A_807 : i32 to vector<16xi32>
    %max3A_810 = arith.maxsi %max3A_809, %sub3A_806 : vector<16xi32>
    %min3A_811 = vector.broadcast %jit3A_808 : i32 to vector<16xi32>
    %min3A_812 = arith.minsi %min3A_811, %max3A_810 : vector<16xi32>
    %mul3A_813 = arith.muli %min3A_812, %add3A_803 : vector<16xi32>
    %add3A_814 = arith.addi %add3A_659, %mul3A_813 : vector<16xi32>
    %get3A_815 = arith.constant 1280 : index
    %get3A_816 = tpu.vector_load %arg5[%get3A_815] {strides = array<i32>} : memref<2048xi32, #tpu.memory_space<vmem>>, vector<16xi32>,
    %get3A_817 = vector.shape_cast %get3A_816 : vector<16xi32> to vector<16xi32>
    %sub3A_818 = arith.subi %broadcast_in_dim3A_41, %get3A_817 : vector<16xi32>
    %or3A_819 = arith.ori %get3A_817, %sub3A_818 : vector<16xi32>
    %shift_right_logical3A_820 = arith.constant 31 : i32
    %shift_right_logical3A_821 = vector.broadcast %shift_right_logical3A_820 : i32 to vector<16xi32>
    %shift_right_logical3A_822 = arith.shrui %or3A_819, %shift_right_logical3A_821 : vector<16xi32>
    %add3A_823 = arith.addi %broadcast_in_dim3A_41, %shift_right_logical3A_822 : vector<16xi32>
    %get3A_824 = arith.constant 1296 : index
    %get3A_825 = tpu.vector_load %arg5[%get3A_824] {strides = array<i32>} : memref<2048xi32, #tpu.memory_space<vmem>>, vector<16xi32>,
    %get3A_826 = vector.shape_cast %get3A_825 : vector<16xi32> to vector<16xi32>
    %sub3A_827 = arith.subi %broadcast_in_dim3A_41, %get3A_826 : vector<16xi32>
    %or3A_828 = arith.ori %get3A_826, %sub3A_827 : vector<16xi32>
    %shift_right_logical3A_829 = arith.constant 31 : i32
    %shift_right_logical3A_830 = vector.broadcast %shift_right_logical3A_829 : i32 to vector<16xi32>
    %shift_right_logical3A_831 = arith.shrui %or3A_828, %shift_right_logical3A_830 : vector<16xi32>
    %add3A_832 = arith.addi %add3A_823, %shift_right_logical3A_831 : vector<16xi32>
    %get3A_833 = arith.constant 1312 : index
    %get3A_834 = tpu.vector_load %arg5[%get3A_833] {strides = array<i32>} : memref<2048xi32, #tpu.memory_space<vmem>>, vector<16xi32>,
    %get3A_835 = vector.shape_cast %get3A_834 : vector<16xi32> to vector<16xi32>
    %sub3A_836 = arith.subi %broadcast_in_dim3A_41, %get3A_835 : vector<16xi32>
    %or3A_837 = arith.ori %get3A_835, %sub3A_836 : vector<16xi32>
    %shift_right_logical3A_838 = arith.constant 31 : i32
    %shift_right_logical3A_839 = vector.broadcast %shift_right_logical3A_838 : i32 to vector<16xi32>
    %shift_right_logical3A_840 = arith.shrui %or3A_837, %shift_right_logical3A_839 : vector<16xi32>
    %add3A_841 = arith.addi %add3A_832, %shift_right_logical3A_840 : vector<16xi32>
    %get3A_842 = arith.constant 1328 : index
    %get3A_843 = tpu.vector_load %arg5[%get3A_842] {strides = array<i32>} : memref<2048xi32, #tpu.memory_space<vmem>>, vector<16xi32>,
    %get3A_844 = vector.shape_cast %get3A_843 : vector<16xi32> to vector<16xi32>
    %sub3A_845 = arith.subi %broadcast_in_dim3A_41, %get3A_844 : vector<16xi32>
    %or3A_846 = arith.ori %get3A_844, %sub3A_845 : vector<16xi32>
    %shift_right_logical3A_847 = arith.constant 31 : i32
    %shift_right_logical3A_848 = vector.broadcast %shift_right_logical3A_847 : i32 to vector<16xi32>
    %shift_right_logical3A_849 = arith.shrui %or3A_846, %shift_right_logical3A_848 : vector<16xi32>
    %add3A_850 = arith.addi %add3A_841, %shift_right_logical3A_849 : vector<16xi32>
    %get3A_851 = arith.constant 1344 : index
    %get3A_852 = tpu.vector_load %arg5[%get3A_851] {strides = array<i32>} : memref<2048xi32, #tpu.memory_space<vmem>>, vector<16xi32>,
    %get3A_853 = vector.shape_cast %get3A_852 : vector<16xi32> to vector<16xi32>
    %sub3A_854 = arith.subi %broadcast_in_dim3A_41, %get3A_853 : vector<16xi32>
    %or3A_855 = arith.ori %get3A_853, %sub3A_854 : vector<16xi32>
    %shift_right_logical3A_856 = arith.constant 31 : i32
    %shift_right_logical3A_857 = vector.broadcast %shift_right_logical3A_856 : i32 to vector<16xi32>
    %shift_right_logical3A_858 = arith.shrui %or3A_855, %shift_right_logical3A_857 : vector<16xi32>
    %add3A_859 = arith.addi %add3A_850, %shift_right_logical3A_858 : vector<16xi32>
    %get3A_860 = arith.constant 1360 : index
    %get3A_861 = tpu.vector_load %arg5[%get3A_860] {strides = array<i32>} : memref<2048xi32, #tpu.memory_space<vmem>>, vector<16xi32>,
    %get3A_862 = vector.shape_cast %get3A_861 : vector<16xi32> to vector<16xi32>
    %sub3A_863 = arith.subi %broadcast_in_dim3A_41, %get3A_862 : vector<16xi32>
    %or3A_864 = arith.ori %get3A_862, %sub3A_863 : vector<16xi32>
    %shift_right_logical3A_865 = arith.constant 31 : i32
    %shift_right_logical3A_866 = vector.broadcast %shift_right_logical3A_865 : i32 to vector<16xi32>
    %shift_right_logical3A_867 = arith.shrui %or3A_864, %shift_right_logical3A_866 : vector<16xi32>
    %add3A_868 = arith.addi %add3A_859, %shift_right_logical3A_867 : vector<16xi32>
    %get3A_869 = arith.constant 1376 : index
    %get3A_870 = tpu.vector_load %arg5[%get3A_869] {strides = array<i32>} : memref<2048xi32, #tpu.memory_space<vmem>>, vector<16xi32>,
    %get3A_871 = vector.shape_cast %get3A_870 : vector<16xi32> to vector<16xi32>
    %sub3A_872 = arith.subi %broadcast_in_dim3A_41, %get3A_871 : vector<16xi32>
    %or3A_873 = arith.ori %get3A_871, %sub3A_872 : vector<16xi32>
    %shift_right_logical3A_874 = arith.constant 31 : i32
    %shift_right_logical3A_875 = vector.broadcast %shift_right_logical3A_874 : i32 to vector<16xi32>
    %shift_right_logical3A_876 = arith.shrui %or3A_873, %shift_right_logical3A_875 : vector<16xi32>
    %add3A_877 = arith.addi %add3A_868, %shift_right_logical3A_876 : vector<16xi32>
    %get3A_878 = arith.constant 1392 : index
    %get3A_879 = tpu.vector_load %arg5[%get3A_878] {strides = array<i32>} : memref<2048xi32, #tpu.memory_space<vmem>>, vector<16xi32>,
    %get3A_880 = vector.shape_cast %get3A_879 : vector<16xi32> to vector<16xi32>
    %sub3A_881 = arith.subi %broadcast_in_dim3A_41, %get3A_880 : vector<16xi32>
    %or3A_882 = arith.ori %get3A_880, %sub3A_881 : vector<16xi32>
    %shift_right_logical3A_883 = arith.constant 31 : i32
    %shift_right_logical3A_884 = vector.broadcast %shift_right_logical3A_883 : i32 to vector<16xi32>
    %shift_right_logical3A_885 = arith.shrui %or3A_882, %shift_right_logical3A_884 : vector<16xi32>
    %add3A_886 = arith.addi %add3A_877, %shift_right_logical3A_885 : vector<16xi32>
    %get3A_887 = arith.constant 1408 : index
    %get3A_888 = tpu.vector_load %arg5[%get3A_887] {strides = array<i32>} : memref<2048xi32, #tpu.memory_space<vmem>>, vector<16xi32>,
    %get3A_889 = vector.shape_cast %get3A_888 : vector<16xi32> to vector<16xi32>
    %sub3A_890 = arith.subi %broadcast_in_dim3A_41, %get3A_889 : vector<16xi32>
    %or3A_891 = arith.ori %get3A_889, %sub3A_890 : vector<16xi32>
    %shift_right_logical3A_892 = arith.constant 31 : i32
    %shift_right_logical3A_893 = vector.broadcast %shift_right_logical3A_892 : i32 to vector<16xi32>
    %shift_right_logical3A_894 = arith.shrui %or3A_891, %shift_right_logical3A_893 : vector<16xi32>
    %add3A_895 = arith.addi %add3A_886, %shift_right_logical3A_894 : vector<16xi32>
    %get3A_896 = arith.constant 1424 : index
    %get3A_897 = tpu.vector_load %arg5[%get3A_896] {strides = array<i32>} : memref<2048xi32, #tpu.memory_space<vmem>>, vector<16xi32>,
    %get3A_898 = vector.shape_cast %get3A_897 : vector<16xi32> to vector<16xi32>
    %sub3A_899 = arith.subi %broadcast_in_dim3A_41, %get3A_898 : vector<16xi32>
    %or3A_900 = arith.ori %get3A_898, %sub3A_899 : vector<16xi32>
    %shift_right_logical3A_901 = arith.constant 31 : i32
    %shift_right_logical3A_902 = vector.broadcast %shift_right_logical3A_901 : i32 to vector<16xi32>
    %shift_right_logical3A_903 = arith.shrui %or3A_900, %shift_right_logical3A_902 : vector<16xi32>
    %add3A_904 = arith.addi %add3A_895, %shift_right_logical3A_903 : vector<16xi32>
    %get3A_905 = arith.constant 1440 : index
    %get3A_906 = tpu.vector_load %arg5[%get3A_905] {strides = array<i32>} : memref<2048xi32, #tpu.memory_space<vmem>>, vector<16xi32>,
    %get3A_907 = vector.shape_cast %get3A_906 : vector<16xi32> to vector<16xi32>
    %sub3A_908 = arith.subi %broadcast_in_dim3A_41, %get3A_907 : vector<16xi32>
    %or3A_909 = arith.ori %get3A_907, %sub3A_908 : vector<16xi32>
    %shift_right_logical3A_910 = arith.constant 31 : i32
    %shift_right_logical3A_911 = vector.broadcast %shift_right_logical3A_910 : i32 to vector<16xi32>
    %shift_right_logical3A_912 = arith.shrui %or3A_909, %shift_right_logical3A_911 : vector<16xi32>
    %add3A_913 = arith.addi %add3A_904, %shift_right_logical3A_912 : vector<16xi32>
    %get3A_914 = arith.constant 1456 : index
    %get3A_915 = tpu.vector_load %arg5[%get3A_914] {strides = array<i32>} : memref<2048xi32, #tpu.memory_space<vmem>>, vector<16xi32>,
    %get3A_916 = vector.shape_cast %get3A_915 : vector<16xi32> to vector<16xi32>
    %sub3A_917 = arith.subi %broadcast_in_dim3A_41, %get3A_916 : vector<16xi32>
    %or3A_918 = arith.ori %get3A_916, %sub3A_917 : vector<16xi32>
    %shift_right_logical3A_919 = arith.constant 31 : i32
    %shift_right_logical3A_920 = vector.broadcast %shift_right_logical3A_919 : i32 to vector<16xi32>
    %shift_right_logical3A_921 = arith.shrui %or3A_918, %shift_right_logical3A_920 : vector<16xi32>
    %add3A_922 = arith.addi %add3A_913, %shift_right_logical3A_921 : vector<16xi32>
    %get3A_923 = arith.constant 1472 : index
    %get3A_924 = tpu.vector_load %arg5[%get3A_923] {strides = array<i32>} : memref<2048xi32, #tpu.memory_space<vmem>>, vector<16xi32>,
    %get3A_925 = vector.shape_cast %get3A_924 : vector<16xi32> to vector<16xi32>
    %sub3A_926 = arith.subi %broadcast_in_dim3A_41, %get3A_925 : vector<16xi32>
    %or3A_927 = arith.ori %get3A_925, %sub3A_926 : vector<16xi32>
    %shift_right_logical3A_928 = arith.constant 31 : i32
    %shift_right_logical3A_929 = vector.broadcast %shift_right_logical3A_928 : i32 to vector<16xi32>
    %shift_right_logical3A_930 = arith.shrui %or3A_927, %shift_right_logical3A_929 : vector<16xi32>
    %add3A_931 = arith.addi %add3A_922, %shift_right_logical3A_930 : vector<16xi32>
    %get3A_932 = arith.constant 1488 : index
    %get3A_933 = tpu.vector_load %arg5[%get3A_932] {strides = array<i32>} : memref<2048xi32, #tpu.memory_space<vmem>>, vector<16xi32>,
    %get3A_934 = vector.shape_cast %get3A_933 : vector<16xi32> to vector<16xi32>
    %sub3A_935 = arith.subi %broadcast_in_dim3A_41, %get3A_934 : vector<16xi32>
    %or3A_936 = arith.ori %get3A_934, %sub3A_935 : vector<16xi32>
    %shift_right_logical3A_937 = arith.constant 31 : i32
    %shift_right_logical3A_938 = vector.broadcast %shift_right_logical3A_937 : i32 to vector<16xi32>
    %shift_right_logical3A_939 = arith.shrui %or3A_936, %shift_right_logical3A_938 : vector<16xi32>
    %add3A_940 = arith.addi %add3A_931, %shift_right_logical3A_939 : vector<16xi32>
    %get3A_941 = arith.constant 1504 : index
    %get3A_942 = tpu.vector_load %arg5[%get3A_941] {strides = array<i32>} : memref<2048xi32, #tpu.memory_space<vmem>>, vector<16xi32>,
    %get3A_943 = vector.shape_cast %get3A_942 : vector<16xi32> to vector<16xi32>
    %sub3A_944 = arith.subi %broadcast_in_dim3A_41, %get3A_943 : vector<16xi32>
    %or3A_945 = arith.ori %get3A_943, %sub3A_944 : vector<16xi32>
    %shift_right_logical3A_946 = arith.constant 31 : i32
    %shift_right_logical3A_947 = vector.broadcast %shift_right_logical3A_946 : i32 to vector<16xi32>
    %shift_right_logical3A_948 = arith.shrui %or3A_945, %shift_right_logical3A_947 : vector<16xi32>
    %add3A_949 = arith.addi %add3A_940, %shift_right_logical3A_948 : vector<16xi32>
    %get3A_950 = arith.constant 1520 : index
    %get3A_951 = tpu.vector_load %arg5[%get3A_950] {strides = array<i32>} : memref<2048xi32, #tpu.memory_space<vmem>>, vector<16xi32>,
    %get3A_952 = vector.shape_cast %get3A_951 : vector<16xi32> to vector<16xi32>
    %sub3A_953 = arith.subi %broadcast_in_dim3A_41, %get3A_952 : vector<16xi32>
    %or3A_954 = arith.ori %get3A_952, %sub3A_953 : vector<16xi32>
    %shift_right_logical3A_955 = arith.constant 31 : i32
    %shift_right_logical3A_956 = vector.broadcast %shift_right_logical3A_955 : i32 to vector<16xi32>
    %shift_right_logical3A_957 = arith.shrui %or3A_954, %shift_right_logical3A_956 : vector<16xi32>
    %add3A_958 = arith.addi %add3A_949, %shift_right_logical3A_957 : vector<16xi32>
    %sub3A_959 = arith.constant 5 : i32
    %sub3A_960 = vector.broadcast %sub3A_959 : i32 to vector<16xi32>
    %sub3A_961 = arith.subi %broadcast_in_dim3A_44, %sub3A_960 : vector<16xi32>
    %jit3A_962 = arith.constant 0 : i32
    %jit3A_963 = arith.constant 1 : i32
    %max3A_964 = vector.broadcast %jit3A_962 : i32 to vector<16xi32>
    %max3A_965 = arith.maxsi %max3A_964, %sub3A_961 : vector<16xi32>
    %min3A_966 = vector.broadcast %jit3A_963 : i32 to vector<16xi32>
    %min3A_967 = arith.minsi %min3A_966, %max3A_965 : vector<16xi32>
    %mul3A_968 = arith.muli %min3A_967, %add3A_958 : vector<16xi32>
    %add3A_969 = arith.addi %add3A_814, %mul3A_968 : vector<16xi32>
    %get3A_970 = arith.constant 1536 : index
    %get3A_971 = tpu.vector_load %arg5[%get3A_970] {strides = array<i32>} : memref<2048xi32, #tpu.memory_space<vmem>>, vector<16xi32>,
    %get3A_972 = vector.shape_cast %get3A_971 : vector<16xi32> to vector<16xi32>
    %sub3A_973 = arith.subi %broadcast_in_dim3A_41, %get3A_972 : vector<16xi32>
    %or3A_974 = arith.ori %get3A_972, %sub3A_973 : vector<16xi32>
    %shift_right_logical3A_975 = arith.constant 31 : i32
    %shift_right_logical3A_976 = vector.broadcast %shift_right_logical3A_975 : i32 to vector<16xi32>
    %shift_right_logical3A_977 = arith.shrui %or3A_974, %shift_right_logical3A_976 : vector<16xi32>
    %add3A_978 = arith.addi %broadcast_in_dim3A_41, %shift_right_logical3A_977 : vector<16xi32>
    %get3A_979 = arith.constant 1552 : index
    %get3A_980 = tpu.vector_load %arg5[%get3A_979] {strides = array<i32>} : memref<2048xi32, #tpu.memory_space<vmem>>, vector<16xi32>,
    %get3A_981 = vector.shape_cast %get3A_980 : vector<16xi32> to vector<16xi32>
    %sub3A_982 = arith.subi %broadcast_in_dim3A_41, %get3A_981 : vector<16xi32>
    %or3A_983 = arith.ori %get3A_981, %sub3A_982 : vector<16xi32>
    %shift_right_logical3A_984 = arith.constant 31 : i32
    %shift_right_logical3A_985 = vector.broadcast %shift_right_logical3A_984 : i32 to vector<16xi32>
    %shift_right_logical3A_986 = arith.shrui %or3A_983, %shift_right_logical3A_985 : vector<16xi32>
    %add3A_987 = arith.addi %add3A_978, %shift_right_logical3A_986 : vector<16xi32>
    %get3A_988 = arith.constant 1568 : index
    %get3A_989 = tpu.vector_load %arg5[%get3A_988] {strides = array<i32>} : memref<2048xi32, #tpu.memory_space<vmem>>, vector<16xi32>,
    %get3A_990 = vector.shape_cast %get3A_989 : vector<16xi32> to vector<16xi32>
    %sub3A_991 = arith.subi %broadcast_in_dim3A_41, %get3A_990 : vector<16xi32>
    %or3A_992 = arith.ori %get3A_990, %sub3A_991 : vector<16xi32>
    %shift_right_logical3A_993 = arith.constant 31 : i32
    %shift_right_logical3A_994 = vector.broadcast %shift_right_logical3A_993 : i32 to vector<16xi32>
    %shift_right_logical3A_995 = arith.shrui %or3A_992, %shift_right_logical3A_994 : vector<16xi32>
    %add3A_996 = arith.addi %add3A_987, %shift_right_logical3A_995 : vector<16xi32>
    %get3A_997 = arith.constant 1584 : index
    %get3A_998 = tpu.vector_load %arg5[%get3A_997] {strides = array<i32>} : memref<2048xi32, #tpu.memory_space<vmem>>, vector<16xi32>,
    %get3A_999 = vector.shape_cast %get3A_998 : vector<16xi32> to vector<16xi32>
    %sub3A_1000 = arith.subi %broadcast_in_dim3A_41, %get3A_999 : vector<16xi32>
    %or3A_1001 = arith.ori %get3A_999, %sub3A_1000 : vector<16xi32>
    %shift_right_logical3A_1002 = arith.constant 31 : i32
    %shift_right_logical3A_1003 = vector.broadcast %shift_right_logical3A_1002 : i32 to vector<16xi32>
    %shift_right_logical3A_1004 = arith.shrui %or3A_1001, %shift_right_logical3A_1003 : vector<16xi32>
    %add3A_1005 = arith.addi %add3A_996, %shift_right_logical3A_1004 : vector<16xi32>
    %get3A_1006 = arith.constant 1600 : index
    %get3A_1007 = tpu.vector_load %arg5[%get3A_1006] {strides = array<i32>} : memref<2048xi32, #tpu.memory_space<vmem>>, vector<16xi32>,
    %get3A_1008 = vector.shape_cast %get3A_1007 : vector<16xi32> to vector<16xi32>
    %sub3A_1009 = arith.subi %broadcast_in_dim3A_41, %get3A_1008 : vector<16xi32>
    %or3A_1010 = arith.ori %get3A_1008, %sub3A_1009 : vector<16xi32>
    %shift_right_logical3A_1011 = arith.constant 31 : i32
    %shift_right_logical3A_1012 = vector.broadcast %shift_right_logical3A_1011 : i32 to vector<16xi32>
    %shift_right_logical3A_1013 = arith.shrui %or3A_1010, %shift_right_logical3A_1012 : vector<16xi32>
    %add3A_1014 = arith.addi %add3A_1005, %shift_right_logical3A_1013 : vector<16xi32>
    %get3A_1015 = arith.constant 1616 : index
    %get3A_1016 = tpu.vector_load %arg5[%get3A_1015] {strides = array<i32>} : memref<2048xi32, #tpu.memory_space<vmem>>, vector<16xi32>,
    %get3A_1017 = vector.shape_cast %get3A_1016 : vector<16xi32> to vector<16xi32>
    %sub3A_1018 = arith.subi %broadcast_in_dim3A_41, %get3A_1017 : vector<16xi32>
    %or3A_1019 = arith.ori %get3A_1017, %sub3A_1018 : vector<16xi32>
    %shift_right_logical3A_1020 = arith.constant 31 : i32
    %shift_right_logical3A_1021 = vector.broadcast %shift_right_logical3A_1020 : i32 to vector<16xi32>
    %shift_right_logical3A_1022 = arith.shrui %or3A_1019, %shift_right_logical3A_1021 : vector<16xi32>
    %add3A_1023 = arith.addi %add3A_1014, %shift_right_logical3A_1022 : vector<16xi32>
    %get3A_1024 = arith.constant 1632 : index
    %get3A_1025 = tpu.vector_load %arg5[%get3A_1024] {strides = array<i32>} : memref<2048xi32, #tpu.memory_space<vmem>>, vector<16xi32>,
    %get3A_1026 = vector.shape_cast %get3A_1025 : vector<16xi32> to vector<16xi32>
    %sub3A_1027 = arith.subi %broadcast_in_dim3A_41, %get3A_1026 : vector<16xi32>
    %or3A_1028 = arith.ori %get3A_1026, %sub3A_1027 : vector<16xi32>
    %shift_right_logical3A_1029 = arith.constant 31 : i32
    %shift_right_logical3A_1030 = vector.broadcast %shift_right_logical3A_1029 : i32 to vector<16xi32>
    %shift_right_logical3A_1031 = arith.shrui %or3A_1028, %shift_right_logical3A_1030 : vector<16xi32>
    %add3A_1032 = arith.addi %add3A_1023, %shift_right_logical3A_1031 : vector<16xi32>
    %get3A_1033 = arith.constant 1648 : index
    %get3A_1034 = tpu.vector_load %arg5[%get3A_1033] {strides = array<i32>} : memref<2048xi32, #tpu.memory_space<vmem>>, vector<16xi32>,
    %get3A_1035 = vector.shape_cast %get3A_1034 : vector<16xi32> to vector<16xi32>
    %sub3A_1036 = arith.subi %broadcast_in_dim3A_41, %get3A_1035 : vector<16xi32>
    %or3A_1037 = arith.ori %get3A_1035, %sub3A_1036 : vector<16xi32>
    %shift_right_logical3A_1038 = arith.constant 31 : i32
    %shift_right_logical3A_1039 = vector.broadcast %shift_right_logical3A_1038 : i32 to vector<16xi32>
    %shift_right_logical3A_1040 = arith.shrui %or3A_1037, %shift_right_logical3A_1039 : vector<16xi32>
    %add3A_1041 = arith.addi %add3A_1032, %shift_right_logical3A_1040 : vector<16xi32>
    %get3A_1042 = arith.constant 1664 : index
    %get3A_1043 = tpu.vector_load %arg5[%get3A_1042] {strides = array<i32>} : memref<2048xi32, #tpu.memory_space<vmem>>, vector<16xi32>,
    %get3A_1044 = vector.shape_cast %get3A_1043 : vector<16xi32> to vector<16xi32>
    %sub3A_1045 = arith.subi %broadcast_in_dim3A_41, %get3A_1044 : vector<16xi32>
    %or3A_1046 = arith.ori %get3A_1044, %sub3A_1045 : vector<16xi32>
    %shift_right_logical3A_1047 = arith.constant 31 : i32
    %shift_right_logical3A_1048 = vector.broadcast %shift_right_logical3A_1047 : i32 to vector<16xi32>
    %shift_right_logical3A_1049 = arith.shrui %or3A_1046, %shift_right_logical3A_1048 : vector<16xi32>
    %add3A_1050 = arith.addi %add3A_1041, %shift_right_logical3A_1049 : vector<16xi32>
    %get3A_1051 = arith.constant 1680 : index
    %get3A_1052 = tpu.vector_load %arg5[%get3A_1051] {strides = array<i32>} : memref<2048xi32, #tpu.memory_space<vmem>>, vector<16xi32>,
    %get3A_1053 = vector.shape_cast %get3A_1052 : vector<16xi32> to vector<16xi32>
    %sub3A_1054 = arith.subi %broadcast_in_dim3A_41, %get3A_1053 : vector<16xi32>
    %or3A_1055 = arith.ori %get3A_1053, %sub3A_1054 : vector<16xi32>
    %shift_right_logical3A_1056 = arith.constant 31 : i32
    %shift_right_logical3A_1057 = vector.broadcast %shift_right_logical3A_1056 : i32 to vector<16xi32>
    %shift_right_logical3A_1058 = arith.shrui %or3A_1055, %shift_right_logical3A_1057 : vector<16xi32>
    %add3A_1059 = arith.addi %add3A_1050, %shift_right_logical3A_1058 : vector<16xi32>
    %get3A_1060 = arith.constant 1696 : index
    %get3A_1061 = tpu.vector_load %arg5[%get3A_1060] {strides = array<i32>} : memref<2048xi32, #tpu.memory_space<vmem>>, vector<16xi32>,
    %get3A_1062 = vector.shape_cast %get3A_1061 : vector<16xi32> to vector<16xi32>
    %sub3A_1063 = arith.subi %broadcast_in_dim3A_41, %get3A_1062 : vector<16xi32>
    %or3A_1064 = arith.ori %get3A_1062, %sub3A_1063 : vector<16xi32>
    %shift_right_logical3A_1065 = arith.constant 31 : i32
    %shift_right_logical3A_1066 = vector.broadcast %shift_right_logical3A_1065 : i32 to vector<16xi32>
    %shift_right_logical3A_1067 = arith.shrui %or3A_1064, %shift_right_logical3A_1066 : vector<16xi32>
    %add3A_1068 = arith.addi %add3A_1059, %shift_right_logical3A_1067 : vector<16xi32>
    %get3A_1069 = arith.constant 1712 : index
    %get3A_1070 = tpu.vector_load %arg5[%get3A_1069] {strides = array<i32>} : memref<2048xi32, #tpu.memory_space<vmem>>, vector<16xi32>,
    %get3A_1071 = vector.shape_cast %get3A_1070 : vector<16xi32> to vector<16xi32>
    %sub3A_1072 = arith.subi %broadcast_in_dim3A_41, %get3A_1071 : vector<16xi32>
    %or3A_1073 = arith.ori %get3A_1071, %sub3A_1072 : vector<16xi32>
    %shift_right_logical3A_1074 = arith.constant 31 : i32
    %shift_right_logical3A_1075 = vector.broadcast %shift_right_logical3A_1074 : i32 to vector<16xi32>
    %shift_right_logical3A_1076 = arith.shrui %or3A_1073, %shift_right_logical3A_1075 : vector<16xi32>
    %add3A_1077 = arith.addi %add3A_1068, %shift_right_logical3A_1076 : vector<16xi32>
    %get3A_1078 = arith.constant 1728 : index
    %get3A_1079 = tpu.vector_load %arg5[%get3A_1078] {strides = array<i32>} : memref<2048xi32, #tpu.memory_space<vmem>>, vector<16xi32>,
    %get3A_1080 = vector.shape_cast %get3A_1079 : vector<16xi32> to vector<16xi32>
    %sub3A_1081 = arith.subi %broadcast_in_dim3A_41, %get3A_1080 : vector<16xi32>
    %or3A_1082 = arith.ori %get3A_1080, %sub3A_1081 : vector<16xi32>
    %shift_right_logical3A_1083 = arith.constant 31 : i32
    %shift_right_logical3A_1084 = vector.broadcast %shift_right_logical3A_1083 : i32 to vector<16xi32>
    %shift_right_logical3A_1085 = arith.shrui %or3A_1082, %shift_right_logical3A_1084 : vector<16xi32>
    %add3A_1086 = arith.addi %add3A_1077, %shift_right_logical3A_1085 : vector<16xi32>
    %get3A_1087 = arith.constant 1744 : index
    %get3A_1088 = tpu.vector_load %arg5[%get3A_1087] {strides = array<i32>} : memref<2048xi32, #tpu.memory_space<vmem>>, vector<16xi32>,
    %get3A_1089 = vector.shape_cast %get3A_1088 : vector<16xi32> to vector<16xi32>
    %sub3A_1090 = arith.subi %broadcast_in_dim3A_41, %get3A_1089 : vector<16xi32>
    %or3A_1091 = arith.ori %get3A_1089, %sub3A_1090 : vector<16xi32>
    %shift_right_logical3A_1092 = arith.constant 31 : i32
    %shift_right_logical3A_1093 = vector.broadcast %shift_right_logical3A_1092 : i32 to vector<16xi32>
    %shift_right_logical3A_1094 = arith.shrui %or3A_1091, %shift_right_logical3A_1093 : vector<16xi32>
    %add3A_1095 = arith.addi %add3A_1086, %shift_right_logical3A_1094 : vector<16xi32>
    %get3A_1096 = arith.constant 1760 : index
    %get3A_1097 = tpu.vector_load %arg5[%get3A_1096] {strides = array<i32>} : memref<2048xi32, #tpu.memory_space<vmem>>, vector<16xi32>,
    %get3A_1098 = vector.shape_cast %get3A_1097 : vector<16xi32> to vector<16xi32>
    %sub3A_1099 = arith.subi %broadcast_in_dim3A_41, %get3A_1098 : vector<16xi32>
    %or3A_1100 = arith.ori %get3A_1098, %sub3A_1099 : vector<16xi32>
    %shift_right_logical3A_1101 = arith.constant 31 : i32
    %shift_right_logical3A_1102 = vector.broadcast %shift_right_logical3A_1101 : i32 to vector<16xi32>
    %shift_right_logical3A_1103 = arith.shrui %or3A_1100, %shift_right_logical3A_1102 : vector<16xi32>
    %add3A_1104 = arith.addi %add3A_1095, %shift_right_logical3A_1103 : vector<16xi32>
    %get3A_1105 = arith.constant 1776 : index
    %get3A_1106 = tpu.vector_load %arg5[%get3A_1105] {strides = array<i32>} : memref<2048xi32, #tpu.memory_space<vmem>>, vector<16xi32>,
    %get3A_1107 = vector.shape_cast %get3A_1106 : vector<16xi32> to vector<16xi32>
    %sub3A_1108 = arith.subi %broadcast_in_dim3A_41, %get3A_1107 : vector<16xi32>
    %or3A_1109 = arith.ori %get3A_1107, %sub3A_1108 : vector<16xi32>
    %shift_right_logical3A_1110 = arith.constant 31 : i32
    %shift_right_logical3A_1111 = vector.broadcast %shift_right_logical3A_1110 : i32 to vector<16xi32>
    %shift_right_logical3A_1112 = arith.shrui %or3A_1109, %shift_right_logical3A_1111 : vector<16xi32>
    %add3A_1113 = arith.addi %add3A_1104, %shift_right_logical3A_1112 : vector<16xi32>
    %sub3A_1114 = arith.constant 6 : i32
    %sub3A_1115 = vector.broadcast %sub3A_1114 : i32 to vector<16xi32>
    %sub3A_1116 = arith.subi %broadcast_in_dim3A_44, %sub3A_1115 : vector<16xi32>
    %jit3A_1117 = arith.constant 0 : i32
    %jit3A_1118 = arith.constant 1 : i32
    %max3A_1119 = vector.broadcast %jit3A_1117 : i32 to vector<16xi32>
    %max3A_1120 = arith.maxsi %max3A_1119, %sub3A_1116 : vector<16xi32>
    %min3A_1121 = vector.broadcast %jit3A_1118 : i32 to vector<16xi32>
    %min3A_1122 = arith.minsi %min3A_1121, %max3A_1120 : vector<16xi32>
    %mul3A_1123 = arith.muli %min3A_1122, %add3A_1113 : vector<16xi32>
    %add3A_1124 = arith.addi %add3A_969, %mul3A_1123 : vector<16xi32>
    %get3A_1125 = arith.constant 1792 : index
    %get3A_1126 = tpu.vector_load %arg5[%get3A_1125] {strides = array<i32>} : memref<2048xi32, #tpu.memory_space<vmem>>, vector<16xi32>,
    %get3A_1127 = vector.shape_cast %get3A_1126 : vector<16xi32> to vector<16xi32>
    %sub3A_1128 = arith.subi %broadcast_in_dim3A_41, %get3A_1127 : vector<16xi32>
    %or3A_1129 = arith.ori %get3A_1127, %sub3A_1128 : vector<16xi32>
    %shift_right_logical3A_1130 = arith.constant 31 : i32
    %shift_right_logical3A_1131 = vector.broadcast %shift_right_logical3A_1130 : i32 to vector<16xi32>
    %shift_right_logical3A_1132 = arith.shrui %or3A_1129, %shift_right_logical3A_1131 : vector<16xi32>
    %add3A_1133 = arith.addi %broadcast_in_dim3A_41, %shift_right_logical3A_1132 : vector<16xi32>
    %get3A_1134 = arith.constant 1808 : index
    %get3A_1135 = tpu.vector_load %arg5[%get3A_1134] {strides = array<i32>} : memref<2048xi32, #tpu.memory_space<vmem>>, vector<16xi32>,
    %get3A_1136 = vector.shape_cast %get3A_1135 : vector<16xi32> to vector<16xi32>
    %sub3A_1137 = arith.subi %broadcast_in_dim3A_41, %get3A_1136 : vector<16xi32>
    %or3A_1138 = arith.ori %get3A_1136, %sub3A_1137 : vector<16xi32>
    %shift_right_logical3A_1139 = arith.constant 31 : i32
    %shift_right_logical3A_1140 = vector.broadcast %shift_right_logical3A_1139 : i32 to vector<16xi32>
    %shift_right_logical3A_1141 = arith.shrui %or3A_1138, %shift_right_logical3A_1140 : vector<16xi32>
    %add3A_1142 = arith.addi %add3A_1133, %shift_right_logical3A_1141 : vector<16xi32>
    %get3A_1143 = arith.constant 1824 : index
    %get3A_1144 = tpu.vector_load %arg5[%get3A_1143] {strides = array<i32>} : memref<2048xi32, #tpu.memory_space<vmem>>, vector<16xi32>,
    %get3A_1145 = vector.shape_cast %get3A_1144 : vector<16xi32> to vector<16xi32>
    %sub3A_1146 = arith.subi %broadcast_in_dim3A_41, %get3A_1145 : vector<16xi32>
    %or3A_1147 = arith.ori %get3A_1145, %sub3A_1146 : vector<16xi32>
    %shift_right_logical3A_1148 = arith.constant 31 : i32
    %shift_right_logical3A_1149 = vector.broadcast %shift_right_logical3A_1148 : i32 to vector<16xi32>
    %shift_right_logical3A_1150 = arith.shrui %or3A_1147, %shift_right_logical3A_1149 : vector<16xi32>
    %add3A_1151 = arith.addi %add3A_1142, %shift_right_logical3A_1150 : vector<16xi32>
    %get3A_1152 = arith.constant 1840 : index
    %get3A_1153 = tpu.vector_load %arg5[%get3A_1152] {strides = array<i32>} : memref<2048xi32, #tpu.memory_space<vmem>>, vector<16xi32>,
    %get3A_1154 = vector.shape_cast %get3A_1153 : vector<16xi32> to vector<16xi32>
    %sub3A_1155 = arith.subi %broadcast_in_dim3A_41, %get3A_1154 : vector<16xi32>
    %or3A_1156 = arith.ori %get3A_1154, %sub3A_1155 : vector<16xi32>
    %shift_right_logical3A_1157 = arith.constant 31 : i32
    %shift_right_logical3A_1158 = vector.broadcast %shift_right_logical3A_1157 : i32 to vector<16xi32>
    %shift_right_logical3A_1159 = arith.shrui %or3A_1156, %shift_right_logical3A_1158 : vector<16xi32>
    %add3A_1160 = arith.addi %add3A_1151, %shift_right_logical3A_1159 : vector<16xi32>
    %get3A_1161 = arith.constant 1856 : index
    %get3A_1162 = tpu.vector_load %arg5[%get3A_1161] {strides = array<i32>} : memref<2048xi32, #tpu.memory_space<vmem>>, vector<16xi32>,
    %get3A_1163 = vector.shape_cast %get3A_1162 : vector<16xi32> to vector<16xi32>
    %sub3A_1164 = arith.subi %broadcast_in_dim3A_41, %get3A_1163 : vector<16xi32>
    %or3A_1165 = arith.ori %get3A_1163, %sub3A_1164 : vector<16xi32>
    %shift_right_logical3A_1166 = arith.constant 31 : i32
    %shift_right_logical3A_1167 = vector.broadcast %shift_right_logical3A_1166 : i32 to vector<16xi32>
    %shift_right_logical3A_1168 = arith.shrui %or3A_1165, %shift_right_logical3A_1167 : vector<16xi32>
    %add3A_1169 = arith.addi %add3A_1160, %shift_right_logical3A_1168 : vector<16xi32>
    %get3A_1170 = arith.constant 1872 : index
    %get3A_1171 = tpu.vector_load %arg5[%get3A_1170] {strides = array<i32>} : memref<2048xi32, #tpu.memory_space<vmem>>, vector<16xi32>,
    %get3A_1172 = vector.shape_cast %get3A_1171 : vector<16xi32> to vector<16xi32>
    %sub3A_1173 = arith.subi %broadcast_in_dim3A_41, %get3A_1172 : vector<16xi32>
    %or3A_1174 = arith.ori %get3A_1172, %sub3A_1173 : vector<16xi32>
    %shift_right_logical3A_1175 = arith.constant 31 : i32
    %shift_right_logical3A_1176 = vector.broadcast %shift_right_logical3A_1175 : i32 to vector<16xi32>
    %shift_right_logical3A_1177 = arith.shrui %or3A_1174, %shift_right_logical3A_1176 : vector<16xi32>
    %add3A_1178 = arith.addi %add3A_1169, %shift_right_logical3A_1177 : vector<16xi32>
    %get3A_1179 = arith.constant 1888 : index
    %get3A_1180 = tpu.vector_load %arg5[%get3A_1179] {strides = array<i32>} : memref<2048xi32, #tpu.memory_space<vmem>>, vector<16xi32>,
    %get3A_1181 = vector.shape_cast %get3A_1180 : vector<16xi32> to vector<16xi32>
    %sub3A_1182 = arith.subi %broadcast_in_dim3A_41, %get3A_1181 : vector<16xi32>
    %or3A_1183 = arith.ori %get3A_1181, %sub3A_1182 : vector<16xi32>
    %shift_right_logical3A_1184 = arith.constant 31 : i32
    %shift_right_logical3A_1185 = vector.broadcast %shift_right_logical3A_1184 : i32 to vector<16xi32>
    %shift_right_logical3A_1186 = arith.shrui %or3A_1183, %shift_right_logical3A_1185 : vector<16xi32>
    %add3A_1187 = arith.addi %add3A_1178, %shift_right_logical3A_1186 : vector<16xi32>
    %get3A_1188 = arith.constant 1904 : index
    %get3A_1189 = tpu.vector_load %arg5[%get3A_1188] {strides = array<i32>} : memref<2048xi32, #tpu.memory_space<vmem>>, vector<16xi32>,
    %get3A_1190 = vector.shape_cast %get3A_1189 : vector<16xi32> to vector<16xi32>
    %sub3A_1191 = arith.subi %broadcast_in_dim3A_41, %get3A_1190 : vector<16xi32>
    %or3A_1192 = arith.ori %get3A_1190, %sub3A_1191 : vector<16xi32>
    %shift_right_logical3A_1193 = arith.constant 31 : i32
    %shift_right_logical3A_1194 = vector.broadcast %shift_right_logical3A_1193 : i32 to vector<16xi32>
    %shift_right_logical3A_1195 = arith.shrui %or3A_1192, %shift_right_logical3A_1194 : vector<16xi32>
    %add3A_1196 = arith.addi %add3A_1187, %shift_right_logical3A_1195 : vector<16xi32>
    %get3A_1197 = arith.constant 1920 : index
    %get3A_1198 = tpu.vector_load %arg5[%get3A_1197] {strides = array<i32>} : memref<2048xi32, #tpu.memory_space<vmem>>, vector<16xi32>,
    %get3A_1199 = vector.shape_cast %get3A_1198 : vector<16xi32> to vector<16xi32>
    %sub3A_1200 = arith.subi %broadcast_in_dim3A_41, %get3A_1199 : vector<16xi32>
    %or3A_1201 = arith.ori %get3A_1199, %sub3A_1200 : vector<16xi32>
    %shift_right_logical3A_1202 = arith.constant 31 : i32
    %shift_right_logical3A_1203 = vector.broadcast %shift_right_logical3A_1202 : i32 to vector<16xi32>
    %shift_right_logical3A_1204 = arith.shrui %or3A_1201, %shift_right_logical3A_1203 : vector<16xi32>
    %add3A_1205 = arith.addi %add3A_1196, %shift_right_logical3A_1204 : vector<16xi32>
    %get3A_1206 = arith.constant 1936 : index
    %get3A_1207 = tpu.vector_load %arg5[%get3A_1206] {strides = array<i32>} : memref<2048xi32, #tpu.memory_space<vmem>>, vector<16xi32>,
    %get3A_1208 = vector.shape_cast %get3A_1207 : vector<16xi32> to vector<16xi32>
    %sub3A_1209 = arith.subi %broadcast_in_dim3A_41, %get3A_1208 : vector<16xi32>
    %or3A_1210 = arith.ori %get3A_1208, %sub3A_1209 : vector<16xi32>
    %shift_right_logical3A_1211 = arith.constant 31 : i32
    %shift_right_logical3A_1212 = vector.broadcast %shift_right_logical3A_1211 : i32 to vector<16xi32>
    %shift_right_logical3A_1213 = arith.shrui %or3A_1210, %shift_right_logical3A_1212 : vector<16xi32>
    %add3A_1214 = arith.addi %add3A_1205, %shift_right_logical3A_1213 : vector<16xi32>
    %get3A_1215 = arith.constant 1952 : index
    %get3A_1216 = tpu.vector_load %arg5[%get3A_1215] {strides = array<i32>} : memref<2048xi32, #tpu.memory_space<vmem>>, vector<16xi32>,
    %get3A_1217 = vector.shape_cast %get3A_1216 : vector<16xi32> to vector<16xi32>
    %sub3A_1218 = arith.subi %broadcast_in_dim3A_41, %get3A_1217 : vector<16xi32>
    %or3A_1219 = arith.ori %get3A_1217, %sub3A_1218 : vector<16xi32>
    %shift_right_logical3A_1220 = arith.constant 31 : i32
    %shift_right_logical3A_1221 = vector.broadcast %shift_right_logical3A_1220 : i32 to vector<16xi32>
    %shift_right_logical3A_1222 = arith.shrui %or3A_1219, %shift_right_logical3A_1221 : vector<16xi32>
    %add3A_1223 = arith.addi %add3A_1214, %shift_right_logical3A_1222 : vector<16xi32>
    %get3A_1224 = arith.constant 1968 : index
    %get3A_1225 = tpu.vector_load %arg5[%get3A_1224] {strides = array<i32>} : memref<2048xi32, #tpu.memory_space<vmem>>, vector<16xi32>,
    %get3A_1226 = vector.shape_cast %get3A_1225 : vector<16xi32> to vector<16xi32>
    %sub3A_1227 = arith.subi %broadcast_in_dim3A_41, %get3A_1226 : vector<16xi32>
    %or3A_1228 = arith.ori %get3A_1226, %sub3A_1227 : vector<16xi32>
    %shift_right_logical3A_1229 = arith.constant 31 : i32
    %shift_right_logical3A_1230 = vector.broadcast %shift_right_logical3A_1229 : i32 to vector<16xi32>
    %shift_right_logical3A_1231 = arith.shrui %or3A_1228, %shift_right_logical3A_1230 : vector<16xi32>
    %add3A_1232 = arith.addi %add3A_1223, %shift_right_logical3A_1231 : vector<16xi32>
    %get3A_1233 = arith.constant 1984 : index
    %get3A_1234 = tpu.vector_load %arg5[%get3A_1233] {strides = array<i32>} : memref<2048xi32, #tpu.memory_space<vmem>>, vector<16xi32>,
    %get3A_1235 = vector.shape_cast %get3A_1234 : vector<16xi32> to vector<16xi32>
    %sub3A_1236 = arith.subi %broadcast_in_dim3A_41, %get3A_1235 : vector<16xi32>
    %or3A_1237 = arith.ori %get3A_1235, %sub3A_1236 : vector<16xi32>
    %shift_right_logical3A_1238 = arith.constant 31 : i32
    %shift_right_logical3A_1239 = vector.broadcast %shift_right_logical3A_1238 : i32 to vector<16xi32>
    %shift_right_logical3A_1240 = arith.shrui %or3A_1237, %shift_right_logical3A_1239 : vector<16xi32>
    %add3A_1241 = arith.addi %add3A_1232, %shift_right_logical3A_1240 : vector<16xi32>
    %get3A_1242 = arith.constant 2000 : index
    %get3A_1243 = tpu.vector_load %arg5[%get3A_1242] {strides = array<i32>} : memref<2048xi32, #tpu.memory_space<vmem>>, vector<16xi32>,
    %get3A_1244 = vector.shape_cast %get3A_1243 : vector<16xi32> to vector<16xi32>
    %sub3A_1245 = arith.subi %broadcast_in_dim3A_41, %get3A_1244 : vector<16xi32>
    %or3A_1246 = arith.ori %get3A_1244, %sub3A_1245 : vector<16xi32>
    %shift_right_logical3A_1247 = arith.constant 31 : i32
    %shift_right_logical3A_1248 = vector.broadcast %shift_right_logical3A_1247 : i32 to vector<16xi32>
    %shift_right_logical3A_1249 = arith.shrui %or3A_1246, %shift_right_logical3A_1248 : vector<16xi32>
    %add3A_1250 = arith.addi %add3A_1241, %shift_right_logical3A_1249 : vector<16xi32>
    %get3A_1251 = arith.constant 2016 : index
    %get3A_1252 = tpu.vector_load %arg5[%get3A_1251] {strides = array<i32>} : memref<2048xi32, #tpu.memory_space<vmem>>, vector<16xi32>,
    %get3A_1253 = vector.shape_cast %get3A_1252 : vector<16xi32> to vector<16xi32>
    %sub3A_1254 = arith.subi %broadcast_in_dim3A_41, %get3A_1253 : vector<16xi32>
    %or3A_1255 = arith.ori %get3A_1253, %sub3A_1254 : vector<16xi32>
    %shift_right_logical3A_1256 = arith.constant 31 : i32
    %shift_right_logical3A_1257 = vector.broadcast %shift_right_logical3A_1256 : i32 to vector<16xi32>
    %shift_right_logical3A_1258 = arith.shrui %or3A_1255, %shift_right_logical3A_1257 : vector<16xi32>
    %add3A_1259 = arith.addi %add3A_1250, %shift_right_logical3A_1258 : vector<16xi32>
    %get3A_1260 = arith.constant 2032 : index
    %get3A_1261 = tpu.vector_load %arg5[%get3A_1260] {strides = array<i32>} : memref<2048xi32, #tpu.memory_space<vmem>>, vector<16xi32>,
    %get3A_1262 = vector.shape_cast %get3A_1261 : vector<16xi32> to vector<16xi32>
    %sub3A_1263 = arith.subi %broadcast_in_dim3A_41, %get3A_1262 : vector<16xi32>
    %or3A_1264 = arith.ori %get3A_1262, %sub3A_1263 : vector<16xi32>
    %shift_right_logical3A_1265 = arith.constant 31 : i32
    %shift_right_logical3A_1266 = vector.broadcast %shift_right_logical3A_1265 : i32 to vector<16xi32>
    %shift_right_logical3A_1267 = arith.shrui %or3A_1264, %shift_right_logical3A_1266 : vector<16xi32>
    %add3A_1268 = arith.addi %add3A_1259, %shift_right_logical3A_1267 : vector<16xi32>
    %sub3A_1269 = arith.constant 7 : i32
    %sub3A_1270 = vector.broadcast %sub3A_1269 : i32 to vector<16xi32>
    %sub3A_1271 = arith.subi %broadcast_in_dim3A_44, %sub3A_1270 : vector<16xi32>
    %jit3A_1272 = arith.constant 0 : i32
    %jit3A_1273 = arith.constant 1 : i32
    %max3A_1274 = vector.broadcast %jit3A_1272 : i32 to vector<16xi32>
    %max3A_1275 = arith.maxsi %max3A_1274, %sub3A_1271 : vector<16xi32>
    %min3A_1276 = vector.broadcast %jit3A_1273 : i32 to vector<16xi32>
    %min3A_1277 = arith.minsi %min3A_1276, %max3A_1275 : vector<16xi32>
    %mul3A_1278 = arith.muli %min3A_1277, %add3A_1268 : vector<16xi32>
    %add3A_1279 = arith.addi %add3A_1124, %mul3A_1278 : vector<16xi32>
    %sub3A_1280 = arith.constant 1 : i32
    %sub3A_1281 = vector.broadcast %sub3A_1280 : i32 to vector<16xi32>
    %sub3A_1282 = arith.subi %iota3A, %sub3A_1281 : vector<16xi32>
    %max3A_1283 = arith.constant 0 : i32
    %max3A_1284 = vector.broadcast %max3A_1283 : i32 to vector<16xi32>
    %max3A_1285 = arith.maxsi %sub3A_1282, %max3A_1284 : vector<16xi32>
    %lt3A_1286 = arith.constant 0 : i32
    %lt3A_1287 = vector.broadcast %lt3A_1286 : i32 to vector<16xi32>
    %lt3A_1288 = arith.cmpi slt, %max3A_1285, %lt3A_1287 : vector<16xi32>
    %add3A_1289 = arith.constant 16 : i32
    %add3A_1290 = vector.broadcast %add3A_1289 : i32 to vector<16xi32>
    %add3A_1291 = arith.addi %max3A_1285, %add3A_1290 : vector<16xi32>
    %select_n3A_1292 = arith.select %lt3A_1288, %add3A_1291, %max3A_1285 : vector<16xi1>, vector<16xi32>
    %broadcast_in_dim3A_1293 = vector.shape_cast %select_n3A_1292 : vector<16xi32> to vector<16x1xi32>
    %gather3A = vector.shape_cast %broadcast_in_dim3A_1293 : vector<16x1xi32> to vector<16xi32>
    %gather3A_1294 = tpu.dynamic_gather %add3A_1279[%gather3A] in [0] : vector<16xi32>, vector<16xi32> -> vector<16xi32>
    %sub3A_1295 = arith.constant 0 : i32
    %sub3A_1296 = vector.broadcast %sub3A_1295 : i32 to vector<16xi32>
    %sub3A_1297 = arith.subi %iota3A, %sub3A_1296 : vector<16xi32>
    %jit3A_1298 = arith.constant 0 : i32
    %jit3A_1299 = arith.constant 1 : i32
    %max3A_1300 = vector.broadcast %jit3A_1298 : i32 to vector<16xi32>
    %max3A_1301 = arith.maxsi %max3A_1300, %sub3A_1297 : vector<16xi32>
    %min3A_1302 = vector.broadcast %jit3A_1299 : i32 to vector<16xi32>
    %min3A_1303 = arith.minsi %min3A_1302, %max3A_1301 : vector<16xi32>
    %mul3A_1304 = arith.muli %min3A_1303, %gather3A_1294 : vector<16xi32>
    %add3A_1305 = arith.addi %add3A_1279, %mul3A_1304 : vector<16xi32>
    %sub3A_1306 = arith.constant 2 : i32
    %sub3A_1307 = vector.broadcast %sub3A_1306 : i32 to vector<16xi32>
    %sub3A_1308 = arith.subi %iota3A, %sub3A_1307 : vector<16xi32>
    %max3A_1309 = arith.constant 0 : i32
    %max3A_1310 = vector.broadcast %max3A_1309 : i32 to vector<16xi32>
    %max3A_1311 = arith.maxsi %sub3A_1308, %max3A_1310 : vector<16xi32>
    %lt3A_1312 = arith.constant 0 : i32
    %lt3A_1313 = vector.broadcast %lt3A_1312 : i32 to vector<16xi32>
    %lt3A_1314 = arith.cmpi slt, %max3A_1311, %lt3A_1313 : vector<16xi32>
    %add3A_1315 = arith.constant 16 : i32
    %add3A_1316 = vector.broadcast %add3A_1315 : i32 to vector<16xi32>
    %add3A_1317 = arith.addi %max3A_1311, %add3A_1316 : vector<16xi32>
    %select_n3A_1318 = arith.select %lt3A_1314, %add3A_1317, %max3A_1311 : vector<16xi1>, vector<16xi32>
    %broadcast_in_dim3A_1319 = vector.shape_cast %select_n3A_1318 : vector<16xi32> to vector<16x1xi32>
    %gather3A_1320 = vector.shape_cast %broadcast_in_dim3A_1319 : vector<16x1xi32> to vector<16xi32>
    %gather3A_1321 = tpu.dynamic_gather %add3A_1305[%gather3A_1320] in [0] : vector<16xi32>, vector<16xi32> -> vector<16xi32>
    %sub3A_1322 = arith.constant 1 : i32
    %sub3A_1323 = vector.broadcast %sub3A_1322 : i32 to vector<16xi32>
    %sub3A_1324 = arith.subi %iota3A, %sub3A_1323 : vector<16xi32>
    %jit3A_1325 = arith.constant 0 : i32
    %jit3A_1326 = arith.constant 1 : i32
    %max3A_1327 = vector.broadcast %jit3A_1325 : i32 to vector<16xi32>
    %max3A_1328 = arith.maxsi %max3A_1327, %sub3A_1324 : vector<16xi32>
    %min3A_1329 = vector.broadcast %jit3A_1326 : i32 to vector<16xi32>
    %min3A_1330 = arith.minsi %min3A_1329, %max3A_1328 : vector<16xi32>
    %mul3A_1331 = arith.muli %min3A_1330, %gather3A_1321 : vector<16xi32>
    %add3A_1332 = arith.addi %add3A_1305, %mul3A_1331 : vector<16xi32>
    %sub3A_1333 = arith.constant 4 : i32
    %sub3A_1334 = vector.broadcast %sub3A_1333 : i32 to vector<16xi32>
    %sub3A_1335 = arith.subi %iota3A, %sub3A_1334 : vector<16xi32>
    %max3A_1336 = arith.constant 0 : i32
    %max3A_1337 = vector.broadcast %max3A_1336 : i32 to vector<16xi32>
    %max3A_1338 = arith.maxsi %sub3A_1335, %max3A_1337 : vector<16xi32>
    %lt3A_1339 = arith.constant 0 : i32
    %lt3A_1340 = vector.broadcast %lt3A_1339 : i32 to vector<16xi32>
    %lt3A_1341 = arith.cmpi slt, %max3A_1338, %lt3A_1340 : vector<16xi32>
    %add3A_1342 = arith.constant 16 : i32
    %add3A_1343 = vector.broadcast %add3A_1342 : i32 to vector<16xi32>
    %add3A_1344 = arith.addi %max3A_1338, %add3A_1343 : vector<16xi32>
    %select_n3A_1345 = arith.select %lt3A_1341, %add3A_1344, %max3A_1338 : vector<16xi1>, vector<16xi32>
    %broadcast_in_dim3A_1346 = vector.shape_cast %select_n3A_1345 : vector<16xi32> to vector<16x1xi32>
    %gather3A_1347 = vector.shape_cast %broadcast_in_dim3A_1346 : vector<16x1xi32> to vector<16xi32>
    %gather3A_1348 = tpu.dynamic_gather %add3A_1332[%gather3A_1347] in [0] : vector<16xi32>, vector<16xi32> -> vector<16xi32>
    %sub3A_1349 = arith.constant 3 : i32
    %sub3A_1350 = vector.broadcast %sub3A_1349 : i32 to vector<16xi32>
    %sub3A_1351 = arith.subi %iota3A, %sub3A_1350 : vector<16xi32>
    %jit3A_1352 = arith.constant 0 : i32
    %jit3A_1353 = arith.constant 1 : i32
    %max3A_1354 = vector.broadcast %jit3A_1352 : i32 to vector<16xi32>
    %max3A_1355 = arith.maxsi %max3A_1354, %sub3A_1351 : vector<16xi32>
    %min3A_1356 = vector.broadcast %jit3A_1353 : i32 to vector<16xi32>
    %min3A_1357 = arith.minsi %min3A_1356, %max3A_1355 : vector<16xi32>
    %mul3A_1358 = arith.muli %min3A_1357, %gather3A_1348 : vector<16xi32>
    %add3A_1359 = arith.addi %add3A_1332, %mul3A_1358 : vector<16xi32>
    %sub3A_1360 = arith.constant 8 : i32
    %sub3A_1361 = vector.broadcast %sub3A_1360 : i32 to vector<16xi32>
    %sub3A_1362 = arith.subi %iota3A, %sub3A_1361 : vector<16xi32>
    %max3A_1363 = arith.constant 0 : i32
    %max3A_1364 = vector.broadcast %max3A_1363 : i32 to vector<16xi32>
    %max3A_1365 = arith.maxsi %sub3A_1362, %max3A_1364 : vector<16xi32>
    %lt3A_1366 = arith.constant 0 : i32
    %lt3A_1367 = vector.broadcast %lt3A_1366 : i32 to vector<16xi32>
    %lt3A_1368 = arith.cmpi slt, %max3A_1365, %lt3A_1367 : vector<16xi32>
    %add3A_1369 = arith.constant 16 : i32
    %add3A_1370 = vector.broadcast %add3A_1369 : i32 to vector<16xi32>
    %add3A_1371 = arith.addi %max3A_1365, %add3A_1370 : vector<16xi32>
    %select_n3A_1372 = arith.select %lt3A_1368, %add3A_1371, %max3A_1365 : vector<16xi1>, vector<16xi32>
    %broadcast_in_dim3A_1373 = vector.shape_cast %select_n3A_1372 : vector<16xi32> to vector<16x1xi32>
    %gather3A_1374 = vector.shape_cast %broadcast_in_dim3A_1373 : vector<16x1xi32> to vector<16xi32>
    %gather3A_1375 = tpu.dynamic_gather %add3A_1359[%gather3A_1374] in [0] : vector<16xi32>, vector<16xi32> -> vector<16xi32>
    %sub3A_1376 = arith.constant 7 : i32
    %sub3A_1377 = vector.broadcast %sub3A_1376 : i32 to vector<16xi32>
    %sub3A_1378 = arith.subi %iota3A, %sub3A_1377 : vector<16xi32>
    %jit3A_1379 = arith.constant 0 : i32
    %jit3A_1380 = arith.constant 1 : i32
    %max3A_1381 = vector.broadcast %jit3A_1379 : i32 to vector<16xi32>
    %max3A_1382 = arith.maxsi %max3A_1381, %sub3A_1378 : vector<16xi32>
    %min3A_1383 = vector.broadcast %jit3A_1380 : i32 to vector<16xi32>
    %min3A_1384 = arith.minsi %min3A_1383, %max3A_1382 : vector<16xi32>
    %mul3A_1385 = arith.muli %min3A_1384, %gather3A_1375 : vector<16xi32>
    %add3A_1386 = arith.addi %add3A_1359, %mul3A_1385 : vector<16xi32>
    %lt3A_1387 = arith.constant 0 : i32
    %lt3A_1388 = vector.broadcast %lt3A_1387 : i32 to vector<16xi32>
    %lt3A_1389 = arith.cmpi slt, %broadcast_in_dim3A_43, %lt3A_1388 : vector<16xi32>
    %add3A_1390 = arith.constant 16 : i32
    %add3A_1391 = vector.broadcast %add3A_1390 : i32 to vector<16xi32>
    %add3A_1392 = arith.addi %broadcast_in_dim3A_43, %add3A_1391 : vector<16xi32>
    %select_n3A_1393 = arith.select %lt3A_1389, %add3A_1392, %broadcast_in_dim3A_43 : vector<16xi1>, vector<16xi32>
    %broadcast_in_dim3A_1394 = vector.shape_cast %select_n3A_1393 : vector<16xi32> to vector<16x1xi32>
    %gather3A_1395 = vector.shape_cast %broadcast_in_dim3A_1394 : vector<16x1xi32> to vector<16xi32>
    %gather3A_1396 = tpu.dynamic_gather %add3A_1386[%gather3A_1395] in [0] : vector<16xi32>, vector<16xi32> -> vector<16xi32>
    %get3A_1397 = arith.constant 0 : index
    %get3A_1398 = tpu.vector_load %arg6[%get3A_1397] {strides = array<i32>} : memref<256xi32, #tpu.memory_space<vmem>>, vector<16xi32>,
    %get3A_1399 = vector.shape_cast %get3A_1398 : vector<16xi32> to vector<16xi32>
    %sub3A_1400 = arith.subi %broadcast_in_dim3A_41, %get3A_1399 : vector<16xi32>
    %or3A_1401 = arith.ori %get3A_1399, %sub3A_1400 : vector<16xi32>
    %shift_right_logical3A_1402 = arith.constant 31 : i32
    %shift_right_logical3A_1403 = vector.broadcast %shift_right_logical3A_1402 : i32 to vector<16xi32>
    %shift_right_logical3A_1404 = arith.shrui %or3A_1401, %shift_right_logical3A_1403 : vector<16xi32>
    %sub3A_1405 = arith.constant 1 : i32
    %sub3A_1406 = vector.broadcast %sub3A_1405 : i32 to vector<16xi32>
    %sub3A_1407 = arith.subi %iota3A, %sub3A_1406 : vector<16xi32>
    %max3A_1408 = arith.constant 0 : i32
    %max3A_1409 = vector.broadcast %max3A_1408 : i32 to vector<16xi32>
    %max3A_1410 = arith.maxsi %sub3A_1407, %max3A_1409 : vector<16xi32>
    %lt3A_1411 = arith.constant 0 : i32
    %lt3A_1412 = vector.broadcast %lt3A_1411 : i32 to vector<16xi32>
    %lt3A_1413 = arith.cmpi slt, %max3A_1410, %lt3A_1412 : vector<16xi32>
    %add3A_1414 = arith.constant 16 : i32
    %add3A_1415 = vector.broadcast %add3A_1414 : i32 to vector<16xi32>
    %add3A_1416 = arith.addi %max3A_1410, %add3A_1415 : vector<16xi32>
    %select_n3A_1417 = arith.select %lt3A_1413, %add3A_1416, %max3A_1410 : vector<16xi1>, vector<16xi32>
    %broadcast_in_dim3A_1418 = vector.shape_cast %select_n3A_1417 : vector<16xi32> to vector<16x1xi32>
    %gather3A_1419 = vector.shape_cast %broadcast_in_dim3A_1418 : vector<16x1xi32> to vector<16xi32>
    %gather3A_1420 = tpu.dynamic_gather %shift_right_logical3A_1404[%gather3A_1419] in [0] : vector<16xi32>, vector<16xi32> -> vector<16xi32>
    %sub3A_1421 = arith.constant 0 : i32
    %sub3A_1422 = vector.broadcast %sub3A_1421 : i32 to vector<16xi32>
    %sub3A_1423 = arith.subi %iota3A, %sub3A_1422 : vector<16xi32>
    %jit3A_1424 = arith.constant 0 : i32
    %jit3A_1425 = arith.constant 1 : i32
    %max3A_1426 = vector.broadcast %jit3A_1424 : i32 to vector<16xi32>
    %max3A_1427 = arith.maxsi %max3A_1426, %sub3A_1423 : vector<16xi32>
    %min3A_1428 = vector.broadcast %jit3A_1425 : i32 to vector<16xi32>
    %min3A_1429 = arith.minsi %min3A_1428, %max3A_1427 : vector<16xi32>
    %mul3A_1430 = arith.muli %min3A_1429, %gather3A_1420 : vector<16xi32>
    %add3A_1431 = arith.addi %shift_right_logical3A_1404, %mul3A_1430 : vector<16xi32>
    %sub3A_1432 = arith.constant 2 : i32
    %sub3A_1433 = vector.broadcast %sub3A_1432 : i32 to vector<16xi32>
    %sub3A_1434 = arith.subi %iota3A, %sub3A_1433 : vector<16xi32>
    %max3A_1435 = arith.constant 0 : i32
    %max3A_1436 = vector.broadcast %max3A_1435 : i32 to vector<16xi32>
    %max3A_1437 = arith.maxsi %sub3A_1434, %max3A_1436 : vector<16xi32>
    %lt3A_1438 = arith.constant 0 : i32
    %lt3A_1439 = vector.broadcast %lt3A_1438 : i32 to vector<16xi32>
    %lt3A_1440 = arith.cmpi slt, %max3A_1437, %lt3A_1439 : vector<16xi32>
    %add3A_1441 = arith.constant 16 : i32
    %add3A_1442 = vector.broadcast %add3A_1441 : i32 to vector<16xi32>
    %add3A_1443 = arith.addi %max3A_1437, %add3A_1442 : vector<16xi32>
    %select_n3A_1444 = arith.select %lt3A_1440, %add3A_1443, %max3A_1437 : vector<16xi1>, vector<16xi32>
    %broadcast_in_dim3A_1445 = vector.shape_cast %select_n3A_1444 : vector<16xi32> to vector<16x1xi32>
    %gather3A_1446 = vector.shape_cast %broadcast_in_dim3A_1445 : vector<16x1xi32> to vector<16xi32>
    %gather3A_1447 = tpu.dynamic_gather %add3A_1431[%gather3A_1446] in [0] : vector<16xi32>, vector<16xi32> -> vector<16xi32>
    %sub3A_1448 = arith.constant 1 : i32
    %sub3A_1449 = vector.broadcast %sub3A_1448 : i32 to vector<16xi32>
    %sub3A_1450 = arith.subi %iota3A, %sub3A_1449 : vector<16xi32>
    %jit3A_1451 = arith.constant 0 : i32
    %jit3A_1452 = arith.constant 1 : i32
    %max3A_1453 = vector.broadcast %jit3A_1451 : i32 to vector<16xi32>
    %max3A_1454 = arith.maxsi %max3A_1453, %sub3A_1450 : vector<16xi32>
    %min3A_1455 = vector.broadcast %jit3A_1452 : i32 to vector<16xi32>
    %min3A_1456 = arith.minsi %min3A_1455, %max3A_1454 : vector<16xi32>
    %mul3A_1457 = arith.muli %min3A_1456, %gather3A_1447 : vector<16xi32>
    %add3A_1458 = arith.addi %add3A_1431, %mul3A_1457 : vector<16xi32>
    %sub3A_1459 = arith.constant 4 : i32
    %sub3A_1460 = vector.broadcast %sub3A_1459 : i32 to vector<16xi32>
    %sub3A_1461 = arith.subi %iota3A, %sub3A_1460 : vector<16xi32>
    %max3A_1462 = arith.constant 0 : i32
    %max3A_1463 = vector.broadcast %max3A_1462 : i32 to vector<16xi32>
    %max3A_1464 = arith.maxsi %sub3A_1461, %max3A_1463 : vector<16xi32>
    %lt3A_1465 = arith.constant 0 : i32
    %lt3A_1466 = vector.broadcast %lt3A_1465 : i32 to vector<16xi32>
    %lt3A_1467 = arith.cmpi slt, %max3A_1464, %lt3A_1466 : vector<16xi32>
    %add3A_1468 = arith.constant 16 : i32
    %add3A_1469 = vector.broadcast %add3A_1468 : i32 to vector<16xi32>
    %add3A_1470 = arith.addi %max3A_1464, %add3A_1469 : vector<16xi32>
    %select_n3A_1471 = arith.select %lt3A_1467, %add3A_1470, %max3A_1464 : vector<16xi1>, vector<16xi32>
    %broadcast_in_dim3A_1472 = vector.shape_cast %select_n3A_1471 : vector<16xi32> to vector<16x1xi32>
    %gather3A_1473 = vector.shape_cast %broadcast_in_dim3A_1472 : vector<16x1xi32> to vector<16xi32>
    %gather3A_1474 = tpu.dynamic_gather %add3A_1458[%gather3A_1473] in [0] : vector<16xi32>, vector<16xi32> -> vector<16xi32>
    %sub3A_1475 = arith.constant 3 : i32
    %sub3A_1476 = vector.broadcast %sub3A_1475 : i32 to vector<16xi32>
    %sub3A_1477 = arith.subi %iota3A, %sub3A_1476 : vector<16xi32>
    %jit3A_1478 = arith.constant 0 : i32
    %jit3A_1479 = arith.constant 1 : i32
    %max3A_1480 = vector.broadcast %jit3A_1478 : i32 to vector<16xi32>
    %max3A_1481 = arith.maxsi %max3A_1480, %sub3A_1477 : vector<16xi32>
    %min3A_1482 = vector.broadcast %jit3A_1479 : i32 to vector<16xi32>
    %min3A_1483 = arith.minsi %min3A_1482, %max3A_1481 : vector<16xi32>
    %mul3A_1484 = arith.muli %min3A_1483, %gather3A_1474 : vector<16xi32>
    %add3A_1485 = arith.addi %add3A_1458, %mul3A_1484 : vector<16xi32>
    %sub3A_1486 = arith.constant 8 : i32
    %sub3A_1487 = vector.broadcast %sub3A_1486 : i32 to vector<16xi32>
    %sub3A_1488 = arith.subi %iota3A, %sub3A_1487 : vector<16xi32>
    %max3A_1489 = arith.constant 0 : i32
    %max3A_1490 = vector.broadcast %max3A_1489 : i32 to vector<16xi32>
    %max3A_1491 = arith.maxsi %sub3A_1488, %max3A_1490 : vector<16xi32>
    %lt3A_1492 = arith.constant 0 : i32
    %lt3A_1493 = vector.broadcast %lt3A_1492 : i32 to vector<16xi32>
    %lt3A_1494 = arith.cmpi slt, %max3A_1491, %lt3A_1493 : vector<16xi32>
    %add3A_1495 = arith.constant 16 : i32
    %add3A_1496 = vector.broadcast %add3A_1495 : i32 to vector<16xi32>
    %add3A_1497 = arith.addi %max3A_1491, %add3A_1496 : vector<16xi32>
    %select_n3A_1498 = arith.select %lt3A_1494, %add3A_1497, %max3A_1491 : vector<16xi1>, vector<16xi32>
    %broadcast_in_dim3A_1499 = vector.shape_cast %select_n3A_1498 : vector<16xi32> to vector<16x1xi32>
    %gather3A_1500 = vector.shape_cast %broadcast_in_dim3A_1499 : vector<16x1xi32> to vector<16xi32>
    %gather3A_1501 = tpu.dynamic_gather %add3A_1485[%gather3A_1500] in [0] : vector<16xi32>, vector<16xi32> -> vector<16xi32>
    %sub3A_1502 = arith.constant 7 : i32
    %sub3A_1503 = vector.broadcast %sub3A_1502 : i32 to vector<16xi32>
    %sub3A_1504 = arith.subi %iota3A, %sub3A_1503 : vector<16xi32>
    %jit3A_1505 = arith.constant 0 : i32
    %jit3A_1506 = arith.constant 1 : i32
    %max3A_1507 = vector.broadcast %jit3A_1505 : i32 to vector<16xi32>
    %max3A_1508 = arith.maxsi %max3A_1507, %sub3A_1504 : vector<16xi32>
    %min3A_1509 = vector.broadcast %jit3A_1506 : i32 to vector<16xi32>
    %min3A_1510 = arith.minsi %min3A_1509, %max3A_1508 : vector<16xi32>
    %mul3A_1511 = arith.muli %min3A_1510, %gather3A_1501 : vector<16xi32>
    %add3A_1512 = arith.addi %add3A_1485, %mul3A_1511 : vector<16xi32>
    %add3A_1513 = arith.addi %gather3A_1396, %add3A_1512 : vector<16xi32>
    %mul3A_1514 = arith.muli %add3A_1513, %shift_right_logical3A_1404 : vector<16xi32>
    %swap3A = arith.constant 0 : i32
    %swap3A_1515 = arith.index_cast %swap3A : i32 to index
    %swap3A_1516 = arith.constant 0 : index
    %swap3A_1517 = tpu.vector_load %arg7[%swap3A_1515, %swap3A_1516] {strides = array<i32>} : memref<16x16xi32, #tpu.memory_space<vmem>>, vector<1x16xi32>,
    %swap3A_1518 = vector.shape_cast %swap3A_1517 : vector<1x16xi32> to vector<16xi32>
    %swap3A_1519 = vector.shape_cast %mul3A_1514 : vector<16xi32> to vector<1x16xi32>
    tpu.vector_store %arg7[%swap3A_1515, %swap3A_1516], %swap3A_1519 {strides = array<i32>} : memref<16x16xi32, #tpu.memory_space<vmem>>, vector<1x16xi32>,
    %lt3A_1520 = arith.constant 0 : i32
    %lt3A_1521 = vector.broadcast %lt3A_1520 : i32 to vector<16xi32>
    %lt3A_1522 = arith.cmpi slt, %broadcast_in_dim3A_43, %lt3A_1521 : vector<16xi32>
    %add3A_1523 = arith.constant 16 : i32
    %add3A_1524 = vector.broadcast %add3A_1523 : i32 to vector<16xi32>
    %add3A_1525 = arith.addi %broadcast_in_dim3A_43, %add3A_1524 : vector<16xi32>
    %select_n3A_1526 = arith.select %lt3A_1522, %add3A_1525, %broadcast_in_dim3A_43 : vector<16xi1>, vector<16xi32>
    %broadcast_in_dim3A_1527 = vector.shape_cast %select_n3A_1526 : vector<16xi32> to vector<16x1xi32>
    %gather3A_1528 = vector.shape_cast %broadcast_in_dim3A_1527 : vector<16x1xi32> to vector<16xi32>
    %gather3A_1529 = tpu.dynamic_gather %add3A_1512[%gather3A_1528] in [0] : vector<16xi32>, vector<16xi32> -> vector<16xi32>
    %add3A_1530 = arith.addi %gather3A_1396, %gather3A_1529 : vector<16xi32>
    %get3A_1531 = arith.constant 16 : index
    %get3A_1532 = tpu.vector_load %arg6[%get3A_1531] {strides = array<i32>} : memref<256xi32, #tpu.memory_space<vmem>>, vector<16xi32>,
    %get3A_1533 = vector.shape_cast %get3A_1532 : vector<16xi32> to vector<16xi32>
    %sub3A_1534 = arith.subi %broadcast_in_dim3A_41, %get3A_1533 : vector<16xi32>
    %or3A_1535 = arith.ori %get3A_1533, %sub3A_1534 : vector<16xi32>
    %shift_right_logical3A_1536 = arith.constant 31 : i32
    %shift_right_logical3A_1537 = vector.broadcast %shift_right_logical3A_1536 : i32 to vector<16xi32>
    %shift_right_logical3A_1538 = arith.shrui %or3A_1535, %shift_right_logical3A_1537 : vector<16xi32>
    %sub3A_1539 = arith.constant 1 : i32
    %sub3A_1540 = vector.broadcast %sub3A_1539 : i32 to vector<16xi32>
    %sub3A_1541 = arith.subi %iota3A, %sub3A_1540 : vector<16xi32>
    %max3A_1542 = arith.constant 0 : i32
    %max3A_1543 = vector.broadcast %max3A_1542 : i32 to vector<16xi32>
    %max3A_1544 = arith.maxsi %sub3A_1541, %max3A_1543 : vector<16xi32>
    %lt3A_1545 = arith.constant 0 : i32
    %lt3A_1546 = vector.broadcast %lt3A_1545 : i32 to vector<16xi32>
    %lt3A_1547 = arith.cmpi slt, %max3A_1544, %lt3A_1546 : vector<16xi32>
    %add3A_1548 = arith.constant 16 : i32
    %add3A_1549 = vector.broadcast %add3A_1548 : i32 to vector<16xi32>
    %add3A_1550 = arith.addi %max3A_1544, %add3A_1549 : vector<16xi32>
    %select_n3A_1551 = arith.select %lt3A_1547, %add3A_1550, %max3A_1544 : vector<16xi1>, vector<16xi32>
    %broadcast_in_dim3A_1552 = vector.shape_cast %select_n3A_1551 : vector<16xi32> to vector<16x1xi32>
    %gather3A_1553 = vector.shape_cast %broadcast_in_dim3A_1552 : vector<16x1xi32> to vector<16xi32>
    %gather3A_1554 = tpu.dynamic_gather %shift_right_logical3A_1538[%gather3A_1553] in [0] : vector<16xi32>, vector<16xi32> -> vector<16xi32>
    %sub3A_1555 = arith.constant 0 : i32
    %sub3A_1556 = vector.broadcast %sub3A_1555 : i32 to vector<16xi32>
    %sub3A_1557 = arith.subi %iota3A, %sub3A_1556 : vector<16xi32>
    %jit3A_1558 = arith.constant 0 : i32
    %jit3A_1559 = arith.constant 1 : i32
    %max3A_1560 = vector.broadcast %jit3A_1558 : i32 to vector<16xi32>
    %max3A_1561 = arith.maxsi %max3A_1560, %sub3A_1557 : vector<16xi32>
    %min3A_1562 = vector.broadcast %jit3A_1559 : i32 to vector<16xi32>
    %min3A_1563 = arith.minsi %min3A_1562, %max3A_1561 : vector<16xi32>
    %mul3A_1564 = arith.muli %min3A_1563, %gather3A_1554 : vector<16xi32>
    %add3A_1565 = arith.addi %shift_right_logical3A_1538, %mul3A_1564 : vector<16xi32>
    %sub3A_1566 = arith.constant 2 : i32
    %sub3A_1567 = vector.broadcast %sub3A_1566 : i32 to vector<16xi32>
    %sub3A_1568 = arith.subi %iota3A, %sub3A_1567 : vector<16xi32>
    %max3A_1569 = arith.constant 0 : i32
    %max3A_1570 = vector.broadcast %max3A_1569 : i32 to vector<16xi32>
    %max3A_1571 = arith.maxsi %sub3A_1568, %max3A_1570 : vector<16xi32>
    %lt3A_1572 = arith.constant 0 : i32
    %lt3A_1573 = vector.broadcast %lt3A_1572 : i32 to vector<16xi32>
    %lt3A_1574 = arith.cmpi slt, %max3A_1571, %lt3A_1573 : vector<16xi32>
    %add3A_1575 = arith.constant 16 : i32
    %add3A_1576 = vector.broadcast %add3A_1575 : i32 to vector<16xi32>
    %add3A_1577 = arith.addi %max3A_1571, %add3A_1576 : vector<16xi32>
    %select_n3A_1578 = arith.select %lt3A_1574, %add3A_1577, %max3A_1571 : vector<16xi1>, vector<16xi32>
    %broadcast_in_dim3A_1579 = vector.shape_cast %select_n3A_1578 : vector<16xi32> to vector<16x1xi32>
    %gather3A_1580 = vector.shape_cast %broadcast_in_dim3A_1579 : vector<16x1xi32> to vector<16xi32>
    %gather3A_1581 = tpu.dynamic_gather %add3A_1565[%gather3A_1580] in [0] : vector<16xi32>, vector<16xi32> -> vector<16xi32>
    %sub3A_1582 = arith.constant 1 : i32
    %sub3A_1583 = vector.broadcast %sub3A_1582 : i32 to vector<16xi32>
    %sub3A_1584 = arith.subi %iota3A, %sub3A_1583 : vector<16xi32>
    %jit3A_1585 = arith.constant 0 : i32
    %jit3A_1586 = arith.constant 1 : i32
    %max3A_1587 = vector.broadcast %jit3A_1585 : i32 to vector<16xi32>
    %max3A_1588 = arith.maxsi %max3A_1587, %sub3A_1584 : vector<16xi32>
    %min3A_1589 = vector.broadcast %jit3A_1586 : i32 to vector<16xi32>
    %min3A_1590 = arith.minsi %min3A_1589, %max3A_1588 : vector<16xi32>
    %mul3A_1591 = arith.muli %min3A_1590, %gather3A_1581 : vector<16xi32>
    %add3A_1592 = arith.addi %add3A_1565, %mul3A_1591 : vector<16xi32>
    %sub3A_1593 = arith.constant 4 : i32
    %sub3A_1594 = vector.broadcast %sub3A_1593 : i32 to vector<16xi32>
    %sub3A_1595 = arith.subi %iota3A, %sub3A_1594 : vector<16xi32>
    %max3A_1596 = arith.constant 0 : i32
    %max3A_1597 = vector.broadcast %max3A_1596 : i32 to vector<16xi32>
    %max3A_1598 = arith.maxsi %sub3A_1595, %max3A_1597 : vector<16xi32>
    %lt3A_1599 = arith.constant 0 : i32
    %lt3A_1600 = vector.broadcast %lt3A_1599 : i32 to vector<16xi32>
    %lt3A_1601 = arith.cmpi slt, %max3A_1598, %lt3A_1600 : vector<16xi32>
    %add3A_1602 = arith.constant 16 : i32
    %add3A_1603 = vector.broadcast %add3A_1602 : i32 to vector<16xi32>
    %add3A_1604 = arith.addi %max3A_1598, %add3A_1603 : vector<16xi32>
    %select_n3A_1605 = arith.select %lt3A_1601, %add3A_1604, %max3A_1598 : vector<16xi1>, vector<16xi32>
    %broadcast_in_dim3A_1606 = vector.shape_cast %select_n3A_1605 : vector<16xi32> to vector<16x1xi32>
    %gather3A_1607 = vector.shape_cast %broadcast_in_dim3A_1606 : vector<16x1xi32> to vector<16xi32>
    %gather3A_1608 = tpu.dynamic_gather %add3A_1592[%gather3A_1607] in [0] : vector<16xi32>, vector<16xi32> -> vector<16xi32>
    %sub3A_1609 = arith.constant 3 : i32
    %sub3A_1610 = vector.broadcast %sub3A_1609 : i32 to vector<16xi32>
    %sub3A_1611 = arith.subi %iota3A, %sub3A_1610 : vector<16xi32>
    %jit3A_1612 = arith.constant 0 : i32
    %jit3A_1613 = arith.constant 1 : i32
    %max3A_1614 = vector.broadcast %jit3A_1612 : i32 to vector<16xi32>
    %max3A_1615 = arith.maxsi %max3A_1614, %sub3A_1611 : vector<16xi32>
    %min3A_1616 = vector.broadcast %jit3A_1613 : i32 to vector<16xi32>
    %min3A_1617 = arith.minsi %min3A_1616, %max3A_1615 : vector<16xi32>
    %mul3A_1618 = arith.muli %min3A_1617, %gather3A_1608 : vector<16xi32>
    %add3A_1619 = arith.addi %add3A_1592, %mul3A_1618 : vector<16xi32>
    %sub3A_1620 = arith.constant 8 : i32
    %sub3A_1621 = vector.broadcast %sub3A_1620 : i32 to vector<16xi32>
    %sub3A_1622 = arith.subi %iota3A, %sub3A_1621 : vector<16xi32>
    %max3A_1623 = arith.constant 0 : i32
    %max3A_1624 = vector.broadcast %max3A_1623 : i32 to vector<16xi32>
    %max3A_1625 = arith.maxsi %sub3A_1622, %max3A_1624 : vector<16xi32>
    %lt3A_1626 = arith.constant 0 : i32
    %lt3A_1627 = vector.broadcast %lt3A_1626 : i32 to vector<16xi32>
    %lt3A_1628 = arith.cmpi slt, %max3A_1625, %lt3A_1627 : vector<16xi32>
    %add3A_1629 = arith.constant 16 : i32
    %add3A_1630 = vector.broadcast %add3A_1629 : i32 to vector<16xi32>
    %add3A_1631 = arith.addi %max3A_1625, %add3A_1630 : vector<16xi32>
    %select_n3A_1632 = arith.select %lt3A_1628, %add3A_1631, %max3A_1625 : vector<16xi1>, vector<16xi32>
    %broadcast_in_dim3A_1633 = vector.shape_cast %select_n3A_1632 : vector<16xi32> to vector<16x1xi32>
    %gather3A_1634 = vector.shape_cast %broadcast_in_dim3A_1633 : vector<16x1xi32> to vector<16xi32>
    %gather3A_1635 = tpu.dynamic_gather %add3A_1619[%gather3A_1634] in [0] : vector<16xi32>, vector<16xi32> -> vector<16xi32>
    %sub3A_1636 = arith.constant 7 : i32
    %sub3A_1637 = vector.broadcast %sub3A_1636 : i32 to vector<16xi32>
    %sub3A_1638 = arith.subi %iota3A, %sub3A_1637 : vector<16xi32>
    %jit3A_1639 = arith.constant 0 : i32
    %jit3A_1640 = arith.constant 1 : i32
    %max3A_1641 = vector.broadcast %jit3A_1639 : i32 to vector<16xi32>
    %max3A_1642 = arith.maxsi %max3A_1641, %sub3A_1638 : vector<16xi32>
    %min3A_1643 = vector.broadcast %jit3A_1640 : i32 to vector<16xi32>
    %min3A_1644 = arith.minsi %min3A_1643, %max3A_1642 : vector<16xi32>
    %mul3A_1645 = arith.muli %min3A_1644, %gather3A_1635 : vector<16xi32>
    %add3A_1646 = arith.addi %add3A_1619, %mul3A_1645 : vector<16xi32>
    %add3A_1647 = arith.addi %add3A_1530, %add3A_1646 : vector<16xi32>
    %mul3A_1648 = arith.muli %add3A_1647, %shift_right_logical3A_1538 : vector<16xi32>
    %swap3A_1649 = arith.constant 1 : i32
    %swap3A_1650 = arith.index_cast %swap3A_1649 : i32 to index
    %swap3A_1651 = arith.constant 0 : index
    %swap3A_1652 = tpu.vector_load %arg7[%swap3A_1650, %swap3A_1651] {strides = array<i32>} : memref<16x16xi32, #tpu.memory_space<vmem>>, vector<1x16xi32>,
    %swap3A_1653 = vector.shape_cast %swap3A_1652 : vector<1x16xi32> to vector<16xi32>
    %swap3A_1654 = vector.shape_cast %mul3A_1648 : vector<16xi32> to vector<1x16xi32>
    tpu.vector_store %arg7[%swap3A_1650, %swap3A_1651], %swap3A_1654 {strides = array<i32>} : memref<16x16xi32, #tpu.memory_space<vmem>>, vector<1x16xi32>,
    %lt3A_1655 = arith.constant 0 : i32
    %lt3A_1656 = vector.broadcast %lt3A_1655 : i32 to vector<16xi32>
    %lt3A_1657 = arith.cmpi slt, %broadcast_in_dim3A_43, %lt3A_1656 : vector<16xi32>
    %add3A_1658 = arith.constant 16 : i32
    %add3A_1659 = vector.broadcast %add3A_1658 : i32 to vector<16xi32>
    %add3A_1660 = arith.addi %broadcast_in_dim3A_43, %add3A_1659 : vector<16xi32>
    %select_n3A_1661 = arith.select %lt3A_1657, %add3A_1660, %broadcast_in_dim3A_43 : vector<16xi1>, vector<16xi32>
    %broadcast_in_dim3A_1662 = vector.shape_cast %select_n3A_1661 : vector<16xi32> to vector<16x1xi32>
    %gather3A_1663 = vector.shape_cast %broadcast_in_dim3A_1662 : vector<16x1xi32> to vector<16xi32>
    %gather3A_1664 = tpu.dynamic_gather %add3A_1646[%gather3A_1663] in [0] : vector<16xi32>, vector<16xi32> -> vector<16xi32>
    %add3A_1665 = arith.addi %add3A_1530, %gather3A_1664 : vector<16xi32>
    %get3A_1666 = arith.constant 32 : index
    %get3A_1667 = tpu.vector_load %arg6[%get3A_1666] {strides = array<i32>} : memref<256xi32, #tpu.memory_space<vmem>>, vector<16xi32>,
    %get3A_1668 = vector.shape_cast %get3A_1667 : vector<16xi32> to vector<16xi32>
    %sub3A_1669 = arith.subi %broadcast_in_dim3A_41, %get3A_1668 : vector<16xi32>
    %or3A_1670 = arith.ori %get3A_1668, %sub3A_1669 : vector<16xi32>
    %shift_right_logical3A_1671 = arith.constant 31 : i32
    %shift_right_logical3A_1672 = vector.broadcast %shift_right_logical3A_1671 : i32 to vector<16xi32>
    %shift_right_logical3A_1673 = arith.shrui %or3A_1670, %shift_right_logical3A_1672 : vector<16xi32>
    %sub3A_1674 = arith.constant 1 : i32
    %sub3A_1675 = vector.broadcast %sub3A_1674 : i32 to vector<16xi32>
    %sub3A_1676 = arith.subi %iota3A, %sub3A_1675 : vector<16xi32>
    %max3A_1677 = arith.constant 0 : i32
    %max3A_1678 = vector.broadcast %max3A_1677 : i32 to vector<16xi32>
    %max3A_1679 = arith.maxsi %sub3A_1676, %max3A_1678 : vector<16xi32>
    %lt3A_1680 = arith.constant 0 : i32
    %lt3A_1681 = vector.broadcast %lt3A_1680 : i32 to vector<16xi32>
    %lt3A_1682 = arith.cmpi slt, %max3A_1679, %lt3A_1681 : vector<16xi32>
    %add3A_1683 = arith.constant 16 : i32
    %add3A_1684 = vector.broadcast %add3A_1683 : i32 to vector<16xi32>
    %add3A_1685 = arith.addi %max3A_1679, %add3A_1684 : vector<16xi32>
    %select_n3A_1686 = arith.select %lt3A_1682, %add3A_1685, %max3A_1679 : vector<16xi1>, vector<16xi32>
    %broadcast_in_dim3A_1687 = vector.shape_cast %select_n3A_1686 : vector<16xi32> to vector<16x1xi32>
    %gather3A_1688 = vector.shape_cast %broadcast_in_dim3A_1687 : vector<16x1xi32> to vector<16xi32>
    %gather3A_1689 = tpu.dynamic_gather %shift_right_logical3A_1673[%gather3A_1688] in [0] : vector<16xi32>, vector<16xi32> -> vector<16xi32>
    %sub3A_1690 = arith.constant 0 : i32
    %sub3A_1691 = vector.broadcast %sub3A_1690 : i32 to vector<16xi32>
    %sub3A_1692 = arith.subi %iota3A, %sub3A_1691 : vector<16xi32>
    %jit3A_1693 = arith.constant 0 : i32
    %jit3A_1694 = arith.constant 1 : i32
    %max3A_1695 = vector.broadcast %jit3A_1693 : i32 to vector<16xi32>
    %max3A_1696 = arith.maxsi %max3A_1695, %sub3A_1692 : vector<16xi32>
    %min3A_1697 = vector.broadcast %jit3A_1694 : i32 to vector<16xi32>
    %min3A_1698 = arith.minsi %min3A_1697, %max3A_1696 : vector<16xi32>
    %mul3A_1699 = arith.muli %min3A_1698, %gather3A_1689 : vector<16xi32>
    %add3A_1700 = arith.addi %shift_right_logical3A_1673, %mul3A_1699 : vector<16xi32>
    %sub3A_1701 = arith.constant 2 : i32
    %sub3A_1702 = vector.broadcast %sub3A_1701 : i32 to vector<16xi32>
    %sub3A_1703 = arith.subi %iota3A, %sub3A_1702 : vector<16xi32>
    %max3A_1704 = arith.constant 0 : i32
    %max3A_1705 = vector.broadcast %max3A_1704 : i32 to vector<16xi32>
    %max3A_1706 = arith.maxsi %sub3A_1703, %max3A_1705 : vector<16xi32>
    %lt3A_1707 = arith.constant 0 : i32
    %lt3A_1708 = vector.broadcast %lt3A_1707 : i32 to vector<16xi32>
    %lt3A_1709 = arith.cmpi slt, %max3A_1706, %lt3A_1708 : vector<16xi32>
    %add3A_1710 = arith.constant 16 : i32
    %add3A_1711 = vector.broadcast %add3A_1710 : i32 to vector<16xi32>
    %add3A_1712 = arith.addi %max3A_1706, %add3A_1711 : vector<16xi32>
    %select_n3A_1713 = arith.select %lt3A_1709, %add3A_1712, %max3A_1706 : vector<16xi1>, vector<16xi32>
    %broadcast_in_dim3A_1714 = vector.shape_cast %select_n3A_1713 : vector<16xi32> to vector<16x1xi32>
    %gather3A_1715 = vector.shape_cast %broadcast_in_dim3A_1714 : vector<16x1xi32> to vector<16xi32>
    %gather3A_1716 = tpu.dynamic_gather %add3A_1700[%gather3A_1715] in [0] : vector<16xi32>, vector<16xi32> -> vector<16xi32>
    %sub3A_1717 = arith.constant 1 : i32
    %sub3A_1718 = vector.broadcast %sub3A_1717 : i32 to vector<16xi32>
    %sub3A_1719 = arith.subi %iota3A, %sub3A_1718 : vector<16xi32>
    %jit3A_1720 = arith.constant 0 : i32
    %jit3A_1721 = arith.constant 1 : i32
    %max3A_1722 = vector.broadcast %jit3A_1720 : i32 to vector<16xi32>
    %max3A_1723 = arith.maxsi %max3A_1722, %sub3A_1719 : vector<16xi32>
    %min3A_1724 = vector.broadcast %jit3A_1721 : i32 to vector<16xi32>
    %min3A_1725 = arith.minsi %min3A_1724, %max3A_1723 : vector<16xi32>
    %mul3A_1726 = arith.muli %min3A_1725, %gather3A_1716 : vector<16xi32>
    %add3A_1727 = arith.addi %add3A_1700, %mul3A_1726 : vector<16xi32>
    %sub3A_1728 = arith.constant 4 : i32
    %sub3A_1729 = vector.broadcast %sub3A_1728 : i32 to vector<16xi32>
    %sub3A_1730 = arith.subi %iota3A, %sub3A_1729 : vector<16xi32>
    %max3A_1731 = arith.constant 0 : i32
    %max3A_1732 = vector.broadcast %max3A_1731 : i32 to vector<16xi32>
    %max3A_1733 = arith.maxsi %sub3A_1730, %max3A_1732 : vector<16xi32>
    %lt3A_1734 = arith.constant 0 : i32
    %lt3A_1735 = vector.broadcast %lt3A_1734 : i32 to vector<16xi32>
    %lt3A_1736 = arith.cmpi slt, %max3A_1733, %lt3A_1735 : vector<16xi32>
    %add3A_1737 = arith.constant 16 : i32
    %add3A_1738 = vector.broadcast %add3A_1737 : i32 to vector<16xi32>
    %add3A_1739 = arith.addi %max3A_1733, %add3A_1738 : vector<16xi32>
    %select_n3A_1740 = arith.select %lt3A_1736, %add3A_1739, %max3A_1733 : vector<16xi1>, vector<16xi32>
    %broadcast_in_dim3A_1741 = vector.shape_cast %select_n3A_1740 : vector<16xi32> to vector<16x1xi32>
    %gather3A_1742 = vector.shape_cast %broadcast_in_dim3A_1741 : vector<16x1xi32> to vector<16xi32>
    %gather3A_1743 = tpu.dynamic_gather %add3A_1727[%gather3A_1742] in [0] : vector<16xi32>, vector<16xi32> -> vector<16xi32>
    %sub3A_1744 = arith.constant 3 : i32
    %sub3A_1745 = vector.broadcast %sub3A_1744 : i32 to vector<16xi32>
    %sub3A_1746 = arith.subi %iota3A, %sub3A_1745 : vector<16xi32>
    %jit3A_1747 = arith.constant 0 : i32
    %jit3A_1748 = arith.constant 1 : i32
    %max3A_1749 = vector.broadcast %jit3A_1747 : i32 to vector<16xi32>
    %max3A_1750 = arith.maxsi %max3A_1749, %sub3A_1746 : vector<16xi32>
    %min3A_1751 = vector.broadcast %jit3A_1748 : i32 to vector<16xi32>
    %min3A_1752 = arith.minsi %min3A_1751, %max3A_1750 : vector<16xi32>
    %mul3A_1753 = arith.muli %min3A_1752, %gather3A_1743 : vector<16xi32>
    %add3A_1754 = arith.addi %add3A_1727, %mul3A_1753 : vector<16xi32>
    %sub3A_1755 = arith.constant 8 : i32
    %sub3A_1756 = vector.broadcast %sub3A_1755 : i32 to vector<16xi32>
    %sub3A_1757 = arith.subi %iota3A, %sub3A_1756 : vector<16xi32>
    %max3A_1758 = arith.constant 0 : i32
    %max3A_1759 = vector.broadcast %max3A_1758 : i32 to vector<16xi32>
    %max3A_1760 = arith.maxsi %sub3A_1757, %max3A_1759 : vector<16xi32>
    %lt3A_1761 = arith.constant 0 : i32
    %lt3A_1762 = vector.broadcast %lt3A_1761 : i32 to vector<16xi32>
    %lt3A_1763 = arith.cmpi slt, %max3A_1760, %lt3A_1762 : vector<16xi32>
    %add3A_1764 = arith.constant 16 : i32
    %add3A_1765 = vector.broadcast %add3A_1764 : i32 to vector<16xi32>
    %add3A_1766 = arith.addi %max3A_1760, %add3A_1765 : vector<16xi32>
    %select_n3A_1767 = arith.select %lt3A_1763, %add3A_1766, %max3A_1760 : vector<16xi1>, vector<16xi32>
    %broadcast_in_dim3A_1768 = vector.shape_cast %select_n3A_1767 : vector<16xi32> to vector<16x1xi32>
    %gather3A_1769 = vector.shape_cast %broadcast_in_dim3A_1768 : vector<16x1xi32> to vector<16xi32>
    %gather3A_1770 = tpu.dynamic_gather %add3A_1754[%gather3A_1769] in [0] : vector<16xi32>, vector<16xi32> -> vector<16xi32>
    %sub3A_1771 = arith.constant 7 : i32
    %sub3A_1772 = vector.broadcast %sub3A_1771 : i32 to vector<16xi32>
    %sub3A_1773 = arith.subi %iota3A, %sub3A_1772 : vector<16xi32>
    %jit3A_1774 = arith.constant 0 : i32
    %jit3A_1775 = arith.constant 1 : i32
    %max3A_1776 = vector.broadcast %jit3A_1774 : i32 to vector<16xi32>
    %max3A_1777 = arith.maxsi %max3A_1776, %sub3A_1773 : vector<16xi32>
    %min3A_1778 = vector.broadcast %jit3A_1775 : i32 to vector<16xi32>
    %min3A_1779 = arith.minsi %min3A_1778, %max3A_1777 : vector<16xi32>
    %mul3A_1780 = arith.muli %min3A_1779, %gather3A_1770 : vector<16xi32>
    %add3A_1781 = arith.addi %add3A_1754, %mul3A_1780 : vector<16xi32>
    %add3A_1782 = arith.addi %add3A_1665, %add3A_1781 : vector<16xi32>
    %mul3A_1783 = arith.muli %add3A_1782, %shift_right_logical3A_1673 : vector<16xi32>
    %swap3A_1784 = arith.constant 2 : i32
    %swap3A_1785 = arith.index_cast %swap3A_1784 : i32 to index
    %swap3A_1786 = arith.constant 0 : index
    %swap3A_1787 = tpu.vector_load %arg7[%swap3A_1785, %swap3A_1786] {strides = array<i32>} : memref<16x16xi32, #tpu.memory_space<vmem>>, vector<1x16xi32>,
    %swap3A_1788 = vector.shape_cast %swap3A_1787 : vector<1x16xi32> to vector<16xi32>
    %swap3A_1789 = vector.shape_cast %mul3A_1783 : vector<16xi32> to vector<1x16xi32>
    tpu.vector_store %arg7[%swap3A_1785, %swap3A_1786], %swap3A_1789 {strides = array<i32>} : memref<16x16xi32, #tpu.memory_space<vmem>>, vector<1x16xi32>,
    %lt3A_1790 = arith.constant 0 : i32
    %lt3A_1791 = vector.broadcast %lt3A_1790 : i32 to vector<16xi32>
    %lt3A_1792 = arith.cmpi slt, %broadcast_in_dim3A_43, %lt3A_1791 : vector<16xi32>
    %add3A_1793 = arith.constant 16 : i32
    %add3A_1794 = vector.broadcast %add3A_1793 : i32 to vector<16xi32>
    %add3A_1795 = arith.addi %broadcast_in_dim3A_43, %add3A_1794 : vector<16xi32>
    %select_n3A_1796 = arith.select %lt3A_1792, %add3A_1795, %broadcast_in_dim3A_43 : vector<16xi1>, vector<16xi32>
    %broadcast_in_dim3A_1797 = vector.shape_cast %select_n3A_1796 : vector<16xi32> to vector<16x1xi32>
    %gather3A_1798 = vector.shape_cast %broadcast_in_dim3A_1797 : vector<16x1xi32> to vector<16xi32>
    %gather3A_1799 = tpu.dynamic_gather %add3A_1781[%gather3A_1798] in [0] : vector<16xi32>, vector<16xi32> -> vector<16xi32>
    %add3A_1800 = arith.addi %add3A_1665, %gather3A_1799 : vector<16xi32>
    %get3A_1801 = arith.constant 48 : index
    %get3A_1802 = tpu.vector_load %arg6[%get3A_1801] {strides = array<i32>} : memref<256xi32, #tpu.memory_space<vmem>>, vector<16xi32>,
    %get3A_1803 = vector.shape_cast %get3A_1802 : vector<16xi32> to vector<16xi32>
    %sub3A_1804 = arith.subi %broadcast_in_dim3A_41, %get3A_1803 : vector<16xi32>
    %or3A_1805 = arith.ori %get3A_1803, %sub3A_1804 : vector<16xi32>
    %shift_right_logical3A_1806 = arith.constant 31 : i32
    %shift_right_logical3A_1807 = vector.broadcast %shift_right_logical3A_1806 : i32 to vector<16xi32>
    %shift_right_logical3A_1808 = arith.shrui %or3A_1805, %shift_right_logical3A_1807 : vector<16xi32>
    %sub3A_1809 = arith.constant 1 : i32
    %sub3A_1810 = vector.broadcast %sub3A_1809 : i32 to vector<16xi32>
    %sub3A_1811 = arith.subi %iota3A, %sub3A_1810 : vector<16xi32>
    %max3A_1812 = arith.constant 0 : i32
    %max3A_1813 = vector.broadcast %max3A_1812 : i32 to vector<16xi32>
    %max3A_1814 = arith.maxsi %sub3A_1811, %max3A_1813 : vector<16xi32>
    %lt3A_1815 = arith.constant 0 : i32
    %lt3A_1816 = vector.broadcast %lt3A_1815 : i32 to vector<16xi32>
    %lt3A_1817 = arith.cmpi slt, %max3A_1814, %lt3A_1816 : vector<16xi32>
    %add3A_1818 = arith.constant 16 : i32
    %add3A_1819 = vector.broadcast %add3A_1818 : i32 to vector<16xi32>
    %add3A_1820 = arith.addi %max3A_1814, %add3A_1819 : vector<16xi32>
    %select_n3A_1821 = arith.select %lt3A_1817, %add3A_1820, %max3A_1814 : vector<16xi1>, vector<16xi32>
    %broadcast_in_dim3A_1822 = vector.shape_cast %select_n3A_1821 : vector<16xi32> to vector<16x1xi32>
    %gather3A_1823 = vector.shape_cast %broadcast_in_dim3A_1822 : vector<16x1xi32> to vector<16xi32>
    %gather3A_1824 = tpu.dynamic_gather %shift_right_logical3A_1808[%gather3A_1823] in [0] : vector<16xi32>, vector<16xi32> -> vector<16xi32>
    %sub3A_1825 = arith.constant 0 : i32
    %sub3A_1826 = vector.broadcast %sub3A_1825 : i32 to vector<16xi32>
    %sub3A_1827 = arith.subi %iota3A, %sub3A_1826 : vector<16xi32>
    %jit3A_1828 = arith.constant 0 : i32
    %jit3A_1829 = arith.constant 1 : i32
    %max3A_1830 = vector.broadcast %jit3A_1828 : i32 to vector<16xi32>
    %max3A_1831 = arith.maxsi %max3A_1830, %sub3A_1827 : vector<16xi32>
    %min3A_1832 = vector.broadcast %jit3A_1829 : i32 to vector<16xi32>
    %min3A_1833 = arith.minsi %min3A_1832, %max3A_1831 : vector<16xi32>
    %mul3A_1834 = arith.muli %min3A_1833, %gather3A_1824 : vector<16xi32>
    %add3A_1835 = arith.addi %shift_right_logical3A_1808, %mul3A_1834 : vector<16xi32>
    %sub3A_1836 = arith.constant 2 : i32
    %sub3A_1837 = vector.broadcast %sub3A_1836 : i32 to vector<16xi32>
    %sub3A_1838 = arith.subi %iota3A, %sub3A_1837 : vector<16xi32>
    %max3A_1839 = arith.constant 0 : i32
    %max3A_1840 = vector.broadcast %max3A_1839 : i32 to vector<16xi32>
    %max3A_1841 = arith.maxsi %sub3A_1838, %max3A_1840 : vector<16xi32>
    %lt3A_1842 = arith.constant 0 : i32
    %lt3A_1843 = vector.broadcast %lt3A_1842 : i32 to vector<16xi32>
    %lt3A_1844 = arith.cmpi slt, %max3A_1841, %lt3A_1843 : vector<16xi32>
    %add3A_1845 = arith.constant 16 : i32
    %add3A_1846 = vector.broadcast %add3A_1845 : i32 to vector<16xi32>
    %add3A_1847 = arith.addi %max3A_1841, %add3A_1846 : vector<16xi32>
    %select_n3A_1848 = arith.select %lt3A_1844, %add3A_1847, %max3A_1841 : vector<16xi1>, vector<16xi32>
    %broadcast_in_dim3A_1849 = vector.shape_cast %select_n3A_1848 : vector<16xi32> to vector<16x1xi32>
    %gather3A_1850 = vector.shape_cast %broadcast_in_dim3A_1849 : vector<16x1xi32> to vector<16xi32>
    %gather3A_1851 = tpu.dynamic_gather %add3A_1835[%gather3A_1850] in [0] : vector<16xi32>, vector<16xi32> -> vector<16xi32>
    %sub3A_1852 = arith.constant 1 : i32
    %sub3A_1853 = vector.broadcast %sub3A_1852 : i32 to vector<16xi32>
    %sub3A_1854 = arith.subi %iota3A, %sub3A_1853 : vector<16xi32>
    %jit3A_1855 = arith.constant 0 : i32
    %jit3A_1856 = arith.constant 1 : i32
    %max3A_1857 = vector.broadcast %jit3A_1855 : i32 to vector<16xi32>
    %max3A_1858 = arith.maxsi %max3A_1857, %sub3A_1854 : vector<16xi32>
    %min3A_1859 = vector.broadcast %jit3A_1856 : i32 to vector<16xi32>
    %min3A_1860 = arith.minsi %min3A_1859, %max3A_1858 : vector<16xi32>
    %mul3A_1861 = arith.muli %min3A_1860, %gather3A_1851 : vector<16xi32>
    %add3A_1862 = arith.addi %add3A_1835, %mul3A_1861 : vector<16xi32>
    %sub3A_1863 = arith.constant 4 : i32
    %sub3A_1864 = vector.broadcast %sub3A_1863 : i32 to vector<16xi32>
    %sub3A_1865 = arith.subi %iota3A, %sub3A_1864 : vector<16xi32>
    %max3A_1866 = arith.constant 0 : i32
    %max3A_1867 = vector.broadcast %max3A_1866 : i32 to vector<16xi32>
    %max3A_1868 = arith.maxsi %sub3A_1865, %max3A_1867 : vector<16xi32>
    %lt3A_1869 = arith.constant 0 : i32
    %lt3A_1870 = vector.broadcast %lt3A_1869 : i32 to vector<16xi32>
    %lt3A_1871 = arith.cmpi slt, %max3A_1868, %lt3A_1870 : vector<16xi32>
    %add3A_1872 = arith.constant 16 : i32
    %add3A_1873 = vector.broadcast %add3A_1872 : i32 to vector<16xi32>
    %add3A_1874 = arith.addi %max3A_1868, %add3A_1873 : vector<16xi32>
    %select_n3A_1875 = arith.select %lt3A_1871, %add3A_1874, %max3A_1868 : vector<16xi1>, vector<16xi32>
    %broadcast_in_dim3A_1876 = vector.shape_cast %select_n3A_1875 : vector<16xi32> to vector<16x1xi32>
    %gather3A_1877 = vector.shape_cast %broadcast_in_dim3A_1876 : vector<16x1xi32> to vector<16xi32>
    %gather3A_1878 = tpu.dynamic_gather %add3A_1862[%gather3A_1877] in [0] : vector<16xi32>, vector<16xi32> -> vector<16xi32>
    %sub3A_1879 = arith.constant 3 : i32
    %sub3A_1880 = vector.broadcast %sub3A_1879 : i32 to vector<16xi32>
    %sub3A_1881 = arith.subi %iota3A, %sub3A_1880 : vector<16xi32>
    %jit3A_1882 = arith.constant 0 : i32
    %jit3A_1883 = arith.constant 1 : i32
    %max3A_1884 = vector.broadcast %jit3A_1882 : i32 to vector<16xi32>
    %max3A_1885 = arith.maxsi %max3A_1884, %sub3A_1881 : vector<16xi32>
    %min3A_1886 = vector.broadcast %jit3A_1883 : i32 to vector<16xi32>
    %min3A_1887 = arith.minsi %min3A_1886, %max3A_1885 : vector<16xi32>
    %mul3A_1888 = arith.muli %min3A_1887, %gather3A_1878 : vector<16xi32>
    %add3A_1889 = arith.addi %add3A_1862, %mul3A_1888 : vector<16xi32>
    %sub3A_1890 = arith.constant 8 : i32
    %sub3A_1891 = vector.broadcast %sub3A_1890 : i32 to vector<16xi32>
    %sub3A_1892 = arith.subi %iota3A, %sub3A_1891 : vector<16xi32>
    %max3A_1893 = arith.constant 0 : i32
    %max3A_1894 = vector.broadcast %max3A_1893 : i32 to vector<16xi32>
    %max3A_1895 = arith.maxsi %sub3A_1892, %max3A_1894 : vector<16xi32>
    %lt3A_1896 = arith.constant 0 : i32
    %lt3A_1897 = vector.broadcast %lt3A_1896 : i32 to vector<16xi32>
    %lt3A_1898 = arith.cmpi slt, %max3A_1895, %lt3A_1897 : vector<16xi32>
    %add3A_1899 = arith.constant 16 : i32
    %add3A_1900 = vector.broadcast %add3A_1899 : i32 to vector<16xi32>
    %add3A_1901 = arith.addi %max3A_1895, %add3A_1900 : vector<16xi32>
    %select_n3A_1902 = arith.select %lt3A_1898, %add3A_1901, %max3A_1895 : vector<16xi1>, vector<16xi32>
    %broadcast_in_dim3A_1903 = vector.shape_cast %select_n3A_1902 : vector<16xi32> to vector<16x1xi32>
    %gather3A_1904 = vector.shape_cast %broadcast_in_dim3A_1903 : vector<16x1xi32> to vector<16xi32>
    %gather3A_1905 = tpu.dynamic_gather %add3A_1889[%gather3A_1904] in [0] : vector<16xi32>, vector<16xi32> -> vector<16xi32>
    %sub3A_1906 = arith.constant 7 : i32
    %sub3A_1907 = vector.broadcast %sub3A_1906 : i32 to vector<16xi32>
    %sub3A_1908 = arith.subi %iota3A, %sub3A_1907 : vector<16xi32>
    %jit3A_1909 = arith.constant 0 : i32
    %jit3A_1910 = arith.constant 1 : i32
    %max3A_1911 = vector.broadcast %jit3A_1909 : i32 to vector<16xi32>
    %max3A_1912 = arith.maxsi %max3A_1911, %sub3A_1908 : vector<16xi32>
    %min3A_1913 = vector.broadcast %jit3A_1910 : i32 to vector<16xi32>
    %min3A_1914 = arith.minsi %min3A_1913, %max3A_1912 : vector<16xi32>
    %mul3A_1915 = arith.muli %min3A_1914, %gather3A_1905 : vector<16xi32>
    %add3A_1916 = arith.addi %add3A_1889, %mul3A_1915 : vector<16xi32>
    %add3A_1917 = arith.addi %add3A_1800, %add3A_1916 : vector<16xi32>
    %mul3A_1918 = arith.muli %add3A_1917, %shift_right_logical3A_1808 : vector<16xi32>
    %swap3A_1919 = arith.constant 3 : i32
    %swap3A_1920 = arith.index_cast %swap3A_1919 : i32 to index
    %swap3A_1921 = arith.constant 0 : index
    %swap3A_1922 = tpu.vector_load %arg7[%swap3A_1920, %swap3A_1921] {strides = array<i32>} : memref<16x16xi32, #tpu.memory_space<vmem>>, vector<1x16xi32>,
    %swap3A_1923 = vector.shape_cast %swap3A_1922 : vector<1x16xi32> to vector<16xi32>
    %swap3A_1924 = vector.shape_cast %mul3A_1918 : vector<16xi32> to vector<1x16xi32>
    tpu.vector_store %arg7[%swap3A_1920, %swap3A_1921], %swap3A_1924 {strides = array<i32>} : memref<16x16xi32, #tpu.memory_space<vmem>>, vector<1x16xi32>,
    %lt3A_1925 = arith.constant 0 : i32
    %lt3A_1926 = vector.broadcast %lt3A_1925 : i32 to vector<16xi32>
    %lt3A_1927 = arith.cmpi slt, %broadcast_in_dim3A_43, %lt3A_1926 : vector<16xi32>
    %add3A_1928 = arith.constant 16 : i32
    %add3A_1929 = vector.broadcast %add3A_1928 : i32 to vector<16xi32>
    %add3A_1930 = arith.addi %broadcast_in_dim3A_43, %add3A_1929 : vector<16xi32>
    %select_n3A_1931 = arith.select %lt3A_1927, %add3A_1930, %broadcast_in_dim3A_43 : vector<16xi1>, vector<16xi32>
    %broadcast_in_dim3A_1932 = vector.shape_cast %select_n3A_1931 : vector<16xi32> to vector<16x1xi32>
    %gather3A_1933 = vector.shape_cast %broadcast_in_dim3A_1932 : vector<16x1xi32> to vector<16xi32>
    %gather3A_1934 = tpu.dynamic_gather %add3A_1916[%gather3A_1933] in [0] : vector<16xi32>, vector<16xi32> -> vector<16xi32>
    %add3A_1935 = arith.addi %add3A_1800, %gather3A_1934 : vector<16xi32>
    %get3A_1936 = arith.constant 64 : index
    %get3A_1937 = tpu.vector_load %arg6[%get3A_1936] {strides = array<i32>} : memref<256xi32, #tpu.memory_space<vmem>>, vector<16xi32>,
    %get3A_1938 = vector.shape_cast %get3A_1937 : vector<16xi32> to vector<16xi32>
    %sub3A_1939 = arith.subi %broadcast_in_dim3A_41, %get3A_1938 : vector<16xi32>
    %or3A_1940 = arith.ori %get3A_1938, %sub3A_1939 : vector<16xi32>
    %shift_right_logical3A_1941 = arith.constant 31 : i32
    %shift_right_logical3A_1942 = vector.broadcast %shift_right_logical3A_1941 : i32 to vector<16xi32>
    %shift_right_logical3A_1943 = arith.shrui %or3A_1940, %shift_right_logical3A_1942 : vector<16xi32>
    %sub3A_1944 = arith.constant 1 : i32
    %sub3A_1945 = vector.broadcast %sub3A_1944 : i32 to vector<16xi32>
    %sub3A_1946 = arith.subi %iota3A, %sub3A_1945 : vector<16xi32>
    %max3A_1947 = arith.constant 0 : i32
    %max3A_1948 = vector.broadcast %max3A_1947 : i32 to vector<16xi32>
    %max3A_1949 = arith.maxsi %sub3A_1946, %max3A_1948 : vector<16xi32>
    %lt3A_1950 = arith.constant 0 : i32
    %lt3A_1951 = vector.broadcast %lt3A_1950 : i32 to vector<16xi32>
    %lt3A_1952 = arith.cmpi slt, %max3A_1949, %lt3A_1951 : vector<16xi32>
    %add3A_1953 = arith.constant 16 : i32
    %add3A_1954 = vector.broadcast %add3A_1953 : i32 to vector<16xi32>
    %add3A_1955 = arith.addi %max3A_1949, %add3A_1954 : vector<16xi32>
    %select_n3A_1956 = arith.select %lt3A_1952, %add3A_1955, %max3A_1949 : vector<16xi1>, vector<16xi32>
    %broadcast_in_dim3A_1957 = vector.shape_cast %select_n3A_1956 : vector<16xi32> to vector<16x1xi32>
    %gather3A_1958 = vector.shape_cast %broadcast_in_dim3A_1957 : vector<16x1xi32> to vector<16xi32>
    %gather3A_1959 = tpu.dynamic_gather %shift_right_logical3A_1943[%gather3A_1958] in [0] : vector<16xi32>, vector<16xi32> -> vector<16xi32>
    %sub3A_1960 = arith.constant 0 : i32
    %sub3A_1961 = vector.broadcast %sub3A_1960 : i32 to vector<16xi32>
    %sub3A_1962 = arith.subi %iota3A, %sub3A_1961 : vector<16xi32>
    %jit3A_1963 = arith.constant 0 : i32
    %jit3A_1964 = arith.constant 1 : i32
    %max3A_1965 = vector.broadcast %jit3A_1963 : i32 to vector<16xi32>
    %max3A_1966 = arith.maxsi %max3A_1965, %sub3A_1962 : vector<16xi32>
    %min3A_1967 = vector.broadcast %jit3A_1964 : i32 to vector<16xi32>
    %min3A_1968 = arith.minsi %min3A_1967, %max3A_1966 : vector<16xi32>
    %mul3A_1969 = arith.muli %min3A_1968, %gather3A_1959 : vector<16xi32>
    %add3A_1970 = arith.addi %shift_right_logical3A_1943, %mul3A_1969 : vector<16xi32>
    %sub3A_1971 = arith.constant 2 : i32
    %sub3A_1972 = vector.broadcast %sub3A_1971 : i32 to vector<16xi32>
    %sub3A_1973 = arith.subi %iota3A, %sub3A_1972 : vector<16xi32>
    %max3A_1974 = arith.constant 0 : i32
    %max3A_1975 = vector.broadcast %max3A_1974 : i32 to vector<16xi32>
    %max3A_1976 = arith.maxsi %sub3A_1973, %max3A_1975 : vector<16xi32>
    %lt3A_1977 = arith.constant 0 : i32
    %lt3A_1978 = vector.broadcast %lt3A_1977 : i32 to vector<16xi32>
    %lt3A_1979 = arith.cmpi slt, %max3A_1976, %lt3A_1978 : vector<16xi32>
    %add3A_1980 = arith.constant 16 : i32
    %add3A_1981 = vector.broadcast %add3A_1980 : i32 to vector<16xi32>
    %add3A_1982 = arith.addi %max3A_1976, %add3A_1981 : vector<16xi32>
    %select_n3A_1983 = arith.select %lt3A_1979, %add3A_1982, %max3A_1976 : vector<16xi1>, vector<16xi32>
    %broadcast_in_dim3A_1984 = vector.shape_cast %select_n3A_1983 : vector<16xi32> to vector<16x1xi32>
    %gather3A_1985 = vector.shape_cast %broadcast_in_dim3A_1984 : vector<16x1xi32> to vector<16xi32>
    %gather3A_1986 = tpu.dynamic_gather %add3A_1970[%gather3A_1985] in [0] : vector<16xi32>, vector<16xi32> -> vector<16xi32>
    %sub3A_1987 = arith.constant 1 : i32
    %sub3A_1988 = vector.broadcast %sub3A_1987 : i32 to vector<16xi32>
    %sub3A_1989 = arith.subi %iota3A, %sub3A_1988 : vector<16xi32>
    %jit3A_1990 = arith.constant 0 : i32
    %jit3A_1991 = arith.constant 1 : i32
    %max3A_1992 = vector.broadcast %jit3A_1990 : i32 to vector<16xi32>
    %max3A_1993 = arith.maxsi %max3A_1992, %sub3A_1989 : vector<16xi32>
    %min3A_1994 = vector.broadcast %jit3A_1991 : i32 to vector<16xi32>
    %min3A_1995 = arith.minsi %min3A_1994, %max3A_1993 : vector<16xi32>
    %mul3A_1996 = arith.muli %min3A_1995, %gather3A_1986 : vector<16xi32>
    %add3A_1997 = arith.addi %add3A_1970, %mul3A_1996 : vector<16xi32>
    %sub3A_1998 = arith.constant 4 : i32
    %sub3A_1999 = vector.broadcast %sub3A_1998 : i32 to vector<16xi32>
    %sub3A_2000 = arith.subi %iota3A, %sub3A_1999 : vector<16xi32>
    %max3A_2001 = arith.constant 0 : i32
    %max3A_2002 = vector.broadcast %max3A_2001 : i32 to vector<16xi32>
    %max3A_2003 = arith.maxsi %sub3A_2000, %max3A_2002 : vector<16xi32>
    %lt3A_2004 = arith.constant 0 : i32
    %lt3A_2005 = vector.broadcast %lt3A_2004 : i32 to vector<16xi32>
    %lt3A_2006 = arith.cmpi slt, %max3A_2003, %lt3A_2005 : vector<16xi32>
    %add3A_2007 = arith.constant 16 : i32
    %add3A_2008 = vector.broadcast %add3A_2007 : i32 to vector<16xi32>
    %add3A_2009 = arith.addi %max3A_2003, %add3A_2008 : vector<16xi32>
    %select_n3A_2010 = arith.select %lt3A_2006, %add3A_2009, %max3A_2003 : vector<16xi1>, vector<16xi32>
    %broadcast_in_dim3A_2011 = vector.shape_cast %select_n3A_2010 : vector<16xi32> to vector<16x1xi32>
    %gather3A_2012 = vector.shape_cast %broadcast_in_dim3A_2011 : vector<16x1xi32> to vector<16xi32>
    %gather3A_2013 = tpu.dynamic_gather %add3A_1997[%gather3A_2012] in [0] : vector<16xi32>, vector<16xi32> -> vector<16xi32>
    %sub3A_2014 = arith.constant 3 : i32
    %sub3A_2015 = vector.broadcast %sub3A_2014 : i32 to vector<16xi32>
    %sub3A_2016 = arith.subi %iota3A, %sub3A_2015 : vector<16xi32>
    %jit3A_2017 = arith.constant 0 : i32
    %jit3A_2018 = arith.constant 1 : i32
    %max3A_2019 = vector.broadcast %jit3A_2017 : i32 to vector<16xi32>
    %max3A_2020 = arith.maxsi %max3A_2019, %sub3A_2016 : vector<16xi32>
    %min3A_2021 = vector.broadcast %jit3A_2018 : i32 to vector<16xi32>
    %min3A_2022 = arith.minsi %min3A_2021, %max3A_2020 : vector<16xi32>
    %mul3A_2023 = arith.muli %min3A_2022, %gather3A_2013 : vector<16xi32>
    %add3A_2024 = arith.addi %add3A_1997, %mul3A_2023 : vector<16xi32>
    %sub3A_2025 = arith.constant 8 : i32
    %sub3A_2026 = vector.broadcast %sub3A_2025 : i32 to vector<16xi32>
    %sub3A_2027 = arith.subi %iota3A, %sub3A_2026 : vector<16xi32>
    %max3A_2028 = arith.constant 0 : i32
    %max3A_2029 = vector.broadcast %max3A_2028 : i32 to vector<16xi32>
    %max3A_2030 = arith.maxsi %sub3A_2027, %max3A_2029 : vector<16xi32>
    %lt3A_2031 = arith.constant 0 : i32
    %lt3A_2032 = vector.broadcast %lt3A_2031 : i32 to vector<16xi32>
    %lt3A_2033 = arith.cmpi slt, %max3A_2030, %lt3A_2032 : vector<16xi32>
    %add3A_2034 = arith.constant 16 : i32
    %add3A_2035 = vector.broadcast %add3A_2034 : i32 to vector<16xi32>
    %add3A_2036 = arith.addi %max3A_2030, %add3A_2035 : vector<16xi32>
    %select_n3A_2037 = arith.select %lt3A_2033, %add3A_2036, %max3A_2030 : vector<16xi1>, vector<16xi32>
    %broadcast_in_dim3A_2038 = vector.shape_cast %select_n3A_2037 : vector<16xi32> to vector<16x1xi32>
    %gather3A_2039 = vector.shape_cast %broadcast_in_dim3A_2038 : vector<16x1xi32> to vector<16xi32>
    %gather3A_2040 = tpu.dynamic_gather %add3A_2024[%gather3A_2039] in [0] : vector<16xi32>, vector<16xi32> -> vector<16xi32>
    %sub3A_2041 = arith.constant 7 : i32
    %sub3A_2042 = vector.broadcast %sub3A_2041 : i32 to vector<16xi32>
    %sub3A_2043 = arith.subi %iota3A, %sub3A_2042 : vector<16xi32>
    %jit3A_2044 = arith.constant 0 : i32
    %jit3A_2045 = arith.constant 1 : i32
    %max3A_2046 = vector.broadcast %jit3A_2044 : i32 to vector<16xi32>
    %max3A_2047 = arith.maxsi %max3A_2046, %sub3A_2043 : vector<16xi32>
    %min3A_2048 = vector.broadcast %jit3A_2045 : i32 to vector<16xi32>
    %min3A_2049 = arith.minsi %min3A_2048, %max3A_2047 : vector<16xi32>
    %mul3A_2050 = arith.muli %min3A_2049, %gather3A_2040 : vector<16xi32>
    %add3A_2051 = arith.addi %add3A_2024, %mul3A_2050 : vector<16xi32>
    %add3A_2052 = arith.addi %add3A_1935, %add3A_2051 : vector<16xi32>
    %mul3A_2053 = arith.muli %add3A_2052, %shift_right_logical3A_1943 : vector<16xi32>
    %swap3A_2054 = arith.constant 4 : i32
    %swap3A_2055 = arith.index_cast %swap3A_2054 : i32 to index
    %swap3A_2056 = arith.constant 0 : index
    %swap3A_2057 = tpu.vector_load %arg7[%swap3A_2055, %swap3A_2056] {strides = array<i32>} : memref<16x16xi32, #tpu.memory_space<vmem>>, vector<1x16xi32>,
    %swap3A_2058 = vector.shape_cast %swap3A_2057 : vector<1x16xi32> to vector<16xi32>
    %swap3A_2059 = vector.shape_cast %mul3A_2053 : vector<16xi32> to vector<1x16xi32>
    tpu.vector_store %arg7[%swap3A_2055, %swap3A_2056], %swap3A_2059 {strides = array<i32>} : memref<16x16xi32, #tpu.memory_space<vmem>>, vector<1x16xi32>,
    %lt3A_2060 = arith.constant 0 : i32
    %lt3A_2061 = vector.broadcast %lt3A_2060 : i32 to vector<16xi32>
    %lt3A_2062 = arith.cmpi slt, %broadcast_in_dim3A_43, %lt3A_2061 : vector<16xi32>
    %add3A_2063 = arith.constant 16 : i32
    %add3A_2064 = vector.broadcast %add3A_2063 : i32 to vector<16xi32>
    %add3A_2065 = arith.addi %broadcast_in_dim3A_43, %add3A_2064 : vector<16xi32>
    %select_n3A_2066 = arith.select %lt3A_2062, %add3A_2065, %broadcast_in_dim3A_43 : vector<16xi1>, vector<16xi32>
    %broadcast_in_dim3A_2067 = vector.shape_cast %select_n3A_2066 : vector<16xi32> to vector<16x1xi32>
    %gather3A_2068 = vector.shape_cast %broadcast_in_dim3A_2067 : vector<16x1xi32> to vector<16xi32>
    %gather3A_2069 = tpu.dynamic_gather %add3A_2051[%gather3A_2068] in [0] : vector<16xi32>, vector<16xi32> -> vector<16xi32>
    %add3A_2070 = arith.addi %add3A_1935, %gather3A_2069 : vector<16xi32>
    %get3A_2071 = arith.constant 80 : index
    %get3A_2072 = tpu.vector_load %arg6[%get3A_2071] {strides = array<i32>} : memref<256xi32, #tpu.memory_space<vmem>>, vector<16xi32>,
    %get3A_2073 = vector.shape_cast %get3A_2072 : vector<16xi32> to vector<16xi32>
    %sub3A_2074 = arith.subi %broadcast_in_dim3A_41, %get3A_2073 : vector<16xi32>
    %or3A_2075 = arith.ori %get3A_2073, %sub3A_2074 : vector<16xi32>
    %shift_right_logical3A_2076 = arith.constant 31 : i32
    %shift_right_logical3A_2077 = vector.broadcast %shift_right_logical3A_2076 : i32 to vector<16xi32>
    %shift_right_logical3A_2078 = arith.shrui %or3A_2075, %shift_right_logical3A_2077 : vector<16xi32>
    %sub3A_2079 = arith.constant 1 : i32
    %sub3A_2080 = vector.broadcast %sub3A_2079 : i32 to vector<16xi32>
    %sub3A_2081 = arith.subi %iota3A, %sub3A_2080 : vector<16xi32>
    %max3A_2082 = arith.constant 0 : i32
    %max3A_2083 = vector.broadcast %max3A_2082 : i32 to vector<16xi32>
    %max3A_2084 = arith.maxsi %sub3A_2081, %max3A_2083 : vector<16xi32>
    %lt3A_2085 = arith.constant 0 : i32
    %lt3A_2086 = vector.broadcast %lt3A_2085 : i32 to vector<16xi32>
    %lt3A_2087 = arith.cmpi slt, %max3A_2084, %lt3A_2086 : vector<16xi32>
    %add3A_2088 = arith.constant 16 : i32
    %add3A_2089 = vector.broadcast %add3A_2088 : i32 to vector<16xi32>
    %add3A_2090 = arith.addi %max3A_2084, %add3A_2089 : vector<16xi32>
    %select_n3A_2091 = arith.select %lt3A_2087, %add3A_2090, %max3A_2084 : vector<16xi1>, vector<16xi32>
    %broadcast_in_dim3A_2092 = vector.shape_cast %select_n3A_2091 : vector<16xi32> to vector<16x1xi32>
    %gather3A_2093 = vector.shape_cast %broadcast_in_dim3A_2092 : vector<16x1xi32> to vector<16xi32>
    %gather3A_2094 = tpu.dynamic_gather %shift_right_logical3A_2078[%gather3A_2093] in [0] : vector<16xi32>, vector<16xi32> -> vector<16xi32>
    %sub3A_2095 = arith.constant 0 : i32
    %sub3A_2096 = vector.broadcast %sub3A_2095 : i32 to vector<16xi32>
    %sub3A_2097 = arith.subi %iota3A, %sub3A_2096 : vector<16xi32>
    %jit3A_2098 = arith.constant 0 : i32
    %jit3A_2099 = arith.constant 1 : i32
    %max3A_2100 = vector.broadcast %jit3A_2098 : i32 to vector<16xi32>
    %max3A_2101 = arith.maxsi %max3A_2100, %sub3A_2097 : vector<16xi32>
    %min3A_2102 = vector.broadcast %jit3A_2099 : i32 to vector<16xi32>
    %min3A_2103 = arith.minsi %min3A_2102, %max3A_2101 : vector<16xi32>
    %mul3A_2104 = arith.muli %min3A_2103, %gather3A_2094 : vector<16xi32>
    %add3A_2105 = arith.addi %shift_right_logical3A_2078, %mul3A_2104 : vector<16xi32>
    %sub3A_2106 = arith.constant 2 : i32
    %sub3A_2107 = vector.broadcast %sub3A_2106 : i32 to vector<16xi32>
    %sub3A_2108 = arith.subi %iota3A, %sub3A_2107 : vector<16xi32>
    %max3A_2109 = arith.constant 0 : i32
    %max3A_2110 = vector.broadcast %max3A_2109 : i32 to vector<16xi32>
    %max3A_2111 = arith.maxsi %sub3A_2108, %max3A_2110 : vector<16xi32>
    %lt3A_2112 = arith.constant 0 : i32
    %lt3A_2113 = vector.broadcast %lt3A_2112 : i32 to vector<16xi32>
    %lt3A_2114 = arith.cmpi slt, %max3A_2111, %lt3A_2113 : vector<16xi32>
    %add3A_2115 = arith.constant 16 : i32
    %add3A_2116 = vector.broadcast %add3A_2115 : i32 to vector<16xi32>
    %add3A_2117 = arith.addi %max3A_2111, %add3A_2116 : vector<16xi32>
    %select_n3A_2118 = arith.select %lt3A_2114, %add3A_2117, %max3A_2111 : vector<16xi1>, vector<16xi32>
    %broadcast_in_dim3A_2119 = vector.shape_cast %select_n3A_2118 : vector<16xi32> to vector<16x1xi32>
    %gather3A_2120 = vector.shape_cast %broadcast_in_dim3A_2119 : vector<16x1xi32> to vector<16xi32>
    %gather3A_2121 = tpu.dynamic_gather %add3A_2105[%gather3A_2120] in [0] : vector<16xi32>, vector<16xi32> -> vector<16xi32>
    %sub3A_2122 = arith.constant 1 : i32
    %sub3A_2123 = vector.broadcast %sub3A_2122 : i32 to vector<16xi32>
    %sub3A_2124 = arith.subi %iota3A, %sub3A_2123 : vector<16xi32>
    %jit3A_2125 = arith.constant 0 : i32
    %jit3A_2126 = arith.constant 1 : i32
    %max3A_2127 = vector.broadcast %jit3A_2125 : i32 to vector<16xi32>
    %max3A_2128 = arith.maxsi %max3A_2127, %sub3A_2124 : vector<16xi32>
    %min3A_2129 = vector.broadcast %jit3A_2126 : i32 to vector<16xi32>
    %min3A_2130 = arith.minsi %min3A_2129, %max3A_2128 : vector<16xi32>
    %mul3A_2131 = arith.muli %min3A_2130, %gather3A_2121 : vector<16xi32>
    %add3A_2132 = arith.addi %add3A_2105, %mul3A_2131 : vector<16xi32>
    %sub3A_2133 = arith.constant 4 : i32
    %sub3A_2134 = vector.broadcast %sub3A_2133 : i32 to vector<16xi32>
    %sub3A_2135 = arith.subi %iota3A, %sub3A_2134 : vector<16xi32>
    %max3A_2136 = arith.constant 0 : i32
    %max3A_2137 = vector.broadcast %max3A_2136 : i32 to vector<16xi32>
    %max3A_2138 = arith.maxsi %sub3A_2135, %max3A_2137 : vector<16xi32>
    %lt3A_2139 = arith.constant 0 : i32
    %lt3A_2140 = vector.broadcast %lt3A_2139 : i32 to vector<16xi32>
    %lt3A_2141 = arith.cmpi slt, %max3A_2138, %lt3A_2140 : vector<16xi32>
    %add3A_2142 = arith.constant 16 : i32
    %add3A_2143 = vector.broadcast %add3A_2142 : i32 to vector<16xi32>
    %add3A_2144 = arith.addi %max3A_2138, %add3A_2143 : vector<16xi32>
    %select_n3A_2145 = arith.select %lt3A_2141, %add3A_2144, %max3A_2138 : vector<16xi1>, vector<16xi32>
    %broadcast_in_dim3A_2146 = vector.shape_cast %select_n3A_2145 : vector<16xi32> to vector<16x1xi32>
    %gather3A_2147 = vector.shape_cast %broadcast_in_dim3A_2146 : vector<16x1xi32> to vector<16xi32>
    %gather3A_2148 = tpu.dynamic_gather %add3A_2132[%gather3A_2147] in [0] : vector<16xi32>, vector<16xi32> -> vector<16xi32>
    %sub3A_2149 = arith.constant 3 : i32
    %sub3A_2150 = vector.broadcast %sub3A_2149 : i32 to vector<16xi32>
    %sub3A_2151 = arith.subi %iota3A, %sub3A_2150 : vector<16xi32>
    %jit3A_2152 = arith.constant 0 : i32
    %jit3A_2153 = arith.constant 1 : i32
    %max3A_2154 = vector.broadcast %jit3A_2152 : i32 to vector<16xi32>
    %max3A_2155 = arith.maxsi %max3A_2154, %sub3A_2151 : vector<16xi32>
    %min3A_2156 = vector.broadcast %jit3A_2153 : i32 to vector<16xi32>
    %min3A_2157 = arith.minsi %min3A_2156, %max3A_2155 : vector<16xi32>
    %mul3A_2158 = arith.muli %min3A_2157, %gather3A_2148 : vector<16xi32>
    %add3A_2159 = arith.addi %add3A_2132, %mul3A_2158 : vector<16xi32>
    %sub3A_2160 = arith.constant 8 : i32
    %sub3A_2161 = vector.broadcast %sub3A_2160 : i32 to vector<16xi32>
    %sub3A_2162 = arith.subi %iota3A, %sub3A_2161 : vector<16xi32>
    %max3A_2163 = arith.constant 0 : i32
    %max3A_2164 = vector.broadcast %max3A_2163 : i32 to vector<16xi32>
    %max3A_2165 = arith.maxsi %sub3A_2162, %max3A_2164 : vector<16xi32>
    %lt3A_2166 = arith.constant 0 : i32
    %lt3A_2167 = vector.broadcast %lt3A_2166 : i32 to vector<16xi32>
    %lt3A_2168 = arith.cmpi slt, %max3A_2165, %lt3A_2167 : vector<16xi32>
    %add3A_2169 = arith.constant 16 : i32
    %add3A_2170 = vector.broadcast %add3A_2169 : i32 to vector<16xi32>
    %add3A_2171 = arith.addi %max3A_2165, %add3A_2170 : vector<16xi32>
    %select_n3A_2172 = arith.select %lt3A_2168, %add3A_2171, %max3A_2165 : vector<16xi1>, vector<16xi32>
    %broadcast_in_dim3A_2173 = vector.shape_cast %select_n3A_2172 : vector<16xi32> to vector<16x1xi32>
    %gather3A_2174 = vector.shape_cast %broadcast_in_dim3A_2173 : vector<16x1xi32> to vector<16xi32>
    %gather3A_2175 = tpu.dynamic_gather %add3A_2159[%gather3A_2174] in [0] : vector<16xi32>, vector<16xi32> -> vector<16xi32>
    %sub3A_2176 = arith.constant 7 : i32
    %sub3A_2177 = vector.broadcast %sub3A_2176 : i32 to vector<16xi32>
    %sub3A_2178 = arith.subi %iota3A, %sub3A_2177 : vector<16xi32>
    %jit3A_2179 = arith.constant 0 : i32
    %jit3A_2180 = arith.constant 1 : i32
    %max3A_2181 = vector.broadcast %jit3A_2179 : i32 to vector<16xi32>
    %max3A_2182 = arith.maxsi %max3A_2181, %sub3A_2178 : vector<16xi32>
    %min3A_2183 = vector.broadcast %jit3A_2180 : i32 to vector<16xi32>
    %min3A_2184 = arith.minsi %min3A_2183, %max3A_2182 : vector<16xi32>
    %mul3A_2185 = arith.muli %min3A_2184, %gather3A_2175 : vector<16xi32>
    %add3A_2186 = arith.addi %add3A_2159, %mul3A_2185 : vector<16xi32>
    %add3A_2187 = arith.addi %add3A_2070, %add3A_2186 : vector<16xi32>
    %mul3A_2188 = arith.muli %add3A_2187, %shift_right_logical3A_2078 : vector<16xi32>
    %swap3A_2189 = arith.constant 5 : i32
    %swap3A_2190 = arith.index_cast %swap3A_2189 : i32 to index
    %swap3A_2191 = arith.constant 0 : index
    %swap3A_2192 = tpu.vector_load %arg7[%swap3A_2190, %swap3A_2191] {strides = array<i32>} : memref<16x16xi32, #tpu.memory_space<vmem>>, vector<1x16xi32>,
    %swap3A_2193 = vector.shape_cast %swap3A_2192 : vector<1x16xi32> to vector<16xi32>
    %swap3A_2194 = vector.shape_cast %mul3A_2188 : vector<16xi32> to vector<1x16xi32>
    tpu.vector_store %arg7[%swap3A_2190, %swap3A_2191], %swap3A_2194 {strides = array<i32>} : memref<16x16xi32, #tpu.memory_space<vmem>>, vector<1x16xi32>,
    %lt3A_2195 = arith.constant 0 : i32
    %lt3A_2196 = vector.broadcast %lt3A_2195 : i32 to vector<16xi32>
    %lt3A_2197 = arith.cmpi slt, %broadcast_in_dim3A_43, %lt3A_2196 : vector<16xi32>
    %add3A_2198 = arith.constant 16 : i32
    %add3A_2199 = vector.broadcast %add3A_2198 : i32 to vector<16xi32>
    %add3A_2200 = arith.addi %broadcast_in_dim3A_43, %add3A_2199 : vector<16xi32>
    %select_n3A_2201 = arith.select %lt3A_2197, %add3A_2200, %broadcast_in_dim3A_43 : vector<16xi1>, vector<16xi32>
    %broadcast_in_dim3A_2202 = vector.shape_cast %select_n3A_2201 : vector<16xi32> to vector<16x1xi32>
    %gather3A_2203 = vector.shape_cast %broadcast_in_dim3A_2202 : vector<16x1xi32> to vector<16xi32>
    %gather3A_2204 = tpu.dynamic_gather %add3A_2186[%gather3A_2203] in [0] : vector<16xi32>, vector<16xi32> -> vector<16xi32>
    %add3A_2205 = arith.addi %add3A_2070, %gather3A_2204 : vector<16xi32>
    %get3A_2206 = arith.constant 96 : index
    %get3A_2207 = tpu.vector_load %arg6[%get3A_2206] {strides = array<i32>} : memref<256xi32, #tpu.memory_space<vmem>>, vector<16xi32>,
    %get3A_2208 = vector.shape_cast %get3A_2207 : vector<16xi32> to vector<16xi32>
    %sub3A_2209 = arith.subi %broadcast_in_dim3A_41, %get3A_2208 : vector<16xi32>
    %or3A_2210 = arith.ori %get3A_2208, %sub3A_2209 : vector<16xi32>
    %shift_right_logical3A_2211 = arith.constant 31 : i32
    %shift_right_logical3A_2212 = vector.broadcast %shift_right_logical3A_2211 : i32 to vector<16xi32>
    %shift_right_logical3A_2213 = arith.shrui %or3A_2210, %shift_right_logical3A_2212 : vector<16xi32>
    %sub3A_2214 = arith.constant 1 : i32
    %sub3A_2215 = vector.broadcast %sub3A_2214 : i32 to vector<16xi32>
    %sub3A_2216 = arith.subi %iota3A, %sub3A_2215 : vector<16xi32>
    %max3A_2217 = arith.constant 0 : i32
    %max3A_2218 = vector.broadcast %max3A_2217 : i32 to vector<16xi32>
    %max3A_2219 = arith.maxsi %sub3A_2216, %max3A_2218 : vector<16xi32>
    %lt3A_2220 = arith.constant 0 : i32
    %lt3A_2221 = vector.broadcast %lt3A_2220 : i32 to vector<16xi32>
    %lt3A_2222 = arith.cmpi slt, %max3A_2219, %lt3A_2221 : vector<16xi32>
    %add3A_2223 = arith.constant 16 : i32
    %add3A_2224 = vector.broadcast %add3A_2223 : i32 to vector<16xi32>
    %add3A_2225 = arith.addi %max3A_2219, %add3A_2224 : vector<16xi32>
    %select_n3A_2226 = arith.select %lt3A_2222, %add3A_2225, %max3A_2219 : vector<16xi1>, vector<16xi32>
    %broadcast_in_dim3A_2227 = vector.shape_cast %select_n3A_2226 : vector<16xi32> to vector<16x1xi32>
    %gather3A_2228 = vector.shape_cast %broadcast_in_dim3A_2227 : vector<16x1xi32> to vector<16xi32>
    %gather3A_2229 = tpu.dynamic_gather %shift_right_logical3A_2213[%gather3A_2228] in [0] : vector<16xi32>, vector<16xi32> -> vector<16xi32>
    %sub3A_2230 = arith.constant 0 : i32
    %sub3A_2231 = vector.broadcast %sub3A_2230 : i32 to vector<16xi32>
    %sub3A_2232 = arith.subi %iota3A, %sub3A_2231 : vector<16xi32>
    %jit3A_2233 = arith.constant 0 : i32
    %jit3A_2234 = arith.constant 1 : i32
    %max3A_2235 = vector.broadcast %jit3A_2233 : i32 to vector<16xi32>
    %max3A_2236 = arith.maxsi %max3A_2235, %sub3A_2232 : vector<16xi32>
    %min3A_2237 = vector.broadcast %jit3A_2234 : i32 to vector<16xi32>
    %min3A_2238 = arith.minsi %min3A_2237, %max3A_2236 : vector<16xi32>
    %mul3A_2239 = arith.muli %min3A_2238, %gather3A_2229 : vector<16xi32>
    %add3A_2240 = arith.addi %shift_right_logical3A_2213, %mul3A_2239 : vector<16xi32>
    %sub3A_2241 = arith.constant 2 : i32
    %sub3A_2242 = vector.broadcast %sub3A_2241 : i32 to vector<16xi32>
    %sub3A_2243 = arith.subi %iota3A, %sub3A_2242 : vector<16xi32>
    %max3A_2244 = arith.constant 0 : i32
    %max3A_2245 = vector.broadcast %max3A_2244 : i32 to vector<16xi32>
    %max3A_2246 = arith.maxsi %sub3A_2243, %max3A_2245 : vector<16xi32>
    %lt3A_2247 = arith.constant 0 : i32
    %lt3A_2248 = vector.broadcast %lt3A_2247 : i32 to vector<16xi32>
    %lt3A_2249 = arith.cmpi slt, %max3A_2246, %lt3A_2248 : vector<16xi32>
    %add3A_2250 = arith.constant 16 : i32
    %add3A_2251 = vector.broadcast %add3A_2250 : i32 to vector<16xi32>
    %add3A_2252 = arith.addi %max3A_2246, %add3A_2251 : vector<16xi32>
    %select_n3A_2253 = arith.select %lt3A_2249, %add3A_2252, %max3A_2246 : vector<16xi1>, vector<16xi32>
    %broadcast_in_dim3A_2254 = vector.shape_cast %select_n3A_2253 : vector<16xi32> to vector<16x1xi32>
    %gather3A_2255 = vector.shape_cast %broadcast_in_dim3A_2254 : vector<16x1xi32> to vector<16xi32>
    %gather3A_2256 = tpu.dynamic_gather %add3A_2240[%gather3A_2255] in [0] : vector<16xi32>, vector<16xi32> -> vector<16xi32>
    %sub3A_2257 = arith.constant 1 : i32
    %sub3A_2258 = vector.broadcast %sub3A_2257 : i32 to vector<16xi32>
    %sub3A_2259 = arith.subi %iota3A, %sub3A_2258 : vector<16xi32>
    %jit3A_2260 = arith.constant 0 : i32
    %jit3A_2261 = arith.constant 1 : i32
    %max3A_2262 = vector.broadcast %jit3A_2260 : i32 to vector<16xi32>
    %max3A_2263 = arith.maxsi %max3A_2262, %sub3A_2259 : vector<16xi32>
    %min3A_2264 = vector.broadcast %jit3A_2261 : i32 to vector<16xi32>
    %min3A_2265 = arith.minsi %min3A_2264, %max3A_2263 : vector<16xi32>
    %mul3A_2266 = arith.muli %min3A_2265, %gather3A_2256 : vector<16xi32>
    %add3A_2267 = arith.addi %add3A_2240, %mul3A_2266 : vector<16xi32>
    %sub3A_2268 = arith.constant 4 : i32
    %sub3A_2269 = vector.broadcast %sub3A_2268 : i32 to vector<16xi32>
    %sub3A_2270 = arith.subi %iota3A, %sub3A_2269 : vector<16xi32>
    %max3A_2271 = arith.constant 0 : i32
    %max3A_2272 = vector.broadcast %max3A_2271 : i32 to vector<16xi32>
    %max3A_2273 = arith.maxsi %sub3A_2270, %max3A_2272 : vector<16xi32>
    %lt3A_2274 = arith.constant 0 : i32
    %lt3A_2275 = vector.broadcast %lt3A_2274 : i32 to vector<16xi32>
    %lt3A_2276 = arith.cmpi slt, %max3A_2273, %lt3A_2275 : vector<16xi32>
    %add3A_2277 = arith.constant 16 : i32
    %add3A_2278 = vector.broadcast %add3A_2277 : i32 to vector<16xi32>
    %add3A_2279 = arith.addi %max3A_2273, %add3A_2278 : vector<16xi32>
    %select_n3A_2280 = arith.select %lt3A_2276, %add3A_2279, %max3A_2273 : vector<16xi1>, vector<16xi32>
    %broadcast_in_dim3A_2281 = vector.shape_cast %select_n3A_2280 : vector<16xi32> to vector<16x1xi32>
    %gather3A_2282 = vector.shape_cast %broadcast_in_dim3A_2281 : vector<16x1xi32> to vector<16xi32>
    %gather3A_2283 = tpu.dynamic_gather %add3A_2267[%gather3A_2282] in [0] : vector<16xi32>, vector<16xi32> -> vector<16xi32>
    %sub3A_2284 = arith.constant 3 : i32
    %sub3A_2285 = vector.broadcast %sub3A_2284 : i32 to vector<16xi32>
    %sub3A_2286 = arith.subi %iota3A, %sub3A_2285 : vector<16xi32>
    %jit3A_2287 = arith.constant 0 : i32
    %jit3A_2288 = arith.constant 1 : i32
    %max3A_2289 = vector.broadcast %jit3A_2287 : i32 to vector<16xi32>
    %max3A_2290 = arith.maxsi %max3A_2289, %sub3A_2286 : vector<16xi32>
    %min3A_2291 = vector.broadcast %jit3A_2288 : i32 to vector<16xi32>
    %min3A_2292 = arith.minsi %min3A_2291, %max3A_2290 : vector<16xi32>
    %mul3A_2293 = arith.muli %min3A_2292, %gather3A_2283 : vector<16xi32>
    %add3A_2294 = arith.addi %add3A_2267, %mul3A_2293 : vector<16xi32>
    %sub3A_2295 = arith.constant 8 : i32
    %sub3A_2296 = vector.broadcast %sub3A_2295 : i32 to vector<16xi32>
    %sub3A_2297 = arith.subi %iota3A, %sub3A_2296 : vector<16xi32>
    %max3A_2298 = arith.constant 0 : i32
    %max3A_2299 = vector.broadcast %max3A_2298 : i32 to vector<16xi32>
    %max3A_2300 = arith.maxsi %sub3A_2297, %max3A_2299 : vector<16xi32>
    %lt3A_2301 = arith.constant 0 : i32
    %lt3A_2302 = vector.broadcast %lt3A_2301 : i32 to vector<16xi32>
    %lt3A_2303 = arith.cmpi slt, %max3A_2300, %lt3A_2302 : vector<16xi32>
    %add3A_2304 = arith.constant 16 : i32
    %add3A_2305 = vector.broadcast %add3A_2304 : i32 to vector<16xi32>
    %add3A_2306 = arith.addi %max3A_2300, %add3A_2305 : vector<16xi32>
    %select_n3A_2307 = arith.select %lt3A_2303, %add3A_2306, %max3A_2300 : vector<16xi1>, vector<16xi32>
    %broadcast_in_dim3A_2308 = vector.shape_cast %select_n3A_2307 : vector<16xi32> to vector<16x1xi32>
    %gather3A_2309 = vector.shape_cast %broadcast_in_dim3A_2308 : vector<16x1xi32> to vector<16xi32>
    %gather3A_2310 = tpu.dynamic_gather %add3A_2294[%gather3A_2309] in [0] : vector<16xi32>, vector<16xi32> -> vector<16xi32>
    %sub3A_2311 = arith.constant 7 : i32
    %sub3A_2312 = vector.broadcast %sub3A_2311 : i32 to vector<16xi32>
    %sub3A_2313 = arith.subi %iota3A, %sub3A_2312 : vector<16xi32>
    %jit3A_2314 = arith.constant 0 : i32
    %jit3A_2315 = arith.constant 1 : i32
    %max3A_2316 = vector.broadcast %jit3A_2314 : i32 to vector<16xi32>
    %max3A_2317 = arith.maxsi %max3A_2316, %sub3A_2313 : vector<16xi32>
    %min3A_2318 = vector.broadcast %jit3A_2315 : i32 to vector<16xi32>
    %min3A_2319 = arith.minsi %min3A_2318, %max3A_2317 : vector<16xi32>
    %mul3A_2320 = arith.muli %min3A_2319, %gather3A_2310 : vector<16xi32>
    %add3A_2321 = arith.addi %add3A_2294, %mul3A_2320 : vector<16xi32>
    %add3A_2322 = arith.addi %add3A_2205, %add3A_2321 : vector<16xi32>
    %mul3A_2323 = arith.muli %add3A_2322, %shift_right_logical3A_2213 : vector<16xi32>
    %swap3A_2324 = arith.constant 6 : i32
    %swap3A_2325 = arith.index_cast %swap3A_2324 : i32 to index
    %swap3A_2326 = arith.constant 0 : index
    %swap3A_2327 = tpu.vector_load %arg7[%swap3A_2325, %swap3A_2326] {strides = array<i32>} : memref<16x16xi32, #tpu.memory_space<vmem>>, vector<1x16xi32>,
    %swap3A_2328 = vector.shape_cast %swap3A_2327 : vector<1x16xi32> to vector<16xi32>
    %swap3A_2329 = vector.shape_cast %mul3A_2323 : vector<16xi32> to vector<1x16xi32>
    tpu.vector_store %arg7[%swap3A_2325, %swap3A_2326], %swap3A_2329 {strides = array<i32>} : memref<16x16xi32, #tpu.memory_space<vmem>>, vector<1x16xi32>,
    %lt3A_2330 = arith.constant 0 : i32
    %lt3A_2331 = vector.broadcast %lt3A_2330 : i32 to vector<16xi32>
    %lt3A_2332 = arith.cmpi slt, %broadcast_in_dim3A_43, %lt3A_2331 : vector<16xi32>
    %add3A_2333 = arith.constant 16 : i32
    %add3A_2334 = vector.broadcast %add3A_2333 : i32 to vector<16xi32>
    %add3A_2335 = arith.addi %broadcast_in_dim3A_43, %add3A_2334 : vector<16xi32>
    %select_n3A_2336 = arith.select %lt3A_2332, %add3A_2335, %broadcast_in_dim3A_43 : vector<16xi1>, vector<16xi32>
    %broadcast_in_dim3A_2337 = vector.shape_cast %select_n3A_2336 : vector<16xi32> to vector<16x1xi32>
    %gather3A_2338 = vector.shape_cast %broadcast_in_dim3A_2337 : vector<16x1xi32> to vector<16xi32>
    %gather3A_2339 = tpu.dynamic_gather %add3A_2321[%gather3A_2338] in [0] : vector<16xi32>, vector<16xi32> -> vector<16xi32>
    %add3A_2340 = arith.addi %add3A_2205, %gather3A_2339 : vector<16xi32>
    %get3A_2341 = arith.constant 112 : index
    %get3A_2342 = tpu.vector_load %arg6[%get3A_2341] {strides = array<i32>} : memref<256xi32, #tpu.memory_space<vmem>>, vector<16xi32>,
    %get3A_2343 = vector.shape_cast %get3A_2342 : vector<16xi32> to vector<16xi32>
    %sub3A_2344 = arith.subi %broadcast_in_dim3A_41, %get3A_2343 : vector<16xi32>
    %or3A_2345 = arith.ori %get3A_2343, %sub3A_2344 : vector<16xi32>
    %shift_right_logical3A_2346 = arith.constant 31 : i32
    %shift_right_logical3A_2347 = vector.broadcast %shift_right_logical3A_2346 : i32 to vector<16xi32>
    %shift_right_logical3A_2348 = arith.shrui %or3A_2345, %shift_right_logical3A_2347 : vector<16xi32>
    %sub3A_2349 = arith.constant 1 : i32
    %sub3A_2350 = vector.broadcast %sub3A_2349 : i32 to vector<16xi32>
    %sub3A_2351 = arith.subi %iota3A, %sub3A_2350 : vector<16xi32>
    %max3A_2352 = arith.constant 0 : i32
    %max3A_2353 = vector.broadcast %max3A_2352 : i32 to vector<16xi32>
    %max3A_2354 = arith.maxsi %sub3A_2351, %max3A_2353 : vector<16xi32>
    %lt3A_2355 = arith.constant 0 : i32
    %lt3A_2356 = vector.broadcast %lt3A_2355 : i32 to vector<16xi32>
    %lt3A_2357 = arith.cmpi slt, %max3A_2354, %lt3A_2356 : vector<16xi32>
    %add3A_2358 = arith.constant 16 : i32
    %add3A_2359 = vector.broadcast %add3A_2358 : i32 to vector<16xi32>
    %add3A_2360 = arith.addi %max3A_2354, %add3A_2359 : vector<16xi32>
    %select_n3A_2361 = arith.select %lt3A_2357, %add3A_2360, %max3A_2354 : vector<16xi1>, vector<16xi32>
    %broadcast_in_dim3A_2362 = vector.shape_cast %select_n3A_2361 : vector<16xi32> to vector<16x1xi32>
    %gather3A_2363 = vector.shape_cast %broadcast_in_dim3A_2362 : vector<16x1xi32> to vector<16xi32>
    %gather3A_2364 = tpu.dynamic_gather %shift_right_logical3A_2348[%gather3A_2363] in [0] : vector<16xi32>, vector<16xi32> -> vector<16xi32>
    %sub3A_2365 = arith.constant 0 : i32
    %sub3A_2366 = vector.broadcast %sub3A_2365 : i32 to vector<16xi32>
    %sub3A_2367 = arith.subi %iota3A, %sub3A_2366 : vector<16xi32>
    %jit3A_2368 = arith.constant 0 : i32
    %jit3A_2369 = arith.constant 1 : i32
    %max3A_2370 = vector.broadcast %jit3A_2368 : i32 to vector<16xi32>
    %max3A_2371 = arith.maxsi %max3A_2370, %sub3A_2367 : vector<16xi32>
    %min3A_2372 = vector.broadcast %jit3A_2369 : i32 to vector<16xi32>
    %min3A_2373 = arith.minsi %min3A_2372, %max3A_2371 : vector<16xi32>
    %mul3A_2374 = arith.muli %min3A_2373, %gather3A_2364 : vector<16xi32>
    %add3A_2375 = arith.addi %shift_right_logical3A_2348, %mul3A_2374 : vector<16xi32>
    %sub3A_2376 = arith.constant 2 : i32
    %sub3A_2377 = vector.broadcast %sub3A_2376 : i32 to vector<16xi32>
    %sub3A_2378 = arith.subi %iota3A, %sub3A_2377 : vector<16xi32>
    %max3A_2379 = arith.constant 0 : i32
    %max3A_2380 = vector.broadcast %max3A_2379 : i32 to vector<16xi32>
    %max3A_2381 = arith.maxsi %sub3A_2378, %max3A_2380 : vector<16xi32>
    %lt3A_2382 = arith.constant 0 : i32
    %lt3A_2383 = vector.broadcast %lt3A_2382 : i32 to vector<16xi32>
    %lt3A_2384 = arith.cmpi slt, %max3A_2381, %lt3A_2383 : vector<16xi32>
    %add3A_2385 = arith.constant 16 : i32
    %add3A_2386 = vector.broadcast %add3A_2385 : i32 to vector<16xi32>
    %add3A_2387 = arith.addi %max3A_2381, %add3A_2386 : vector<16xi32>
    %select_n3A_2388 = arith.select %lt3A_2384, %add3A_2387, %max3A_2381 : vector<16xi1>, vector<16xi32>
    %broadcast_in_dim3A_2389 = vector.shape_cast %select_n3A_2388 : vector<16xi32> to vector<16x1xi32>
    %gather3A_2390 = vector.shape_cast %broadcast_in_dim3A_2389 : vector<16x1xi32> to vector<16xi32>
    %gather3A_2391 = tpu.dynamic_gather %add3A_2375[%gather3A_2390] in [0] : vector<16xi32>, vector<16xi32> -> vector<16xi32>
    %sub3A_2392 = arith.constant 1 : i32
    %sub3A_2393 = vector.broadcast %sub3A_2392 : i32 to vector<16xi32>
    %sub3A_2394 = arith.subi %iota3A, %sub3A_2393 : vector<16xi32>
    %jit3A_2395 = arith.constant 0 : i32
    %jit3A_2396 = arith.constant 1 : i32
    %max3A_2397 = vector.broadcast %jit3A_2395 : i32 to vector<16xi32>
    %max3A_2398 = arith.maxsi %max3A_2397, %sub3A_2394 : vector<16xi32>
    %min3A_2399 = vector.broadcast %jit3A_2396 : i32 to vector<16xi32>
    %min3A_2400 = arith.minsi %min3A_2399, %max3A_2398 : vector<16xi32>
    %mul3A_2401 = arith.muli %min3A_2400, %gather3A_2391 : vector<16xi32>
    %add3A_2402 = arith.addi %add3A_2375, %mul3A_2401 : vector<16xi32>
    %sub3A_2403 = arith.constant 4 : i32
    %sub3A_2404 = vector.broadcast %sub3A_2403 : i32 to vector<16xi32>
    %sub3A_2405 = arith.subi %iota3A, %sub3A_2404 : vector<16xi32>
    %max3A_2406 = arith.constant 0 : i32
    %max3A_2407 = vector.broadcast %max3A_2406 : i32 to vector<16xi32>
    %max3A_2408 = arith.maxsi %sub3A_2405, %max3A_2407 : vector<16xi32>
    %lt3A_2409 = arith.constant 0 : i32
    %lt3A_2410 = vector.broadcast %lt3A_2409 : i32 to vector<16xi32>
    %lt3A_2411 = arith.cmpi slt, %max3A_2408, %lt3A_2410 : vector<16xi32>
    %add3A_2412 = arith.constant 16 : i32
    %add3A_2413 = vector.broadcast %add3A_2412 : i32 to vector<16xi32>
    %add3A_2414 = arith.addi %max3A_2408, %add3A_2413 : vector<16xi32>
    %select_n3A_2415 = arith.select %lt3A_2411, %add3A_2414, %max3A_2408 : vector<16xi1>, vector<16xi32>
    %broadcast_in_dim3A_2416 = vector.shape_cast %select_n3A_2415 : vector<16xi32> to vector<16x1xi32>
    %gather3A_2417 = vector.shape_cast %broadcast_in_dim3A_2416 : vector<16x1xi32> to vector<16xi32>
    %gather3A_2418 = tpu.dynamic_gather %add3A_2402[%gather3A_2417] in [0] : vector<16xi32>, vector<16xi32> -> vector<16xi32>
    %sub3A_2419 = arith.constant 3 : i32
    %sub3A_2420 = vector.broadcast %sub3A_2419 : i32 to vector<16xi32>
    %sub3A_2421 = arith.subi %iota3A, %sub3A_2420 : vector<16xi32>
    %jit3A_2422 = arith.constant 0 : i32
    %jit3A_2423 = arith.constant 1 : i32
    %max3A_2424 = vector.broadcast %jit3A_2422 : i32 to vector<16xi32>
    %max3A_2425 = arith.maxsi %max3A_2424, %sub3A_2421 : vector<16xi32>
    %min3A_2426 = vector.broadcast %jit3A_2423 : i32 to vector<16xi32>
    %min3A_2427 = arith.minsi %min3A_2426, %max3A_2425 : vector<16xi32>
    %mul3A_2428 = arith.muli %min3A_2427, %gather3A_2418 : vector<16xi32>
    %add3A_2429 = arith.addi %add3A_2402, %mul3A_2428 : vector<16xi32>
    %sub3A_2430 = arith.constant 8 : i32
    %sub3A_2431 = vector.broadcast %sub3A_2430 : i32 to vector<16xi32>
    %sub3A_2432 = arith.subi %iota3A, %sub3A_2431 : vector<16xi32>
    %max3A_2433 = arith.constant 0 : i32
    %max3A_2434 = vector.broadcast %max3A_2433 : i32 to vector<16xi32>
    %max3A_2435 = arith.maxsi %sub3A_2432, %max3A_2434 : vector<16xi32>
    %lt3A_2436 = arith.constant 0 : i32
    %lt3A_2437 = vector.broadcast %lt3A_2436 : i32 to vector<16xi32>
    %lt3A_2438 = arith.cmpi slt, %max3A_2435, %lt3A_2437 : vector<16xi32>
    %add3A_2439 = arith.constant 16 : i32
    %add3A_2440 = vector.broadcast %add3A_2439 : i32 to vector<16xi32>
    %add3A_2441 = arith.addi %max3A_2435, %add3A_2440 : vector<16xi32>
    %select_n3A_2442 = arith.select %lt3A_2438, %add3A_2441, %max3A_2435 : vector<16xi1>, vector<16xi32>
    %broadcast_in_dim3A_2443 = vector.shape_cast %select_n3A_2442 : vector<16xi32> to vector<16x1xi32>
    %gather3A_2444 = vector.shape_cast %broadcast_in_dim3A_2443 : vector<16x1xi32> to vector<16xi32>
    %gather3A_2445 = tpu.dynamic_gather %add3A_2429[%gather3A_2444] in [0] : vector<16xi32>, vector<16xi32> -> vector<16xi32>
    %sub3A_2446 = arith.constant 7 : i32
    %sub3A_2447 = vector.broadcast %sub3A_2446 : i32 to vector<16xi32>
    %sub3A_2448 = arith.subi %iota3A, %sub3A_2447 : vector<16xi32>
    %jit3A_2449 = arith.constant 0 : i32
    %jit3A_2450 = arith.constant 1 : i32
    %max3A_2451 = vector.broadcast %jit3A_2449 : i32 to vector<16xi32>
    %max3A_2452 = arith.maxsi %max3A_2451, %sub3A_2448 : vector<16xi32>
    %min3A_2453 = vector.broadcast %jit3A_2450 : i32 to vector<16xi32>
    %min3A_2454 = arith.minsi %min3A_2453, %max3A_2452 : vector<16xi32>
    %mul3A_2455 = arith.muli %min3A_2454, %gather3A_2445 : vector<16xi32>
    %add3A_2456 = arith.addi %add3A_2429, %mul3A_2455 : vector<16xi32>
    %add3A_2457 = arith.addi %add3A_2340, %add3A_2456 : vector<16xi32>
    %mul3A_2458 = arith.muli %add3A_2457, %shift_right_logical3A_2348 : vector<16xi32>
    %swap3A_2459 = arith.constant 7 : i32
    %swap3A_2460 = arith.index_cast %swap3A_2459 : i32 to index
    %swap3A_2461 = arith.constant 0 : index
    %swap3A_2462 = tpu.vector_load %arg7[%swap3A_2460, %swap3A_2461] {strides = array<i32>} : memref<16x16xi32, #tpu.memory_space<vmem>>, vector<1x16xi32>,
    %swap3A_2463 = vector.shape_cast %swap3A_2462 : vector<1x16xi32> to vector<16xi32>
    %swap3A_2464 = vector.shape_cast %mul3A_2458 : vector<16xi32> to vector<1x16xi32>
    tpu.vector_store %arg7[%swap3A_2460, %swap3A_2461], %swap3A_2464 {strides = array<i32>} : memref<16x16xi32, #tpu.memory_space<vmem>>, vector<1x16xi32>,
    %lt3A_2465 = arith.constant 0 : i32
    %lt3A_2466 = vector.broadcast %lt3A_2465 : i32 to vector<16xi32>
    %lt3A_2467 = arith.cmpi slt, %broadcast_in_dim3A_43, %lt3A_2466 : vector<16xi32>
    %add3A_2468 = arith.constant 16 : i32
    %add3A_2469 = vector.broadcast %add3A_2468 : i32 to vector<16xi32>
    %add3A_2470 = arith.addi %broadcast_in_dim3A_43, %add3A_2469 : vector<16xi32>
    %select_n3A_2471 = arith.select %lt3A_2467, %add3A_2470, %broadcast_in_dim3A_43 : vector<16xi1>, vector<16xi32>
    %broadcast_in_dim3A_2472 = vector.shape_cast %select_n3A_2471 : vector<16xi32> to vector<16x1xi32>
    %gather3A_2473 = vector.shape_cast %broadcast_in_dim3A_2472 : vector<16x1xi32> to vector<16xi32>
    %gather3A_2474 = tpu.dynamic_gather %add3A_2456[%gather3A_2473] in [0] : vector<16xi32>, vector<16xi32> -> vector<16xi32>
    %add3A_2475 = arith.addi %add3A_2340, %gather3A_2474 : vector<16xi32>
    %get3A_2476 = arith.constant 128 : index
    %get3A_2477 = tpu.vector_load %arg6[%get3A_2476] {strides = array<i32>} : memref<256xi32, #tpu.memory_space<vmem>>, vector<16xi32>,
    %get3A_2478 = vector.shape_cast %get3A_2477 : vector<16xi32> to vector<16xi32>
    %sub3A_2479 = arith.subi %broadcast_in_dim3A_41, %get3A_2478 : vector<16xi32>
    %or3A_2480 = arith.ori %get3A_2478, %sub3A_2479 : vector<16xi32>
    %shift_right_logical3A_2481 = arith.constant 31 : i32
    %shift_right_logical3A_2482 = vector.broadcast %shift_right_logical3A_2481 : i32 to vector<16xi32>
    %shift_right_logical3A_2483 = arith.shrui %or3A_2480, %shift_right_logical3A_2482 : vector<16xi32>
    %sub3A_2484 = arith.constant 1 : i32
    %sub3A_2485 = vector.broadcast %sub3A_2484 : i32 to vector<16xi32>
    %sub3A_2486 = arith.subi %iota3A, %sub3A_2485 : vector<16xi32>
    %max3A_2487 = arith.constant 0 : i32
    %max3A_2488 = vector.broadcast %max3A_2487 : i32 to vector<16xi32>
    %max3A_2489 = arith.maxsi %sub3A_2486, %max3A_2488 : vector<16xi32>
    %lt3A_2490 = arith.constant 0 : i32
    %lt3A_2491 = vector.broadcast %lt3A_2490 : i32 to vector<16xi32>
    %lt3A_2492 = arith.cmpi slt, %max3A_2489, %lt3A_2491 : vector<16xi32>
    %add3A_2493 = arith.constant 16 : i32
    %add3A_2494 = vector.broadcast %add3A_2493 : i32 to vector<16xi32>
    %add3A_2495 = arith.addi %max3A_2489, %add3A_2494 : vector<16xi32>
    %select_n3A_2496 = arith.select %lt3A_2492, %add3A_2495, %max3A_2489 : vector<16xi1>, vector<16xi32>
    %broadcast_in_dim3A_2497 = vector.shape_cast %select_n3A_2496 : vector<16xi32> to vector<16x1xi32>
    %gather3A_2498 = vector.shape_cast %broadcast_in_dim3A_2497 : vector<16x1xi32> to vector<16xi32>
    %gather3A_2499 = tpu.dynamic_gather %shift_right_logical3A_2483[%gather3A_2498] in [0] : vector<16xi32>, vector<16xi32> -> vector<16xi32>
    %sub3A_2500 = arith.constant 0 : i32
    %sub3A_2501 = vector.broadcast %sub3A_2500 : i32 to vector<16xi32>
    %sub3A_2502 = arith.subi %iota3A, %sub3A_2501 : vector<16xi32>
    %jit3A_2503 = arith.constant 0 : i32
    %jit3A_2504 = arith.constant 1 : i32
    %max3A_2505 = vector.broadcast %jit3A_2503 : i32 to vector<16xi32>
    %max3A_2506 = arith.maxsi %max3A_2505, %sub3A_2502 : vector<16xi32>
    %min3A_2507 = vector.broadcast %jit3A_2504 : i32 to vector<16xi32>
    %min3A_2508 = arith.minsi %min3A_2507, %max3A_2506 : vector<16xi32>
    %mul3A_2509 = arith.muli %min3A_2508, %gather3A_2499 : vector<16xi32>
    %add3A_2510 = arith.addi %shift_right_logical3A_2483, %mul3A_2509 : vector<16xi32>
    %sub3A_2511 = arith.constant 2 : i32
    %sub3A_2512 = vector.broadcast %sub3A_2511 : i32 to vector<16xi32>
    %sub3A_2513 = arith.subi %iota3A, %sub3A_2512 : vector<16xi32>
    %max3A_2514 = arith.constant 0 : i32
    %max3A_2515 = vector.broadcast %max3A_2514 : i32 to vector<16xi32>
    %max3A_2516 = arith.maxsi %sub3A_2513, %max3A_2515 : vector<16xi32>
    %lt3A_2517 = arith.constant 0 : i32
    %lt3A_2518 = vector.broadcast %lt3A_2517 : i32 to vector<16xi32>
    %lt3A_2519 = arith.cmpi slt, %max3A_2516, %lt3A_2518 : vector<16xi32>
    %add3A_2520 = arith.constant 16 : i32
    %add3A_2521 = vector.broadcast %add3A_2520 : i32 to vector<16xi32>
    %add3A_2522 = arith.addi %max3A_2516, %add3A_2521 : vector<16xi32>
    %select_n3A_2523 = arith.select %lt3A_2519, %add3A_2522, %max3A_2516 : vector<16xi1>, vector<16xi32>
    %broadcast_in_dim3A_2524 = vector.shape_cast %select_n3A_2523 : vector<16xi32> to vector<16x1xi32>
    %gather3A_2525 = vector.shape_cast %broadcast_in_dim3A_2524 : vector<16x1xi32> to vector<16xi32>
    %gather3A_2526 = tpu.dynamic_gather %add3A_2510[%gather3A_2525] in [0] : vector<16xi32>, vector<16xi32> -> vector<16xi32>
    %sub3A_2527 = arith.constant 1 : i32
    %sub3A_2528 = vector.broadcast %sub3A_2527 : i32 to vector<16xi32>
    %sub3A_2529 = arith.subi %iota3A, %sub3A_2528 : vector<16xi32>
    %jit3A_2530 = arith.constant 0 : i32
    %jit3A_2531 = arith.constant 1 : i32
    %max3A_2532 = vector.broadcast %jit3A_2530 : i32 to vector<16xi32>
    %max3A_2533 = arith.maxsi %max3A_2532, %sub3A_2529 : vector<16xi32>
    %min3A_2534 = vector.broadcast %jit3A_2531 : i32 to vector<16xi32>
    %min3A_2535 = arith.minsi %min3A_2534, %max3A_2533 : vector<16xi32>
    %mul3A_2536 = arith.muli %min3A_2535, %gather3A_2526 : vector<16xi32>
    %add3A_2537 = arith.addi %add3A_2510, %mul3A_2536 : vector<16xi32>
    %sub3A_2538 = arith.constant 4 : i32
    %sub3A_2539 = vector.broadcast %sub3A_2538 : i32 to vector<16xi32>
    %sub3A_2540 = arith.subi %iota3A, %sub3A_2539 : vector<16xi32>
    %max3A_2541 = arith.constant 0 : i32
    %max3A_2542 = vector.broadcast %max3A_2541 : i32 to vector<16xi32>
    %max3A_2543 = arith.maxsi %sub3A_2540, %max3A_2542 : vector<16xi32>
    %lt3A_2544 = arith.constant 0 : i32
    %lt3A_2545 = vector.broadcast %lt3A_2544 : i32 to vector<16xi32>
    %lt3A_2546 = arith.cmpi slt, %max3A_2543, %lt3A_2545 : vector<16xi32>
    %add3A_2547 = arith.constant 16 : i32
    %add3A_2548 = vector.broadcast %add3A_2547 : i32 to vector<16xi32>
    %add3A_2549 = arith.addi %max3A_2543, %add3A_2548 : vector<16xi32>
    %select_n3A_2550 = arith.select %lt3A_2546, %add3A_2549, %max3A_2543 : vector<16xi1>, vector<16xi32>
    %broadcast_in_dim3A_2551 = vector.shape_cast %select_n3A_2550 : vector<16xi32> to vector<16x1xi32>
    %gather3A_2552 = vector.shape_cast %broadcast_in_dim3A_2551 : vector<16x1xi32> to vector<16xi32>
    %gather3A_2553 = tpu.dynamic_gather %add3A_2537[%gather3A_2552] in [0] : vector<16xi32>, vector<16xi32> -> vector<16xi32>
    %sub3A_2554 = arith.constant 3 : i32
    %sub3A_2555 = vector.broadcast %sub3A_2554 : i32 to vector<16xi32>
    %sub3A_2556 = arith.subi %iota3A, %sub3A_2555 : vector<16xi32>
    %jit3A_2557 = arith.constant 0 : i32
    %jit3A_2558 = arith.constant 1 : i32
    %max3A_2559 = vector.broadcast %jit3A_2557 : i32 to vector<16xi32>
    %max3A_2560 = arith.maxsi %max3A_2559, %sub3A_2556 : vector<16xi32>
    %min3A_2561 = vector.broadcast %jit3A_2558 : i32 to vector<16xi32>
    %min3A_2562 = arith.minsi %min3A_2561, %max3A_2560 : vector<16xi32>
    %mul3A_2563 = arith.muli %min3A_2562, %gather3A_2553 : vector<16xi32>
    %add3A_2564 = arith.addi %add3A_2537, %mul3A_2563 : vector<16xi32>
    %sub3A_2565 = arith.constant 8 : i32
    %sub3A_2566 = vector.broadcast %sub3A_2565 : i32 to vector<16xi32>
    %sub3A_2567 = arith.subi %iota3A, %sub3A_2566 : vector<16xi32>
    %max3A_2568 = arith.constant 0 : i32
    %max3A_2569 = vector.broadcast %max3A_2568 : i32 to vector<16xi32>
    %max3A_2570 = arith.maxsi %sub3A_2567, %max3A_2569 : vector<16xi32>
    %lt3A_2571 = arith.constant 0 : i32
    %lt3A_2572 = vector.broadcast %lt3A_2571 : i32 to vector<16xi32>
    %lt3A_2573 = arith.cmpi slt, %max3A_2570, %lt3A_2572 : vector<16xi32>
    %add3A_2574 = arith.constant 16 : i32
    %add3A_2575 = vector.broadcast %add3A_2574 : i32 to vector<16xi32>
    %add3A_2576 = arith.addi %max3A_2570, %add3A_2575 : vector<16xi32>
    %select_n3A_2577 = arith.select %lt3A_2573, %add3A_2576, %max3A_2570 : vector<16xi1>, vector<16xi32>
    %broadcast_in_dim3A_2578 = vector.shape_cast %select_n3A_2577 : vector<16xi32> to vector<16x1xi32>
    %gather3A_2579 = vector.shape_cast %broadcast_in_dim3A_2578 : vector<16x1xi32> to vector<16xi32>
    %gather3A_2580 = tpu.dynamic_gather %add3A_2564[%gather3A_2579] in [0] : vector<16xi32>, vector<16xi32> -> vector<16xi32>
    %sub3A_2581 = arith.constant 7 : i32
    %sub3A_2582 = vector.broadcast %sub3A_2581 : i32 to vector<16xi32>
    %sub3A_2583 = arith.subi %iota3A, %sub3A_2582 : vector<16xi32>
    %jit3A_2584 = arith.constant 0 : i32
    %jit3A_2585 = arith.constant 1 : i32
    %max3A_2586 = vector.broadcast %jit3A_2584 : i32 to vector<16xi32>
    %max3A_2587 = arith.maxsi %max3A_2586, %sub3A_2583 : vector<16xi32>
    %min3A_2588 = vector.broadcast %jit3A_2585 : i32 to vector<16xi32>
    %min3A_2589 = arith.minsi %min3A_2588, %max3A_2587 : vector<16xi32>
    %mul3A_2590 = arith.muli %min3A_2589, %gather3A_2580 : vector<16xi32>
    %add3A_2591 = arith.addi %add3A_2564, %mul3A_2590 : vector<16xi32>
    %add3A_2592 = arith.addi %add3A_2475, %add3A_2591 : vector<16xi32>
    %mul3A_2593 = arith.muli %add3A_2592, %shift_right_logical3A_2483 : vector<16xi32>
    %swap3A_2594 = arith.constant 8 : i32
    %swap3A_2595 = arith.index_cast %swap3A_2594 : i32 to index
    %swap3A_2596 = arith.constant 0 : index
    %swap3A_2597 = tpu.vector_load %arg7[%swap3A_2595, %swap3A_2596] {strides = array<i32>} : memref<16x16xi32, #tpu.memory_space<vmem>>, vector<1x16xi32>,
    %swap3A_2598 = vector.shape_cast %swap3A_2597 : vector<1x16xi32> to vector<16xi32>
    %swap3A_2599 = vector.shape_cast %mul3A_2593 : vector<16xi32> to vector<1x16xi32>
    tpu.vector_store %arg7[%swap3A_2595, %swap3A_2596], %swap3A_2599 {strides = array<i32>} : memref<16x16xi32, #tpu.memory_space<vmem>>, vector<1x16xi32>,
    %lt3A_2600 = arith.constant 0 : i32
    %lt3A_2601 = vector.broadcast %lt3A_2600 : i32 to vector<16xi32>
    %lt3A_2602 = arith.cmpi slt, %broadcast_in_dim3A_43, %lt3A_2601 : vector<16xi32>
    %add3A_2603 = arith.constant 16 : i32
    %add3A_2604 = vector.broadcast %add3A_2603 : i32 to vector<16xi32>
    %add3A_2605 = arith.addi %broadcast_in_dim3A_43, %add3A_2604 : vector<16xi32>
    %select_n3A_2606 = arith.select %lt3A_2602, %add3A_2605, %broadcast_in_dim3A_43 : vector<16xi1>, vector<16xi32>
    %broadcast_in_dim3A_2607 = vector.shape_cast %select_n3A_2606 : vector<16xi32> to vector<16x1xi32>
    %gather3A_2608 = vector.shape_cast %broadcast_in_dim3A_2607 : vector<16x1xi32> to vector<16xi32>
    %gather3A_2609 = tpu.dynamic_gather %add3A_2591[%gather3A_2608] in [0] : vector<16xi32>, vector<16xi32> -> vector<16xi32>
    %add3A_2610 = arith.addi %add3A_2475, %gather3A_2609 : vector<16xi32>
    %get3A_2611 = arith.constant 144 : index
    %get3A_2612 = tpu.vector_load %arg6[%get3A_2611] {strides = array<i32>} : memref<256xi32, #tpu.memory_space<vmem>>, vector<16xi32>,
    %get3A_2613 = vector.shape_cast %get3A_2612 : vector<16xi32> to vector<16xi32>
    %sub3A_2614 = arith.subi %broadcast_in_dim3A_41, %get3A_2613 : vector<16xi32>
    %or3A_2615 = arith.ori %get3A_2613, %sub3A_2614 : vector<16xi32>
    %shift_right_logical3A_2616 = arith.constant 31 : i32
    %shift_right_logical3A_2617 = vector.broadcast %shift_right_logical3A_2616 : i32 to vector<16xi32>
    %shift_right_logical3A_2618 = arith.shrui %or3A_2615, %shift_right_logical3A_2617 : vector<16xi32>
    %sub3A_2619 = arith.constant 1 : i32
    %sub3A_2620 = vector.broadcast %sub3A_2619 : i32 to vector<16xi32>
    %sub3A_2621 = arith.subi %iota3A, %sub3A_2620 : vector<16xi32>
    %max3A_2622 = arith.constant 0 : i32
    %max3A_2623 = vector.broadcast %max3A_2622 : i32 to vector<16xi32>
    %max3A_2624 = arith.maxsi %sub3A_2621, %max3A_2623 : vector<16xi32>
    %lt3A_2625 = arith.constant 0 : i32
    %lt3A_2626 = vector.broadcast %lt3A_2625 : i32 to vector<16xi32>
    %lt3A_2627 = arith.cmpi slt, %max3A_2624, %lt3A_2626 : vector<16xi32>
    %add3A_2628 = arith.constant 16 : i32
    %add3A_2629 = vector.broadcast %add3A_2628 : i32 to vector<16xi32>
    %add3A_2630 = arith.addi %max3A_2624, %add3A_2629 : vector<16xi32>
    %select_n3A_2631 = arith.select %lt3A_2627, %add3A_2630, %max3A_2624 : vector<16xi1>, vector<16xi32>
    %broadcast_in_dim3A_2632 = vector.shape_cast %select_n3A_2631 : vector<16xi32> to vector<16x1xi32>
    %gather3A_2633 = vector.shape_cast %broadcast_in_dim3A_2632 : vector<16x1xi32> to vector<16xi32>
    %gather3A_2634 = tpu.dynamic_gather %shift_right_logical3A_2618[%gather3A_2633] in [0] : vector<16xi32>, vector<16xi32> -> vector<16xi32>
    %sub3A_2635 = arith.constant 0 : i32
    %sub3A_2636 = vector.broadcast %sub3A_2635 : i32 to vector<16xi32>
    %sub3A_2637 = arith.subi %iota3A, %sub3A_2636 : vector<16xi32>
    %jit3A_2638 = arith.constant 0 : i32
    %jit3A_2639 = arith.constant 1 : i32
    %max3A_2640 = vector.broadcast %jit3A_2638 : i32 to vector<16xi32>
    %max3A_2641 = arith.maxsi %max3A_2640, %sub3A_2637 : vector<16xi32>
    %min3A_2642 = vector.broadcast %jit3A_2639 : i32 to vector<16xi32>
    %min3A_2643 = arith.minsi %min3A_2642, %max3A_2641 : vector<16xi32>
    %mul3A_2644 = arith.muli %min3A_2643, %gather3A_2634 : vector<16xi32>
    %add3A_2645 = arith.addi %shift_right_logical3A_2618, %mul3A_2644 : vector<16xi32>
    %sub3A_2646 = arith.constant 2 : i32
    %sub3A_2647 = vector.broadcast %sub3A_2646 : i32 to vector<16xi32>
    %sub3A_2648 = arith.subi %iota3A, %sub3A_2647 : vector<16xi32>
    %max3A_2649 = arith.constant 0 : i32
    %max3A_2650 = vector.broadcast %max3A_2649 : i32 to vector<16xi32>
    %max3A_2651 = arith.maxsi %sub3A_2648, %max3A_2650 : vector<16xi32>
    %lt3A_2652 = arith.constant 0 : i32
    %lt3A_2653 = vector.broadcast %lt3A_2652 : i32 to vector<16xi32>
    %lt3A_2654 = arith.cmpi slt, %max3A_2651, %lt3A_2653 : vector<16xi32>
    %add3A_2655 = arith.constant 16 : i32
    %add3A_2656 = vector.broadcast %add3A_2655 : i32 to vector<16xi32>
    %add3A_2657 = arith.addi %max3A_2651, %add3A_2656 : vector<16xi32>
    %select_n3A_2658 = arith.select %lt3A_2654, %add3A_2657, %max3A_2651 : vector<16xi1>, vector<16xi32>
    %broadcast_in_dim3A_2659 = vector.shape_cast %select_n3A_2658 : vector<16xi32> to vector<16x1xi32>
    %gather3A_2660 = vector.shape_cast %broadcast_in_dim3A_2659 : vector<16x1xi32> to vector<16xi32>
    %gather3A_2661 = tpu.dynamic_gather %add3A_2645[%gather3A_2660] in [0] : vector<16xi32>, vector<16xi32> -> vector<16xi32>
    %sub3A_2662 = arith.constant 1 : i32
    %sub3A_2663 = vector.broadcast %sub3A_2662 : i32 to vector<16xi32>
    %sub3A_2664 = arith.subi %iota3A, %sub3A_2663 : vector<16xi32>
    %jit3A_2665 = arith.constant 0 : i32
    %jit3A_2666 = arith.constant 1 : i32
    %max3A_2667 = vector.broadcast %jit3A_2665 : i32 to vector<16xi32>
    %max3A_2668 = arith.maxsi %max3A_2667, %sub3A_2664 : vector<16xi32>
    %min3A_2669 = vector.broadcast %jit3A_2666 : i32 to vector<16xi32>
    %min3A_2670 = arith.minsi %min3A_2669, %max3A_2668 : vector<16xi32>
    %mul3A_2671 = arith.muli %min3A_2670, %gather3A_2661 : vector<16xi32>
    %add3A_2672 = arith.addi %add3A_2645, %mul3A_2671 : vector<16xi32>
    %sub3A_2673 = arith.constant 4 : i32
    %sub3A_2674 = vector.broadcast %sub3A_2673 : i32 to vector<16xi32>
    %sub3A_2675 = arith.subi %iota3A, %sub3A_2674 : vector<16xi32>
    %max3A_2676 = arith.constant 0 : i32
    %max3A_2677 = vector.broadcast %max3A_2676 : i32 to vector<16xi32>
    %max3A_2678 = arith.maxsi %sub3A_2675, %max3A_2677 : vector<16xi32>
    %lt3A_2679 = arith.constant 0 : i32
    %lt3A_2680 = vector.broadcast %lt3A_2679 : i32 to vector<16xi32>
    %lt3A_2681 = arith.cmpi slt, %max3A_2678, %lt3A_2680 : vector<16xi32>
    %add3A_2682 = arith.constant 16 : i32
    %add3A_2683 = vector.broadcast %add3A_2682 : i32 to vector<16xi32>
    %add3A_2684 = arith.addi %max3A_2678, %add3A_2683 : vector<16xi32>
    %select_n3A_2685 = arith.select %lt3A_2681, %add3A_2684, %max3A_2678 : vector<16xi1>, vector<16xi32>
    %broadcast_in_dim3A_2686 = vector.shape_cast %select_n3A_2685 : vector<16xi32> to vector<16x1xi32>
    %gather3A_2687 = vector.shape_cast %broadcast_in_dim3A_2686 : vector<16x1xi32> to vector<16xi32>
    %gather3A_2688 = tpu.dynamic_gather %add3A_2672[%gather3A_2687] in [0] : vector<16xi32>, vector<16xi32> -> vector<16xi32>
    %sub3A_2689 = arith.constant 3 : i32
    %sub3A_2690 = vector.broadcast %sub3A_2689 : i32 to vector<16xi32>
    %sub3A_2691 = arith.subi %iota3A, %sub3A_2690 : vector<16xi32>
    %jit3A_2692 = arith.constant 0 : i32
    %jit3A_2693 = arith.constant 1 : i32
    %max3A_2694 = vector.broadcast %jit3A_2692 : i32 to vector<16xi32>
    %max3A_2695 = arith.maxsi %max3A_2694, %sub3A_2691 : vector<16xi32>
    %min3A_2696 = vector.broadcast %jit3A_2693 : i32 to vector<16xi32>
    %min3A_2697 = arith.minsi %min3A_2696, %max3A_2695 : vector<16xi32>
    %mul3A_2698 = arith.muli %min3A_2697, %gather3A_2688 : vector<16xi32>
    %add3A_2699 = arith.addi %add3A_2672, %mul3A_2698 : vector<16xi32>
    %sub3A_2700 = arith.constant 8 : i32
    %sub3A_2701 = vector.broadcast %sub3A_2700 : i32 to vector<16xi32>
    %sub3A_2702 = arith.subi %iota3A, %sub3A_2701 : vector<16xi32>
    %max3A_2703 = arith.constant 0 : i32
    %max3A_2704 = vector.broadcast %max3A_2703 : i32 to vector<16xi32>
    %max3A_2705 = arith.maxsi %sub3A_2702, %max3A_2704 : vector<16xi32>
    %lt3A_2706 = arith.constant 0 : i32
    %lt3A_2707 = vector.broadcast %lt3A_2706 : i32 to vector<16xi32>
    %lt3A_2708 = arith.cmpi slt, %max3A_2705, %lt3A_2707 : vector<16xi32>
    %add3A_2709 = arith.constant 16 : i32
    %add3A_2710 = vector.broadcast %add3A_2709 : i32 to vector<16xi32>
    %add3A_2711 = arith.addi %max3A_2705, %add3A_2710 : vector<16xi32>
    %select_n3A_2712 = arith.select %lt3A_2708, %add3A_2711, %max3A_2705 : vector<16xi1>, vector<16xi32>
    %broadcast_in_dim3A_2713 = vector.shape_cast %select_n3A_2712 : vector<16xi32> to vector<16x1xi32>
    %gather3A_2714 = vector.shape_cast %broadcast_in_dim3A_2713 : vector<16x1xi32> to vector<16xi32>
    %gather3A_2715 = tpu.dynamic_gather %add3A_2699[%gather3A_2714] in [0] : vector<16xi32>, vector<16xi32> -> vector<16xi32>
    %sub3A_2716 = arith.constant 7 : i32
    %sub3A_2717 = vector.broadcast %sub3A_2716 : i32 to vector<16xi32>
    %sub3A_2718 = arith.subi %iota3A, %sub3A_2717 : vector<16xi32>
    %jit3A_2719 = arith.constant 0 : i32
    %jit3A_2720 = arith.constant 1 : i32
    %max3A_2721 = vector.broadcast %jit3A_2719 : i32 to vector<16xi32>
    %max3A_2722 = arith.maxsi %max3A_2721, %sub3A_2718 : vector<16xi32>
    %min3A_2723 = vector.broadcast %jit3A_2720 : i32 to vector<16xi32>
    %min3A_2724 = arith.minsi %min3A_2723, %max3A_2722 : vector<16xi32>
    %mul3A_2725 = arith.muli %min3A_2724, %gather3A_2715 : vector<16xi32>
    %add3A_2726 = arith.addi %add3A_2699, %mul3A_2725 : vector<16xi32>
    %add3A_2727 = arith.addi %add3A_2610, %add3A_2726 : vector<16xi32>
    %mul3A_2728 = arith.muli %add3A_2727, %shift_right_logical3A_2618 : vector<16xi32>
    %swap3A_2729 = arith.constant 9 : i32
    %swap3A_2730 = arith.index_cast %swap3A_2729 : i32 to index
    %swap3A_2731 = arith.constant 0 : index
    %swap3A_2732 = tpu.vector_load %arg7[%swap3A_2730, %swap3A_2731] {strides = array<i32>} : memref<16x16xi32, #tpu.memory_space<vmem>>, vector<1x16xi32>,
    %swap3A_2733 = vector.shape_cast %swap3A_2732 : vector<1x16xi32> to vector<16xi32>
    %swap3A_2734 = vector.shape_cast %mul3A_2728 : vector<16xi32> to vector<1x16xi32>
    tpu.vector_store %arg7[%swap3A_2730, %swap3A_2731], %swap3A_2734 {strides = array<i32>} : memref<16x16xi32, #tpu.memory_space<vmem>>, vector<1x16xi32>,
    %lt3A_2735 = arith.constant 0 : i32
    %lt3A_2736 = vector.broadcast %lt3A_2735 : i32 to vector<16xi32>
    %lt3A_2737 = arith.cmpi slt, %broadcast_in_dim3A_43, %lt3A_2736 : vector<16xi32>
    %add3A_2738 = arith.constant 16 : i32
    %add3A_2739 = vector.broadcast %add3A_2738 : i32 to vector<16xi32>
    %add3A_2740 = arith.addi %broadcast_in_dim3A_43, %add3A_2739 : vector<16xi32>
    %select_n3A_2741 = arith.select %lt3A_2737, %add3A_2740, %broadcast_in_dim3A_43 : vector<16xi1>, vector<16xi32>
    %broadcast_in_dim3A_2742 = vector.shape_cast %select_n3A_2741 : vector<16xi32> to vector<16x1xi32>
    %gather3A_2743 = vector.shape_cast %broadcast_in_dim3A_2742 : vector<16x1xi32> to vector<16xi32>
    %gather3A_2744 = tpu.dynamic_gather %add3A_2726[%gather3A_2743] in [0] : vector<16xi32>, vector<16xi32> -> vector<16xi32>
    %add3A_2745 = arith.addi %add3A_2610, %gather3A_2744 : vector<16xi32>
    %get3A_2746 = arith.constant 160 : index
    %get3A_2747 = tpu.vector_load %arg6[%get3A_2746] {strides = array<i32>} : memref<256xi32, #tpu.memory_space<vmem>>, vector<16xi32>,
    %get3A_2748 = vector.shape_cast %get3A_2747 : vector<16xi32> to vector<16xi32>
    %sub3A_2749 = arith.subi %broadcast_in_dim3A_41, %get3A_2748 : vector<16xi32>
    %or3A_2750 = arith.ori %get3A_2748, %sub3A_2749 : vector<16xi32>
    %shift_right_logical3A_2751 = arith.constant 31 : i32
    %shift_right_logical3A_2752 = vector.broadcast %shift_right_logical3A_2751 : i32 to vector<16xi32>
    %shift_right_logical3A_2753 = arith.shrui %or3A_2750, %shift_right_logical3A_2752 : vector<16xi32>
    %sub3A_2754 = arith.constant 1 : i32
    %sub3A_2755 = vector.broadcast %sub3A_2754 : i32 to vector<16xi32>
    %sub3A_2756 = arith.subi %iota3A, %sub3A_2755 : vector<16xi32>
    %max3A_2757 = arith.constant 0 : i32
    %max3A_2758 = vector.broadcast %max3A_2757 : i32 to vector<16xi32>
    %max3A_2759 = arith.maxsi %sub3A_2756, %max3A_2758 : vector<16xi32>
    %lt3A_2760 = arith.constant 0 : i32
    %lt3A_2761 = vector.broadcast %lt3A_2760 : i32 to vector<16xi32>
    %lt3A_2762 = arith.cmpi slt, %max3A_2759, %lt3A_2761 : vector<16xi32>
    %add3A_2763 = arith.constant 16 : i32
    %add3A_2764 = vector.broadcast %add3A_2763 : i32 to vector<16xi32>
    %add3A_2765 = arith.addi %max3A_2759, %add3A_2764 : vector<16xi32>
    %select_n3A_2766 = arith.select %lt3A_2762, %add3A_2765, %max3A_2759 : vector<16xi1>, vector<16xi32>
    %broadcast_in_dim3A_2767 = vector.shape_cast %select_n3A_2766 : vector<16xi32> to vector<16x1xi32>
    %gather3A_2768 = vector.shape_cast %broadcast_in_dim3A_2767 : vector<16x1xi32> to vector<16xi32>
    %gather3A_2769 = tpu.dynamic_gather %shift_right_logical3A_2753[%gather3A_2768] in [0] : vector<16xi32>, vector<16xi32> -> vector<16xi32>
    %sub3A_2770 = arith.constant 0 : i32
    %sub3A_2771 = vector.broadcast %sub3A_2770 : i32 to vector<16xi32>
    %sub3A_2772 = arith.subi %iota3A, %sub3A_2771 : vector<16xi32>
    %jit3A_2773 = arith.constant 0 : i32
    %jit3A_2774 = arith.constant 1 : i32
    %max3A_2775 = vector.broadcast %jit3A_2773 : i32 to vector<16xi32>
    %max3A_2776 = arith.maxsi %max3A_2775, %sub3A_2772 : vector<16xi32>
    %min3A_2777 = vector.broadcast %jit3A_2774 : i32 to vector<16xi32>
    %min3A_2778 = arith.minsi %min3A_2777, %max3A_2776 : vector<16xi32>
    %mul3A_2779 = arith.muli %min3A_2778, %gather3A_2769 : vector<16xi32>
    %add3A_2780 = arith.addi %shift_right_logical3A_2753, %mul3A_2779 : vector<16xi32>
    %sub3A_2781 = arith.constant 2 : i32
    %sub3A_2782 = vector.broadcast %sub3A_2781 : i32 to vector<16xi32>
    %sub3A_2783 = arith.subi %iota3A, %sub3A_2782 : vector<16xi32>
    %max3A_2784 = arith.constant 0 : i32
    %max3A_2785 = vector.broadcast %max3A_2784 : i32 to vector<16xi32>
    %max3A_2786 = arith.maxsi %sub3A_2783, %max3A_2785 : vector<16xi32>
    %lt3A_2787 = arith.constant 0 : i32
    %lt3A_2788 = vector.broadcast %lt3A_2787 : i32 to vector<16xi32>
    %lt3A_2789 = arith.cmpi slt, %max3A_2786, %lt3A_2788 : vector<16xi32>
    %add3A_2790 = arith.constant 16 : i32
    %add3A_2791 = vector.broadcast %add3A_2790 : i32 to vector<16xi32>
    %add3A_2792 = arith.addi %max3A_2786, %add3A_2791 : vector<16xi32>
    %select_n3A_2793 = arith.select %lt3A_2789, %add3A_2792, %max3A_2786 : vector<16xi1>, vector<16xi32>
    %broadcast_in_dim3A_2794 = vector.shape_cast %select_n3A_2793 : vector<16xi32> to vector<16x1xi32>
    %gather3A_2795 = vector.shape_cast %broadcast_in_dim3A_2794 : vector<16x1xi32> to vector<16xi32>
    %gather3A_2796 = tpu.dynamic_gather %add3A_2780[%gather3A_2795] in [0] : vector<16xi32>, vector<16xi32> -> vector<16xi32>
    %sub3A_2797 = arith.constant 1 : i32
    %sub3A_2798 = vector.broadcast %sub3A_2797 : i32 to vector<16xi32>
    %sub3A_2799 = arith.subi %iota3A, %sub3A_2798 : vector<16xi32>
    %jit3A_2800 = arith.constant 0 : i32
    %jit3A_2801 = arith.constant 1 : i32
    %max3A_2802 = vector.broadcast %jit3A_2800 : i32 to vector<16xi32>
    %max3A_2803 = arith.maxsi %max3A_2802, %sub3A_2799 : vector<16xi32>
    %min3A_2804 = vector.broadcast %jit3A_2801 : i32 to vector<16xi32>
    %min3A_2805 = arith.minsi %min3A_2804, %max3A_2803 : vector<16xi32>
    %mul3A_2806 = arith.muli %min3A_2805, %gather3A_2796 : vector<16xi32>
    %add3A_2807 = arith.addi %add3A_2780, %mul3A_2806 : vector<16xi32>
    %sub3A_2808 = arith.constant 4 : i32
    %sub3A_2809 = vector.broadcast %sub3A_2808 : i32 to vector<16xi32>
    %sub3A_2810 = arith.subi %iota3A, %sub3A_2809 : vector<16xi32>
    %max3A_2811 = arith.constant 0 : i32
    %max3A_2812 = vector.broadcast %max3A_2811 : i32 to vector<16xi32>
    %max3A_2813 = arith.maxsi %sub3A_2810, %max3A_2812 : vector<16xi32>
    %lt3A_2814 = arith.constant 0 : i32
    %lt3A_2815 = vector.broadcast %lt3A_2814 : i32 to vector<16xi32>
    %lt3A_2816 = arith.cmpi slt, %max3A_2813, %lt3A_2815 : vector<16xi32>
    %add3A_2817 = arith.constant 16 : i32
    %add3A_2818 = vector.broadcast %add3A_2817 : i32 to vector<16xi32>
    %add3A_2819 = arith.addi %max3A_2813, %add3A_2818 : vector<16xi32>
    %select_n3A_2820 = arith.select %lt3A_2816, %add3A_2819, %max3A_2813 : vector<16xi1>, vector<16xi32>
    %broadcast_in_dim3A_2821 = vector.shape_cast %select_n3A_2820 : vector<16xi32> to vector<16x1xi32>
    %gather3A_2822 = vector.shape_cast %broadcast_in_dim3A_2821 : vector<16x1xi32> to vector<16xi32>
    %gather3A_2823 = tpu.dynamic_gather %add3A_2807[%gather3A_2822] in [0] : vector<16xi32>, vector<16xi32> -> vector<16xi32>
    %sub3A_2824 = arith.constant 3 : i32
    %sub3A_2825 = vector.broadcast %sub3A_2824 : i32 to vector<16xi32>
    %sub3A_2826 = arith.subi %iota3A, %sub3A_2825 : vector<16xi32>
    %jit3A_2827 = arith.constant 0 : i32
    %jit3A_2828 = arith.constant 1 : i32
    %max3A_2829 = vector.broadcast %jit3A_2827 : i32 to vector<16xi32>
    %max3A_2830 = arith.maxsi %max3A_2829, %sub3A_2826 : vector<16xi32>
    %min3A_2831 = vector.broadcast %jit3A_2828 : i32 to vector<16xi32>
    %min3A_2832 = arith.minsi %min3A_2831, %max3A_2830 : vector<16xi32>
    %mul3A_2833 = arith.muli %min3A_2832, %gather3A_2823 : vector<16xi32>
    %add3A_2834 = arith.addi %add3A_2807, %mul3A_2833 : vector<16xi32>
    %sub3A_2835 = arith.constant 8 : i32
    %sub3A_2836 = vector.broadcast %sub3A_2835 : i32 to vector<16xi32>
    %sub3A_2837 = arith.subi %iota3A, %sub3A_2836 : vector<16xi32>
    %max3A_2838 = arith.constant 0 : i32
    %max3A_2839 = vector.broadcast %max3A_2838 : i32 to vector<16xi32>
    %max3A_2840 = arith.maxsi %sub3A_2837, %max3A_2839 : vector<16xi32>
    %lt3A_2841 = arith.constant 0 : i32
    %lt3A_2842 = vector.broadcast %lt3A_2841 : i32 to vector<16xi32>
    %lt3A_2843 = arith.cmpi slt, %max3A_2840, %lt3A_2842 : vector<16xi32>
    %add3A_2844 = arith.constant 16 : i32
    %add3A_2845 = vector.broadcast %add3A_2844 : i32 to vector<16xi32>
    %add3A_2846 = arith.addi %max3A_2840, %add3A_2845 : vector<16xi32>
    %select_n3A_2847 = arith.select %lt3A_2843, %add3A_2846, %max3A_2840 : vector<16xi1>, vector<16xi32>
    %broadcast_in_dim3A_2848 = vector.shape_cast %select_n3A_2847 : vector<16xi32> to vector<16x1xi32>
    %gather3A_2849 = vector.shape_cast %broadcast_in_dim3A_2848 : vector<16x1xi32> to vector<16xi32>
    %gather3A_2850 = tpu.dynamic_gather %add3A_2834[%gather3A_2849] in [0] : vector<16xi32>, vector<16xi32> -> vector<16xi32>
    %sub3A_2851 = arith.constant 7 : i32
    %sub3A_2852 = vector.broadcast %sub3A_2851 : i32 to vector<16xi32>
    %sub3A_2853 = arith.subi %iota3A, %sub3A_2852 : vector<16xi32>
    %jit3A_2854 = arith.constant 0 : i32
    %jit3A_2855 = arith.constant 1 : i32
    %max3A_2856 = vector.broadcast %jit3A_2854 : i32 to vector<16xi32>
    %max3A_2857 = arith.maxsi %max3A_2856, %sub3A_2853 : vector<16xi32>
    %min3A_2858 = vector.broadcast %jit3A_2855 : i32 to vector<16xi32>
    %min3A_2859 = arith.minsi %min3A_2858, %max3A_2857 : vector<16xi32>
    %mul3A_2860 = arith.muli %min3A_2859, %gather3A_2850 : vector<16xi32>
    %add3A_2861 = arith.addi %add3A_2834, %mul3A_2860 : vector<16xi32>
    %add3A_2862 = arith.addi %add3A_2745, %add3A_2861 : vector<16xi32>
    %mul3A_2863 = arith.muli %add3A_2862, %shift_right_logical3A_2753 : vector<16xi32>
    %swap3A_2864 = arith.constant 10 : i32
    %swap3A_2865 = arith.index_cast %swap3A_2864 : i32 to index
    %swap3A_2866 = arith.constant 0 : index
    %swap3A_2867 = tpu.vector_load %arg7[%swap3A_2865, %swap3A_2866] {strides = array<i32>} : memref<16x16xi32, #tpu.memory_space<vmem>>, vector<1x16xi32>,
    %swap3A_2868 = vector.shape_cast %swap3A_2867 : vector<1x16xi32> to vector<16xi32>
    %swap3A_2869 = vector.shape_cast %mul3A_2863 : vector<16xi32> to vector<1x16xi32>
    tpu.vector_store %arg7[%swap3A_2865, %swap3A_2866], %swap3A_2869 {strides = array<i32>} : memref<16x16xi32, #tpu.memory_space<vmem>>, vector<1x16xi32>,
    %lt3A_2870 = arith.constant 0 : i32
    %lt3A_2871 = vector.broadcast %lt3A_2870 : i32 to vector<16xi32>
    %lt3A_2872 = arith.cmpi slt, %broadcast_in_dim3A_43, %lt3A_2871 : vector<16xi32>
    %add3A_2873 = arith.constant 16 : i32
    %add3A_2874 = vector.broadcast %add3A_2873 : i32 to vector<16xi32>
    %add3A_2875 = arith.addi %broadcast_in_dim3A_43, %add3A_2874 : vector<16xi32>
    %select_n3A_2876 = arith.select %lt3A_2872, %add3A_2875, %broadcast_in_dim3A_43 : vector<16xi1>, vector<16xi32>
    %broadcast_in_dim3A_2877 = vector.shape_cast %select_n3A_2876 : vector<16xi32> to vector<16x1xi32>
    %gather3A_2878 = vector.shape_cast %broadcast_in_dim3A_2877 : vector<16x1xi32> to vector<16xi32>
    %gather3A_2879 = tpu.dynamic_gather %add3A_2861[%gather3A_2878] in [0] : vector<16xi32>, vector<16xi32> -> vector<16xi32>
    %add3A_2880 = arith.addi %add3A_2745, %gather3A_2879 : vector<16xi32>
    %get3A_2881 = arith.constant 176 : index
    %get3A_2882 = tpu.vector_load %arg6[%get3A_2881] {strides = array<i32>} : memref<256xi32, #tpu.memory_space<vmem>>, vector<16xi32>,
    %get3A_2883 = vector.shape_cast %get3A_2882 : vector<16xi32> to vector<16xi32>
    %sub3A_2884 = arith.subi %broadcast_in_dim3A_41, %get3A_2883 : vector<16xi32>
    %or3A_2885 = arith.ori %get3A_2883, %sub3A_2884 : vector<16xi32>
    %shift_right_logical3A_2886 = arith.constant 31 : i32
    %shift_right_logical3A_2887 = vector.broadcast %shift_right_logical3A_2886 : i32 to vector<16xi32>
    %shift_right_logical3A_2888 = arith.shrui %or3A_2885, %shift_right_logical3A_2887 : vector<16xi32>
    %sub3A_2889 = arith.constant 1 : i32
    %sub3A_2890 = vector.broadcast %sub3A_2889 : i32 to vector<16xi32>
    %sub3A_2891 = arith.subi %iota3A, %sub3A_2890 : vector<16xi32>
    %max3A_2892 = arith.constant 0 : i32
    %max3A_2893 = vector.broadcast %max3A_2892 : i32 to vector<16xi32>
    %max3A_2894 = arith.maxsi %sub3A_2891, %max3A_2893 : vector<16xi32>
    %lt3A_2895 = arith.constant 0 : i32
    %lt3A_2896 = vector.broadcast %lt3A_2895 : i32 to vector<16xi32>
    %lt3A_2897 = arith.cmpi slt, %max3A_2894, %lt3A_2896 : vector<16xi32>
    %add3A_2898 = arith.constant 16 : i32
    %add3A_2899 = vector.broadcast %add3A_2898 : i32 to vector<16xi32>
    %add3A_2900 = arith.addi %max3A_2894, %add3A_2899 : vector<16xi32>
    %select_n3A_2901 = arith.select %lt3A_2897, %add3A_2900, %max3A_2894 : vector<16xi1>, vector<16xi32>
    %broadcast_in_dim3A_2902 = vector.shape_cast %select_n3A_2901 : vector<16xi32> to vector<16x1xi32>
    %gather3A_2903 = vector.shape_cast %broadcast_in_dim3A_2902 : vector<16x1xi32> to vector<16xi32>
    %gather3A_2904 = tpu.dynamic_gather %shift_right_logical3A_2888[%gather3A_2903] in [0] : vector<16xi32>, vector<16xi32> -> vector<16xi32>
    %sub3A_2905 = arith.constant 0 : i32
    %sub3A_2906 = vector.broadcast %sub3A_2905 : i32 to vector<16xi32>
    %sub3A_2907 = arith.subi %iota3A, %sub3A_2906 : vector<16xi32>
    %jit3A_2908 = arith.constant 0 : i32
    %jit3A_2909 = arith.constant 1 : i32
    %max3A_2910 = vector.broadcast %jit3A_2908 : i32 to vector<16xi32>
    %max3A_2911 = arith.maxsi %max3A_2910, %sub3A_2907 : vector<16xi32>
    %min3A_2912 = vector.broadcast %jit3A_2909 : i32 to vector<16xi32>
    %min3A_2913 = arith.minsi %min3A_2912, %max3A_2911 : vector<16xi32>
    %mul3A_2914 = arith.muli %min3A_2913, %gather3A_2904 : vector<16xi32>
    %add3A_2915 = arith.addi %shift_right_logical3A_2888, %mul3A_2914 : vector<16xi32>
    %sub3A_2916 = arith.constant 2 : i32
    %sub3A_2917 = vector.broadcast %sub3A_2916 : i32 to vector<16xi32>
    %sub3A_2918 = arith.subi %iota3A, %sub3A_2917 : vector<16xi32>
    %max3A_2919 = arith.constant 0 : i32
    %max3A_2920 = vector.broadcast %max3A_2919 : i32 to vector<16xi32>
    %max3A_2921 = arith.maxsi %sub3A_2918, %max3A_2920 : vector<16xi32>
    %lt3A_2922 = arith.constant 0 : i32
    %lt3A_2923 = vector.broadcast %lt3A_2922 : i32 to vector<16xi32>
    %lt3A_2924 = arith.cmpi slt, %max3A_2921, %lt3A_2923 : vector<16xi32>
    %add3A_2925 = arith.constant 16 : i32
    %add3A_2926 = vector.broadcast %add3A_2925 : i32 to vector<16xi32>
    %add3A_2927 = arith.addi %max3A_2921, %add3A_2926 : vector<16xi32>
    %select_n3A_2928 = arith.select %lt3A_2924, %add3A_2927, %max3A_2921 : vector<16xi1>, vector<16xi32>
    %broadcast_in_dim3A_2929 = vector.shape_cast %select_n3A_2928 : vector<16xi32> to vector<16x1xi32>
    %gather3A_2930 = vector.shape_cast %broadcast_in_dim3A_2929 : vector<16x1xi32> to vector<16xi32>
    %gather3A_2931 = tpu.dynamic_gather %add3A_2915[%gather3A_2930] in [0] : vector<16xi32>, vector<16xi32> -> vector<16xi32>
    %sub3A_2932 = arith.constant 1 : i32
    %sub3A_2933 = vector.broadcast %sub3A_2932 : i32 to vector<16xi32>
    %sub3A_2934 = arith.subi %iota3A, %sub3A_2933 : vector<16xi32>
    %jit3A_2935 = arith.constant 0 : i32
    %jit3A_2936 = arith.constant 1 : i32
    %max3A_2937 = vector.broadcast %jit3A_2935 : i32 to vector<16xi32>
    %max3A_2938 = arith.maxsi %max3A_2937, %sub3A_2934 : vector<16xi32>
    %min3A_2939 = vector.broadcast %jit3A_2936 : i32 to vector<16xi32>
    %min3A_2940 = arith.minsi %min3A_2939, %max3A_2938 : vector<16xi32>
    %mul3A_2941 = arith.muli %min3A_2940, %gather3A_2931 : vector<16xi32>
    %add3A_2942 = arith.addi %add3A_2915, %mul3A_2941 : vector<16xi32>
    %sub3A_2943 = arith.constant 4 : i32
    %sub3A_2944 = vector.broadcast %sub3A_2943 : i32 to vector<16xi32>
    %sub3A_2945 = arith.subi %iota3A, %sub3A_2944 : vector<16xi32>
    %max3A_2946 = arith.constant 0 : i32
    %max3A_2947 = vector.broadcast %max3A_2946 : i32 to vector<16xi32>
    %max3A_2948 = arith.maxsi %sub3A_2945, %max3A_2947 : vector<16xi32>
    %lt3A_2949 = arith.constant 0 : i32
    %lt3A_2950 = vector.broadcast %lt3A_2949 : i32 to vector<16xi32>
    %lt3A_2951 = arith.cmpi slt, %max3A_2948, %lt3A_2950 : vector<16xi32>
    %add3A_2952 = arith.constant 16 : i32
    %add3A_2953 = vector.broadcast %add3A_2952 : i32 to vector<16xi32>
    %add3A_2954 = arith.addi %max3A_2948, %add3A_2953 : vector<16xi32>
    %select_n3A_2955 = arith.select %lt3A_2951, %add3A_2954, %max3A_2948 : vector<16xi1>, vector<16xi32>
    %broadcast_in_dim3A_2956 = vector.shape_cast %select_n3A_2955 : vector<16xi32> to vector<16x1xi32>
    %gather3A_2957 = vector.shape_cast %broadcast_in_dim3A_2956 : vector<16x1xi32> to vector<16xi32>
    %gather3A_2958 = tpu.dynamic_gather %add3A_2942[%gather3A_2957] in [0] : vector<16xi32>, vector<16xi32> -> vector<16xi32>
    %sub3A_2959 = arith.constant 3 : i32
    %sub3A_2960 = vector.broadcast %sub3A_2959 : i32 to vector<16xi32>
    %sub3A_2961 = arith.subi %iota3A, %sub3A_2960 : vector<16xi32>
    %jit3A_2962 = arith.constant 0 : i32
    %jit3A_2963 = arith.constant 1 : i32
    %max3A_2964 = vector.broadcast %jit3A_2962 : i32 to vector<16xi32>
    %max3A_2965 = arith.maxsi %max3A_2964, %sub3A_2961 : vector<16xi32>
    %min3A_2966 = vector.broadcast %jit3A_2963 : i32 to vector<16xi32>
    %min3A_2967 = arith.minsi %min3A_2966, %max3A_2965 : vector<16xi32>
    %mul3A_2968 = arith.muli %min3A_2967, %gather3A_2958 : vector<16xi32>
    %add3A_2969 = arith.addi %add3A_2942, %mul3A_2968 : vector<16xi32>
    %sub3A_2970 = arith.constant 8 : i32
    %sub3A_2971 = vector.broadcast %sub3A_2970 : i32 to vector<16xi32>
    %sub3A_2972 = arith.subi %iota3A, %sub3A_2971 : vector<16xi32>
    %max3A_2973 = arith.constant 0 : i32
    %max3A_2974 = vector.broadcast %max3A_2973 : i32 to vector<16xi32>
    %max3A_2975 = arith.maxsi %sub3A_2972, %max3A_2974 : vector<16xi32>
    %lt3A_2976 = arith.constant 0 : i32
    %lt3A_2977 = vector.broadcast %lt3A_2976 : i32 to vector<16xi32>
    %lt3A_2978 = arith.cmpi slt, %max3A_2975, %lt3A_2977 : vector<16xi32>
    %add3A_2979 = arith.constant 16 : i32
    %add3A_2980 = vector.broadcast %add3A_2979 : i32 to vector<16xi32>
    %add3A_2981 = arith.addi %max3A_2975, %add3A_2980 : vector<16xi32>
    %select_n3A_2982 = arith.select %lt3A_2978, %add3A_2981, %max3A_2975 : vector<16xi1>, vector<16xi32>
    %broadcast_in_dim3A_2983 = vector.shape_cast %select_n3A_2982 : vector<16xi32> to vector<16x1xi32>
    %gather3A_2984 = vector.shape_cast %broadcast_in_dim3A_2983 : vector<16x1xi32> to vector<16xi32>
    %gather3A_2985 = tpu.dynamic_gather %add3A_2969[%gather3A_2984] in [0] : vector<16xi32>, vector<16xi32> -> vector<16xi32>
    %sub3A_2986 = arith.constant 7 : i32
    %sub3A_2987 = vector.broadcast %sub3A_2986 : i32 to vector<16xi32>
    %sub3A_2988 = arith.subi %iota3A, %sub3A_2987 : vector<16xi32>
    %jit3A_2989 = arith.constant 0 : i32
    %jit3A_2990 = arith.constant 1 : i32
    %max3A_2991 = vector.broadcast %jit3A_2989 : i32 to vector<16xi32>
    %max3A_2992 = arith.maxsi %max3A_2991, %sub3A_2988 : vector<16xi32>
    %min3A_2993 = vector.broadcast %jit3A_2990 : i32 to vector<16xi32>
    %min3A_2994 = arith.minsi %min3A_2993, %max3A_2992 : vector<16xi32>
    %mul3A_2995 = arith.muli %min3A_2994, %gather3A_2985 : vector<16xi32>
    %add3A_2996 = arith.addi %add3A_2969, %mul3A_2995 : vector<16xi32>
    %add3A_2997 = arith.addi %add3A_2880, %add3A_2996 : vector<16xi32>
    %mul3A_2998 = arith.muli %add3A_2997, %shift_right_logical3A_2888 : vector<16xi32>
    %swap3A_2999 = arith.constant 11 : i32
    %swap3A_3000 = arith.index_cast %swap3A_2999 : i32 to index
    %swap3A_3001 = arith.constant 0 : index
    %swap3A_3002 = tpu.vector_load %arg7[%swap3A_3000, %swap3A_3001] {strides = array<i32>} : memref<16x16xi32, #tpu.memory_space<vmem>>, vector<1x16xi32>,
    %swap3A_3003 = vector.shape_cast %swap3A_3002 : vector<1x16xi32> to vector<16xi32>
    %swap3A_3004 = vector.shape_cast %mul3A_2998 : vector<16xi32> to vector<1x16xi32>
    tpu.vector_store %arg7[%swap3A_3000, %swap3A_3001], %swap3A_3004 {strides = array<i32>} : memref<16x16xi32, #tpu.memory_space<vmem>>, vector<1x16xi32>,
    %lt3A_3005 = arith.constant 0 : i32
    %lt3A_3006 = vector.broadcast %lt3A_3005 : i32 to vector<16xi32>
    %lt3A_3007 = arith.cmpi slt, %broadcast_in_dim3A_43, %lt3A_3006 : vector<16xi32>
    %add3A_3008 = arith.constant 16 : i32
    %add3A_3009 = vector.broadcast %add3A_3008 : i32 to vector<16xi32>
    %add3A_3010 = arith.addi %broadcast_in_dim3A_43, %add3A_3009 : vector<16xi32>
    %select_n3A_3011 = arith.select %lt3A_3007, %add3A_3010, %broadcast_in_dim3A_43 : vector<16xi1>, vector<16xi32>
    %broadcast_in_dim3A_3012 = vector.shape_cast %select_n3A_3011 : vector<16xi32> to vector<16x1xi32>
    %gather3A_3013 = vector.shape_cast %broadcast_in_dim3A_3012 : vector<16x1xi32> to vector<16xi32>
    %gather3A_3014 = tpu.dynamic_gather %add3A_2996[%gather3A_3013] in [0] : vector<16xi32>, vector<16xi32> -> vector<16xi32>
    %add3A_3015 = arith.addi %add3A_2880, %gather3A_3014 : vector<16xi32>
    %get3A_3016 = arith.constant 192 : index
    %get3A_3017 = tpu.vector_load %arg6[%get3A_3016] {strides = array<i32>} : memref<256xi32, #tpu.memory_space<vmem>>, vector<16xi32>,
    %get3A_3018 = vector.shape_cast %get3A_3017 : vector<16xi32> to vector<16xi32>
    %sub3A_3019 = arith.subi %broadcast_in_dim3A_41, %get3A_3018 : vector<16xi32>
    %or3A_3020 = arith.ori %get3A_3018, %sub3A_3019 : vector<16xi32>
    %shift_right_logical3A_3021 = arith.constant 31 : i32
    %shift_right_logical3A_3022 = vector.broadcast %shift_right_logical3A_3021 : i32 to vector<16xi32>
    %shift_right_logical3A_3023 = arith.shrui %or3A_3020, %shift_right_logical3A_3022 : vector<16xi32>
    %sub3A_3024 = arith.constant 1 : i32
    %sub3A_3025 = vector.broadcast %sub3A_3024 : i32 to vector<16xi32>
    %sub3A_3026 = arith.subi %iota3A, %sub3A_3025 : vector<16xi32>
    %max3A_3027 = arith.constant 0 : i32
    %max3A_3028 = vector.broadcast %max3A_3027 : i32 to vector<16xi32>
    %max3A_3029 = arith.maxsi %sub3A_3026, %max3A_3028 : vector<16xi32>
    %lt3A_3030 = arith.constant 0 : i32
    %lt3A_3031 = vector.broadcast %lt3A_3030 : i32 to vector<16xi32>
    %lt3A_3032 = arith.cmpi slt, %max3A_3029, %lt3A_3031 : vector<16xi32>
    %add3A_3033 = arith.constant 16 : i32
    %add3A_3034 = vector.broadcast %add3A_3033 : i32 to vector<16xi32>
    %add3A_3035 = arith.addi %max3A_3029, %add3A_3034 : vector<16xi32>
    %select_n3A_3036 = arith.select %lt3A_3032, %add3A_3035, %max3A_3029 : vector<16xi1>, vector<16xi32>
    %broadcast_in_dim3A_3037 = vector.shape_cast %select_n3A_3036 : vector<16xi32> to vector<16x1xi32>
    %gather3A_3038 = vector.shape_cast %broadcast_in_dim3A_3037 : vector<16x1xi32> to vector<16xi32>
    %gather3A_3039 = tpu.dynamic_gather %shift_right_logical3A_3023[%gather3A_3038] in [0] : vector<16xi32>, vector<16xi32> -> vector<16xi32>
    %sub3A_3040 = arith.constant 0 : i32
    %sub3A_3041 = vector.broadcast %sub3A_3040 : i32 to vector<16xi32>
    %sub3A_3042 = arith.subi %iota3A, %sub3A_3041 : vector<16xi32>
    %jit3A_3043 = arith.constant 0 : i32
    %jit3A_3044 = arith.constant 1 : i32
    %max3A_3045 = vector.broadcast %jit3A_3043 : i32 to vector<16xi32>
    %max3A_3046 = arith.maxsi %max3A_3045, %sub3A_3042 : vector<16xi32>
    %min3A_3047 = vector.broadcast %jit3A_3044 : i32 to vector<16xi32>
    %min3A_3048 = arith.minsi %min3A_3047, %max3A_3046 : vector<16xi32>
    %mul3A_3049 = arith.muli %min3A_3048, %gather3A_3039 : vector<16xi32>
    %add3A_3050 = arith.addi %shift_right_logical3A_3023, %mul3A_3049 : vector<16xi32>
    %sub3A_3051 = arith.constant 2 : i32
    %sub3A_3052 = vector.broadcast %sub3A_3051 : i32 to vector<16xi32>
    %sub3A_3053 = arith.subi %iota3A, %sub3A_3052 : vector<16xi32>
    %max3A_3054 = arith.constant 0 : i32
    %max3A_3055 = vector.broadcast %max3A_3054 : i32 to vector<16xi32>
    %max3A_3056 = arith.maxsi %sub3A_3053, %max3A_3055 : vector<16xi32>
    %lt3A_3057 = arith.constant 0 : i32
    %lt3A_3058 = vector.broadcast %lt3A_3057 : i32 to vector<16xi32>
    %lt3A_3059 = arith.cmpi slt, %max3A_3056, %lt3A_3058 : vector<16xi32>
    %add3A_3060 = arith.constant 16 : i32
    %add3A_3061 = vector.broadcast %add3A_3060 : i32 to vector<16xi32>
    %add3A_3062 = arith.addi %max3A_3056, %add3A_3061 : vector<16xi32>
    %select_n3A_3063 = arith.select %lt3A_3059, %add3A_3062, %max3A_3056 : vector<16xi1>, vector<16xi32>
    %broadcast_in_dim3A_3064 = vector.shape_cast %select_n3A_3063 : vector<16xi32> to vector<16x1xi32>
    %gather3A_3065 = vector.shape_cast %broadcast_in_dim3A_3064 : vector<16x1xi32> to vector<16xi32>
    %gather3A_3066 = tpu.dynamic_gather %add3A_3050[%gather3A_3065] in [0] : vector<16xi32>, vector<16xi32> -> vector<16xi32>
    %sub3A_3067 = arith.constant 1 : i32
    %sub3A_3068 = vector.broadcast %sub3A_3067 : i32 to vector<16xi32>
    %sub3A_3069 = arith.subi %iota3A, %sub3A_3068 : vector<16xi32>
    %jit3A_3070 = arith.constant 0 : i32
    %jit3A_3071 = arith.constant 1 : i32
    %max3A_3072 = vector.broadcast %jit3A_3070 : i32 to vector<16xi32>
    %max3A_3073 = arith.maxsi %max3A_3072, %sub3A_3069 : vector<16xi32>
    %min3A_3074 = vector.broadcast %jit3A_3071 : i32 to vector<16xi32>
    %min3A_3075 = arith.minsi %min3A_3074, %max3A_3073 : vector<16xi32>
    %mul3A_3076 = arith.muli %min3A_3075, %gather3A_3066 : vector<16xi32>
    %add3A_3077 = arith.addi %add3A_3050, %mul3A_3076 : vector<16xi32>
    %sub3A_3078 = arith.constant 4 : i32
    %sub3A_3079 = vector.broadcast %sub3A_3078 : i32 to vector<16xi32>
    %sub3A_3080 = arith.subi %iota3A, %sub3A_3079 : vector<16xi32>
    %max3A_3081 = arith.constant 0 : i32
    %max3A_3082 = vector.broadcast %max3A_3081 : i32 to vector<16xi32>
    %max3A_3083 = arith.maxsi %sub3A_3080, %max3A_3082 : vector<16xi32>
    %lt3A_3084 = arith.constant 0 : i32
    %lt3A_3085 = vector.broadcast %lt3A_3084 : i32 to vector<16xi32>
    %lt3A_3086 = arith.cmpi slt, %max3A_3083, %lt3A_3085 : vector<16xi32>
    %add3A_3087 = arith.constant 16 : i32
    %add3A_3088 = vector.broadcast %add3A_3087 : i32 to vector<16xi32>
    %add3A_3089 = arith.addi %max3A_3083, %add3A_3088 : vector<16xi32>
    %select_n3A_3090 = arith.select %lt3A_3086, %add3A_3089, %max3A_3083 : vector<16xi1>, vector<16xi32>
    %broadcast_in_dim3A_3091 = vector.shape_cast %select_n3A_3090 : vector<16xi32> to vector<16x1xi32>
    %gather3A_3092 = vector.shape_cast %broadcast_in_dim3A_3091 : vector<16x1xi32> to vector<16xi32>
    %gather3A_3093 = tpu.dynamic_gather %add3A_3077[%gather3A_3092] in [0] : vector<16xi32>, vector<16xi32> -> vector<16xi32>
    %sub3A_3094 = arith.constant 3 : i32
    %sub3A_3095 = vector.broadcast %sub3A_3094 : i32 to vector<16xi32>
    %sub3A_3096 = arith.subi %iota3A, %sub3A_3095 : vector<16xi32>
    %jit3A_3097 = arith.constant 0 : i32
    %jit3A_3098 = arith.constant 1 : i32
    %max3A_3099 = vector.broadcast %jit3A_3097 : i32 to vector<16xi32>
    %max3A_3100 = arith.maxsi %max3A_3099, %sub3A_3096 : vector<16xi32>
    %min3A_3101 = vector.broadcast %jit3A_3098 : i32 to vector<16xi32>
    %min3A_3102 = arith.minsi %min3A_3101, %max3A_3100 : vector<16xi32>
    %mul3A_3103 = arith.muli %min3A_3102, %gather3A_3093 : vector<16xi32>
    %add3A_3104 = arith.addi %add3A_3077, %mul3A_3103 : vector<16xi32>
    %sub3A_3105 = arith.constant 8 : i32
    %sub3A_3106 = vector.broadcast %sub3A_3105 : i32 to vector<16xi32>
    %sub3A_3107 = arith.subi %iota3A, %sub3A_3106 : vector<16xi32>
    %max3A_3108 = arith.constant 0 : i32
    %max3A_3109 = vector.broadcast %max3A_3108 : i32 to vector<16xi32>
    %max3A_3110 = arith.maxsi %sub3A_3107, %max3A_3109 : vector<16xi32>
    %lt3A_3111 = arith.constant 0 : i32
    %lt3A_3112 = vector.broadcast %lt3A_3111 : i32 to vector<16xi32>
    %lt3A_3113 = arith.cmpi slt, %max3A_3110, %lt3A_3112 : vector<16xi32>
    %add3A_3114 = arith.constant 16 : i32
    %add3A_3115 = vector.broadcast %add3A_3114 : i32 to vector<16xi32>
    %add3A_3116 = arith.addi %max3A_3110, %add3A_3115 : vector<16xi32>
    %select_n3A_3117 = arith.select %lt3A_3113, %add3A_3116, %max3A_3110 : vector<16xi1>, vector<16xi32>
    %broadcast_in_dim3A_3118 = vector.shape_cast %select_n3A_3117 : vector<16xi32> to vector<16x1xi32>
    %gather3A_3119 = vector.shape_cast %broadcast_in_dim3A_3118 : vector<16x1xi32> to vector<16xi32>
    %gather3A_3120 = tpu.dynamic_gather %add3A_3104[%gather3A_3119] in [0] : vector<16xi32>, vector<16xi32> -> vector<16xi32>
    %sub3A_3121 = arith.constant 7 : i32
    %sub3A_3122 = vector.broadcast %sub3A_3121 : i32 to vector<16xi32>
    %sub3A_3123 = arith.subi %iota3A, %sub3A_3122 : vector<16xi32>
    %jit3A_3124 = arith.constant 0 : i32
    %jit3A_3125 = arith.constant 1 : i32
    %max3A_3126 = vector.broadcast %jit3A_3124 : i32 to vector<16xi32>
    %max3A_3127 = arith.maxsi %max3A_3126, %sub3A_3123 : vector<16xi32>
    %min3A_3128 = vector.broadcast %jit3A_3125 : i32 to vector<16xi32>
    %min3A_3129 = arith.minsi %min3A_3128, %max3A_3127 : vector<16xi32>
    %mul3A_3130 = arith.muli %min3A_3129, %gather3A_3120 : vector<16xi32>
    %add3A_3131 = arith.addi %add3A_3104, %mul3A_3130 : vector<16xi32>
    %add3A_3132 = arith.addi %add3A_3015, %add3A_3131 : vector<16xi32>
    %mul3A_3133 = arith.muli %add3A_3132, %shift_right_logical3A_3023 : vector<16xi32>
    %swap3A_3134 = arith.constant 12 : i32
    %swap3A_3135 = arith.index_cast %swap3A_3134 : i32 to index
    %swap3A_3136 = arith.constant 0 : index
    %swap3A_3137 = tpu.vector_load %arg7[%swap3A_3135, %swap3A_3136] {strides = array<i32>} : memref<16x16xi32, #tpu.memory_space<vmem>>, vector<1x16xi32>,
    %swap3A_3138 = vector.shape_cast %swap3A_3137 : vector<1x16xi32> to vector<16xi32>
    %swap3A_3139 = vector.shape_cast %mul3A_3133 : vector<16xi32> to vector<1x16xi32>
    tpu.vector_store %arg7[%swap3A_3135, %swap3A_3136], %swap3A_3139 {strides = array<i32>} : memref<16x16xi32, #tpu.memory_space<vmem>>, vector<1x16xi32>,
    %lt3A_3140 = arith.constant 0 : i32
    %lt3A_3141 = vector.broadcast %lt3A_3140 : i32 to vector<16xi32>
    %lt3A_3142 = arith.cmpi slt, %broadcast_in_dim3A_43, %lt3A_3141 : vector<16xi32>
    %add3A_3143 = arith.constant 16 : i32
    %add3A_3144 = vector.broadcast %add3A_3143 : i32 to vector<16xi32>
    %add3A_3145 = arith.addi %broadcast_in_dim3A_43, %add3A_3144 : vector<16xi32>
    %select_n3A_3146 = arith.select %lt3A_3142, %add3A_3145, %broadcast_in_dim3A_43 : vector<16xi1>, vector<16xi32>
    %broadcast_in_dim3A_3147 = vector.shape_cast %select_n3A_3146 : vector<16xi32> to vector<16x1xi32>
    %gather3A_3148 = vector.shape_cast %broadcast_in_dim3A_3147 : vector<16x1xi32> to vector<16xi32>
    %gather3A_3149 = tpu.dynamic_gather %add3A_3131[%gather3A_3148] in [0] : vector<16xi32>, vector<16xi32> -> vector<16xi32>
    %add3A_3150 = arith.addi %add3A_3015, %gather3A_3149 : vector<16xi32>
    %get3A_3151 = arith.constant 208 : index
    %get3A_3152 = tpu.vector_load %arg6[%get3A_3151] {strides = array<i32>} : memref<256xi32, #tpu.memory_space<vmem>>, vector<16xi32>,
    %get3A_3153 = vector.shape_cast %get3A_3152 : vector<16xi32> to vector<16xi32>
    %sub3A_3154 = arith.subi %broadcast_in_dim3A_41, %get3A_3153 : vector<16xi32>
    %or3A_3155 = arith.ori %get3A_3153, %sub3A_3154 : vector<16xi32>
    %shift_right_logical3A_3156 = arith.constant 31 : i32
    %shift_right_logical3A_3157 = vector.broadcast %shift_right_logical3A_3156 : i32 to vector<16xi32>
    %shift_right_logical3A_3158 = arith.shrui %or3A_3155, %shift_right_logical3A_3157 : vector<16xi32>
    %sub3A_3159 = arith.constant 1 : i32
    %sub3A_3160 = vector.broadcast %sub3A_3159 : i32 to vector<16xi32>
    %sub3A_3161 = arith.subi %iota3A, %sub3A_3160 : vector<16xi32>
    %max3A_3162 = arith.constant 0 : i32
    %max3A_3163 = vector.broadcast %max3A_3162 : i32 to vector<16xi32>
    %max3A_3164 = arith.maxsi %sub3A_3161, %max3A_3163 : vector<16xi32>
    %lt3A_3165 = arith.constant 0 : i32
    %lt3A_3166 = vector.broadcast %lt3A_3165 : i32 to vector<16xi32>
    %lt3A_3167 = arith.cmpi slt, %max3A_3164, %lt3A_3166 : vector<16xi32>
    %add3A_3168 = arith.constant 16 : i32
    %add3A_3169 = vector.broadcast %add3A_3168 : i32 to vector<16xi32>
    %add3A_3170 = arith.addi %max3A_3164, %add3A_3169 : vector<16xi32>
    %select_n3A_3171 = arith.select %lt3A_3167, %add3A_3170, %max3A_3164 : vector<16xi1>, vector<16xi32>
    %broadcast_in_dim3A_3172 = vector.shape_cast %select_n3A_3171 : vector<16xi32> to vector<16x1xi32>
    %gather3A_3173 = vector.shape_cast %broadcast_in_dim3A_3172 : vector<16x1xi32> to vector<16xi32>
    %gather3A_3174 = tpu.dynamic_gather %shift_right_logical3A_3158[%gather3A_3173] in [0] : vector<16xi32>, vector<16xi32> -> vector<16xi32>
    %sub3A_3175 = arith.constant 0 : i32
    %sub3A_3176 = vector.broadcast %sub3A_3175 : i32 to vector<16xi32>
    %sub3A_3177 = arith.subi %iota3A, %sub3A_3176 : vector<16xi32>
    %jit3A_3178 = arith.constant 0 : i32
    %jit3A_3179 = arith.constant 1 : i32
    %max3A_3180 = vector.broadcast %jit3A_3178 : i32 to vector<16xi32>
    %max3A_3181 = arith.maxsi %max3A_3180, %sub3A_3177 : vector<16xi32>
    %min3A_3182 = vector.broadcast %jit3A_3179 : i32 to vector<16xi32>
    %min3A_3183 = arith.minsi %min3A_3182, %max3A_3181 : vector<16xi32>
    %mul3A_3184 = arith.muli %min3A_3183, %gather3A_3174 : vector<16xi32>
    %add3A_3185 = arith.addi %shift_right_logical3A_3158, %mul3A_3184 : vector<16xi32>
    %sub3A_3186 = arith.constant 2 : i32
    %sub3A_3187 = vector.broadcast %sub3A_3186 : i32 to vector<16xi32>
    %sub3A_3188 = arith.subi %iota3A, %sub3A_3187 : vector<16xi32>
    %max3A_3189 = arith.constant 0 : i32
    %max3A_3190 = vector.broadcast %max3A_3189 : i32 to vector<16xi32>
    %max3A_3191 = arith.maxsi %sub3A_3188, %max3A_3190 : vector<16xi32>
    %lt3A_3192 = arith.constant 0 : i32
    %lt3A_3193 = vector.broadcast %lt3A_3192 : i32 to vector<16xi32>
    %lt3A_3194 = arith.cmpi slt, %max3A_3191, %lt3A_3193 : vector<16xi32>
    %add3A_3195 = arith.constant 16 : i32
    %add3A_3196 = vector.broadcast %add3A_3195 : i32 to vector<16xi32>
    %add3A_3197 = arith.addi %max3A_3191, %add3A_3196 : vector<16xi32>
    %select_n3A_3198 = arith.select %lt3A_3194, %add3A_3197, %max3A_3191 : vector<16xi1>, vector<16xi32>
    %broadcast_in_dim3A_3199 = vector.shape_cast %select_n3A_3198 : vector<16xi32> to vector<16x1xi32>
    %gather3A_3200 = vector.shape_cast %broadcast_in_dim3A_3199 : vector<16x1xi32> to vector<16xi32>
    %gather3A_3201 = tpu.dynamic_gather %add3A_3185[%gather3A_3200] in [0] : vector<16xi32>, vector<16xi32> -> vector<16xi32>
    %sub3A_3202 = arith.constant 1 : i32
    %sub3A_3203 = vector.broadcast %sub3A_3202 : i32 to vector<16xi32>
    %sub3A_3204 = arith.subi %iota3A, %sub3A_3203 : vector<16xi32>
    %jit3A_3205 = arith.constant 0 : i32
    %jit3A_3206 = arith.constant 1 : i32
    %max3A_3207 = vector.broadcast %jit3A_3205 : i32 to vector<16xi32>
    %max3A_3208 = arith.maxsi %max3A_3207, %sub3A_3204 : vector<16xi32>
    %min3A_3209 = vector.broadcast %jit3A_3206 : i32 to vector<16xi32>
    %min3A_3210 = arith.minsi %min3A_3209, %max3A_3208 : vector<16xi32>
    %mul3A_3211 = arith.muli %min3A_3210, %gather3A_3201 : vector<16xi32>
    %add3A_3212 = arith.addi %add3A_3185, %mul3A_3211 : vector<16xi32>
    %sub3A_3213 = arith.constant 4 : i32
    %sub3A_3214 = vector.broadcast %sub3A_3213 : i32 to vector<16xi32>
    %sub3A_3215 = arith.subi %iota3A, %sub3A_3214 : vector<16xi32>
    %max3A_3216 = arith.constant 0 : i32
    %max3A_3217 = vector.broadcast %max3A_3216 : i32 to vector<16xi32>
    %max3A_3218 = arith.maxsi %sub3A_3215, %max3A_3217 : vector<16xi32>
    %lt3A_3219 = arith.constant 0 : i32
    %lt3A_3220 = vector.broadcast %lt3A_3219 : i32 to vector<16xi32>
    %lt3A_3221 = arith.cmpi slt, %max3A_3218, %lt3A_3220 : vector<16xi32>
    %add3A_3222 = arith.constant 16 : i32
    %add3A_3223 = vector.broadcast %add3A_3222 : i32 to vector<16xi32>
    %add3A_3224 = arith.addi %max3A_3218, %add3A_3223 : vector<16xi32>
    %select_n3A_3225 = arith.select %lt3A_3221, %add3A_3224, %max3A_3218 : vector<16xi1>, vector<16xi32>
    %broadcast_in_dim3A_3226 = vector.shape_cast %select_n3A_3225 : vector<16xi32> to vector<16x1xi32>
    %gather3A_3227 = vector.shape_cast %broadcast_in_dim3A_3226 : vector<16x1xi32> to vector<16xi32>
    %gather3A_3228 = tpu.dynamic_gather %add3A_3212[%gather3A_3227] in [0] : vector<16xi32>, vector<16xi32> -> vector<16xi32>
    %sub3A_3229 = arith.constant 3 : i32
    %sub3A_3230 = vector.broadcast %sub3A_3229 : i32 to vector<16xi32>
    %sub3A_3231 = arith.subi %iota3A, %sub3A_3230 : vector<16xi32>
    %jit3A_3232 = arith.constant 0 : i32
    %jit3A_3233 = arith.constant 1 : i32
    %max3A_3234 = vector.broadcast %jit3A_3232 : i32 to vector<16xi32>
    %max3A_3235 = arith.maxsi %max3A_3234, %sub3A_3231 : vector<16xi32>
    %min3A_3236 = vector.broadcast %jit3A_3233 : i32 to vector<16xi32>
    %min3A_3237 = arith.minsi %min3A_3236, %max3A_3235 : vector<16xi32>
    %mul3A_3238 = arith.muli %min3A_3237, %gather3A_3228 : vector<16xi32>
    %add3A_3239 = arith.addi %add3A_3212, %mul3A_3238 : vector<16xi32>
    %sub3A_3240 = arith.constant 8 : i32
    %sub3A_3241 = vector.broadcast %sub3A_3240 : i32 to vector<16xi32>
    %sub3A_3242 = arith.subi %iota3A, %sub3A_3241 : vector<16xi32>
    %max3A_3243 = arith.constant 0 : i32
    %max3A_3244 = vector.broadcast %max3A_3243 : i32 to vector<16xi32>
    %max3A_3245 = arith.maxsi %sub3A_3242, %max3A_3244 : vector<16xi32>
    %lt3A_3246 = arith.constant 0 : i32
    %lt3A_3247 = vector.broadcast %lt3A_3246 : i32 to vector<16xi32>
    %lt3A_3248 = arith.cmpi slt, %max3A_3245, %lt3A_3247 : vector<16xi32>
    %add3A_3249 = arith.constant 16 : i32
    %add3A_3250 = vector.broadcast %add3A_3249 : i32 to vector<16xi32>
    %add3A_3251 = arith.addi %max3A_3245, %add3A_3250 : vector<16xi32>
    %select_n3A_3252 = arith.select %lt3A_3248, %add3A_3251, %max3A_3245 : vector<16xi1>, vector<16xi32>
    %broadcast_in_dim3A_3253 = vector.shape_cast %select_n3A_3252 : vector<16xi32> to vector<16x1xi32>
    %gather3A_3254 = vector.shape_cast %broadcast_in_dim3A_3253 : vector<16x1xi32> to vector<16xi32>
    %gather3A_3255 = tpu.dynamic_gather %add3A_3239[%gather3A_3254] in [0] : vector<16xi32>, vector<16xi32> -> vector<16xi32>
    %sub3A_3256 = arith.constant 7 : i32
    %sub3A_3257 = vector.broadcast %sub3A_3256 : i32 to vector<16xi32>
    %sub3A_3258 = arith.subi %iota3A, %sub3A_3257 : vector<16xi32>
    %jit3A_3259 = arith.constant 0 : i32
    %jit3A_3260 = arith.constant 1 : i32
    %max3A_3261 = vector.broadcast %jit3A_3259 : i32 to vector<16xi32>
    %max3A_3262 = arith.maxsi %max3A_3261, %sub3A_3258 : vector<16xi32>
    %min3A_3263 = vector.broadcast %jit3A_3260 : i32 to vector<16xi32>
    %min3A_3264 = arith.minsi %min3A_3263, %max3A_3262 : vector<16xi32>
    %mul3A_3265 = arith.muli %min3A_3264, %gather3A_3255 : vector<16xi32>
    %add3A_3266 = arith.addi %add3A_3239, %mul3A_3265 : vector<16xi32>
    %add3A_3267 = arith.addi %add3A_3150, %add3A_3266 : vector<16xi32>
    %mul3A_3268 = arith.muli %add3A_3267, %shift_right_logical3A_3158 : vector<16xi32>
    %swap3A_3269 = arith.constant 13 : i32
    %swap3A_3270 = arith.index_cast %swap3A_3269 : i32 to index
    %swap3A_3271 = arith.constant 0 : index
    %swap3A_3272 = tpu.vector_load %arg7[%swap3A_3270, %swap3A_3271] {strides = array<i32>} : memref<16x16xi32, #tpu.memory_space<vmem>>, vector<1x16xi32>,
    %swap3A_3273 = vector.shape_cast %swap3A_3272 : vector<1x16xi32> to vector<16xi32>
    %swap3A_3274 = vector.shape_cast %mul3A_3268 : vector<16xi32> to vector<1x16xi32>
    tpu.vector_store %arg7[%swap3A_3270, %swap3A_3271], %swap3A_3274 {strides = array<i32>} : memref<16x16xi32, #tpu.memory_space<vmem>>, vector<1x16xi32>,
    %lt3A_3275 = arith.constant 0 : i32
    %lt3A_3276 = vector.broadcast %lt3A_3275 : i32 to vector<16xi32>
    %lt3A_3277 = arith.cmpi slt, %broadcast_in_dim3A_43, %lt3A_3276 : vector<16xi32>
    %add3A_3278 = arith.constant 16 : i32
    %add3A_3279 = vector.broadcast %add3A_3278 : i32 to vector<16xi32>
    %add3A_3280 = arith.addi %broadcast_in_dim3A_43, %add3A_3279 : vector<16xi32>
    %select_n3A_3281 = arith.select %lt3A_3277, %add3A_3280, %broadcast_in_dim3A_43 : vector<16xi1>, vector<16xi32>
    %broadcast_in_dim3A_3282 = vector.shape_cast %select_n3A_3281 : vector<16xi32> to vector<16x1xi32>
    %gather3A_3283 = vector.shape_cast %broadcast_in_dim3A_3282 : vector<16x1xi32> to vector<16xi32>
    %gather3A_3284 = tpu.dynamic_gather %add3A_3266[%gather3A_3283] in [0] : vector<16xi32>, vector<16xi32> -> vector<16xi32>
    %add3A_3285 = arith.addi %add3A_3150, %gather3A_3284 : vector<16xi32>
    %get3A_3286 = arith.constant 224 : index
    %get3A_3287 = tpu.vector_load %arg6[%get3A_3286] {strides = array<i32>} : memref<256xi32, #tpu.memory_space<vmem>>, vector<16xi32>,
    %get3A_3288 = vector.shape_cast %get3A_3287 : vector<16xi32> to vector<16xi32>
    %sub3A_3289 = arith.subi %broadcast_in_dim3A_41, %get3A_3288 : vector<16xi32>
    %or3A_3290 = arith.ori %get3A_3288, %sub3A_3289 : vector<16xi32>
    %shift_right_logical3A_3291 = arith.constant 31 : i32
    %shift_right_logical3A_3292 = vector.broadcast %shift_right_logical3A_3291 : i32 to vector<16xi32>
    %shift_right_logical3A_3293 = arith.shrui %or3A_3290, %shift_right_logical3A_3292 : vector<16xi32>
    %sub3A_3294 = arith.constant 1 : i32
    %sub3A_3295 = vector.broadcast %sub3A_3294 : i32 to vector<16xi32>
    %sub3A_3296 = arith.subi %iota3A, %sub3A_3295 : vector<16xi32>
    %max3A_3297 = arith.constant 0 : i32
    %max3A_3298 = vector.broadcast %max3A_3297 : i32 to vector<16xi32>
    %max3A_3299 = arith.maxsi %sub3A_3296, %max3A_3298 : vector<16xi32>
    %lt3A_3300 = arith.constant 0 : i32
    %lt3A_3301 = vector.broadcast %lt3A_3300 : i32 to vector<16xi32>
    %lt3A_3302 = arith.cmpi slt, %max3A_3299, %lt3A_3301 : vector<16xi32>
    %add3A_3303 = arith.constant 16 : i32
    %add3A_3304 = vector.broadcast %add3A_3303 : i32 to vector<16xi32>
    %add3A_3305 = arith.addi %max3A_3299, %add3A_3304 : vector<16xi32>
    %select_n3A_3306 = arith.select %lt3A_3302, %add3A_3305, %max3A_3299 : vector<16xi1>, vector<16xi32>
    %broadcast_in_dim3A_3307 = vector.shape_cast %select_n3A_3306 : vector<16xi32> to vector<16x1xi32>
    %gather3A_3308 = vector.shape_cast %broadcast_in_dim3A_3307 : vector<16x1xi32> to vector<16xi32>
    %gather3A_3309 = tpu.dynamic_gather %shift_right_logical3A_3293[%gather3A_3308] in [0] : vector<16xi32>, vector<16xi32> -> vector<16xi32>
    %sub3A_3310 = arith.constant 0 : i32
    %sub3A_3311 = vector.broadcast %sub3A_3310 : i32 to vector<16xi32>
    %sub3A_3312 = arith.subi %iota3A, %sub3A_3311 : vector<16xi32>
    %jit3A_3313 = arith.constant 0 : i32
    %jit3A_3314 = arith.constant 1 : i32
    %max3A_3315 = vector.broadcast %jit3A_3313 : i32 to vector<16xi32>
    %max3A_3316 = arith.maxsi %max3A_3315, %sub3A_3312 : vector<16xi32>
    %min3A_3317 = vector.broadcast %jit3A_3314 : i32 to vector<16xi32>
    %min3A_3318 = arith.minsi %min3A_3317, %max3A_3316 : vector<16xi32>
    %mul3A_3319 = arith.muli %min3A_3318, %gather3A_3309 : vector<16xi32>
    %add3A_3320 = arith.addi %shift_right_logical3A_3293, %mul3A_3319 : vector<16xi32>
    %sub3A_3321 = arith.constant 2 : i32
    %sub3A_3322 = vector.broadcast %sub3A_3321 : i32 to vector<16xi32>
    %sub3A_3323 = arith.subi %iota3A, %sub3A_3322 : vector<16xi32>
    %max3A_3324 = arith.constant 0 : i32
    %max3A_3325 = vector.broadcast %max3A_3324 : i32 to vector<16xi32>
    %max3A_3326 = arith.maxsi %sub3A_3323, %max3A_3325 : vector<16xi32>
    %lt3A_3327 = arith.constant 0 : i32
    %lt3A_3328 = vector.broadcast %lt3A_3327 : i32 to vector<16xi32>
    %lt3A_3329 = arith.cmpi slt, %max3A_3326, %lt3A_3328 : vector<16xi32>
    %add3A_3330 = arith.constant 16 : i32
    %add3A_3331 = vector.broadcast %add3A_3330 : i32 to vector<16xi32>
    %add3A_3332 = arith.addi %max3A_3326, %add3A_3331 : vector<16xi32>
    %select_n3A_3333 = arith.select %lt3A_3329, %add3A_3332, %max3A_3326 : vector<16xi1>, vector<16xi32>
    %broadcast_in_dim3A_3334 = vector.shape_cast %select_n3A_3333 : vector<16xi32> to vector<16x1xi32>
    %gather3A_3335 = vector.shape_cast %broadcast_in_dim3A_3334 : vector<16x1xi32> to vector<16xi32>
    %gather3A_3336 = tpu.dynamic_gather %add3A_3320[%gather3A_3335] in [0] : vector<16xi32>, vector<16xi32> -> vector<16xi32>
    %sub3A_3337 = arith.constant 1 : i32
    %sub3A_3338 = vector.broadcast %sub3A_3337 : i32 to vector<16xi32>
    %sub3A_3339 = arith.subi %iota3A, %sub3A_3338 : vector<16xi32>
    %jit3A_3340 = arith.constant 0 : i32
    %jit3A_3341 = arith.constant 1 : i32
    %max3A_3342 = vector.broadcast %jit3A_3340 : i32 to vector<16xi32>
    %max3A_3343 = arith.maxsi %max3A_3342, %sub3A_3339 : vector<16xi32>
    %min3A_3344 = vector.broadcast %jit3A_3341 : i32 to vector<16xi32>
    %min3A_3345 = arith.minsi %min3A_3344, %max3A_3343 : vector<16xi32>
    %mul3A_3346 = arith.muli %min3A_3345, %gather3A_3336 : vector<16xi32>
    %add3A_3347 = arith.addi %add3A_3320, %mul3A_3346 : vector<16xi32>
    %sub3A_3348 = arith.constant 4 : i32
    %sub3A_3349 = vector.broadcast %sub3A_3348 : i32 to vector<16xi32>
    %sub3A_3350 = arith.subi %iota3A, %sub3A_3349 : vector<16xi32>
    %max3A_3351 = arith.constant 0 : i32
    %max3A_3352 = vector.broadcast %max3A_3351 : i32 to vector<16xi32>
    %max3A_3353 = arith.maxsi %sub3A_3350, %max3A_3352 : vector<16xi32>
    %lt3A_3354 = arith.constant 0 : i32
    %lt3A_3355 = vector.broadcast %lt3A_3354 : i32 to vector<16xi32>
    %lt3A_3356 = arith.cmpi slt, %max3A_3353, %lt3A_3355 : vector<16xi32>
    %add3A_3357 = arith.constant 16 : i32
    %add3A_3358 = vector.broadcast %add3A_3357 : i32 to vector<16xi32>
    %add3A_3359 = arith.addi %max3A_3353, %add3A_3358 : vector<16xi32>
    %select_n3A_3360 = arith.select %lt3A_3356, %add3A_3359, %max3A_3353 : vector<16xi1>, vector<16xi32>
    %broadcast_in_dim3A_3361 = vector.shape_cast %select_n3A_3360 : vector<16xi32> to vector<16x1xi32>
    %gather3A_3362 = vector.shape_cast %broadcast_in_dim3A_3361 : vector<16x1xi32> to vector<16xi32>
    %gather3A_3363 = tpu.dynamic_gather %add3A_3347[%gather3A_3362] in [0] : vector<16xi32>, vector<16xi32> -> vector<16xi32>
    %sub3A_3364 = arith.constant 3 : i32
    %sub3A_3365 = vector.broadcast %sub3A_3364 : i32 to vector<16xi32>
    %sub3A_3366 = arith.subi %iota3A, %sub3A_3365 : vector<16xi32>
    %jit3A_3367 = arith.constant 0 : i32
    %jit3A_3368 = arith.constant 1 : i32
    %max3A_3369 = vector.broadcast %jit3A_3367 : i32 to vector<16xi32>
    %max3A_3370 = arith.maxsi %max3A_3369, %sub3A_3366 : vector<16xi32>
    %min3A_3371 = vector.broadcast %jit3A_3368 : i32 to vector<16xi32>
    %min3A_3372 = arith.minsi %min3A_3371, %max3A_3370 : vector<16xi32>
    %mul3A_3373 = arith.muli %min3A_3372, %gather3A_3363 : vector<16xi32>
    %add3A_3374 = arith.addi %add3A_3347, %mul3A_3373 : vector<16xi32>
    %sub3A_3375 = arith.constant 8 : i32
    %sub3A_3376 = vector.broadcast %sub3A_3375 : i32 to vector<16xi32>
    %sub3A_3377 = arith.subi %iota3A, %sub3A_3376 : vector<16xi32>
    %max3A_3378 = arith.constant 0 : i32
    %max3A_3379 = vector.broadcast %max3A_3378 : i32 to vector<16xi32>
    %max3A_3380 = arith.maxsi %sub3A_3377, %max3A_3379 : vector<16xi32>
    %lt3A_3381 = arith.constant 0 : i32
    %lt3A_3382 = vector.broadcast %lt3A_3381 : i32 to vector<16xi32>
    %lt3A_3383 = arith.cmpi slt, %max3A_3380, %lt3A_3382 : vector<16xi32>
    %add3A_3384 = arith.constant 16 : i32
    %add3A_3385 = vector.broadcast %add3A_3384 : i32 to vector<16xi32>
    %add3A_3386 = arith.addi %max3A_3380, %add3A_3385 : vector<16xi32>
    %select_n3A_3387 = arith.select %lt3A_3383, %add3A_3386, %max3A_3380 : vector<16xi1>, vector<16xi32>
    %broadcast_in_dim3A_3388 = vector.shape_cast %select_n3A_3387 : vector<16xi32> to vector<16x1xi32>
    %gather3A_3389 = vector.shape_cast %broadcast_in_dim3A_3388 : vector<16x1xi32> to vector<16xi32>
    %gather3A_3390 = tpu.dynamic_gather %add3A_3374[%gather3A_3389] in [0] : vector<16xi32>, vector<16xi32> -> vector<16xi32>
    %sub3A_3391 = arith.constant 7 : i32
    %sub3A_3392 = vector.broadcast %sub3A_3391 : i32 to vector<16xi32>
    %sub3A_3393 = arith.subi %iota3A, %sub3A_3392 : vector<16xi32>
    %jit3A_3394 = arith.constant 0 : i32
    %jit3A_3395 = arith.constant 1 : i32
    %max3A_3396 = vector.broadcast %jit3A_3394 : i32 to vector<16xi32>
    %max3A_3397 = arith.maxsi %max3A_3396, %sub3A_3393 : vector<16xi32>
    %min3A_3398 = vector.broadcast %jit3A_3395 : i32 to vector<16xi32>
    %min3A_3399 = arith.minsi %min3A_3398, %max3A_3397 : vector<16xi32>
    %mul3A_3400 = arith.muli %min3A_3399, %gather3A_3390 : vector<16xi32>
    %add3A_3401 = arith.addi %add3A_3374, %mul3A_3400 : vector<16xi32>
    %add3A_3402 = arith.addi %add3A_3285, %add3A_3401 : vector<16xi32>
    %mul3A_3403 = arith.muli %add3A_3402, %shift_right_logical3A_3293 : vector<16xi32>
    %swap3A_3404 = arith.constant 14 : i32
    %swap3A_3405 = arith.index_cast %swap3A_3404 : i32 to index
    %swap3A_3406 = arith.constant 0 : index
    %swap3A_3407 = tpu.vector_load %arg7[%swap3A_3405, %swap3A_3406] {strides = array<i32>} : memref<16x16xi32, #tpu.memory_space<vmem>>, vector<1x16xi32>,
    %swap3A_3408 = vector.shape_cast %swap3A_3407 : vector<1x16xi32> to vector<16xi32>
    %swap3A_3409 = vector.shape_cast %mul3A_3403 : vector<16xi32> to vector<1x16xi32>
    tpu.vector_store %arg7[%swap3A_3405, %swap3A_3406], %swap3A_3409 {strides = array<i32>} : memref<16x16xi32, #tpu.memory_space<vmem>>, vector<1x16xi32>,
    %lt3A_3410 = arith.constant 0 : i32
    %lt3A_3411 = vector.broadcast %lt3A_3410 : i32 to vector<16xi32>
    %lt3A_3412 = arith.cmpi slt, %broadcast_in_dim3A_43, %lt3A_3411 : vector<16xi32>
    %add3A_3413 = arith.constant 16 : i32
    %add3A_3414 = vector.broadcast %add3A_3413 : i32 to vector<16xi32>
    %add3A_3415 = arith.addi %broadcast_in_dim3A_43, %add3A_3414 : vector<16xi32>
    %select_n3A_3416 = arith.select %lt3A_3412, %add3A_3415, %broadcast_in_dim3A_43 : vector<16xi1>, vector<16xi32>
    %broadcast_in_dim3A_3417 = vector.shape_cast %select_n3A_3416 : vector<16xi32> to vector<16x1xi32>
    %gather3A_3418 = vector.shape_cast %broadcast_in_dim3A_3417 : vector<16x1xi32> to vector<16xi32>
    %gather3A_3419 = tpu.dynamic_gather %add3A_3401[%gather3A_3418] in [0] : vector<16xi32>, vector<16xi32> -> vector<16xi32>
    %add3A_3420 = arith.addi %add3A_3285, %gather3A_3419 : vector<16xi32>
    %get3A_3421 = arith.constant 240 : index
    %get3A_3422 = tpu.vector_load %arg6[%get3A_3421] {strides = array<i32>} : memref<256xi32, #tpu.memory_space<vmem>>, vector<16xi32>,
    %get3A_3423 = vector.shape_cast %get3A_3422 : vector<16xi32> to vector<16xi32>
    %sub3A_3424 = arith.subi %broadcast_in_dim3A_41, %get3A_3423 : vector<16xi32>
    %or3A_3425 = arith.ori %get3A_3423, %sub3A_3424 : vector<16xi32>
    %shift_right_logical3A_3426 = arith.constant 31 : i32
    %shift_right_logical3A_3427 = vector.broadcast %shift_right_logical3A_3426 : i32 to vector<16xi32>
    %shift_right_logical3A_3428 = arith.shrui %or3A_3425, %shift_right_logical3A_3427 : vector<16xi32>
    %sub3A_3429 = arith.constant 1 : i32
    %sub3A_3430 = vector.broadcast %sub3A_3429 : i32 to vector<16xi32>
    %sub3A_3431 = arith.subi %iota3A, %sub3A_3430 : vector<16xi32>
    %max3A_3432 = arith.constant 0 : i32
    %max3A_3433 = vector.broadcast %max3A_3432 : i32 to vector<16xi32>
    %max3A_3434 = arith.maxsi %sub3A_3431, %max3A_3433 : vector<16xi32>
    %lt3A_3435 = arith.constant 0 : i32
    %lt3A_3436 = vector.broadcast %lt3A_3435 : i32 to vector<16xi32>
    %lt3A_3437 = arith.cmpi slt, %max3A_3434, %lt3A_3436 : vector<16xi32>
    %add3A_3438 = arith.constant 16 : i32
    %add3A_3439 = vector.broadcast %add3A_3438 : i32 to vector<16xi32>
    %add3A_3440 = arith.addi %max3A_3434, %add3A_3439 : vector<16xi32>
    %select_n3A_3441 = arith.select %lt3A_3437, %add3A_3440, %max3A_3434 : vector<16xi1>, vector<16xi32>
    %broadcast_in_dim3A_3442 = vector.shape_cast %select_n3A_3441 : vector<16xi32> to vector<16x1xi32>
    %gather3A_3443 = vector.shape_cast %broadcast_in_dim3A_3442 : vector<16x1xi32> to vector<16xi32>
    %gather3A_3444 = tpu.dynamic_gather %shift_right_logical3A_3428[%gather3A_3443] in [0] : vector<16xi32>, vector<16xi32> -> vector<16xi32>
    %sub3A_3445 = arith.constant 0 : i32
    %sub3A_3446 = vector.broadcast %sub3A_3445 : i32 to vector<16xi32>
    %sub3A_3447 = arith.subi %iota3A, %sub3A_3446 : vector<16xi32>
    %jit3A_3448 = arith.constant 0 : i32
    %jit3A_3449 = arith.constant 1 : i32
    %max3A_3450 = vector.broadcast %jit3A_3448 : i32 to vector<16xi32>
    %max3A_3451 = arith.maxsi %max3A_3450, %sub3A_3447 : vector<16xi32>
    %min3A_3452 = vector.broadcast %jit3A_3449 : i32 to vector<16xi32>
    %min3A_3453 = arith.minsi %min3A_3452, %max3A_3451 : vector<16xi32>
    %mul3A_3454 = arith.muli %min3A_3453, %gather3A_3444 : vector<16xi32>
    %add3A_3455 = arith.addi %shift_right_logical3A_3428, %mul3A_3454 : vector<16xi32>
    %sub3A_3456 = arith.constant 2 : i32
    %sub3A_3457 = vector.broadcast %sub3A_3456 : i32 to vector<16xi32>
    %sub3A_3458 = arith.subi %iota3A, %sub3A_3457 : vector<16xi32>
    %max3A_3459 = arith.constant 0 : i32
    %max3A_3460 = vector.broadcast %max3A_3459 : i32 to vector<16xi32>
    %max3A_3461 = arith.maxsi %sub3A_3458, %max3A_3460 : vector<16xi32>
    %lt3A_3462 = arith.constant 0 : i32
    %lt3A_3463 = vector.broadcast %lt3A_3462 : i32 to vector<16xi32>
    %lt3A_3464 = arith.cmpi slt, %max3A_3461, %lt3A_3463 : vector<16xi32>
    %add3A_3465 = arith.constant 16 : i32
    %add3A_3466 = vector.broadcast %add3A_3465 : i32 to vector<16xi32>
    %add3A_3467 = arith.addi %max3A_3461, %add3A_3466 : vector<16xi32>
    %select_n3A_3468 = arith.select %lt3A_3464, %add3A_3467, %max3A_3461 : vector<16xi1>, vector<16xi32>
    %broadcast_in_dim3A_3469 = vector.shape_cast %select_n3A_3468 : vector<16xi32> to vector<16x1xi32>
    %gather3A_3470 = vector.shape_cast %broadcast_in_dim3A_3469 : vector<16x1xi32> to vector<16xi32>
    %gather3A_3471 = tpu.dynamic_gather %add3A_3455[%gather3A_3470] in [0] : vector<16xi32>, vector<16xi32> -> vector<16xi32>
    %sub3A_3472 = arith.constant 1 : i32
    %sub3A_3473 = vector.broadcast %sub3A_3472 : i32 to vector<16xi32>
    %sub3A_3474 = arith.subi %iota3A, %sub3A_3473 : vector<16xi32>
    %jit3A_3475 = arith.constant 0 : i32
    %jit3A_3476 = arith.constant 1 : i32
    %max3A_3477 = vector.broadcast %jit3A_3475 : i32 to vector<16xi32>
    %max3A_3478 = arith.maxsi %max3A_3477, %sub3A_3474 : vector<16xi32>
    %min3A_3479 = vector.broadcast %jit3A_3476 : i32 to vector<16xi32>
    %min3A_3480 = arith.minsi %min3A_3479, %max3A_3478 : vector<16xi32>
    %mul3A_3481 = arith.muli %min3A_3480, %gather3A_3471 : vector<16xi32>
    %add3A_3482 = arith.addi %add3A_3455, %mul3A_3481 : vector<16xi32>
    %sub3A_3483 = arith.constant 4 : i32
    %sub3A_3484 = vector.broadcast %sub3A_3483 : i32 to vector<16xi32>
    %sub3A_3485 = arith.subi %iota3A, %sub3A_3484 : vector<16xi32>
    %max3A_3486 = arith.constant 0 : i32
    %max3A_3487 = vector.broadcast %max3A_3486 : i32 to vector<16xi32>
    %max3A_3488 = arith.maxsi %sub3A_3485, %max3A_3487 : vector<16xi32>
    %lt3A_3489 = arith.constant 0 : i32
    %lt3A_3490 = vector.broadcast %lt3A_3489 : i32 to vector<16xi32>
    %lt3A_3491 = arith.cmpi slt, %max3A_3488, %lt3A_3490 : vector<16xi32>
    %add3A_3492 = arith.constant 16 : i32
    %add3A_3493 = vector.broadcast %add3A_3492 : i32 to vector<16xi32>
    %add3A_3494 = arith.addi %max3A_3488, %add3A_3493 : vector<16xi32>
    %select_n3A_3495 = arith.select %lt3A_3491, %add3A_3494, %max3A_3488 : vector<16xi1>, vector<16xi32>
    %broadcast_in_dim3A_3496 = vector.shape_cast %select_n3A_3495 : vector<16xi32> to vector<16x1xi32>
    %gather3A_3497 = vector.shape_cast %broadcast_in_dim3A_3496 : vector<16x1xi32> to vector<16xi32>
    %gather3A_3498 = tpu.dynamic_gather %add3A_3482[%gather3A_3497] in [0] : vector<16xi32>, vector<16xi32> -> vector<16xi32>
    %sub3A_3499 = arith.constant 3 : i32
    %sub3A_3500 = vector.broadcast %sub3A_3499 : i32 to vector<16xi32>
    %sub3A_3501 = arith.subi %iota3A, %sub3A_3500 : vector<16xi32>
    %jit3A_3502 = arith.constant 0 : i32
    %jit3A_3503 = arith.constant 1 : i32
    %max3A_3504 = vector.broadcast %jit3A_3502 : i32 to vector<16xi32>
    %max3A_3505 = arith.maxsi %max3A_3504, %sub3A_3501 : vector<16xi32>
    %min3A_3506 = vector.broadcast %jit3A_3503 : i32 to vector<16xi32>
    %min3A_3507 = arith.minsi %min3A_3506, %max3A_3505 : vector<16xi32>
    %mul3A_3508 = arith.muli %min3A_3507, %gather3A_3498 : vector<16xi32>
    %add3A_3509 = arith.addi %add3A_3482, %mul3A_3508 : vector<16xi32>
    %sub3A_3510 = arith.constant 8 : i32
    %sub3A_3511 = vector.broadcast %sub3A_3510 : i32 to vector<16xi32>
    %sub3A_3512 = arith.subi %iota3A, %sub3A_3511 : vector<16xi32>
    %max3A_3513 = arith.constant 0 : i32
    %max3A_3514 = vector.broadcast %max3A_3513 : i32 to vector<16xi32>
    %max3A_3515 = arith.maxsi %sub3A_3512, %max3A_3514 : vector<16xi32>
    %lt3A_3516 = arith.constant 0 : i32
    %lt3A_3517 = vector.broadcast %lt3A_3516 : i32 to vector<16xi32>
    %lt3A_3518 = arith.cmpi slt, %max3A_3515, %lt3A_3517 : vector<16xi32>
    %add3A_3519 = arith.constant 16 : i32
    %add3A_3520 = vector.broadcast %add3A_3519 : i32 to vector<16xi32>
    %add3A_3521 = arith.addi %max3A_3515, %add3A_3520 : vector<16xi32>
    %select_n3A_3522 = arith.select %lt3A_3518, %add3A_3521, %max3A_3515 : vector<16xi1>, vector<16xi32>
    %broadcast_in_dim3A_3523 = vector.shape_cast %select_n3A_3522 : vector<16xi32> to vector<16x1xi32>
    %gather3A_3524 = vector.shape_cast %broadcast_in_dim3A_3523 : vector<16x1xi32> to vector<16xi32>
    %gather3A_3525 = tpu.dynamic_gather %add3A_3509[%gather3A_3524] in [0] : vector<16xi32>, vector<16xi32> -> vector<16xi32>
    %sub3A_3526 = arith.constant 7 : i32
    %sub3A_3527 = vector.broadcast %sub3A_3526 : i32 to vector<16xi32>
    %sub3A_3528 = arith.subi %iota3A, %sub3A_3527 : vector<16xi32>
    %jit3A_3529 = arith.constant 0 : i32
    %jit3A_3530 = arith.constant 1 : i32
    %max3A_3531 = vector.broadcast %jit3A_3529 : i32 to vector<16xi32>
    %max3A_3532 = arith.maxsi %max3A_3531, %sub3A_3528 : vector<16xi32>
    %min3A_3533 = vector.broadcast %jit3A_3530 : i32 to vector<16xi32>
    %min3A_3534 = arith.minsi %min3A_3533, %max3A_3532 : vector<16xi32>
    %mul3A_3535 = arith.muli %min3A_3534, %gather3A_3525 : vector<16xi32>
    %add3A_3536 = arith.addi %add3A_3509, %mul3A_3535 : vector<16xi32>
    %add3A_3537 = arith.addi %add3A_3420, %add3A_3536 : vector<16xi32>
    %mul3A_3538 = arith.muli %add3A_3537, %shift_right_logical3A_3428 : vector<16xi32>
    %swap3A_3539 = arith.constant 15 : i32
    %swap3A_3540 = arith.index_cast %swap3A_3539 : i32 to index
    %swap3A_3541 = arith.constant 0 : index
    %swap3A_3542 = tpu.vector_load %arg7[%swap3A_3540, %swap3A_3541] {strides = array<i32>} : memref<16x16xi32, #tpu.memory_space<vmem>>, vector<1x16xi32>,
    %swap3A_3543 = vector.shape_cast %swap3A_3542 : vector<1x16xi32> to vector<16xi32>
    %swap3A_3544 = vector.shape_cast %mul3A_3538 : vector<16xi32> to vector<1x16xi32>
    tpu.vector_store %arg7[%swap3A_3540, %swap3A_3541], %swap3A_3544 {strides = array<i32>} : memref<16x16xi32, #tpu.memory_space<vmem>>, vector<1x16xi32>,
    %lt3A_3545 = arith.constant 0 : i32
    %lt3A_3546 = vector.broadcast %lt3A_3545 : i32 to vector<16xi32>
    %lt3A_3547 = arith.cmpi slt, %broadcast_in_dim3A_43, %lt3A_3546 : vector<16xi32>
    %add3A_3548 = arith.constant 16 : i32
    %add3A_3549 = vector.broadcast %add3A_3548 : i32 to vector<16xi32>
    %add3A_3550 = arith.addi %broadcast_in_dim3A_43, %add3A_3549 : vector<16xi32>
    %select_n3A_3551 = arith.select %lt3A_3547, %add3A_3550, %broadcast_in_dim3A_43 : vector<16xi1>, vector<16xi32>
    %broadcast_in_dim3A_3552 = vector.shape_cast %select_n3A_3551 : vector<16xi32> to vector<16x1xi32>
    %gather3A_3553 = vector.shape_cast %broadcast_in_dim3A_3552 : vector<16x1xi32> to vector<16xi32>
    %gather3A_3554 = tpu.dynamic_gather %add3A_3536[%gather3A_3553] in [0] : vector<16xi32>, vector<16xi32> -> vector<16xi32>
    %add3A_3555 = arith.addi %add3A_3420, %gather3A_3554 : vector<16xi32>
    %mul3A_3556 = arith.constant 256 : i32
    %mul3A_3557 = arith.muli %add3A, %mul3A_3556 : i32
    %mul3A_3558 = arith.constant 4 : i32
    %mul3A_3559 = arith.muli %select_n3A, %mul3A_3558 : i32
    %add3A_3560 = arith.constant 0 : i32
    %add3A_3561 = arith.addi %add3A_3560, %mul3A_3559 : i32
    %jit3A_3562 = arith.constant 16 : i32
    %eq3A_3563 = arith.constant 0 : i32
    %eq3A_3564 = arith.cmpi eq, %jit3A_3562, %eq3A_3563 : i32
    %jit3A_3565 = arith.constant 1 : i32
    %select_n3A_3566 = arith.select %eq3A_3564, %jit3A_3565, %jit3A_3562 : i32
    %rem3A_3567 = arith.remsi %add3A_3561, %select_n3A_3566 : i32
    %ne3A_3568 = arith.constant 0 : i32
    %ne3A_3569 = arith.cmpi ne, %rem3A_3567, %ne3A_3568 : i32
    %lt3A_3570 = arith.constant 0 : i32
    %lt3A_3571 = arith.cmpi slt, %rem3A_3567, %lt3A_3570 : i32
    %lt3A_3572 = arith.constant 0 : i32
    %lt3A_3573 = arith.cmpi slt, %select_n3A_3566, %lt3A_3572 : i32
    %ne3A_3574 = arith.xori %lt3A_3571, %lt3A_3573 : i1
    %and3A_3575 = arith.andi %ne3A_3574, %ne3A_3569 : i1
    %add3A_3576 = arith.addi %rem3A_3567, %select_n3A_3566 : i32
    %select_n3A_3577 = arith.select %and3A_3575, %add3A_3576, %rem3A_3567 : i32
    %dma_start3A_3578 = arith.constant 0 : i32
    %dma_start3A_3579 = arith.constant 0 : i32
    %dma_start3A_3580 = tpu.memref_slice %arg8[%dma_start3A_3578, %dma_start3A_3579] : memref<96x1024xf32, #tpu.memory_space<vmem>> -> memref<16x1024xf32, #tpu.memory_space<vmem>>
    %dma_start3A_3581 = arith.constant 0 : i32
    %dma_start3A_3582 = tpu.memref_slice %arg7[%select_n3A_3577, %dma_start3A_3581] : memref<16x16xi32, #tpu.memory_space<vmem>> -> memref<1x16xi32, #tpu.memory_space<vmem>>
    %dma_start3A_3583 = tpu.memref_squeeze %dma_start3A_3582 : memref<1x16xi32, #tpu.memory_space<vmem>> -> memref<16xi32, #tpu.memory_space<vmem>>
    %dma_start3A_3584 = arith.constant 0 : i32
    %dma_start3A_3585 = arith.constant 0 : i32
    %dma_start3A_3586 = tpu.memref_slice %arg3[%dma_start3A_3584, %dma_start3A_3585] : memref<4096x1024xf32, #tpu.memory_space<hbm>> -> memref<4096x1024xf32, #tpu.memory_space<hbm>>
    tpu.enqueue_indirect_dma source(%dma_start3A_3586 : memref<4096x1024xf32, #tpu.memory_space<hbm>>) target(%dma_start3A_3580 : memref<16x1024xf32, #tpu.memory_space<vmem>>) offsets(%dma_start3A_3583 : memref<16xi32, #tpu.memory_space<vmem>>) semaphore(%arg9 : memref<!tpu.dma_semaphore, #tpu.memory_space<semaphore_mem>>)
    %mul3A_3587 = arith.constant 4 : i32
    %mul3A_3588 = arith.muli %select_n3A, %mul3A_3587 : i32
    %add3A_3589 = arith.constant 1 : i32
    %add3A_3590 = arith.addi %add3A_3589, %mul3A_3588 : i32
    %jit3A_3591 = arith.constant 16 : i32
    %eq3A_3592 = arith.constant 0 : i32
    %eq3A_3593 = arith.cmpi eq, %jit3A_3591, %eq3A_3592 : i32
    %jit3A_3594 = arith.constant 1 : i32
    %select_n3A_3595 = arith.select %eq3A_3593, %jit3A_3594, %jit3A_3591 : i32
    %rem3A_3596 = arith.remsi %add3A_3590, %select_n3A_3595 : i32
    %ne3A_3597 = arith.constant 0 : i32
    %ne3A_3598 = arith.cmpi ne, %rem3A_3596, %ne3A_3597 : i32
    %lt3A_3599 = arith.constant 0 : i32
    %lt3A_3600 = arith.cmpi slt, %rem3A_3596, %lt3A_3599 : i32
    %lt3A_3601 = arith.constant 0 : i32
    %lt3A_3602 = arith.cmpi slt, %select_n3A_3595, %lt3A_3601 : i32
    %ne3A_3603 = arith.xori %lt3A_3600, %lt3A_3602 : i1
    %and3A_3604 = arith.andi %ne3A_3603, %ne3A_3598 : i1
    %add3A_3605 = arith.addi %rem3A_3596, %select_n3A_3595 : i32
    %select_n3A_3606 = arith.select %and3A_3604, %add3A_3605, %rem3A_3596 : i32
    %dma_start3A_3607 = arith.constant 16 : i32
    %dma_start3A_3608 = arith.constant 0 : i32
    %dma_start3A_3609 = tpu.memref_slice %arg8[%dma_start3A_3607, %dma_start3A_3608] : memref<96x1024xf32, #tpu.memory_space<vmem>> -> memref<16x1024xf32, #tpu.memory_space<vmem>>
    %dma_start3A_3610 = arith.constant 0 : i32
    %dma_start3A_3611 = tpu.memref_slice %arg7[%select_n3A_3606, %dma_start3A_3610] : memref<16x16xi32, #tpu.memory_space<vmem>> -> memref<1x16xi32, #tpu.memory_space<vmem>>
    %dma_start3A_3612 = tpu.memref_squeeze %dma_start3A_3611 : memref<1x16xi32, #tpu.memory_space<vmem>> -> memref<16xi32, #tpu.memory_space<vmem>>
    %dma_start3A_3613 = arith.constant 0 : i32
    %dma_start3A_3614 = arith.constant 0 : i32
    %dma_start3A_3615 = tpu.memref_slice %arg3[%dma_start3A_3613, %dma_start3A_3614] : memref<4096x1024xf32, #tpu.memory_space<hbm>> -> memref<4096x1024xf32, #tpu.memory_space<hbm>>
    tpu.enqueue_indirect_dma source(%dma_start3A_3615 : memref<4096x1024xf32, #tpu.memory_space<hbm>>) target(%dma_start3A_3609 : memref<16x1024xf32, #tpu.memory_space<vmem>>) offsets(%dma_start3A_3612 : memref<16xi32, #tpu.memory_space<vmem>>) semaphore(%arg10 : memref<!tpu.dma_semaphore, #tpu.memory_space<semaphore_mem>>)
    %mul3A_3616 = arith.constant 4 : i32
    %mul3A_3617 = arith.muli %select_n3A, %mul3A_3616 : i32
    %add3A_3618 = arith.constant 2 : i32
    %add3A_3619 = arith.addi %add3A_3618, %mul3A_3617 : i32
    %jit3A_3620 = arith.constant 16 : i32
    %eq3A_3621 = arith.constant 0 : i32
    %eq3A_3622 = arith.cmpi eq, %jit3A_3620, %eq3A_3621 : i32
    %jit3A_3623 = arith.constant 1 : i32
    %select_n3A_3624 = arith.select %eq3A_3622, %jit3A_3623, %jit3A_3620 : i32
    %rem3A_3625 = arith.remsi %add3A_3619, %select_n3A_3624 : i32
    %ne3A_3626 = arith.constant 0 : i32
    %ne3A_3627 = arith.cmpi ne, %rem3A_3625, %ne3A_3626 : i32
    %lt3A_3628 = arith.constant 0 : i32
    %lt3A_3629 = arith.cmpi slt, %rem3A_3625, %lt3A_3628 : i32
    %lt3A_3630 = arith.constant 0 : i32
    %lt3A_3631 = arith.cmpi slt, %select_n3A_3624, %lt3A_3630 : i32
    %ne3A_3632 = arith.xori %lt3A_3629, %lt3A_3631 : i1
    %and3A_3633 = arith.andi %ne3A_3632, %ne3A_3627 : i1
    %add3A_3634 = arith.addi %rem3A_3625, %select_n3A_3624 : i32
    %select_n3A_3635 = arith.select %and3A_3633, %add3A_3634, %rem3A_3625 : i32
    %dma_start3A_3636 = arith.constant 32 : i32
    %dma_start3A_3637 = arith.constant 0 : i32
    %dma_start3A_3638 = tpu.memref_slice %arg8[%dma_start3A_3636, %dma_start3A_3637] : memref<96x1024xf32, #tpu.memory_space<vmem>> -> memref<16x1024xf32, #tpu.memory_space<vmem>>
    %dma_start3A_3639 = arith.constant 0 : i32
    %dma_start3A_3640 = tpu.memref_slice %arg7[%select_n3A_3635, %dma_start3A_3639] : memref<16x16xi32, #tpu.memory_space<vmem>> -> memref<1x16xi32, #tpu.memory_space<vmem>>
    %dma_start3A_3641 = tpu.memref_squeeze %dma_start3A_3640 : memref<1x16xi32, #tpu.memory_space<vmem>> -> memref<16xi32, #tpu.memory_space<vmem>>
    %dma_start3A_3642 = arith.constant 0 : i32
    %dma_start3A_3643 = arith.constant 0 : i32
    %dma_start3A_3644 = tpu.memref_slice %arg3[%dma_start3A_3642, %dma_start3A_3643] : memref<4096x1024xf32, #tpu.memory_space<hbm>> -> memref<4096x1024xf32, #tpu.memory_space<hbm>>
    tpu.enqueue_indirect_dma source(%dma_start3A_3644 : memref<4096x1024xf32, #tpu.memory_space<hbm>>) target(%dma_start3A_3638 : memref<16x1024xf32, #tpu.memory_space<vmem>>) offsets(%dma_start3A_3641 : memref<16xi32, #tpu.memory_space<vmem>>) semaphore(%arg11 : memref<!tpu.dma_semaphore, #tpu.memory_space<semaphore_mem>>)
    %mul3A_3645 = arith.constant 4 : i32
    %mul3A_3646 = arith.muli %select_n3A, %mul3A_3645 : i32
    %add3A_3647 = arith.constant 3 : i32
    %add3A_3648 = arith.addi %add3A_3647, %mul3A_3646 : i32
    %jit3A_3649 = arith.constant 16 : i32
    %eq3A_3650 = arith.constant 0 : i32
    %eq3A_3651 = arith.cmpi eq, %jit3A_3649, %eq3A_3650 : i32
    %jit3A_3652 = arith.constant 1 : i32
    %select_n3A_3653 = arith.select %eq3A_3651, %jit3A_3652, %jit3A_3649 : i32
    %rem3A_3654 = arith.remsi %add3A_3648, %select_n3A_3653 : i32
    %ne3A_3655 = arith.constant 0 : i32
    %ne3A_3656 = arith.cmpi ne, %rem3A_3654, %ne3A_3655 : i32
    %lt3A_3657 = arith.constant 0 : i32
    %lt3A_3658 = arith.cmpi slt, %rem3A_3654, %lt3A_3657 : i32
    %lt3A_3659 = arith.constant 0 : i32
    %lt3A_3660 = arith.cmpi slt, %select_n3A_3653, %lt3A_3659 : i32
    %ne3A_3661 = arith.xori %lt3A_3658, %lt3A_3660 : i1
    %and3A_3662 = arith.andi %ne3A_3661, %ne3A_3656 : i1
    %add3A_3663 = arith.addi %rem3A_3654, %select_n3A_3653 : i32
    %select_n3A_3664 = arith.select %and3A_3662, %add3A_3663, %rem3A_3654 : i32
    %dma_start3A_3665 = arith.constant 48 : i32
    %dma_start3A_3666 = arith.constant 0 : i32
    %dma_start3A_3667 = tpu.memref_slice %arg8[%dma_start3A_3665, %dma_start3A_3666] : memref<96x1024xf32, #tpu.memory_space<vmem>> -> memref<16x1024xf32, #tpu.memory_space<vmem>>
    %dma_start3A_3668 = arith.constant 0 : i32
    %dma_start3A_3669 = tpu.memref_slice %arg7[%select_n3A_3664, %dma_start3A_3668] : memref<16x16xi32, #tpu.memory_space<vmem>> -> memref<1x16xi32, #tpu.memory_space<vmem>>
    %dma_start3A_3670 = tpu.memref_squeeze %dma_start3A_3669 : memref<1x16xi32, #tpu.memory_space<vmem>> -> memref<16xi32, #tpu.memory_space<vmem>>
    %dma_start3A_3671 = arith.constant 0 : i32
    %dma_start3A_3672 = arith.constant 0 : i32
    %dma_start3A_3673 = tpu.memref_slice %arg3[%dma_start3A_3671, %dma_start3A_3672] : memref<4096x1024xf32, #tpu.memory_space<hbm>> -> memref<4096x1024xf32, #tpu.memory_space<hbm>>
    tpu.enqueue_indirect_dma source(%dma_start3A_3673 : memref<4096x1024xf32, #tpu.memory_space<hbm>>) target(%dma_start3A_3667 : memref<16x1024xf32, #tpu.memory_space<vmem>>) offsets(%dma_start3A_3670 : memref<16xi32, #tpu.memory_space<vmem>>) semaphore(%arg12 : memref<!tpu.dma_semaphore, #tpu.memory_space<semaphore_mem>>)
    %mul3A_3674 = arith.constant 4 : i32
    %mul3A_3675 = arith.muli %select_n3A, %mul3A_3674 : i32
    %add3A_3676 = arith.constant 4 : i32
    %add3A_3677 = arith.addi %add3A_3676, %mul3A_3675 : i32
    %jit3A_3678 = arith.constant 16 : i32
    %eq3A_3679 = arith.constant 0 : i32
    %eq3A_3680 = arith.cmpi eq, %jit3A_3678, %eq3A_3679 : i32
    %jit3A_3681 = arith.constant 1 : i32
    %select_n3A_3682 = arith.select %eq3A_3680, %jit3A_3681, %jit3A_3678 : i32
    %rem3A_3683 = arith.remsi %add3A_3677, %select_n3A_3682 : i32
    %ne3A_3684 = arith.constant 0 : i32
    %ne3A_3685 = arith.cmpi ne, %rem3A_3683, %ne3A_3684 : i32
    %lt3A_3686 = arith.constant 0 : i32
    %lt3A_3687 = arith.cmpi slt, %rem3A_3683, %lt3A_3686 : i32
    %lt3A_3688 = arith.constant 0 : i32
    %lt3A_3689 = arith.cmpi slt, %select_n3A_3682, %lt3A_3688 : i32
    %ne3A_3690 = arith.xori %lt3A_3687, %lt3A_3689 : i1
    %and3A_3691 = arith.andi %ne3A_3690, %ne3A_3685 : i1
    %add3A_3692 = arith.addi %rem3A_3683, %select_n3A_3682 : i32
    %select_n3A_3693 = arith.select %and3A_3691, %add3A_3692, %rem3A_3683 : i32
    %dma_start3A_3694 = arith.constant 64 : i32
    %dma_start3A_3695 = arith.constant 0 : i32
    %dma_start3A_3696 = tpu.memref_slice %arg8[%dma_start3A_3694, %dma_start3A_3695] : memref<96x1024xf32, #tpu.memory_space<vmem>> -> memref<16x1024xf32, #tpu.memory_space<vmem>>
    %dma_start3A_3697 = arith.constant 0 : i32
    %dma_start3A_3698 = tpu.memref_slice %arg7[%select_n3A_3693, %dma_start3A_3697] : memref<16x16xi32, #tpu.memory_space<vmem>> -> memref<1x16xi32, #tpu.memory_space<vmem>>
    %dma_start3A_3699 = tpu.memref_squeeze %dma_start3A_3698 : memref<1x16xi32, #tpu.memory_space<vmem>> -> memref<16xi32, #tpu.memory_space<vmem>>
    %dma_start3A_3700 = arith.constant 0 : i32
    %dma_start3A_3701 = arith.constant 0 : i32
    %dma_start3A_3702 = tpu.memref_slice %arg3[%dma_start3A_3700, %dma_start3A_3701] : memref<4096x1024xf32, #tpu.memory_space<hbm>> -> memref<4096x1024xf32, #tpu.memory_space<hbm>>
    tpu.enqueue_indirect_dma source(%dma_start3A_3702 : memref<4096x1024xf32, #tpu.memory_space<hbm>>) target(%dma_start3A_3696 : memref<16x1024xf32, #tpu.memory_space<vmem>>) offsets(%dma_start3A_3699 : memref<16xi32, #tpu.memory_space<vmem>>) semaphore(%arg13 : memref<!tpu.dma_semaphore, #tpu.memory_space<semaphore_mem>>)
    %dma_wait3A_3703 = arith.constant 0 : i32
    %dma_wait3A_3704 = arith.constant 0 : i32
    %dma_wait3A_3705 = tpu.memref_slice %arg8[%dma_wait3A_3703, %dma_wait3A_3704] : memref<96x1024xf32, #tpu.memory_space<vmem>> -> memref<16x1024xf32, #tpu.memory_space<vmem>>
    %dma_wait3A_3706 = arith.constant 0 : i32
    %dma_wait3A_3707 = tpu.memref_slice %arg7[%select_n3A_3577, %dma_wait3A_3706] : memref<16x16xi32, #tpu.memory_space<vmem>> -> memref<1x16xi32, #tpu.memory_space<vmem>>
    %dma_wait3A_3708 = tpu.memref_squeeze %dma_wait3A_3707 : memref<1x16xi32, #tpu.memory_space<vmem>> -> memref<16xi32, #tpu.memory_space<vmem>>
    %dma_wait3A_3709 = arith.constant 0 : i32
    %dma_wait3A_3710 = arith.constant 0 : i32
    %dma_wait3A_3711 = tpu.memref_slice %arg3[%dma_wait3A_3709, %dma_wait3A_3710] : memref<4096x1024xf32, #tpu.memory_space<hbm>> -> memref<4096x1024xf32, #tpu.memory_space<hbm>>
    tpu.wait_indirect_dma semaphore(%arg9 : memref<!tpu.dma_semaphore, #tpu.memory_space<semaphore_mem>>) src(%dma_wait3A_3711 : memref<4096x1024xf32, #tpu.memory_space<hbm>>) dst(%dma_wait3A_3705 : memref<16x1024xf32, #tpu.memory_space<vmem>>)
    %mul3A_3712 = arith.constant 4 : i32
    %mul3A_3713 = arith.muli %select_n3A, %mul3A_3712 : i32
    %add3A_3714 = arith.constant 5 : i32
    %add3A_3715 = arith.addi %add3A_3714, %mul3A_3713 : i32
    %jit3A_3716 = arith.constant 16 : i32
    %eq3A_3717 = arith.constant 0 : i32
    %eq3A_3718 = arith.cmpi eq, %jit3A_3716, %eq3A_3717 : i32
    %jit3A_3719 = arith.constant 1 : i32
    %select_n3A_3720 = arith.select %eq3A_3718, %jit3A_3719, %jit3A_3716 : i32
    %rem3A_3721 = arith.remsi %add3A_3715, %select_n3A_3720 : i32
    %ne3A_3722 = arith.constant 0 : i32
    %ne3A_3723 = arith.cmpi ne, %rem3A_3721, %ne3A_3722 : i32
    %lt3A_3724 = arith.constant 0 : i32
    %lt3A_3725 = arith.cmpi slt, %rem3A_3721, %lt3A_3724 : i32
    %lt3A_3726 = arith.constant 0 : i32
    %lt3A_3727 = arith.cmpi slt, %select_n3A_3720, %lt3A_3726 : i32
    %ne3A_3728 = arith.xori %lt3A_3725, %lt3A_3727 : i1
    %and3A_3729 = arith.andi %ne3A_3728, %ne3A_3723 : i1
    %add3A_3730 = arith.addi %rem3A_3721, %select_n3A_3720 : i32
    %select_n3A_3731 = arith.select %and3A_3729, %add3A_3730, %rem3A_3721 : i32
    %dma_start3A_3732 = arith.constant 80 : i32
    %dma_start3A_3733 = arith.constant 0 : i32
    %dma_start3A_3734 = tpu.memref_slice %arg8[%dma_start3A_3732, %dma_start3A_3733] : memref<96x1024xf32, #tpu.memory_space<vmem>> -> memref<16x1024xf32, #tpu.memory_space<vmem>>
    %dma_start3A_3735 = arith.constant 0 : i32
    %dma_start3A_3736 = tpu.memref_slice %arg7[%select_n3A_3731, %dma_start3A_3735] : memref<16x16xi32, #tpu.memory_space<vmem>> -> memref<1x16xi32, #tpu.memory_space<vmem>>
    %dma_start3A_3737 = tpu.memref_squeeze %dma_start3A_3736 : memref<1x16xi32, #tpu.memory_space<vmem>> -> memref<16xi32, #tpu.memory_space<vmem>>
    %dma_start3A_3738 = arith.constant 0 : i32
    %dma_start3A_3739 = arith.constant 0 : i32
    %dma_start3A_3740 = tpu.memref_slice %arg3[%dma_start3A_3738, %dma_start3A_3739] : memref<4096x1024xf32, #tpu.memory_space<hbm>> -> memref<4096x1024xf32, #tpu.memory_space<hbm>>
    tpu.enqueue_indirect_dma source(%dma_start3A_3740 : memref<4096x1024xf32, #tpu.memory_space<hbm>>) target(%dma_start3A_3734 : memref<16x1024xf32, #tpu.memory_space<vmem>>) offsets(%dma_start3A_3737 : memref<16xi32, #tpu.memory_space<vmem>>) semaphore(%arg14 : memref<!tpu.dma_semaphore, #tpu.memory_space<semaphore_mem>>)
    %dma_wait3A_3741 = arith.constant 16 : i32
    %dma_wait3A_3742 = arith.constant 0 : i32
    %dma_wait3A_3743 = tpu.memref_slice %arg8[%dma_wait3A_3741, %dma_wait3A_3742] : memref<96x1024xf32, #tpu.memory_space<vmem>> -> memref<16x1024xf32, #tpu.memory_space<vmem>>
    %dma_wait3A_3744 = arith.constant 0 : i32
    %dma_wait3A_3745 = tpu.memref_slice %arg7[%select_n3A_3606, %dma_wait3A_3744] : memref<16x16xi32, #tpu.memory_space<vmem>> -> memref<1x16xi32, #tpu.memory_space<vmem>>
    %dma_wait3A_3746 = tpu.memref_squeeze %dma_wait3A_3745 : memref<1x16xi32, #tpu.memory_space<vmem>> -> memref<16xi32, #tpu.memory_space<vmem>>
    %dma_wait3A_3747 = arith.constant 0 : i32
    %dma_wait3A_3748 = arith.constant 0 : i32
    %dma_wait3A_3749 = tpu.memref_slice %arg3[%dma_wait3A_3747, %dma_wait3A_3748] : memref<4096x1024xf32, #tpu.memory_space<hbm>> -> memref<4096x1024xf32, #tpu.memory_space<hbm>>
    tpu.wait_indirect_dma semaphore(%arg10 : memref<!tpu.dma_semaphore, #tpu.memory_space<semaphore_mem>>) src(%dma_wait3A_3749 : memref<4096x1024xf32, #tpu.memory_space<hbm>>) dst(%dma_wait3A_3743 : memref<16x1024xf32, #tpu.memory_space<vmem>>)
    %mul3A_3750 = arith.constant 4 : i32
    %mul3A_3751 = arith.muli %select_n3A, %mul3A_3750 : i32
    %add3A_3752 = arith.constant 0 : i32
    %add3A_3753 = arith.addi %add3A_3752, %mul3A_3751 : i32
    %jit3A_3754 = arith.constant 16 : i32
    %eq3A_3755 = arith.constant 0 : i32
    %eq3A_3756 = arith.cmpi eq, %jit3A_3754, %eq3A_3755 : i32
    %jit3A_3757 = arith.constant 1 : i32
    %select_n3A_3758 = arith.select %eq3A_3756, %jit3A_3757, %jit3A_3754 : i32
    %rem3A_3759 = arith.remsi %add3A_3753, %select_n3A_3758 : i32
    %ne3A_3760 = arith.constant 0 : i32
    %ne3A_3761 = arith.cmpi ne, %rem3A_3759, %ne3A_3760 : i32
    %lt3A_3762 = arith.constant 0 : i32
    %lt3A_3763 = arith.cmpi slt, %rem3A_3759, %lt3A_3762 : i32
    %lt3A_3764 = arith.constant 0 : i32
    %lt3A_3765 = arith.cmpi slt, %select_n3A_3758, %lt3A_3764 : i32
    %ne3A_3766 = arith.xori %lt3A_3763, %lt3A_3765 : i1
    %and3A_3767 = arith.andi %ne3A_3766, %ne3A_3761 : i1
    %add3A_3768 = arith.addi %rem3A_3759, %select_n3A_3758 : i32
    %select_n3A_3769 = arith.select %and3A_3767, %add3A_3768, %rem3A_3759 : i32
    %mul3A_3770 = arith.constant 16 : i32
    %mul3A_3771 = arith.muli %select_n3A_3769, %mul3A_3770 : i32
    %add3A_3772 = arith.addi %mul3A_3557, %mul3A_3771 : i32
    %dma_start3A_3773 = arith.constant 0 : i32
    %dma_start3A_3774 = arith.constant 0 : i32
    %dma_start3A_3775 = tpu.memref_slice %arg8[%dma_start3A_3773, %dma_start3A_3774] : memref<96x1024xf32, #tpu.memory_space<vmem>> -> memref<32x1024xf32, #tpu.memory_space<vmem>>
    %dma_start3A_3776 = arith.constant 0 : i32
    %dma_start3A_3777 = tpu.memref_slice %arg4[%add3A_3772, %dma_start3A_3776] : memref<8192x1024xf32, #tpu.memory_space<hbm>> -> memref<32x1024xf32, #tpu.memory_space<hbm>>
    %dma_start3A_3778 = arith.constant 0 : i32
    %dma_start3A_3779 = tpu.memref_slice %arg4[%add3A_3772, %dma_start3A_3778] : memref<8192x1024xf32, #tpu.memory_space<hbm>> -> memref<32x1024xf32, #tpu.memory_space<hbm>>
    %dma_start3A_3780 = arith.constant 0 : i32
    %dma_start3A_3781 = arith.constant 0 : i32
    %dma_start3A_3782 = tpu.memref_slice %arg8[%dma_start3A_3780, %dma_start3A_3781] : memref<96x1024xf32, #tpu.memory_space<vmem>> -> memref<32x1024xf32, #tpu.memory_space<vmem>>
    tpu.enqueue_dma source(%dma_start3A_3782 : memref<32x1024xf32, #tpu.memory_space<vmem>>) target(%dma_start3A_3779 : memref<32x1024xf32, #tpu.memory_space<hbm>>) target_semaphore(%arg15 : memref<!tpu.dma_semaphore, #tpu.memory_space<semaphore_mem>>)
    %dma_wait3A_3783 = arith.constant 0 : i32
    %dma_wait3A_3784 = arith.constant 0 : i32
    %dma_wait3A_3785 = tpu.memref_slice %arg8[%dma_wait3A_3783, %dma_wait3A_3784] : memref<96x1024xf32, #tpu.memory_space<vmem>> -> memref<32x1024xf32, #tpu.memory_space<vmem>>
    %dma_wait3A_3786 = arith.constant 0 : i32
    %dma_wait3A_3787 = tpu.memref_slice %arg4[%add3A_3772, %dma_wait3A_3786] : memref<8192x1024xf32, #tpu.memory_space<hbm>> -> memref<32x1024xf32, #tpu.memory_space<hbm>>
    %dma_wait3A_3788 = arith.constant 0 : i32
    %dma_wait3A_3789 = tpu.memref_slice %arg4[%add3A_3772, %dma_wait3A_3788] : memref<8192x1024xf32, #tpu.memory_space<hbm>> -> memref<32x1024xf32, #tpu.memory_space<hbm>>
    %dma_wait3A_3790 = arith.constant 0 : i32
    %dma_wait3A_3791 = arith.constant 0 : i32
    %dma_wait3A_3792 = tpu.memref_slice %arg8[%dma_wait3A_3790, %dma_wait3A_3791] : memref<96x1024xf32, #tpu.memory_space<vmem>> -> memref<32x1024xf32, #tpu.memory_space<vmem>>
    tpu.wait_dma2 semaphore(%arg15 : memref<!tpu.dma_semaphore, #tpu.memory_space<semaphore_mem>>) src(%dma_wait3A_3792 : memref<32x1024xf32, #tpu.memory_space<vmem>>) dst(%dma_wait3A_3789 : memref<32x1024xf32, #tpu.memory_space<hbm>>)
    %mul3A_3793 = arith.constant 4 : i32
    %mul3A_3794 = arith.muli %select_n3A, %mul3A_3793 : i32
    %add3A_3795 = arith.constant 6 : i32
    %add3A_3796 = arith.addi %add3A_3795, %mul3A_3794 : i32
    %jit3A_3797 = arith.constant 16 : i32
    %eq3A_3798 = arith.constant 0 : i32
    %eq3A_3799 = arith.cmpi eq, %jit3A_3797, %eq3A_3798 : i32
    %jit3A_3800 = arith.constant 1 : i32
    %select_n3A_3801 = arith.select %eq3A_3799, %jit3A_3800, %jit3A_3797 : i32
    %rem3A_3802 = arith.remsi %add3A_3796, %select_n3A_3801 : i32
    %ne3A_3803 = arith.constant 0 : i32
    %ne3A_3804 = arith.cmpi ne, %rem3A_3802, %ne3A_3803 : i32
    %lt3A_3805 = arith.constant 0 : i32
    %lt3A_3806 = arith.cmpi slt, %rem3A_3802, %lt3A_3805 : i32
    %lt3A_3807 = arith.constant 0 : i32
    %lt3A_3808 = arith.cmpi slt, %select_n3A_3801, %lt3A_3807 : i32
    %ne3A_3809 = arith.xori %lt3A_3806, %lt3A_3808 : i1
    %and3A_3810 = arith.andi %ne3A_3809, %ne3A_3804 : i1
    %add3A_3811 = arith.addi %rem3A_3802, %select_n3A_3801 : i32
    %select_n3A_3812 = arith.select %and3A_3810, %add3A_3811, %rem3A_3802 : i32
    %dma_start3A_3813 = arith.constant 0 : i32
    %dma_start3A_3814 = arith.constant 0 : i32
    %dma_start3A_3815 = tpu.memref_slice %arg8[%dma_start3A_3813, %dma_start3A_3814] : memref<96x1024xf32, #tpu.memory_space<vmem>> -> memref<16x1024xf32, #tpu.memory_space<vmem>>
    %dma_start3A_3816 = arith.constant 0 : i32
    %dma_start3A_3817 = tpu.memref_slice %arg7[%select_n3A_3812, %dma_start3A_3816] : memref<16x16xi32, #tpu.memory_space<vmem>> -> memref<1x16xi32, #tpu.memory_space<vmem>>
    %dma_start3A_3818 = tpu.memref_squeeze %dma_start3A_3817 : memref<1x16xi32, #tpu.memory_space<vmem>> -> memref<16xi32, #tpu.memory_space<vmem>>
    %dma_start3A_3819 = arith.constant 0 : i32
    %dma_start3A_3820 = arith.constant 0 : i32
    %dma_start3A_3821 = tpu.memref_slice %arg3[%dma_start3A_3819, %dma_start3A_3820] : memref<4096x1024xf32, #tpu.memory_space<hbm>> -> memref<4096x1024xf32, #tpu.memory_space<hbm>>
    tpu.enqueue_indirect_dma source(%dma_start3A_3821 : memref<4096x1024xf32, #tpu.memory_space<hbm>>) target(%dma_start3A_3815 : memref<16x1024xf32, #tpu.memory_space<vmem>>) offsets(%dma_start3A_3818 : memref<16xi32, #tpu.memory_space<vmem>>) semaphore(%arg9 : memref<!tpu.dma_semaphore, #tpu.memory_space<semaphore_mem>>)
    %dma_wait3A_3822 = arith.constant 32 : i32
    %dma_wait3A_3823 = arith.constant 0 : i32
    %dma_wait3A_3824 = tpu.memref_slice %arg8[%dma_wait3A_3822, %dma_wait3A_3823] : memref<96x1024xf32, #tpu.memory_space<vmem>> -> memref<16x1024xf32, #tpu.memory_space<vmem>>
    %dma_wait3A_3825 = arith.constant 0 : i32
    %dma_wait3A_3826 = tpu.memref_slice %arg7[%select_n3A_3635, %dma_wait3A_3825] : memref<16x16xi32, #tpu.memory_space<vmem>> -> memref<1x16xi32, #tpu.memory_space<vmem>>
    %dma_wait3A_3827 = tpu.memref_squeeze %dma_wait3A_3826 : memref<1x16xi32, #tpu.memory_space<vmem>> -> memref<16xi32, #tpu.memory_space<vmem>>
    %dma_wait3A_3828 = arith.constant 0 : i32
    %dma_wait3A_3829 = arith.constant 0 : i32
    %dma_wait3A_3830 = tpu.memref_slice %arg3[%dma_wait3A_3828, %dma_wait3A_3829] : memref<4096x1024xf32, #tpu.memory_space<hbm>> -> memref<4096x1024xf32, #tpu.memory_space<hbm>>
    tpu.wait_indirect_dma semaphore(%arg11 : memref<!tpu.dma_semaphore, #tpu.memory_space<semaphore_mem>>) src(%dma_wait3A_3830 : memref<4096x1024xf32, #tpu.memory_space<hbm>>) dst(%dma_wait3A_3824 : memref<16x1024xf32, #tpu.memory_space<vmem>>)
    %mul3A_3831 = arith.constant 4 : i32
    %mul3A_3832 = arith.muli %select_n3A, %mul3A_3831 : i32
    %add3A_3833 = arith.constant 7 : i32
    %add3A_3834 = arith.addi %add3A_3833, %mul3A_3832 : i32
    %jit3A_3835 = arith.constant 16 : i32
    %eq3A_3836 = arith.constant 0 : i32
    %eq3A_3837 = arith.cmpi eq, %jit3A_3835, %eq3A_3836 : i32
    %jit3A_3838 = arith.constant 1 : i32
    %select_n3A_3839 = arith.select %eq3A_3837, %jit3A_3838, %jit3A_3835 : i32
    %rem3A_3840 = arith.remsi %add3A_3834, %select_n3A_3839 : i32
    %ne3A_3841 = arith.constant 0 : i32
    %ne3A_3842 = arith.cmpi ne, %rem3A_3840, %ne3A_3841 : i32
    %lt3A_3843 = arith.constant 0 : i32
    %lt3A_3844 = arith.cmpi slt, %rem3A_3840, %lt3A_3843 : i32
    %lt3A_3845 = arith.constant 0 : i32
    %lt3A_3846 = arith.cmpi slt, %select_n3A_3839, %lt3A_3845 : i32
    %ne3A_3847 = arith.xori %lt3A_3844, %lt3A_3846 : i1
    %and3A_3848 = arith.andi %ne3A_3847, %ne3A_3842 : i1
    %add3A_3849 = arith.addi %rem3A_3840, %select_n3A_3839 : i32
    %select_n3A_3850 = arith.select %and3A_3848, %add3A_3849, %rem3A_3840 : i32
    %dma_start3A_3851 = arith.constant 16 : i32
    %dma_start3A_3852 = arith.constant 0 : i32
    %dma_start3A_3853 = tpu.memref_slice %arg8[%dma_start3A_3851, %dma_start3A_3852] : memref<96x1024xf32, #tpu.memory_space<vmem>> -> memref<16x1024xf32, #tpu.memory_space<vmem>>
    %dma_start3A_3854 = arith.constant 0 : i32
    %dma_start3A_3855 = tpu.memref_slice %arg7[%select_n3A_3850, %dma_start3A_3854] : memref<16x16xi32, #tpu.memory_space<vmem>> -> memref<1x16xi32, #tpu.memory_space<vmem>>
    %dma_start3A_3856 = tpu.memref_squeeze %dma_start3A_3855 : memref<1x16xi32, #tpu.memory_space<vmem>> -> memref<16xi32, #tpu.memory_space<vmem>>
    %dma_start3A_3857 = arith.constant 0 : i32
    %dma_start3A_3858 = arith.constant 0 : i32
    %dma_start3A_3859 = tpu.memref_slice %arg3[%dma_start3A_3857, %dma_start3A_3858] : memref<4096x1024xf32, #tpu.memory_space<hbm>> -> memref<4096x1024xf32, #tpu.memory_space<hbm>>
    tpu.enqueue_indirect_dma source(%dma_start3A_3859 : memref<4096x1024xf32, #tpu.memory_space<hbm>>) target(%dma_start3A_3853 : memref<16x1024xf32, #tpu.memory_space<vmem>>) offsets(%dma_start3A_3856 : memref<16xi32, #tpu.memory_space<vmem>>) semaphore(%arg10 : memref<!tpu.dma_semaphore, #tpu.memory_space<semaphore_mem>>)
    %dma_wait3A_3860 = arith.constant 48 : i32
    %dma_wait3A_3861 = arith.constant 0 : i32
    %dma_wait3A_3862 = tpu.memref_slice %arg8[%dma_wait3A_3860, %dma_wait3A_3861] : memref<96x1024xf32, #tpu.memory_space<vmem>> -> memref<16x1024xf32, #tpu.memory_space<vmem>>
    %dma_wait3A_3863 = arith.constant 0 : i32
    %dma_wait3A_3864 = tpu.memref_slice %arg7[%select_n3A_3664, %dma_wait3A_3863] : memref<16x16xi32, #tpu.memory_space<vmem>> -> memref<1x16xi32, #tpu.memory_space<vmem>>
    %dma_wait3A_3865 = tpu.memref_squeeze %dma_wait3A_3864 : memref<1x16xi32, #tpu.memory_space<vmem>> -> memref<16xi32, #tpu.memory_space<vmem>>
    %dma_wait3A_3866 = arith.constant 0 : i32
    %dma_wait3A_3867 = arith.constant 0 : i32
    %dma_wait3A_3868 = tpu.memref_slice %arg3[%dma_wait3A_3866, %dma_wait3A_3867] : memref<4096x1024xf32, #tpu.memory_space<hbm>> -> memref<4096x1024xf32, #tpu.memory_space<hbm>>
    tpu.wait_indirect_dma semaphore(%arg12 : memref<!tpu.dma_semaphore, #tpu.memory_space<semaphore_mem>>) src(%dma_wait3A_3868 : memref<4096x1024xf32, #tpu.memory_space<hbm>>) dst(%dma_wait3A_3862 : memref<16x1024xf32, #tpu.memory_space<vmem>>)
    %mul3A_3869 = arith.constant 4 : i32
    %mul3A_3870 = arith.muli %select_n3A, %mul3A_3869 : i32
    %add3A_3871 = arith.constant 2 : i32
    %add3A_3872 = arith.addi %add3A_3871, %mul3A_3870 : i32
    %jit3A_3873 = arith.constant 16 : i32
    %eq3A_3874 = arith.constant 0 : i32
    %eq3A_3875 = arith.cmpi eq, %jit3A_3873, %eq3A_3874 : i32
    %jit3A_3876 = arith.constant 1 : i32
    %select_n3A_3877 = arith.select %eq3A_3875, %jit3A_3876, %jit3A_3873 : i32
    %rem3A_3878 = arith.remsi %add3A_3872, %select_n3A_3877 : i32
    %ne3A_3879 = arith.constant 0 : i32
    %ne3A_3880 = arith.cmpi ne, %rem3A_3878, %ne3A_3879 : i32
    %lt3A_3881 = arith.constant 0 : i32
    %lt3A_3882 = arith.cmpi slt, %rem3A_3878, %lt3A_3881 : i32
    %lt3A_3883 = arith.constant 0 : i32
    %lt3A_3884 = arith.cmpi slt, %select_n3A_3877, %lt3A_3883 : i32
    %ne3A_3885 = arith.xori %lt3A_3882, %lt3A_3884 : i1
    %and3A_3886 = arith.andi %ne3A_3885, %ne3A_3880 : i1
    %add3A_3887 = arith.addi %rem3A_3878, %select_n3A_3877 : i32
    %select_n3A_3888 = arith.select %and3A_3886, %add3A_3887, %rem3A_3878 : i32
    %mul3A_3889 = arith.constant 16 : i32
    %mul3A_3890 = arith.muli %select_n3A_3888, %mul3A_3889 : i32
    %add3A_3891 = arith.addi %mul3A_3557, %mul3A_3890 : i32
    %dma_start3A_3892 = arith.constant 32 : i32
    %dma_start3A_3893 = arith.constant 0 : i32
    %dma_start3A_3894 = tpu.memref_slice %arg8[%dma_start3A_3892, %dma_start3A_3893] : memref<96x1024xf32, #tpu.memory_space<vmem>> -> memref<32x1024xf32, #tpu.memory_space<vmem>>
    %dma_start3A_3895 = arith.constant 0 : i32
    %dma_start3A_3896 = tpu.memref_slice %arg4[%add3A_3891, %dma_start3A_3895] : memref<8192x1024xf32, #tpu.memory_space<hbm>> -> memref<32x1024xf32, #tpu.memory_space<hbm>>
    %dma_start3A_3897 = arith.constant 0 : i32
    %dma_start3A_3898 = tpu.memref_slice %arg4[%add3A_3891, %dma_start3A_3897] : memref<8192x1024xf32, #tpu.memory_space<hbm>> -> memref<32x1024xf32, #tpu.memory_space<hbm>>
    %dma_start3A_3899 = arith.constant 32 : i32
    %dma_start3A_3900 = arith.constant 0 : i32
    %dma_start3A_3901 = tpu.memref_slice %arg8[%dma_start3A_3899, %dma_start3A_3900] : memref<96x1024xf32, #tpu.memory_space<vmem>> -> memref<32x1024xf32, #tpu.memory_space<vmem>>
    tpu.enqueue_dma source(%dma_start3A_3901 : memref<32x1024xf32, #tpu.memory_space<vmem>>) target(%dma_start3A_3898 : memref<32x1024xf32, #tpu.memory_space<hbm>>) target_semaphore(%arg16 : memref<!tpu.dma_semaphore, #tpu.memory_space<semaphore_mem>>)
    %dma_wait3A_3902 = arith.constant 32 : i32
    %dma_wait3A_3903 = arith.constant 0 : i32
    %dma_wait3A_3904 = tpu.memref_slice %arg8[%dma_wait3A_3902, %dma_wait3A_3903] : memref<96x1024xf32, #tpu.memory_space<vmem>> -> memref<32x1024xf32, #tpu.memory_space<vmem>>
    %dma_wait3A_3905 = arith.constant 0 : i32
    %dma_wait3A_3906 = tpu.memref_slice %arg4[%add3A_3891, %dma_wait3A_3905] : memref<8192x1024xf32, #tpu.memory_space<hbm>> -> memref<32x1024xf32, #tpu.memory_space<hbm>>
    %dma_wait3A_3907 = arith.constant 0 : i32
    %dma_wait3A_3908 = tpu.memref_slice %arg4[%add3A_3891, %dma_wait3A_3907] : memref<8192x1024xf32, #tpu.memory_space<hbm>> -> memref<32x1024xf32, #tpu.memory_space<hbm>>
    %dma_wait3A_3909 = arith.constant 32 : i32
    %dma_wait3A_3910 = arith.constant 0 : i32
    %dma_wait3A_3911 = tpu.memref_slice %arg8[%dma_wait3A_3909, %dma_wait3A_3910] : memref<96x1024xf32, #tpu.memory_space<vmem>> -> memref<32x1024xf32, #tpu.memory_space<vmem>>
    tpu.wait_dma2 semaphore(%arg16 : memref<!tpu.dma_semaphore, #tpu.memory_space<semaphore_mem>>) src(%dma_wait3A_3911 : memref<32x1024xf32, #tpu.memory_space<vmem>>) dst(%dma_wait3A_3908 : memref<32x1024xf32, #tpu.memory_space<hbm>>)
    %mul3A_3912 = arith.constant 4 : i32
    %mul3A_3913 = arith.muli %select_n3A, %mul3A_3912 : i32
    %add3A_3914 = arith.constant 8 : i32
    %add3A_3915 = arith.addi %add3A_3914, %mul3A_3913 : i32
    %jit3A_3916 = arith.constant 16 : i32
    %eq3A_3917 = arith.constant 0 : i32
    %eq3A_3918 = arith.cmpi eq, %jit3A_3916, %eq3A_3917 : i32
    %jit3A_3919 = arith.constant 1 : i32
    %select_n3A_3920 = arith.select %eq3A_3918, %jit3A_3919, %jit3A_3916 : i32
    %rem3A_3921 = arith.remsi %add3A_3915, %select_n3A_3920 : i32
    %ne3A_3922 = arith.constant 0 : i32
    %ne3A_3923 = arith.cmpi ne, %rem3A_3921, %ne3A_3922 : i32
    %lt3A_3924 = arith.constant 0 : i32
    %lt3A_3925 = arith.cmpi slt, %rem3A_3921, %lt3A_3924 : i32
    %lt3A_3926 = arith.constant 0 : i32
    %lt3A_3927 = arith.cmpi slt, %select_n3A_3920, %lt3A_3926 : i32
    %ne3A_3928 = arith.xori %lt3A_3925, %lt3A_3927 : i1
    %and3A_3929 = arith.andi %ne3A_3928, %ne3A_3923 : i1
    %add3A_3930 = arith.addi %rem3A_3921, %select_n3A_3920 : i32
    %select_n3A_3931 = arith.select %and3A_3929, %add3A_3930, %rem3A_3921 : i32
    %dma_start3A_3932 = arith.constant 32 : i32
    %dma_start3A_3933 = arith.constant 0 : i32
    %dma_start3A_3934 = tpu.memref_slice %arg8[%dma_start3A_3932, %dma_start3A_3933] : memref<96x1024xf32, #tpu.memory_space<vmem>> -> memref<16x1024xf32, #tpu.memory_space<vmem>>
    %dma_start3A_3935 = arith.constant 0 : i32
    %dma_start3A_3936 = tpu.memref_slice %arg7[%select_n3A_3931, %dma_start3A_3935] : memref<16x16xi32, #tpu.memory_space<vmem>> -> memref<1x16xi32, #tpu.memory_space<vmem>>
    %dma_start3A_3937 = tpu.memref_squeeze %dma_start3A_3936 : memref<1x16xi32, #tpu.memory_space<vmem>> -> memref<16xi32, #tpu.memory_space<vmem>>
    %dma_start3A_3938 = arith.constant 0 : i32
    %dma_start3A_3939 = arith.constant 0 : i32
    %dma_start3A_3940 = tpu.memref_slice %arg3[%dma_start3A_3938, %dma_start3A_3939] : memref<4096x1024xf32, #tpu.memory_space<hbm>> -> memref<4096x1024xf32, #tpu.memory_space<hbm>>
    tpu.enqueue_indirect_dma source(%dma_start3A_3940 : memref<4096x1024xf32, #tpu.memory_space<hbm>>) target(%dma_start3A_3934 : memref<16x1024xf32, #tpu.memory_space<vmem>>) offsets(%dma_start3A_3937 : memref<16xi32, #tpu.memory_space<vmem>>) semaphore(%arg11 : memref<!tpu.dma_semaphore, #tpu.memory_space<semaphore_mem>>)
    %dma_wait3A_3941 = arith.constant 64 : i32
    %dma_wait3A_3942 = arith.constant 0 : i32
    %dma_wait3A_3943 = tpu.memref_slice %arg8[%dma_wait3A_3941, %dma_wait3A_3942] : memref<96x1024xf32, #tpu.memory_space<vmem>> -> memref<16x1024xf32, #tpu.memory_space<vmem>>
    %dma_wait3A_3944 = arith.constant 0 : i32
    %dma_wait3A_3945 = tpu.memref_slice %arg7[%select_n3A_3693, %dma_wait3A_3944] : memref<16x16xi32, #tpu.memory_space<vmem>> -> memref<1x16xi32, #tpu.memory_space<vmem>>
    %dma_wait3A_3946 = tpu.memref_squeeze %dma_wait3A_3945 : memref<1x16xi32, #tpu.memory_space<vmem>> -> memref<16xi32, #tpu.memory_space<vmem>>
    %dma_wait3A_3947 = arith.constant 0 : i32
    %dma_wait3A_3948 = arith.constant 0 : i32
    %dma_wait3A_3949 = tpu.memref_slice %arg3[%dma_wait3A_3947, %dma_wait3A_3948] : memref<4096x1024xf32, #tpu.memory_space<hbm>> -> memref<4096x1024xf32, #tpu.memory_space<hbm>>
    tpu.wait_indirect_dma semaphore(%arg13 : memref<!tpu.dma_semaphore, #tpu.memory_space<semaphore_mem>>) src(%dma_wait3A_3949 : memref<4096x1024xf32, #tpu.memory_space<hbm>>) dst(%dma_wait3A_3943 : memref<16x1024xf32, #tpu.memory_space<vmem>>)
    %mul3A_3950 = arith.constant 4 : i32
    %mul3A_3951 = arith.muli %select_n3A, %mul3A_3950 : i32
    %add3A_3952 = arith.constant 9 : i32
    %add3A_3953 = arith.addi %add3A_3952, %mul3A_3951 : i32
    %jit3A_3954 = arith.constant 16 : i32
    %eq3A_3955 = arith.constant 0 : i32
    %eq3A_3956 = arith.cmpi eq, %jit3A_3954, %eq3A_3955 : i32
    %jit3A_3957 = arith.constant 1 : i32
    %select_n3A_3958 = arith.select %eq3A_3956, %jit3A_3957, %jit3A_3954 : i32
    %rem3A_3959 = arith.remsi %add3A_3953, %select_n3A_3958 : i32
    %ne3A_3960 = arith.constant 0 : i32
    %ne3A_3961 = arith.cmpi ne, %rem3A_3959, %ne3A_3960 : i32
    %lt3A_3962 = arith.constant 0 : i32
    %lt3A_3963 = arith.cmpi slt, %rem3A_3959, %lt3A_3962 : i32
    %lt3A_3964 = arith.constant 0 : i32
    %lt3A_3965 = arith.cmpi slt, %select_n3A_3958, %lt3A_3964 : i32
    %ne3A_3966 = arith.xori %lt3A_3963, %lt3A_3965 : i1
    %and3A_3967 = arith.andi %ne3A_3966, %ne3A_3961 : i1
    %add3A_3968 = arith.addi %rem3A_3959, %select_n3A_3958 : i32
    %select_n3A_3969 = arith.select %and3A_3967, %add3A_3968, %rem3A_3959 : i32
    %dma_start3A_3970 = arith.constant 48 : i32
    %dma_start3A_3971 = arith.constant 0 : i32
    %dma_start3A_3972 = tpu.memref_slice %arg8[%dma_start3A_3970, %dma_start3A_3971] : memref<96x1024xf32, #tpu.memory_space<vmem>> -> memref<16x1024xf32, #tpu.memory_space<vmem>>
    %dma_start3A_3973 = arith.constant 0 : i32
    %dma_start3A_3974 = tpu.memref_slice %arg7[%select_n3A_3969, %dma_start3A_3973] : memref<16x16xi32, #tpu.memory_space<vmem>> -> memref<1x16xi32, #tpu.memory_space<vmem>>
    %dma_start3A_3975 = tpu.memref_squeeze %dma_start3A_3974 : memref<1x16xi32, #tpu.memory_space<vmem>> -> memref<16xi32, #tpu.memory_space<vmem>>
    %dma_start3A_3976 = arith.constant 0 : i32
    %dma_start3A_3977 = arith.constant 0 : i32
    %dma_start3A_3978 = tpu.memref_slice %arg3[%dma_start3A_3976, %dma_start3A_3977] : memref<4096x1024xf32, #tpu.memory_space<hbm>> -> memref<4096x1024xf32, #tpu.memory_space<hbm>>
    tpu.enqueue_indirect_dma source(%dma_start3A_3978 : memref<4096x1024xf32, #tpu.memory_space<hbm>>) target(%dma_start3A_3972 : memref<16x1024xf32, #tpu.memory_space<vmem>>) offsets(%dma_start3A_3975 : memref<16xi32, #tpu.memory_space<vmem>>) semaphore(%arg12 : memref<!tpu.dma_semaphore, #tpu.memory_space<semaphore_mem>>)
    %dma_wait3A_3979 = arith.constant 80 : i32
    %dma_wait3A_3980 = arith.constant 0 : i32
    %dma_wait3A_3981 = tpu.memref_slice %arg8[%dma_wait3A_3979, %dma_wait3A_3980] : memref<96x1024xf32, #tpu.memory_space<vmem>> -> memref<16x1024xf32, #tpu.memory_space<vmem>>
    %dma_wait3A_3982 = arith.constant 0 : i32
    %dma_wait3A_3983 = tpu.memref_slice %arg7[%select_n3A_3731, %dma_wait3A_3982] : memref<16x16xi32, #tpu.memory_space<vmem>> -> memref<1x16xi32, #tpu.memory_space<vmem>>
    %dma_wait3A_3984 = tpu.memref_squeeze %dma_wait3A_3983 : memref<1x16xi32, #tpu.memory_space<vmem>> -> memref<16xi32, #tpu.memory_space<vmem>>
    %dma_wait3A_3985 = arith.constant 0 : i32
    %dma_wait3A_3986 = arith.constant 0 : i32
    %dma_wait3A_3987 = tpu.memref_slice %arg3[%dma_wait3A_3985, %dma_wait3A_3986] : memref<4096x1024xf32, #tpu.memory_space<hbm>> -> memref<4096x1024xf32, #tpu.memory_space<hbm>>
    tpu.wait_indirect_dma semaphore(%arg14 : memref<!tpu.dma_semaphore, #tpu.memory_space<semaphore_mem>>) src(%dma_wait3A_3987 : memref<4096x1024xf32, #tpu.memory_space<hbm>>) dst(%dma_wait3A_3981 : memref<16x1024xf32, #tpu.memory_space<vmem>>)
    %mul3A_3988 = arith.constant 4 : i32
    %mul3A_3989 = arith.muli %select_n3A, %mul3A_3988 : i32
    %add3A_3990 = arith.constant 4 : i32
    %add3A_3991 = arith.addi %add3A_3990, %mul3A_3989 : i32
    %jit3A_3992 = arith.constant 16 : i32
    %eq3A_3993 = arith.constant 0 : i32
    %eq3A_3994 = arith.cmpi eq, %jit3A_3992, %eq3A_3993 : i32
    %jit3A_3995 = arith.constant 1 : i32
    %select_n3A_3996 = arith.select %eq3A_3994, %jit3A_3995, %jit3A_3992 : i32
    %rem3A_3997 = arith.remsi %add3A_3991, %select_n3A_3996 : i32
    %ne3A_3998 = arith.constant 0 : i32
    %ne3A_3999 = arith.cmpi ne, %rem3A_3997, %ne3A_3998 : i32
    %lt3A_4000 = arith.constant 0 : i32
    %lt3A_4001 = arith.cmpi slt, %rem3A_3997, %lt3A_4000 : i32
    %lt3A_4002 = arith.constant 0 : i32
    %lt3A_4003 = arith.cmpi slt, %select_n3A_3996, %lt3A_4002 : i32
    %ne3A_4004 = arith.xori %lt3A_4001, %lt3A_4003 : i1
    %and3A_4005 = arith.andi %ne3A_4004, %ne3A_3999 : i1
    %add3A_4006 = arith.addi %rem3A_3997, %select_n3A_3996 : i32
    %select_n3A_4007 = arith.select %and3A_4005, %add3A_4006, %rem3A_3997 : i32
    %mul3A_4008 = arith.constant 16 : i32
    %mul3A_4009 = arith.muli %select_n3A_4007, %mul3A_4008 : i32
    %add3A_4010 = arith.addi %mul3A_3557, %mul3A_4009 : i32
    %dma_start3A_4011 = arith.constant 64 : i32
    %dma_start3A_4012 = arith.constant 0 : i32
    %dma_start3A_4013 = tpu.memref_slice %arg8[%dma_start3A_4011, %dma_start3A_4012] : memref<96x1024xf32, #tpu.memory_space<vmem>> -> memref<32x1024xf32, #tpu.memory_space<vmem>>
    %dma_start3A_4014 = arith.constant 0 : i32
    %dma_start3A_4015 = tpu.memref_slice %arg4[%add3A_4010, %dma_start3A_4014] : memref<8192x1024xf32, #tpu.memory_space<hbm>> -> memref<32x1024xf32, #tpu.memory_space<hbm>>
    %dma_start3A_4016 = arith.constant 0 : i32
    %dma_start3A_4017 = tpu.memref_slice %arg4[%add3A_4010, %dma_start3A_4016] : memref<8192x1024xf32, #tpu.memory_space<hbm>> -> memref<32x1024xf32, #tpu.memory_space<hbm>>
    %dma_start3A_4018 = arith.constant 64 : i32
    %dma_start3A_4019 = arith.constant 0 : i32
    %dma_start3A_4020 = tpu.memref_slice %arg8[%dma_start3A_4018, %dma_start3A_4019] : memref<96x1024xf32, #tpu.memory_space<vmem>> -> memref<32x1024xf32, #tpu.memory_space<vmem>>
    tpu.enqueue_dma source(%dma_start3A_4020 : memref<32x1024xf32, #tpu.memory_space<vmem>>) target(%dma_start3A_4017 : memref<32x1024xf32, #tpu.memory_space<hbm>>) target_semaphore(%arg17 : memref<!tpu.dma_semaphore, #tpu.memory_space<semaphore_mem>>)
    %dma_wait3A_4021 = arith.constant 64 : i32
    %dma_wait3A_4022 = arith.constant 0 : i32
    %dma_wait3A_4023 = tpu.memref_slice %arg8[%dma_wait3A_4021, %dma_wait3A_4022] : memref<96x1024xf32, #tpu.memory_space<vmem>> -> memref<32x1024xf32, #tpu.memory_space<vmem>>
    %dma_wait3A_4024 = arith.constant 0 : i32
    %dma_wait3A_4025 = tpu.memref_slice %arg4[%add3A_4010, %dma_wait3A_4024] : memref<8192x1024xf32, #tpu.memory_space<hbm>> -> memref<32x1024xf32, #tpu.memory_space<hbm>>
    %dma_wait3A_4026 = arith.constant 0 : i32
    %dma_wait3A_4027 = tpu.memref_slice %arg4[%add3A_4010, %dma_wait3A_4026] : memref<8192x1024xf32, #tpu.memory_space<hbm>> -> memref<32x1024xf32, #tpu.memory_space<hbm>>
    %dma_wait3A_4028 = arith.constant 64 : i32
    %dma_wait3A_4029 = arith.constant 0 : i32
    %dma_wait3A_4030 = tpu.memref_slice %arg8[%dma_wait3A_4028, %dma_wait3A_4029] : memref<96x1024xf32, #tpu.memory_space<vmem>> -> memref<32x1024xf32, #tpu.memory_space<vmem>>
    tpu.wait_dma2 semaphore(%arg17 : memref<!tpu.dma_semaphore, #tpu.memory_space<semaphore_mem>>) src(%dma_wait3A_4030 : memref<32x1024xf32, #tpu.memory_space<vmem>>) dst(%dma_wait3A_4027 : memref<32x1024xf32, #tpu.memory_space<hbm>>)
    %mul3A_4031 = arith.constant 4 : i32
    %mul3A_4032 = arith.muli %select_n3A, %mul3A_4031 : i32
    %add3A_4033 = arith.constant 10 : i32
    %add3A_4034 = arith.addi %add3A_4033, %mul3A_4032 : i32
    %jit3A_4035 = arith.constant 16 : i32
    %eq3A_4036 = arith.constant 0 : i32
    %eq3A_4037 = arith.cmpi eq, %jit3A_4035, %eq3A_4036 : i32
    %jit3A_4038 = arith.constant 1 : i32
    %select_n3A_4039 = arith.select %eq3A_4037, %jit3A_4038, %jit3A_4035 : i32
    %rem3A_4040 = arith.remsi %add3A_4034, %select_n3A_4039 : i32
    %ne3A_4041 = arith.constant 0 : i32
    %ne3A_4042 = arith.cmpi ne, %rem3A_4040, %ne3A_4041 : i32
    %lt3A_4043 = arith.constant 0 : i32
    %lt3A_4044 = arith.cmpi slt, %rem3A_4040, %lt3A_4043 : i32
    %lt3A_4045 = arith.constant 0 : i32
    %lt3A_4046 = arith.cmpi slt, %select_n3A_4039, %lt3A_4045 : i32
    %ne3A_4047 = arith.xori %lt3A_4044, %lt3A_4046 : i1
    %and3A_4048 = arith.andi %ne3A_4047, %ne3A_4042 : i1
    %add3A_4049 = arith.addi %rem3A_4040, %select_n3A_4039 : i32
    %select_n3A_4050 = arith.select %and3A_4048, %add3A_4049, %rem3A_4040 : i32
    %dma_start3A_4051 = arith.constant 64 : i32
    %dma_start3A_4052 = arith.constant 0 : i32
    %dma_start3A_4053 = tpu.memref_slice %arg8[%dma_start3A_4051, %dma_start3A_4052] : memref<96x1024xf32, #tpu.memory_space<vmem>> -> memref<16x1024xf32, #tpu.memory_space<vmem>>
    %dma_start3A_4054 = arith.constant 0 : i32
    %dma_start3A_4055 = tpu.memref_slice %arg7[%select_n3A_4050, %dma_start3A_4054] : memref<16x16xi32, #tpu.memory_space<vmem>> -> memref<1x16xi32, #tpu.memory_space<vmem>>
    %dma_start3A_4056 = tpu.memref_squeeze %dma_start3A_4055 : memref<1x16xi32, #tpu.memory_space<vmem>> -> memref<16xi32, #tpu.memory_space<vmem>>
    %dma_start3A_4057 = arith.constant 0 : i32
    %dma_start3A_4058 = arith.constant 0 : i32
    %dma_start3A_4059 = tpu.memref_slice %arg3[%dma_start3A_4057, %dma_start3A_4058] : memref<4096x1024xf32, #tpu.memory_space<hbm>> -> memref<4096x1024xf32, #tpu.memory_space<hbm>>
    tpu.enqueue_indirect_dma source(%dma_start3A_4059 : memref<4096x1024xf32, #tpu.memory_space<hbm>>) target(%dma_start3A_4053 : memref<16x1024xf32, #tpu.memory_space<vmem>>) offsets(%dma_start3A_4056 : memref<16xi32, #tpu.memory_space<vmem>>) semaphore(%arg13 : memref<!tpu.dma_semaphore, #tpu.memory_space<semaphore_mem>>)
    %dma_wait3A_4060 = arith.constant 0 : i32
    %dma_wait3A_4061 = arith.constant 0 : i32
    %dma_wait3A_4062 = tpu.memref_slice %arg8[%dma_wait3A_4060, %dma_wait3A_4061] : memref<96x1024xf32, #tpu.memory_space<vmem>> -> memref<16x1024xf32, #tpu.memory_space<vmem>>
    %dma_wait3A_4063 = arith.constant 0 : i32
    %dma_wait3A_4064 = tpu.memref_slice %arg7[%select_n3A_3812, %dma_wait3A_4063] : memref<16x16xi32, #tpu.memory_space<vmem>> -> memref<1x16xi32, #tpu.memory_space<vmem>>
    %dma_wait3A_4065 = tpu.memref_squeeze %dma_wait3A_4064 : memref<1x16xi32, #tpu.memory_space<vmem>> -> memref<16xi32, #tpu.memory_space<vmem>>
    %dma_wait3A_4066 = arith.constant 0 : i32
    %dma_wait3A_4067 = arith.constant 0 : i32
    %dma_wait3A_4068 = tpu.memref_slice %arg3[%dma_wait3A_4066, %dma_wait3A_4067] : memref<4096x1024xf32, #tpu.memory_space<hbm>> -> memref<4096x1024xf32, #tpu.memory_space<hbm>>
    tpu.wait_indirect_dma semaphore(%arg9 : memref<!tpu.dma_semaphore, #tpu.memory_space<semaphore_mem>>) src(%dma_wait3A_4068 : memref<4096x1024xf32, #tpu.memory_space<hbm>>) dst(%dma_wait3A_4062 : memref<16x1024xf32, #tpu.memory_space<vmem>>)
    %mul3A_4069 = arith.constant 4 : i32
    %mul3A_4070 = arith.muli %select_n3A, %mul3A_4069 : i32
    %add3A_4071 = arith.constant 11 : i32
    %add3A_4072 = arith.addi %add3A_4071, %mul3A_4070 : i32
    %jit3A_4073 = arith.constant 16 : i32
    %eq3A_4074 = arith.constant 0 : i32
    %eq3A_4075 = arith.cmpi eq, %jit3A_4073, %eq3A_4074 : i32
    %jit3A_4076 = arith.constant 1 : i32
    %select_n3A_4077 = arith.select %eq3A_4075, %jit3A_4076, %jit3A_4073 : i32
    %rem3A_4078 = arith.remsi %add3A_4072, %select_n3A_4077 : i32
    %ne3A_4079 = arith.constant 0 : i32
    %ne3A_4080 = arith.cmpi ne, %rem3A_4078, %ne3A_4079 : i32
    %lt3A_4081 = arith.constant 0 : i32
    %lt3A_4082 = arith.cmpi slt, %rem3A_4078, %lt3A_4081 : i32
    %lt3A_4083 = arith.constant 0 : i32
    %lt3A_4084 = arith.cmpi slt, %select_n3A_4077, %lt3A_4083 : i32
    %ne3A_4085 = arith.xori %lt3A_4082, %lt3A_4084 : i1
    %and3A_4086 = arith.andi %ne3A_4085, %ne3A_4080 : i1
    %add3A_4087 = arith.addi %rem3A_4078, %select_n3A_4077 : i32
    %select_n3A_4088 = arith.select %and3A_4086, %add3A_4087, %rem3A_4078 : i32
    %dma_start3A_4089 = arith.constant 80 : i32
    %dma_start3A_4090 = arith.constant 0 : i32
    %dma_start3A_4091 = tpu.memref_slice %arg8[%dma_start3A_4089, %dma_start3A_4090] : memref<96x1024xf32, #tpu.memory_space<vmem>> -> memref<16x1024xf32, #tpu.memory_space<vmem>>
    %dma_start3A_4092 = arith.constant 0 : i32
    %dma_start3A_4093 = tpu.memref_slice %arg7[%select_n3A_4088, %dma_start3A_4092] : memref<16x16xi32, #tpu.memory_space<vmem>> -> memref<1x16xi32, #tpu.memory_space<vmem>>
    %dma_start3A_4094 = tpu.memref_squeeze %dma_start3A_4093 : memref<1x16xi32, #tpu.memory_space<vmem>> -> memref<16xi32, #tpu.memory_space<vmem>>
    %dma_start3A_4095 = arith.constant 0 : i32
    %dma_start3A_4096 = arith.constant 0 : i32
    %dma_start3A_4097 = tpu.memref_slice %arg3[%dma_start3A_4095, %dma_start3A_4096] : memref<4096x1024xf32, #tpu.memory_space<hbm>> -> memref<4096x1024xf32, #tpu.memory_space<hbm>>
    tpu.enqueue_indirect_dma source(%dma_start3A_4097 : memref<4096x1024xf32, #tpu.memory_space<hbm>>) target(%dma_start3A_4091 : memref<16x1024xf32, #tpu.memory_space<vmem>>) offsets(%dma_start3A_4094 : memref<16xi32, #tpu.memory_space<vmem>>) semaphore(%arg14 : memref<!tpu.dma_semaphore, #tpu.memory_space<semaphore_mem>>)
    %dma_wait3A_4098 = arith.constant 16 : i32
    %dma_wait3A_4099 = arith.constant 0 : i32
    %dma_wait3A_4100 = tpu.memref_slice %arg8[%dma_wait3A_4098, %dma_wait3A_4099] : memref<96x1024xf32, #tpu.memory_space<vmem>> -> memref<16x1024xf32, #tpu.memory_space<vmem>>
    %dma_wait3A_4101 = arith.constant 0 : i32
    %dma_wait3A_4102 = tpu.memref_slice %arg7[%select_n3A_3850, %dma_wait3A_4101] : memref<16x16xi32, #tpu.memory_space<vmem>> -> memref<1x16xi32, #tpu.memory_space<vmem>>
    %dma_wait3A_4103 = tpu.memref_squeeze %dma_wait3A_4102 : memref<1x16xi32, #tpu.memory_space<vmem>> -> memref<16xi32, #tpu.memory_space<vmem>>
    %dma_wait3A_4104 = arith.constant 0 : i32
    %dma_wait3A_4105 = arith.constant 0 : i32
    %dma_wait3A_4106 = tpu.memref_slice %arg3[%dma_wait3A_4104, %dma_wait3A_4105] : memref<4096x1024xf32, #tpu.memory_space<hbm>> -> memref<4096x1024xf32, #tpu.memory_space<hbm>>
    tpu.wait_indirect_dma semaphore(%arg10 : memref<!tpu.dma_semaphore, #tpu.memory_space<semaphore_mem>>) src(%dma_wait3A_4106 : memref<4096x1024xf32, #tpu.memory_space<hbm>>) dst(%dma_wait3A_4100 : memref<16x1024xf32, #tpu.memory_space<vmem>>)
    %mul3A_4107 = arith.constant 4 : i32
    %mul3A_4108 = arith.muli %select_n3A, %mul3A_4107 : i32
    %add3A_4109 = arith.constant 6 : i32
    %add3A_4110 = arith.addi %add3A_4109, %mul3A_4108 : i32
    %jit3A_4111 = arith.constant 16 : i32
    %eq3A_4112 = arith.constant 0 : i32
    %eq3A_4113 = arith.cmpi eq, %jit3A_4111, %eq3A_4112 : i32
    %jit3A_4114 = arith.constant 1 : i32
    %select_n3A_4115 = arith.select %eq3A_4113, %jit3A_4114, %jit3A_4111 : i32
    %rem3A_4116 = arith.remsi %add3A_4110, %select_n3A_4115 : i32
    %ne3A_4117 = arith.constant 0 : i32
    %ne3A_4118 = arith.cmpi ne, %rem3A_4116, %ne3A_4117 : i32
    %lt3A_4119 = arith.constant 0 : i32
    %lt3A_4120 = arith.cmpi slt, %rem3A_4116, %lt3A_4119 : i32
    %lt3A_4121 = arith.constant 0 : i32
    %lt3A_4122 = arith.cmpi slt, %select_n3A_4115, %lt3A_4121 : i32
    %ne3A_4123 = arith.xori %lt3A_4120, %lt3A_4122 : i1
    %and3A_4124 = arith.andi %ne3A_4123, %ne3A_4118 : i1
    %add3A_4125 = arith.addi %rem3A_4116, %select_n3A_4115 : i32
    %select_n3A_4126 = arith.select %and3A_4124, %add3A_4125, %rem3A_4116 : i32
    %mul3A_4127 = arith.constant 16 : i32
    %mul3A_4128 = arith.muli %select_n3A_4126, %mul3A_4127 : i32
    %add3A_4129 = arith.addi %mul3A_3557, %mul3A_4128 : i32
    %dma_start3A_4130 = arith.constant 0 : i32
    %dma_start3A_4131 = arith.constant 0 : i32
    %dma_start3A_4132 = tpu.memref_slice %arg8[%dma_start3A_4130, %dma_start3A_4131] : memref<96x1024xf32, #tpu.memory_space<vmem>> -> memref<32x1024xf32, #tpu.memory_space<vmem>>
    %dma_start3A_4133 = arith.constant 0 : i32
    %dma_start3A_4134 = tpu.memref_slice %arg4[%add3A_4129, %dma_start3A_4133] : memref<8192x1024xf32, #tpu.memory_space<hbm>> -> memref<32x1024xf32, #tpu.memory_space<hbm>>
    %dma_start3A_4135 = arith.constant 0 : i32
    %dma_start3A_4136 = tpu.memref_slice %arg4[%add3A_4129, %dma_start3A_4135] : memref<8192x1024xf32, #tpu.memory_space<hbm>> -> memref<32x1024xf32, #tpu.memory_space<hbm>>
    %dma_start3A_4137 = arith.constant 0 : i32
    %dma_start3A_4138 = arith.constant 0 : i32
    %dma_start3A_4139 = tpu.memref_slice %arg8[%dma_start3A_4137, %dma_start3A_4138] : memref<96x1024xf32, #tpu.memory_space<vmem>> -> memref<32x1024xf32, #tpu.memory_space<vmem>>
    tpu.enqueue_dma source(%dma_start3A_4139 : memref<32x1024xf32, #tpu.memory_space<vmem>>) target(%dma_start3A_4136 : memref<32x1024xf32, #tpu.memory_space<hbm>>) target_semaphore(%arg15 : memref<!tpu.dma_semaphore, #tpu.memory_space<semaphore_mem>>)
    %dma_wait3A_4140 = arith.constant 0 : i32
    %dma_wait3A_4141 = arith.constant 0 : i32
    %dma_wait3A_4142 = tpu.memref_slice %arg8[%dma_wait3A_4140, %dma_wait3A_4141] : memref<96x1024xf32, #tpu.memory_space<vmem>> -> memref<32x1024xf32, #tpu.memory_space<vmem>>
    %dma_wait3A_4143 = arith.constant 0 : i32
    %dma_wait3A_4144 = tpu.memref_slice %arg4[%add3A_4129, %dma_wait3A_4143] : memref<8192x1024xf32, #tpu.memory_space<hbm>> -> memref<32x1024xf32, #tpu.memory_space<hbm>>
    %dma_wait3A_4145 = arith.constant 0 : i32
    %dma_wait3A_4146 = tpu.memref_slice %arg4[%add3A_4129, %dma_wait3A_4145] : memref<8192x1024xf32, #tpu.memory_space<hbm>> -> memref<32x1024xf32, #tpu.memory_space<hbm>>
    %dma_wait3A_4147 = arith.constant 0 : i32
    %dma_wait3A_4148 = arith.constant 0 : i32
    %dma_wait3A_4149 = tpu.memref_slice %arg8[%dma_wait3A_4147, %dma_wait3A_4148] : memref<96x1024xf32, #tpu.memory_space<vmem>> -> memref<32x1024xf32, #tpu.memory_space<vmem>>
    tpu.wait_dma2 semaphore(%arg15 : memref<!tpu.dma_semaphore, #tpu.memory_space<semaphore_mem>>) src(%dma_wait3A_4149 : memref<32x1024xf32, #tpu.memory_space<vmem>>) dst(%dma_wait3A_4146 : memref<32x1024xf32, #tpu.memory_space<hbm>>)
    %mul3A_4150 = arith.constant 4 : i32
    %mul3A_4151 = arith.muli %select_n3A, %mul3A_4150 : i32
    %add3A_4152 = arith.constant 12 : i32
    %add3A_4153 = arith.addi %add3A_4152, %mul3A_4151 : i32
    %jit3A_4154 = arith.constant 16 : i32
    %eq3A_4155 = arith.constant 0 : i32
    %eq3A_4156 = arith.cmpi eq, %jit3A_4154, %eq3A_4155 : i32
    %jit3A_4157 = arith.constant 1 : i32
    %select_n3A_4158 = arith.select %eq3A_4156, %jit3A_4157, %jit3A_4154 : i32
    %rem3A_4159 = arith.remsi %add3A_4153, %select_n3A_4158 : i32
    %ne3A_4160 = arith.constant 0 : i32
    %ne3A_4161 = arith.cmpi ne, %rem3A_4159, %ne3A_4160 : i32
    %lt3A_4162 = arith.constant 0 : i32
    %lt3A_4163 = arith.cmpi slt, %rem3A_4159, %lt3A_4162 : i32
    %lt3A_4164 = arith.constant 0 : i32
    %lt3A_4165 = arith.cmpi slt, %select_n3A_4158, %lt3A_4164 : i32
    %ne3A_4166 = arith.xori %lt3A_4163, %lt3A_4165 : i1
    %and3A_4167 = arith.andi %ne3A_4166, %ne3A_4161 : i1
    %add3A_4168 = arith.addi %rem3A_4159, %select_n3A_4158 : i32
    %select_n3A_4169 = arith.select %and3A_4167, %add3A_4168, %rem3A_4159 : i32
    %dma_start3A_4170 = arith.constant 0 : i32
    %dma_start3A_4171 = arith.constant 0 : i32
    %dma_start3A_4172 = tpu.memref_slice %arg8[%dma_start3A_4170, %dma_start3A_4171] : memref<96x1024xf32, #tpu.memory_space<vmem>> -> memref<16x1024xf32, #tpu.memory_space<vmem>>
    %dma_start3A_4173 = arith.constant 0 : i32
    %dma_start3A_4174 = tpu.memref_slice %arg7[%select_n3A_4169, %dma_start3A_4173] : memref<16x16xi32, #tpu.memory_space<vmem>> -> memref<1x16xi32, #tpu.memory_space<vmem>>
    %dma_start3A_4175 = tpu.memref_squeeze %dma_start3A_4174 : memref<1x16xi32, #tpu.memory_space<vmem>> -> memref<16xi32, #tpu.memory_space<vmem>>
    %dma_start3A_4176 = arith.constant 0 : i32
    %dma_start3A_4177 = arith.constant 0 : i32
    %dma_start3A_4178 = tpu.memref_slice %arg3[%dma_start3A_4176, %dma_start3A_4177] : memref<4096x1024xf32, #tpu.memory_space<hbm>> -> memref<4096x1024xf32, #tpu.memory_space<hbm>>
    tpu.enqueue_indirect_dma source(%dma_start3A_4178 : memref<4096x1024xf32, #tpu.memory_space<hbm>>) target(%dma_start3A_4172 : memref<16x1024xf32, #tpu.memory_space<vmem>>) offsets(%dma_start3A_4175 : memref<16xi32, #tpu.memory_space<vmem>>) semaphore(%arg9 : memref<!tpu.dma_semaphore, #tpu.memory_space<semaphore_mem>>)
    %dma_wait3A_4179 = arith.constant 32 : i32
    %dma_wait3A_4180 = arith.constant 0 : i32
    %dma_wait3A_4181 = tpu.memref_slice %arg8[%dma_wait3A_4179, %dma_wait3A_4180] : memref<96x1024xf32, #tpu.memory_space<vmem>> -> memref<16x1024xf32, #tpu.memory_space<vmem>>
    %dma_wait3A_4182 = arith.constant 0 : i32
    %dma_wait3A_4183 = tpu.memref_slice %arg7[%select_n3A_3931, %dma_wait3A_4182] : memref<16x16xi32, #tpu.memory_space<vmem>> -> memref<1x16xi32, #tpu.memory_space<vmem>>
    %dma_wait3A_4184 = tpu.memref_squeeze %dma_wait3A_4183 : memref<1x16xi32, #tpu.memory_space<vmem>> -> memref<16xi32, #tpu.memory_space<vmem>>
    %dma_wait3A_4185 = arith.constant 0 : i32
    %dma_wait3A_4186 = arith.constant 0 : i32
    %dma_wait3A_4187 = tpu.memref_slice %arg3[%dma_wait3A_4185, %dma_wait3A_4186] : memref<4096x1024xf32, #tpu.memory_space<hbm>> -> memref<4096x1024xf32, #tpu.memory_space<hbm>>
    tpu.wait_indirect_dma semaphore(%arg11 : memref<!tpu.dma_semaphore, #tpu.memory_space<semaphore_mem>>) src(%dma_wait3A_4187 : memref<4096x1024xf32, #tpu.memory_space<hbm>>) dst(%dma_wait3A_4181 : memref<16x1024xf32, #tpu.memory_space<vmem>>)
    %mul3A_4188 = arith.constant 4 : i32
    %mul3A_4189 = arith.muli %select_n3A, %mul3A_4188 : i32
    %add3A_4190 = arith.constant 13 : i32
    %add3A_4191 = arith.addi %add3A_4190, %mul3A_4189 : i32
    %jit3A_4192 = arith.constant 16 : i32
    %eq3A_4193 = arith.constant 0 : i32
    %eq3A_4194 = arith.cmpi eq, %jit3A_4192, %eq3A_4193 : i32
    %jit3A_4195 = arith.constant 1 : i32
    %select_n3A_4196 = arith.select %eq3A_4194, %jit3A_4195, %jit3A_4192 : i32
    %rem3A_4197 = arith.remsi %add3A_4191, %select_n3A_4196 : i32
    %ne3A_4198 = arith.constant 0 : i32
    %ne3A_4199 = arith.cmpi ne, %rem3A_4197, %ne3A_4198 : i32
    %lt3A_4200 = arith.constant 0 : i32
    %lt3A_4201 = arith.cmpi slt, %rem3A_4197, %lt3A_4200 : i32
    %lt3A_4202 = arith.constant 0 : i32
    %lt3A_4203 = arith.cmpi slt, %select_n3A_4196, %lt3A_4202 : i32
    %ne3A_4204 = arith.xori %lt3A_4201, %lt3A_4203 : i1
    %and3A_4205 = arith.andi %ne3A_4204, %ne3A_4199 : i1
    %add3A_4206 = arith.addi %rem3A_4197, %select_n3A_4196 : i32
    %select_n3A_4207 = arith.select %and3A_4205, %add3A_4206, %rem3A_4197 : i32
    %dma_start3A_4208 = arith.constant 16 : i32
    %dma_start3A_4209 = arith.constant 0 : i32
    %dma_start3A_4210 = tpu.memref_slice %arg8[%dma_start3A_4208, %dma_start3A_4209] : memref<96x1024xf32, #tpu.memory_space<vmem>> -> memref<16x1024xf32, #tpu.memory_space<vmem>>
    %dma_start3A_4211 = arith.constant 0 : i32
    %dma_start3A_4212 = tpu.memref_slice %arg7[%select_n3A_4207, %dma_start3A_4211] : memref<16x16xi32, #tpu.memory_space<vmem>> -> memref<1x16xi32, #tpu.memory_space<vmem>>
    %dma_start3A_4213 = tpu.memref_squeeze %dma_start3A_4212 : memref<1x16xi32, #tpu.memory_space<vmem>> -> memref<16xi32, #tpu.memory_space<vmem>>
    %dma_start3A_4214 = arith.constant 0 : i32
    %dma_start3A_4215 = arith.constant 0 : i32
    %dma_start3A_4216 = tpu.memref_slice %arg3[%dma_start3A_4214, %dma_start3A_4215] : memref<4096x1024xf32, #tpu.memory_space<hbm>> -> memref<4096x1024xf32, #tpu.memory_space<hbm>>
    tpu.enqueue_indirect_dma source(%dma_start3A_4216 : memref<4096x1024xf32, #tpu.memory_space<hbm>>) target(%dma_start3A_4210 : memref<16x1024xf32, #tpu.memory_space<vmem>>) offsets(%dma_start3A_4213 : memref<16xi32, #tpu.memory_space<vmem>>) semaphore(%arg10 : memref<!tpu.dma_semaphore, #tpu.memory_space<semaphore_mem>>)
    %dma_wait3A_4217 = arith.constant 48 : i32
    %dma_wait3A_4218 = arith.constant 0 : i32
    %dma_wait3A_4219 = tpu.memref_slice %arg8[%dma_wait3A_4217, %dma_wait3A_4218] : memref<96x1024xf32, #tpu.memory_space<vmem>> -> memref<16x1024xf32, #tpu.memory_space<vmem>>
    %dma_wait3A_4220 = arith.constant 0 : i32
    %dma_wait3A_4221 = tpu.memref_slice %arg7[%select_n3A_3969, %dma_wait3A_4220] : memref<16x16xi32, #tpu.memory_space<vmem>> -> memref<1x16xi32, #tpu.memory_space<vmem>>
    %dma_wait3A_4222 = tpu.memref_squeeze %dma_wait3A_4221 : memref<1x16xi32, #tpu.memory_space<vmem>> -> memref<16xi32, #tpu.memory_space<vmem>>
    %dma_wait3A_4223 = arith.constant 0 : i32
    %dma_wait3A_4224 = arith.constant 0 : i32
    %dma_wait3A_4225 = tpu.memref_slice %arg3[%dma_wait3A_4223, %dma_wait3A_4224] : memref<4096x1024xf32, #tpu.memory_space<hbm>> -> memref<4096x1024xf32, #tpu.memory_space<hbm>>
    tpu.wait_indirect_dma semaphore(%arg12 : memref<!tpu.dma_semaphore, #tpu.memory_space<semaphore_mem>>) src(%dma_wait3A_4225 : memref<4096x1024xf32, #tpu.memory_space<hbm>>) dst(%dma_wait3A_4219 : memref<16x1024xf32, #tpu.memory_space<vmem>>)
    %mul3A_4226 = arith.constant 4 : i32
    %mul3A_4227 = arith.muli %select_n3A, %mul3A_4226 : i32
    %add3A_4228 = arith.constant 8 : i32
    %add3A_4229 = arith.addi %add3A_4228, %mul3A_4227 : i32
    %jit3A_4230 = arith.constant 16 : i32
    %eq3A_4231 = arith.constant 0 : i32
    %eq3A_4232 = arith.cmpi eq, %jit3A_4230, %eq3A_4231 : i32
    %jit3A_4233 = arith.constant 1 : i32
    %select_n3A_4234 = arith.select %eq3A_4232, %jit3A_4233, %jit3A_4230 : i32
    %rem3A_4235 = arith.remsi %add3A_4229, %select_n3A_4234 : i32
    %ne3A_4236 = arith.constant 0 : i32
    %ne3A_4237 = arith.cmpi ne, %rem3A_4235, %ne3A_4236 : i32
    %lt3A_4238 = arith.constant 0 : i32
    %lt3A_4239 = arith.cmpi slt, %rem3A_4235, %lt3A_4238 : i32
    %lt3A_4240 = arith.constant 0 : i32
    %lt3A_4241 = arith.cmpi slt, %select_n3A_4234, %lt3A_4240 : i32
    %ne3A_4242 = arith.xori %lt3A_4239, %lt3A_4241 : i1
    %and3A_4243 = arith.andi %ne3A_4242, %ne3A_4237 : i1
    %add3A_4244 = arith.addi %rem3A_4235, %select_n3A_4234 : i32
    %select_n3A_4245 = arith.select %and3A_4243, %add3A_4244, %rem3A_4235 : i32
    %mul3A_4246 = arith.constant 16 : i32
    %mul3A_4247 = arith.muli %select_n3A_4245, %mul3A_4246 : i32
    %add3A_4248 = arith.addi %mul3A_3557, %mul3A_4247 : i32
    %dma_start3A_4249 = arith.constant 32 : i32
    %dma_start3A_4250 = arith.constant 0 : i32
    %dma_start3A_4251 = tpu.memref_slice %arg8[%dma_start3A_4249, %dma_start3A_4250] : memref<96x1024xf32, #tpu.memory_space<vmem>> -> memref<32x1024xf32, #tpu.memory_space<vmem>>
    %dma_start3A_4252 = arith.constant 0 : i32
    %dma_start3A_4253 = tpu.memref_slice %arg4[%add3A_4248, %dma_start3A_4252] : memref<8192x1024xf32, #tpu.memory_space<hbm>> -> memref<32x1024xf32, #tpu.memory_space<hbm>>
    %dma_start3A_4254 = arith.constant 0 : i32
    %dma_start3A_4255 = tpu.memref_slice %arg4[%add3A_4248, %dma_start3A_4254] : memref<8192x1024xf32, #tpu.memory_space<hbm>> -> memref<32x1024xf32, #tpu.memory_space<hbm>>
    %dma_start3A_4256 = arith.constant 32 : i32
    %dma_start3A_4257 = arith.constant 0 : i32
    %dma_start3A_4258 = tpu.memref_slice %arg8[%dma_start3A_4256, %dma_start3A_4257] : memref<96x1024xf32, #tpu.memory_space<vmem>> -> memref<32x1024xf32, #tpu.memory_space<vmem>>
    tpu.enqueue_dma source(%dma_start3A_4258 : memref<32x1024xf32, #tpu.memory_space<vmem>>) target(%dma_start3A_4255 : memref<32x1024xf32, #tpu.memory_space<hbm>>) target_semaphore(%arg16 : memref<!tpu.dma_semaphore, #tpu.memory_space<semaphore_mem>>)
    %dma_wait3A_4259 = arith.constant 32 : i32
    %dma_wait3A_4260 = arith.constant 0 : i32
    %dma_wait3A_4261 = tpu.memref_slice %arg8[%dma_wait3A_4259, %dma_wait3A_4260] : memref<96x1024xf32, #tpu.memory_space<vmem>> -> memref<32x1024xf32, #tpu.memory_space<vmem>>
    %dma_wait3A_4262 = arith.constant 0 : i32
    %dma_wait3A_4263 = tpu.memref_slice %arg4[%add3A_4248, %dma_wait3A_4262] : memref<8192x1024xf32, #tpu.memory_space<hbm>> -> memref<32x1024xf32, #tpu.memory_space<hbm>>
    %dma_wait3A_4264 = arith.constant 0 : i32
    %dma_wait3A_4265 = tpu.memref_slice %arg4[%add3A_4248, %dma_wait3A_4264] : memref<8192x1024xf32, #tpu.memory_space<hbm>> -> memref<32x1024xf32, #tpu.memory_space<hbm>>
    %dma_wait3A_4266 = arith.constant 32 : i32
    %dma_wait3A_4267 = arith.constant 0 : i32
    %dma_wait3A_4268 = tpu.memref_slice %arg8[%dma_wait3A_4266, %dma_wait3A_4267] : memref<96x1024xf32, #tpu.memory_space<vmem>> -> memref<32x1024xf32, #tpu.memory_space<vmem>>
    tpu.wait_dma2 semaphore(%arg16 : memref<!tpu.dma_semaphore, #tpu.memory_space<semaphore_mem>>) src(%dma_wait3A_4268 : memref<32x1024xf32, #tpu.memory_space<vmem>>) dst(%dma_wait3A_4265 : memref<32x1024xf32, #tpu.memory_space<hbm>>)
    %mul3A_4269 = arith.constant 4 : i32
    %mul3A_4270 = arith.muli %select_n3A, %mul3A_4269 : i32
    %add3A_4271 = arith.constant 14 : i32
    %add3A_4272 = arith.addi %add3A_4271, %mul3A_4270 : i32
    %jit3A_4273 = arith.constant 16 : i32
    %eq3A_4274 = arith.constant 0 : i32
    %eq3A_4275 = arith.cmpi eq, %jit3A_4273, %eq3A_4274 : i32
    %jit3A_4276 = arith.constant 1 : i32
    %select_n3A_4277 = arith.select %eq3A_4275, %jit3A_4276, %jit3A_4273 : i32
    %rem3A_4278 = arith.remsi %add3A_4272, %select_n3A_4277 : i32
    %ne3A_4279 = arith.constant 0 : i32
    %ne3A_4280 = arith.cmpi ne, %rem3A_4278, %ne3A_4279 : i32
    %lt3A_4281 = arith.constant 0 : i32
    %lt3A_4282 = arith.cmpi slt, %rem3A_4278, %lt3A_4281 : i32
    %lt3A_4283 = arith.constant 0 : i32
    %lt3A_4284 = arith.cmpi slt, %select_n3A_4277, %lt3A_4283 : i32
    %ne3A_4285 = arith.xori %lt3A_4282, %lt3A_4284 : i1
    %and3A_4286 = arith.andi %ne3A_4285, %ne3A_4280 : i1
    %add3A_4287 = arith.addi %rem3A_4278, %select_n3A_4277 : i32
    %select_n3A_4288 = arith.select %and3A_4286, %add3A_4287, %rem3A_4278 : i32
    %dma_start3A_4289 = arith.constant 32 : i32
    %dma_start3A_4290 = arith.constant 0 : i32
    %dma_start3A_4291 = tpu.memref_slice %arg8[%dma_start3A_4289, %dma_start3A_4290] : memref<96x1024xf32, #tpu.memory_space<vmem>> -> memref<16x1024xf32, #tpu.memory_space<vmem>>
    %dma_start3A_4292 = arith.constant 0 : i32
    %dma_start3A_4293 = tpu.memref_slice %arg7[%select_n3A_4288, %dma_start3A_4292] : memref<16x16xi32, #tpu.memory_space<vmem>> -> memref<1x16xi32, #tpu.memory_space<vmem>>
    %dma_start3A_4294 = tpu.memref_squeeze %dma_start3A_4293 : memref<1x16xi32, #tpu.memory_space<vmem>> -> memref<16xi32, #tpu.memory_space<vmem>>
    %dma_start3A_4295 = arith.constant 0 : i32
    %dma_start3A_4296 = arith.constant 0 : i32
    %dma_start3A_4297 = tpu.memref_slice %arg3[%dma_start3A_4295, %dma_start3A_4296] : memref<4096x1024xf32, #tpu.memory_space<hbm>> -> memref<4096x1024xf32, #tpu.memory_space<hbm>>
    tpu.enqueue_indirect_dma source(%dma_start3A_4297 : memref<4096x1024xf32, #tpu.memory_space<hbm>>) target(%dma_start3A_4291 : memref<16x1024xf32, #tpu.memory_space<vmem>>) offsets(%dma_start3A_4294 : memref<16xi32, #tpu.memory_space<vmem>>) semaphore(%arg11 : memref<!tpu.dma_semaphore, #tpu.memory_space<semaphore_mem>>)
    %dma_wait3A_4298 = arith.constant 64 : i32
    %dma_wait3A_4299 = arith.constant 0 : i32
    %dma_wait3A_4300 = tpu.memref_slice %arg8[%dma_wait3A_4298, %dma_wait3A_4299] : memref<96x1024xf32, #tpu.memory_space<vmem>> -> memref<16x1024xf32, #tpu.memory_space<vmem>>
    %dma_wait3A_4301 = arith.constant 0 : i32
    %dma_wait3A_4302 = tpu.memref_slice %arg7[%select_n3A_4050, %dma_wait3A_4301] : memref<16x16xi32, #tpu.memory_space<vmem>> -> memref<1x16xi32, #tpu.memory_space<vmem>>
    %dma_wait3A_4303 = tpu.memref_squeeze %dma_wait3A_4302 : memref<1x16xi32, #tpu.memory_space<vmem>> -> memref<16xi32, #tpu.memory_space<vmem>>
    %dma_wait3A_4304 = arith.constant 0 : i32
    %dma_wait3A_4305 = arith.constant 0 : i32
    %dma_wait3A_4306 = tpu.memref_slice %arg3[%dma_wait3A_4304, %dma_wait3A_4305] : memref<4096x1024xf32, #tpu.memory_space<hbm>> -> memref<4096x1024xf32, #tpu.memory_space<hbm>>
    tpu.wait_indirect_dma semaphore(%arg13 : memref<!tpu.dma_semaphore, #tpu.memory_space<semaphore_mem>>) src(%dma_wait3A_4306 : memref<4096x1024xf32, #tpu.memory_space<hbm>>) dst(%dma_wait3A_4300 : memref<16x1024xf32, #tpu.memory_space<vmem>>)
    %mul3A_4307 = arith.constant 4 : i32
    %mul3A_4308 = arith.muli %select_n3A, %mul3A_4307 : i32
    %add3A_4309 = arith.constant 15 : i32
    %add3A_4310 = arith.addi %add3A_4309, %mul3A_4308 : i32
    %jit3A_4311 = arith.constant 16 : i32
    %eq3A_4312 = arith.constant 0 : i32
    %eq3A_4313 = arith.cmpi eq, %jit3A_4311, %eq3A_4312 : i32
    %jit3A_4314 = arith.constant 1 : i32
    %select_n3A_4315 = arith.select %eq3A_4313, %jit3A_4314, %jit3A_4311 : i32
    %rem3A_4316 = arith.remsi %add3A_4310, %select_n3A_4315 : i32
    %ne3A_4317 = arith.constant 0 : i32
    %ne3A_4318 = arith.cmpi ne, %rem3A_4316, %ne3A_4317 : i32
    %lt3A_4319 = arith.constant 0 : i32
    %lt3A_4320 = arith.cmpi slt, %rem3A_4316, %lt3A_4319 : i32
    %lt3A_4321 = arith.constant 0 : i32
    %lt3A_4322 = arith.cmpi slt, %select_n3A_4315, %lt3A_4321 : i32
    %ne3A_4323 = arith.xori %lt3A_4320, %lt3A_4322 : i1
    %and3A_4324 = arith.andi %ne3A_4323, %ne3A_4318 : i1
    %add3A_4325 = arith.addi %rem3A_4316, %select_n3A_4315 : i32
    %select_n3A_4326 = arith.select %and3A_4324, %add3A_4325, %rem3A_4316 : i32
    %dma_start3A_4327 = arith.constant 48 : i32
    %dma_start3A_4328 = arith.constant 0 : i32
    %dma_start3A_4329 = tpu.memref_slice %arg8[%dma_start3A_4327, %dma_start3A_4328] : memref<96x1024xf32, #tpu.memory_space<vmem>> -> memref<16x1024xf32, #tpu.memory_space<vmem>>
    %dma_start3A_4330 = arith.constant 0 : i32
    %dma_start3A_4331 = tpu.memref_slice %arg7[%select_n3A_4326, %dma_start3A_4330] : memref<16x16xi32, #tpu.memory_space<vmem>> -> memref<1x16xi32, #tpu.memory_space<vmem>>
    %dma_start3A_4332 = tpu.memref_squeeze %dma_start3A_4331 : memref<1x16xi32, #tpu.memory_space<vmem>> -> memref<16xi32, #tpu.memory_space<vmem>>
    %dma_start3A_4333 = arith.constant 0 : i32
    %dma_start3A_4334 = arith.constant 0 : i32
    %dma_start3A_4335 = tpu.memref_slice %arg3[%dma_start3A_4333, %dma_start3A_4334] : memref<4096x1024xf32, #tpu.memory_space<hbm>> -> memref<4096x1024xf32, #tpu.memory_space<hbm>>
    tpu.enqueue_indirect_dma source(%dma_start3A_4335 : memref<4096x1024xf32, #tpu.memory_space<hbm>>) target(%dma_start3A_4329 : memref<16x1024xf32, #tpu.memory_space<vmem>>) offsets(%dma_start3A_4332 : memref<16xi32, #tpu.memory_space<vmem>>) semaphore(%arg12 : memref<!tpu.dma_semaphore, #tpu.memory_space<semaphore_mem>>)
    %dma_wait3A_4336 = arith.constant 80 : i32
    %dma_wait3A_4337 = arith.constant 0 : i32
    %dma_wait3A_4338 = tpu.memref_slice %arg8[%dma_wait3A_4336, %dma_wait3A_4337] : memref<96x1024xf32, #tpu.memory_space<vmem>> -> memref<16x1024xf32, #tpu.memory_space<vmem>>
    %dma_wait3A_4339 = arith.constant 0 : i32
    %dma_wait3A_4340 = tpu.memref_slice %arg7[%select_n3A_4088, %dma_wait3A_4339] : memref<16x16xi32, #tpu.memory_space<vmem>> -> memref<1x16xi32, #tpu.memory_space<vmem>>
    %dma_wait3A_4341 = tpu.memref_squeeze %dma_wait3A_4340 : memref<1x16xi32, #tpu.memory_space<vmem>> -> memref<16xi32, #tpu.memory_space<vmem>>
    %dma_wait3A_4342 = arith.constant 0 : i32
    %dma_wait3A_4343 = arith.constant 0 : i32
    %dma_wait3A_4344 = tpu.memref_slice %arg3[%dma_wait3A_4342, %dma_wait3A_4343] : memref<4096x1024xf32, #tpu.memory_space<hbm>> -> memref<4096x1024xf32, #tpu.memory_space<hbm>>
    tpu.wait_indirect_dma semaphore(%arg14 : memref<!tpu.dma_semaphore, #tpu.memory_space<semaphore_mem>>) src(%dma_wait3A_4344 : memref<4096x1024xf32, #tpu.memory_space<hbm>>) dst(%dma_wait3A_4338 : memref<16x1024xf32, #tpu.memory_space<vmem>>)
    %mul3A_4345 = arith.constant 4 : i32
    %mul3A_4346 = arith.muli %select_n3A, %mul3A_4345 : i32
    %add3A_4347 = arith.constant 10 : i32
    %add3A_4348 = arith.addi %add3A_4347, %mul3A_4346 : i32
    %jit3A_4349 = arith.constant 16 : i32
    %eq3A_4350 = arith.constant 0 : i32
    %eq3A_4351 = arith.cmpi eq, %jit3A_4349, %eq3A_4350 : i32
    %jit3A_4352 = arith.constant 1 : i32
    %select_n3A_4353 = arith.select %eq3A_4351, %jit3A_4352, %jit3A_4349 : i32
    %rem3A_4354 = arith.remsi %add3A_4348, %select_n3A_4353 : i32
    %ne3A_4355 = arith.constant 0 : i32
    %ne3A_4356 = arith.cmpi ne, %rem3A_4354, %ne3A_4355 : i32
    %lt3A_4357 = arith.constant 0 : i32
    %lt3A_4358 = arith.cmpi slt, %rem3A_4354, %lt3A_4357 : i32
    %lt3A_4359 = arith.constant 0 : i32
    %lt3A_4360 = arith.cmpi slt, %select_n3A_4353, %lt3A_4359 : i32
    %ne3A_4361 = arith.xori %lt3A_4358, %lt3A_4360 : i1
    %and3A_4362 = arith.andi %ne3A_4361, %ne3A_4356 : i1
    %add3A_4363 = arith.addi %rem3A_4354, %select_n3A_4353 : i32
    %select_n3A_4364 = arith.select %and3A_4362, %add3A_4363, %rem3A_4354 : i32
    %mul3A_4365 = arith.constant 16 : i32
    %mul3A_4366 = arith.muli %select_n3A_4364, %mul3A_4365 : i32
    %add3A_4367 = arith.addi %mul3A_3557, %mul3A_4366 : i32
    %dma_start3A_4368 = arith.constant 64 : i32
    %dma_start3A_4369 = arith.constant 0 : i32
    %dma_start3A_4370 = tpu.memref_slice %arg8[%dma_start3A_4368, %dma_start3A_4369] : memref<96x1024xf32, #tpu.memory_space<vmem>> -> memref<32x1024xf32, #tpu.memory_space<vmem>>
    %dma_start3A_4371 = arith.constant 0 : i32
    %dma_start3A_4372 = tpu.memref_slice %arg4[%add3A_4367, %dma_start3A_4371] : memref<8192x1024xf32, #tpu.memory_space<hbm>> -> memref<32x1024xf32, #tpu.memory_space<hbm>>
    %dma_start3A_4373 = arith.constant 0 : i32
    %dma_start3A_4374 = tpu.memref_slice %arg4[%add3A_4367, %dma_start3A_4373] : memref<8192x1024xf32, #tpu.memory_space<hbm>> -> memref<32x1024xf32, #tpu.memory_space<hbm>>
    %dma_start3A_4375 = arith.constant 64 : i32
    %dma_start3A_4376 = arith.constant 0 : i32
    %dma_start3A_4377 = tpu.memref_slice %arg8[%dma_start3A_4375, %dma_start3A_4376] : memref<96x1024xf32, #tpu.memory_space<vmem>> -> memref<32x1024xf32, #tpu.memory_space<vmem>>
    tpu.enqueue_dma source(%dma_start3A_4377 : memref<32x1024xf32, #tpu.memory_space<vmem>>) target(%dma_start3A_4374 : memref<32x1024xf32, #tpu.memory_space<hbm>>) target_semaphore(%arg17 : memref<!tpu.dma_semaphore, #tpu.memory_space<semaphore_mem>>)
    %dma_wait3A_4378 = arith.constant 0 : i32
    %dma_wait3A_4379 = arith.constant 0 : i32
    %dma_wait3A_4380 = tpu.memref_slice %arg8[%dma_wait3A_4378, %dma_wait3A_4379] : memref<96x1024xf32, #tpu.memory_space<vmem>> -> memref<16x1024xf32, #tpu.memory_space<vmem>>
    %dma_wait3A_4381 = arith.constant 0 : i32
    %dma_wait3A_4382 = tpu.memref_slice %arg7[%select_n3A_4169, %dma_wait3A_4381] : memref<16x16xi32, #tpu.memory_space<vmem>> -> memref<1x16xi32, #tpu.memory_space<vmem>>
    %dma_wait3A_4383 = tpu.memref_squeeze %dma_wait3A_4382 : memref<1x16xi32, #tpu.memory_space<vmem>> -> memref<16xi32, #tpu.memory_space<vmem>>
    %dma_wait3A_4384 = arith.constant 0 : i32
    %dma_wait3A_4385 = arith.constant 0 : i32
    %dma_wait3A_4386 = tpu.memref_slice %arg3[%dma_wait3A_4384, %dma_wait3A_4385] : memref<4096x1024xf32, #tpu.memory_space<hbm>> -> memref<4096x1024xf32, #tpu.memory_space<hbm>>
    tpu.wait_indirect_dma semaphore(%arg9 : memref<!tpu.dma_semaphore, #tpu.memory_space<semaphore_mem>>) src(%dma_wait3A_4386 : memref<4096x1024xf32, #tpu.memory_space<hbm>>) dst(%dma_wait3A_4380 : memref<16x1024xf32, #tpu.memory_space<vmem>>)
    %dma_wait3A_4387 = arith.constant 16 : i32
    %dma_wait3A_4388 = arith.constant 0 : i32
    %dma_wait3A_4389 = tpu.memref_slice %arg8[%dma_wait3A_4387, %dma_wait3A_4388] : memref<96x1024xf32, #tpu.memory_space<vmem>> -> memref<16x1024xf32, #tpu.memory_space<vmem>>
    %dma_wait3A_4390 = arith.constant 0 : i32
    %dma_wait3A_4391 = tpu.memref_slice %arg7[%select_n3A_4207, %dma_wait3A_4390] : memref<16x16xi32, #tpu.memory_space<vmem>> -> memref<1x16xi32, #tpu.memory_space<vmem>>
    %dma_wait3A_4392 = tpu.memref_squeeze %dma_wait3A_4391 : memref<1x16xi32, #tpu.memory_space<vmem>> -> memref<16xi32, #tpu.memory_space<vmem>>
    %dma_wait3A_4393 = arith.constant 0 : i32
    %dma_wait3A_4394 = arith.constant 0 : i32
    %dma_wait3A_4395 = tpu.memref_slice %arg3[%dma_wait3A_4393, %dma_wait3A_4394] : memref<4096x1024xf32, #tpu.memory_space<hbm>> -> memref<4096x1024xf32, #tpu.memory_space<hbm>>
    tpu.wait_indirect_dma semaphore(%arg10 : memref<!tpu.dma_semaphore, #tpu.memory_space<semaphore_mem>>) src(%dma_wait3A_4395 : memref<4096x1024xf32, #tpu.memory_space<hbm>>) dst(%dma_wait3A_4389 : memref<16x1024xf32, #tpu.memory_space<vmem>>)
    %mul3A_4396 = arith.constant 4 : i32
    %mul3A_4397 = arith.muli %select_n3A, %mul3A_4396 : i32
    %add3A_4398 = arith.constant 12 : i32
    %add3A_4399 = arith.addi %add3A_4398, %mul3A_4397 : i32
    %jit3A_4400 = arith.constant 16 : i32
    %eq3A_4401 = arith.constant 0 : i32
    %eq3A_4402 = arith.cmpi eq, %jit3A_4400, %eq3A_4401 : i32
    %jit3A_4403 = arith.constant 1 : i32
    %select_n3A_4404 = arith.select %eq3A_4402, %jit3A_4403, %jit3A_4400 : i32
    %rem3A_4405 = arith.remsi %add3A_4399, %select_n3A_4404 : i32
    %ne3A_4406 = arith.constant 0 : i32
    %ne3A_4407 = arith.cmpi ne, %rem3A_4405, %ne3A_4406 : i32
    %lt3A_4408 = arith.constant 0 : i32
    %lt3A_4409 = arith.cmpi slt, %rem3A_4405, %lt3A_4408 : i32
    %lt3A_4410 = arith.constant 0 : i32
    %lt3A_4411 = arith.cmpi slt, %select_n3A_4404, %lt3A_4410 : i32
    %ne3A_4412 = arith.xori %lt3A_4409, %lt3A_4411 : i1
    %and3A_4413 = arith.andi %ne3A_4412, %ne3A_4407 : i1
    %add3A_4414 = arith.addi %rem3A_4405, %select_n3A_4404 : i32
    %select_n3A_4415 = arith.select %and3A_4413, %add3A_4414, %rem3A_4405 : i32
    %mul3A_4416 = arith.constant 16 : i32
    %mul3A_4417 = arith.muli %select_n3A_4415, %mul3A_4416 : i32
    %add3A_4418 = arith.addi %mul3A_3557, %mul3A_4417 : i32
    %dma_start3A_4419 = arith.constant 0 : i32
    %dma_start3A_4420 = arith.constant 0 : i32
    %dma_start3A_4421 = tpu.memref_slice %arg8[%dma_start3A_4419, %dma_start3A_4420] : memref<96x1024xf32, #tpu.memory_space<vmem>> -> memref<32x1024xf32, #tpu.memory_space<vmem>>
    %dma_start3A_4422 = arith.constant 0 : i32
    %dma_start3A_4423 = tpu.memref_slice %arg4[%add3A_4418, %dma_start3A_4422] : memref<8192x1024xf32, #tpu.memory_space<hbm>> -> memref<32x1024xf32, #tpu.memory_space<hbm>>
    %dma_start3A_4424 = arith.constant 0 : i32
    %dma_start3A_4425 = tpu.memref_slice %arg4[%add3A_4418, %dma_start3A_4424] : memref<8192x1024xf32, #tpu.memory_space<hbm>> -> memref<32x1024xf32, #tpu.memory_space<hbm>>
    %dma_start3A_4426 = arith.constant 0 : i32
    %dma_start3A_4427 = arith.constant 0 : i32
    %dma_start3A_4428 = tpu.memref_slice %arg8[%dma_start3A_4426, %dma_start3A_4427] : memref<96x1024xf32, #tpu.memory_space<vmem>> -> memref<32x1024xf32, #tpu.memory_space<vmem>>
    tpu.enqueue_dma source(%dma_start3A_4428 : memref<32x1024xf32, #tpu.memory_space<vmem>>) target(%dma_start3A_4425 : memref<32x1024xf32, #tpu.memory_space<hbm>>) target_semaphore(%arg15 : memref<!tpu.dma_semaphore, #tpu.memory_space<semaphore_mem>>)
    %dma_wait3A_4429 = arith.constant 32 : i32
    %dma_wait3A_4430 = arith.constant 0 : i32
    %dma_wait3A_4431 = tpu.memref_slice %arg8[%dma_wait3A_4429, %dma_wait3A_4430] : memref<96x1024xf32, #tpu.memory_space<vmem>> -> memref<16x1024xf32, #tpu.memory_space<vmem>>
    %dma_wait3A_4432 = arith.constant 0 : i32
    %dma_wait3A_4433 = tpu.memref_slice %arg7[%select_n3A_4288, %dma_wait3A_4432] : memref<16x16xi32, #tpu.memory_space<vmem>> -> memref<1x16xi32, #tpu.memory_space<vmem>>
    %dma_wait3A_4434 = tpu.memref_squeeze %dma_wait3A_4433 : memref<1x16xi32, #tpu.memory_space<vmem>> -> memref<16xi32, #tpu.memory_space<vmem>>
    %dma_wait3A_4435 = arith.constant 0 : i32
    %dma_wait3A_4436 = arith.constant 0 : i32
    %dma_wait3A_4437 = tpu.memref_slice %arg3[%dma_wait3A_4435, %dma_wait3A_4436] : memref<4096x1024xf32, #tpu.memory_space<hbm>> -> memref<4096x1024xf32, #tpu.memory_space<hbm>>
    tpu.wait_indirect_dma semaphore(%arg11 : memref<!tpu.dma_semaphore, #tpu.memory_space<semaphore_mem>>) src(%dma_wait3A_4437 : memref<4096x1024xf32, #tpu.memory_space<hbm>>) dst(%dma_wait3A_4431 : memref<16x1024xf32, #tpu.memory_space<vmem>>)
    %dma_wait3A_4438 = arith.constant 48 : i32
    %dma_wait3A_4439 = arith.constant 0 : i32
    %dma_wait3A_4440 = tpu.memref_slice %arg8[%dma_wait3A_4438, %dma_wait3A_4439] : memref<96x1024xf32, #tpu.memory_space<vmem>> -> memref<16x1024xf32, #tpu.memory_space<vmem>>
    %dma_wait3A_4441 = arith.constant 0 : i32
    %dma_wait3A_4442 = tpu.memref_slice %arg7[%select_n3A_4326, %dma_wait3A_4441] : memref<16x16xi32, #tpu.memory_space<vmem>> -> memref<1x16xi32, #tpu.memory_space<vmem>>
    %dma_wait3A_4443 = tpu.memref_squeeze %dma_wait3A_4442 : memref<1x16xi32, #tpu.memory_space<vmem>> -> memref<16xi32, #tpu.memory_space<vmem>>
    %dma_wait3A_4444 = arith.constant 0 : i32
    %dma_wait3A_4445 = arith.constant 0 : i32
    %dma_wait3A_4446 = tpu.memref_slice %arg3[%dma_wait3A_4444, %dma_wait3A_4445] : memref<4096x1024xf32, #tpu.memory_space<hbm>> -> memref<4096x1024xf32, #tpu.memory_space<hbm>>
    tpu.wait_indirect_dma semaphore(%arg12 : memref<!tpu.dma_semaphore, #tpu.memory_space<semaphore_mem>>) src(%dma_wait3A_4446 : memref<4096x1024xf32, #tpu.memory_space<hbm>>) dst(%dma_wait3A_4440 : memref<16x1024xf32, #tpu.memory_space<vmem>>)
    %mul3A_4447 = arith.constant 4 : i32
    %mul3A_4448 = arith.muli %select_n3A, %mul3A_4447 : i32
    %add3A_4449 = arith.constant 14 : i32
    %add3A_4450 = arith.addi %add3A_4449, %mul3A_4448 : i32
    %jit3A_4451 = arith.constant 16 : i32
    %eq3A_4452 = arith.constant 0 : i32
    %eq3A_4453 = arith.cmpi eq, %jit3A_4451, %eq3A_4452 : i32
    %jit3A_4454 = arith.constant 1 : i32
    %select_n3A_4455 = arith.select %eq3A_4453, %jit3A_4454, %jit3A_4451 : i32
    %rem3A_4456 = arith.remsi %add3A_4450, %select_n3A_4455 : i32
    %ne3A_4457 = arith.constant 0 : i32
    %ne3A_4458 = arith.cmpi ne, %rem3A_4456, %ne3A_4457 : i32
    %lt3A_4459 = arith.constant 0 : i32
    %lt3A_4460 = arith.cmpi slt, %rem3A_4456, %lt3A_4459 : i32
    %lt3A_4461 = arith.constant 0 : i32
    %lt3A_4462 = arith.cmpi slt, %select_n3A_4455, %lt3A_4461 : i32
    %ne3A_4463 = arith.xori %lt3A_4460, %lt3A_4462 : i1
    %and3A_4464 = arith.andi %ne3A_4463, %ne3A_4458 : i1
    %add3A_4465 = arith.addi %rem3A_4456, %select_n3A_4455 : i32
    %select_n3A_4466 = arith.select %and3A_4464, %add3A_4465, %rem3A_4456 : i32
    %mul3A_4467 = arith.constant 16 : i32
    %mul3A_4468 = arith.muli %select_n3A_4466, %mul3A_4467 : i32
    %add3A_4469 = arith.addi %mul3A_3557, %mul3A_4468 : i32
    %dma_start3A_4470 = arith.constant 32 : i32
    %dma_start3A_4471 = arith.constant 0 : i32
    %dma_start3A_4472 = tpu.memref_slice %arg8[%dma_start3A_4470, %dma_start3A_4471] : memref<96x1024xf32, #tpu.memory_space<vmem>> -> memref<32x1024xf32, #tpu.memory_space<vmem>>
    %dma_start3A_4473 = arith.constant 0 : i32
    %dma_start3A_4474 = tpu.memref_slice %arg4[%add3A_4469, %dma_start3A_4473] : memref<8192x1024xf32, #tpu.memory_space<hbm>> -> memref<32x1024xf32, #tpu.memory_space<hbm>>
    %dma_start3A_4475 = arith.constant 0 : i32
    %dma_start3A_4476 = tpu.memref_slice %arg4[%add3A_4469, %dma_start3A_4475] : memref<8192x1024xf32, #tpu.memory_space<hbm>> -> memref<32x1024xf32, #tpu.memory_space<hbm>>
    %dma_start3A_4477 = arith.constant 32 : i32
    %dma_start3A_4478 = arith.constant 0 : i32
    %dma_start3A_4479 = tpu.memref_slice %arg8[%dma_start3A_4477, %dma_start3A_4478] : memref<96x1024xf32, #tpu.memory_space<vmem>> -> memref<32x1024xf32, #tpu.memory_space<vmem>>
    tpu.enqueue_dma source(%dma_start3A_4479 : memref<32x1024xf32, #tpu.memory_space<vmem>>) target(%dma_start3A_4476 : memref<32x1024xf32, #tpu.memory_space<hbm>>) target_semaphore(%arg16 : memref<!tpu.dma_semaphore, #tpu.memory_space<semaphore_mem>>)
    %dma_wait3A_4480 = arith.constant 64 : i32
    %dma_wait3A_4481 = arith.constant 0 : i32
    %dma_wait3A_4482 = tpu.memref_slice %arg8[%dma_wait3A_4480, %dma_wait3A_4481] : memref<96x1024xf32, #tpu.memory_space<vmem>> -> memref<32x1024xf32, #tpu.memory_space<vmem>>
    %dma_wait3A_4483 = arith.constant 0 : i32
    %dma_wait3A_4484 = tpu.memref_slice %arg4[%add3A_4367, %dma_wait3A_4483] : memref<8192x1024xf32, #tpu.memory_space<hbm>> -> memref<32x1024xf32, #tpu.memory_space<hbm>>
    %dma_wait3A_4485 = arith.constant 0 : i32
    %dma_wait3A_4486 = tpu.memref_slice %arg4[%add3A_4367, %dma_wait3A_4485] : memref<8192x1024xf32, #tpu.memory_space<hbm>> -> memref<32x1024xf32, #tpu.memory_space<hbm>>
    %dma_wait3A_4487 = arith.constant 64 : i32
    %dma_wait3A_4488 = arith.constant 0 : i32
    %dma_wait3A_4489 = tpu.memref_slice %arg8[%dma_wait3A_4487, %dma_wait3A_4488] : memref<96x1024xf32, #tpu.memory_space<vmem>> -> memref<32x1024xf32, #tpu.memory_space<vmem>>
    tpu.wait_dma2 semaphore(%arg17 : memref<!tpu.dma_semaphore, #tpu.memory_space<semaphore_mem>>) src(%dma_wait3A_4489 : memref<32x1024xf32, #tpu.memory_space<vmem>>) dst(%dma_wait3A_4486 : memref<32x1024xf32, #tpu.memory_space<hbm>>)
    %dma_wait3A_4490 = arith.constant 0 : i32
    %dma_wait3A_4491 = arith.constant 0 : i32
    %dma_wait3A_4492 = tpu.memref_slice %arg8[%dma_wait3A_4490, %dma_wait3A_4491] : memref<96x1024xf32, #tpu.memory_space<vmem>> -> memref<32x1024xf32, #tpu.memory_space<vmem>>
    %dma_wait3A_4493 = arith.constant 0 : i32
    %dma_wait3A_4494 = tpu.memref_slice %arg4[%add3A_4418, %dma_wait3A_4493] : memref<8192x1024xf32, #tpu.memory_space<hbm>> -> memref<32x1024xf32, #tpu.memory_space<hbm>>
    %dma_wait3A_4495 = arith.constant 0 : i32
    %dma_wait3A_4496 = tpu.memref_slice %arg4[%add3A_4418, %dma_wait3A_4495] : memref<8192x1024xf32, #tpu.memory_space<hbm>> -> memref<32x1024xf32, #tpu.memory_space<hbm>>
    %dma_wait3A_4497 = arith.constant 0 : i32
    %dma_wait3A_4498 = arith.constant 0 : i32
    %dma_wait3A_4499 = tpu.memref_slice %arg8[%dma_wait3A_4497, %dma_wait3A_4498] : memref<96x1024xf32, #tpu.memory_space<vmem>> -> memref<32x1024xf32, #tpu.memory_space<vmem>>
    tpu.wait_dma2 semaphore(%arg15 : memref<!tpu.dma_semaphore, #tpu.memory_space<semaphore_mem>>) src(%dma_wait3A_4499 : memref<32x1024xf32, #tpu.memory_space<vmem>>) dst(%dma_wait3A_4496 : memref<32x1024xf32, #tpu.memory_space<hbm>>)
    %dma_wait3A_4500 = arith.constant 32 : i32
    %dma_wait3A_4501 = arith.constant 0 : i32
    %dma_wait3A_4502 = tpu.memref_slice %arg8[%dma_wait3A_4500, %dma_wait3A_4501] : memref<96x1024xf32, #tpu.memory_space<vmem>> -> memref<32x1024xf32, #tpu.memory_space<vmem>>
    %dma_wait3A_4503 = arith.constant 0 : i32
    %dma_wait3A_4504 = tpu.memref_slice %arg4[%add3A_4469, %dma_wait3A_4503] : memref<8192x1024xf32, #tpu.memory_space<hbm>> -> memref<32x1024xf32, #tpu.memory_space<hbm>>
    %dma_wait3A_4505 = arith.constant 0 : i32
    %dma_wait3A_4506 = tpu.memref_slice %arg4[%add3A_4469, %dma_wait3A_4505] : memref<8192x1024xf32, #tpu.memory_space<hbm>> -> memref<32x1024xf32, #tpu.memory_space<hbm>>
    %dma_wait3A_4507 = arith.constant 32 : i32
    %dma_wait3A_4508 = arith.constant 0 : i32
    %dma_wait3A_4509 = tpu.memref_slice %arg8[%dma_wait3A_4507, %dma_wait3A_4508] : memref<96x1024xf32, #tpu.memory_space<vmem>> -> memref<32x1024xf32, #tpu.memory_space<vmem>>
    tpu.wait_dma2 semaphore(%arg16 : memref<!tpu.dma_semaphore, #tpu.memory_space<semaphore_mem>>) src(%dma_wait3A_4509 : memref<32x1024xf32, #tpu.memory_space<vmem>>) dst(%dma_wait3A_4506 : memref<32x1024xf32, #tpu.memory_space<hbm>>)
    return
  }
}

</mosaic_0001>

<sc_bundles>
// kernel: _sc_embed.3.cloned.1.call-start
scs
__scs_entry_jumppad:
0x0: {  	(pc) =	sbr.rel $0x88, $3  }
0x1: {  	(tag) =	ssettag $0x0;
	lr =	simm.s32 $0x1  }
0x2: {  	[smem:$0x3F9F] =	sst lr;
	_ =	strace $0xD0000000  }
0x3: {  	_ = 	snop  }
0x4: {  	_ = 	snop  }
0x5: {  	_ = 	snop  }
0x6: {  	_ = 	snop  }
0x7: {  	_ = 	snop  }
__scs_overlays_trampoline_lowered:
0x8: {  	[smem:$0x3FAE] =	sst s0  }
0x9: {  	[smem:$0x3FAF] =	sst s1  }
0xa: {  	[smem:$0x3FB0] =	sst s2  }
0xb: {  	[smem:$0x3FB1] =	sst s3  }
0xc: {  	[smem:$0x3FB2] =	sst s4  }
0xd: {  	[smem:$0x3FB3] =	sst s5  }
0xe: {  	[smem:$0x3FB4] =	sst s6  }
0xf: {  	[smem:$0x3FB5] =	sst s7  }
0x10: {  	[smem:$0x3FB6] =	sst s8  }
0x11: {  	[smem:$0x3FB7] =	sst s9;
	s0 =	simm.s32 @!p0 $0x0  }
0x12: {  	s1 =	sld [smem:$0x3F9D];
	s0 =	simm.s32 @p0 $0x1  }
0x13: {  	[smem:$0x3FB8] =	sst s0;
	s0 =	simm.s32 @!p1 $0x0  }
0x14: {  	s2 =	sld [smem:$0x3F9C];
	s0 =	simm.s32 @p1 $0x1  }
0x15: {  	[smem:$0x3FB9] =	sst s0;
	s0 =	simm.s32 @!p2 $0x0  }
0x16: {  	s3 =	sld [smem:$0x3FDB];
	s0 =	simm.s32 @p2 $0x1  }
0x17: {  	s4 =	simm.s32 $0x1BF5;
	[smem:$0x3FBB] =	sst s0  }
0x18: {  	s0 =	sld [smem:$0x3F9E];
	_ =	swait.ge [sflag:s4], $0x0  }
0x19: {  	s7 =	sld [smem:$0x3F9F]  }
0x1a: {  	s8 =	sadd.s32 $0xFFFFE003, lr  }
0x1b: {  	s9 =	sadd.s32 $0xFFFFFEF7, lr;
	s5 =	simm.s32 $0xFFFFFFFF;
	p2 =	slt.u32 s8, $0xFFFFF086  }
0x1c: {  	p1 =	slt.u32 s9, $0xF7A;
	s5 =	simm.s32 @!p2 $0x0  }
0x1d: {  	s5 =	simm.s32 @p1 $0x1;
	p0 =	seq.s32 s7, s2  }
0x1e: {  	s7 =	smul.u32 @!p0 $0xF7A, s2;
	p2 =	seq.s32 @!p0 s5, $0x0  }
0x1f: {  	s9 =	smul.u32 $0xF7A, s1;
	s8 =	simm.s32 @!p0 $0x1BF5;
	p2 =	por !p2, p0  }
0x20: {  	[sflag:s8] =	ssyncset.s32 @!p0 $0xFFFFF086;
	s6 =	sadd.s32 @!p0 s3, s7;
	s7 =	simm.s32 @!p0 $0x108  }
0x21: {  	s3 =	sadd.s32 s3, s9;
	s6 =	sadd.s32 @!p0 $0x88, s6;
	s7 =	simm.s32 @p2 $0x1082  }
0x22: {  	[simem:s7], [sflag:s8] =	dma.local @!p0 [hbm:s6], $0xF7A  }
0x23: {  	s9 =	sor.u32 $0xD0000000, s2;
	s6 =	simm.s32 $0x108;
	_ =	swait.ge @!p0 [sflag:s8], $0x0  }
0x24: {  	s3 =	sadd.s32 $0x88, s3;
	s6 =	simm.s32 @!p1 $0x1082;
	[sflag:s4] =	ssyncset.s32 $0xFFFFF086  }
0x25: {  	[simem:s6], [sflag:s4] =	dma.local [hbm:s3], $0xF7A  }
0x26: {  	[smem:$0x3F9F] =	sst s1;
	(tag) =	ssettag s2;
	_ =	strace s9  }
0x27: {  	s1 =	sld [smem:$0x3FAF]  }
0x28: {  	s2 =	sld [smem:$0x3FB0]  }
0x29: {  	s4 =	sld [smem:$0x3FB2]  }
0x2a: {  	p0 =	seq.s32 s5, $0x0;
	s5 =	sld [smem:$0x3FB3]  }
0x2b: {  	s6 =	sld [smem:$0x3FB4]  }
0x2c: {  	s7 =	sld [smem:$0x3FB5]  }
0x2d: {  	s3 =	simm.s32 $0x108;
	s8 =	sld [smem:$0x3FB6]  }
0x2e: {  	s3 =	simm.s32 @!p0 $0x1082;
	s9 =	sld [smem:$0x3FB7]  }
0x2f: {  	lr =	sadd.s32 s0, s3;
	s0 =	sld [smem:$0x3FAE]  }
0x30: {  	s3 =	sld [smem:$0x3FB1]  }
0x31: {  	[smem:$0x3FBA] =	sst s10  }
0x32: {  	s10 =	sld [smem:$0x3FB8];
	_ =	sdelay $0x3  }
0x33: {  	p0 =	seq.s32 s10, $0x1;
	s10 =	sld [smem:$0x3FBA];
	_ =	sdelay $0x3  }
0x34: {  	[smem:$0x3FBA] =	sst s10  }
0x35: {  	s10 =	sld [smem:$0x3FB9];
	_ =	sdelay $0x3  }
0x36: {  	p1 =	seq.s32 s10, $0x1;
	s10 =	sld [smem:$0x3FBA];
	_ =	sdelay $0x3  }
0x37: {  	[smem:$0x3FBA] =	sst s10  }
0x38: {  	s10 =	sld [smem:$0x3FBB]  }
0x39: {  	_ = 	snop;
	(pc) =	sbr.ind lr, $3  }
0x3a: {  	_ = 	snop  }
0x3b: {  	_ = 	snop  }
0x3c: {  	p2 =	seq.s32 s10, $0x1;
	s10 =	sld [smem:$0x3FBA]  }
0x3d: {  	_ =	shalt  }
0x3e: {  	_ =	shalt  }
0x3f: {  	_ =	shalt  }
0x40: {  	_ =	shalt  }
0x41: {  	_ =	shalt  }
0x42: {  	_ =	shalt  }
0x43: {  	_ =	shalt  }
0x44: {  	_ =	shalt  }
0x45: {  	_ =	shalt  }
0x46: {  	_ =	shalt  }
0x47: {  	_ =	shalt  }
0x48: {  	_ =	shalt  }
0x49: {  	_ =	shalt  }
0x4a: {  	_ =	shalt  }
0x4b: {  	_ =	shalt  }
0x4c: {  	_ =	shalt  }
0x4d: {  	_ =	shalt  }
0x4e: {  	_ =	shalt  }
0x4f: {  	_ =	shalt  }
0x50: {  	_ =	shalt  }
0x51: {  	_ =	shalt  }
0x52: {  	_ =	shalt  }
0x53: {  	_ =	shalt  }
0x54: {  	_ =	shalt  }
0x55: {  	_ =	shalt  }
0x56: {  	_ =	shalt  }
0x57: {  	_ =	shalt  }
0x58: {  	_ =	shalt  }
0x59: {  	_ =	shalt  }
0x5a: {  	_ =	shalt  }
0x5b: {  	_ =	shalt  }
0x5c: {  	_ =	shalt  }
0x5d: {  	_ =	shalt  }
0x5e: {  	_ =	shalt  }
0x5f: {  	_ =	shalt  }
0x60: {  	_ =	shalt  }
0x61: {  	_ =	shalt  }
0x62: {  	_ =	shalt  }
0x63: {  	_ =	shalt  }
0x64: {  	_ =	shalt  }
0x65: {  	_ =	shalt  }
0x66: {  	_ =	shalt  }
0x67: {  	_ =	shalt  }
0x68: {  	_ =	shalt  }
0x69: {  	_ =	shalt  }
0x6a: {  	_ =	shalt  }
0x6b: {  	_ =	shalt  }
0x6c: {  	_ =	shalt  }
0x6d: {  	_ =	shalt  }
0x6e: {  	_ =	shalt  }
0x6f: {  	_ =	shalt  }
0x70: {  	_ =	shalt  }
0x71: {  	_ =	shalt  }
0x72: {  	_ =	shalt  }
0x73: {  	_ =	shalt  }
0x74: {  	_ =	shalt  }
0x75: {  	_ =	shalt  }
0x76: {  	_ =	shalt  }
0x77: {  	_ =	shalt  }
0x78: {  	_ =	shalt  }
0x79: {  	_ =	shalt  }
0x7a: {  	_ =	shalt  }
0x7b: {  	_ =	shalt  }
0x7c: {  	_ =	shalt  }
0x7d: {  	_ =	shalt  }
0x7e: {  	_ =	shalt  }
0x7f: {  	_ =	shalt  }
0x80: {  	_ =	shalt  }
0x81: {  	_ =	shalt  }
0x82: {  	_ =	shalt  }
0x83: {  	_ =	shalt  }
0x84: {  	_ =	shalt  }
0x85: {  	_ =	shalt  }
0x86: {  	_ =	shalt  }
0x87: {  	_ =	shalt  }
.Lfunc_end0:
.L_simem_size_0:
called_computation_lowered:
.L_overlay_start_0:
0x88: {  	s2 =	sld [smem:$0x3FD9]  }
0x89: {  	s3 =	sld [smem:$0x3FFE];
	_ =	sdelay $0x1  }
0x8a: {  	s1 =	srdreg.scid  }
0x8b: {  	s0 =	sand.u32 $0x1, s1  }
0x8c: {  	s18 =	sshll.u32 s0, $0xA;
	s2 =	sadd.s32 s3, s2  }
0x8d: {  	s2 =	sadd.s32 s2, s18  }
0x8e: {  	[smem:$0x3FC6] =	sst s2  }
0x8f: {  	_ = 	snop  }
0x90: {  	s2 =	sld [smem:$0x3FC9]  }
0x91: {  	s19 =	sld [smem:$0x3FC8]  }
0x92: {  	s4 =	sld [smem:$0x3FD0];
	(tm) =	ssettm $0x1  }
0x93: {  	s5 =	sld [smem:$0x3FFB];
	_ =	sdelay $0x3  }
0x94: {  	_ =	strace s5  }
0x95: {  	s5 =	sld [smem:$0x3FFC];
	_ =	sdelay $0x3  }
0x96: {  	_ =	strace s5  }
0x97: {  	s5 =	sld [smem:$0x3FFD];
	_ =	sdelay $0x3  }
0x98: {  	_ =	strace s5  }
0x99: {  	_ =	strace $0x8FFFFFFF  }
0x9a: {  	s20 =	sld [smem:$0x3FDB];
	_ =	sdelay $0x1  }
0x9b: {  	s6 =	simm.s32 $_scs_section_size  }
0x9c: {  	s7 =	simm.s32 $_size__tile_overlayer_lowered;
	s8 =	simm.s32 $_tile_overlayer_lowered  }
0x9d: {  	s23 =	simm.s32 $0x1BFF;
	s22 =	sshll.u32 s8, $0x1;
	s5 =	sadd.s32 s6, s20  }
0x9e: {  	s9 =	simm.s32 $0x0;
	s21 =	sshll.u32 s7, $0x1;
	s7 =	sadd.s32 s22, s5  }
0x9f: {  	[timem:s9], [sflag:s23] =	dma.local [hbm:s7], s21  }
0xa0: {  	_ =	swait.ge [sflag:s23], s21  }
0xa1: {  	s6 =	ssub.s32 $0x0, s21;
	[sflag:s23] =	ssyncset.done $0x0  }
0xa2: {  	[sflag:s23] =	ssyncadd.s32 s6;
	_ =	sdelay $0x1  }
0xa3: {  	s24 =	simm.s32 $0x1B8B  }
0xa4: {  	_ =	swait.ge [sflag:s24], $0x1  }
0xa5: {  	[sflag:s24] =	ssyncset.done $0x0  }
0xa6: {  	s25 =	simm.s32 $0x1B8E;
	[sflag:s24] =	ssyncadd.s32 $0xFFFFFFFF  }
0xa7: {  	s26 =	simm.s32 $execute0_lowered;
	[smem:$0x3FD2] =	sst s25  }
0xa8: {  	s6 =	sshll.u32 s26, $0x1;
	_ =	strace $0x80000046;
	[dreg:$0x1] =	wrdreg $0xFFFFFFFF  }
0xa9: {  	s28 =	simm.s32 $_size_execute0_lowered;
	s5 =	sadd.s32 s5, s6;
	[dreg:$0x0] =	wrdreg $0x0  }
0xaa: {  	s6 =	sshll.u32 s28, $0x1;
	[dreg:$0x2] =	wrdreg s5  }
0xab: {  	[dreg:$0x3] =	wrdreg s6  }
0xac: {  	[dreg:$0x4] =	wrdreg $0xC0  }
0xad: {  	_ =	task [dreg:s9], $0x5FFFF  }
0xae: {  	[dreg:$0x1] =	wrdreg $0xFFFFFFFF  }
0xaf: {  	[dreg:$0x0] =	wrdreg $0x60  }
0xb0: {  	[dreg:$0x2] =	wrdreg s2  }
0xb1: {  	[dreg:$0x3] =	wrdreg s19  }
0xb2: {  	[dreg:$0x4] =	wrdreg s4  }
0xb3: {  	[dreg:$0x5] =	wrdreg $0x9  }
0xb4: {  	_ =	task.clear_ibuf [dreg:s9], $0x6FFFF;
	_ =	strace $0x90000046  }
0xb5: {  	s29 =	simm.s32 $0x9;
	_ =	strace $0x80000048  }
0xb6: {  	_ =	swait.ge [sflag:s29], $0x1  }
0xb7: {  	[sflag:s29] =	ssyncadd.s32 $0xFFFFFFFF  }
0xb8: {  	_ =	strace $0x90000048  }
0xb9: {  	_ =	sfence  }
0xba: {  	s30 =	sld [smem:$0x0];
	_ =	sdelay $0x2  }
0xbb: {  	s31 =	sshll.u32 s1, $0xD;
	s1 =	sshrl.u32 s1, $0x2  }
0xbc: {  	s3 =	sand.u32 $0x4000, s31;
	s1 =	sadd.s32 s1, s30  }
0xbd: {  	s0 =	sor.u32 s3, s0;
	s1 =	sshll.u32 s1, $0x11  }
0xbe: {  	s0 =	sor.u32 s1, s0  }
0xbf: {  	s0 =	sadd.s32 $0x8F2B, s0  }
0xc0: {  	[sflag:s0] =	ssyncadd.remote.s32 $0x1  }
0xc1: {  	_ =	sfence.sel $0xFFFF  }
0xc2: {  	[dreg:$0x0] =	wrdreg $0xFFFFFFFF;
	(pc) =	sbr.abs _section_cstart, $3  }
0xc3: {  	[dreg:$0x1] =	wrdreg $0xFFFFFFFF  }
0xc4: {  	_ =	task.clear_ibuf [dreg:s9], $0x2FFFF;
	_ =	strace $0x9FFFFFFF  }
0xc5: {  	(tm) =	ssettm $0x7FFFFFFF  }
tec
execute0_lowered:
.L_overlay_start_1:
0x0: {  	(tag) =	ssettag $0x1  }
0x1: {  	s0 =	srdreg.scid  }
0x2: {  	s1 =	stileid.u32;
	s5 =	rddreg [dreg:$0x0]  }
0x3: {  	s10 =	rddreg [dreg:$0x1];
	s6 =	simm.s32 $0x1;
	s4 =	sand.u32 $0x1, s0  }
0x4: {  	s3 =	simm.s32 $0x0;
	s28 =	simm.s32 $0x1100;
	s0 =	sshll.u32 s4, $0x4  }
0x5: {  	s31 =	simm.s32 $0x9100;
	s11 =	sor.u32 s1, s0;
	s0 =	sand.u32 $0x7, s1  }
0x6: {  	[smem:$0x7FF] =	sst s3;
	p0 =	seq.s32 s11, $0x0;
	p1 =	sne.s32 s0, $0x0  }
0x7: {  	s4 =	ssub.s32 $0x2, s4;
	s1 =	rddreg [dreg:$0x2];
	p0 =	por !p1, !p0  }
0x8: {  	_ =	strace $0x80000047;
	s8 =	sshrl.u32 s4, $0x1;
	p0 =	por !p0, !p0  }
0x9: {  	s7 =	sshrl.u32 s11, $0x3;
	s9 =	ssub.s32 s4, s8;
	s6 =	simm.s32 @!p0 $0x0  }
0xa: {  	s21 =	sshll.u32 s11, $0x5;
	s11 =	sshll.u32 s11, $0x12;
	s6 =	ssub.s32 s7, s6  }
0xb: {  	s9 =	smax.u32 s9, $0x1;
	s7 =	sshll.u32 s6, $0x8;
	s16 =	sshll.u32 s6, $0x2  }
0xc: {  	s17 =	sshll.u32 s6, $0x9;
	s6 =	sadd.s32 $0x200, s10;
	s7 =	sand.u32 $0x1FFFFF00, s7  }
0xd: {  	s15 =	sand.u32 $0xC, s16;
	s22 =	sand.u32 $0x600, s17;
	s18 =	sadd.s32 $0x280, s17  }
0xe: {  	s19 =	sadd.s32 $0x4, s16;
	s24 =	sadd.s32 $0x6, s16;
	s26 =	sadd.s32 $0x480, s17  }
0xf: {  	s4 =	sadd.s32 $0xA, s16;
	s8 =	sadd.s32 $0x580, s17;
	s20 =	sadd.s32 s5, s7  }
0x10: {  	s5 =	sadd.s32 s5, s21;
	s2 =	sshll.u32 s15, $0x9;
	s7 =	sadd.s32 $0x300, s10  }
0x11: {  	[dreg:$0x1d] =	wrdreg s22;
	s14 =	sor.u32 $0x2, s15;
	s13 =	sshll.u32 s15, $0xE  }
0x12: {  	s18 =	sand.u32 $0x680, s18;
	s19 =	sand.u32 $0xC, s19;
	s29 =	sand.u32 $0x680, s26  }
0x13: {  	s30 =	sxor.u32 $0x8, s15;
	s22 =	sadd.s32 $0x680, s17;
	[dreg:$0x4] =	wrdreg s20  }
0x14: {  	[dreg:$0x5] =	wrdreg s5;
	s5 =	sadd.s32 $0x100, s10;
	s12 =	sshll.u32 s14, $0x9  }
0x15: {  	s13 =	sor.u32 s11, s13;
	[dreg:$0x6] =	wrdreg s18;
	s18 =	sand.u32 $0xE, s24  }
0x16: {  	s20 =	sadd.s32 $0x380, s17;
	s21 =	sshll.u32 s14, $0xE;
	[dreg:$0xa] =	wrdreg s29  }
0x17: {  	s15 =	sshll.u32 s30, $0x9;
	s17 =	sadd.s32 $0x780, s17;
	s13 =	sshrl.u32 s13, $0x3  }
0x18: {  	s14 =	sshll.u32 s18, $0x9;
	s20 =	sand.u32 $0x780, s20;
	s21 =	sor.u32 s11, s21  }
0x19: {  	s18 =	sshll.u32 s18, $0xE;
	s17 =	sand.u32 $0x780, s17;
	s23 =	sadd.s32 s1, s13  }
0x1a: {  	s13 =	sshll.u32 s19, $0x9;
	[dreg:$0x8] =	wrdreg s20;
	s25 =	sshrl.u32 s21, $0x3  }
0x1b: {  	s19 =	sshll.u32 s19, $0xE;
	s18 =	sor.u32 s11, s18;
	[dreg:$0x10] =	wrdreg s17  }
0x1c: {  	s21 =	sshll.u32 s30, $0xE;
	[dreg:$0x7] =	wrdreg s23;
	s20 =	sadd.s32 s1, s25  }
0x1d: {  	s19 =	sor.u32 s11, s19;
	s18 =	sshrl.u32 s18, $0x3;
	s23 =	sadd.s32 $0xC, s16  }
0x1e: {  	s16 =	sadd.s32 $0xE, s16;
	[dreg:$0x9] =	wrdreg s20;
	s20 =	sand.u32 $0x780, s8  }
0x1f: {  	s19 =	sshrl.u32 s19, $0x3;
	s18 =	sadd.s32 s1, s18;
	[dreg:$0xc] =	wrdreg s20  }
0x20: {  	v0 =	vimm.s32 $0xEDCBA987;
	s16 =	sand.u32 $0xE, s16;
	s19 =	sadd.s32 s1, s19;
	[dreg:$0xd] =	wrdreg s18  }
0x21: {  	v3 =	vimm.s32 $0x65432100;
	vm6 =	vcmask $0x300;
	s20 =	sor.u32 s11, s21;
	s18 =	sand.u32 $0x680, s22;
	s21 =	sand.u32 $0xC, s23  }
0x22: {  	v4 =	vimm.s32 $0xDCBA9876;
	v6 =	vimm.s32 $0xFFFFFFFF;
	v7 =	vimm.s32 $0xE40000;
	s30 =	sshll.u32 s16, $0xE;
	s16 =	sshll.u32 s16, $0x9;
	[dreg:$0xb] =	wrdreg s19  }
0x23: {  	v8 =	vimm.s32 $0x32100000;
	v9 =	vimm.s32 $0xBA987654;
	v10 =	vimm.s32 $0x7060504;
	s22 =	sshrl.u32 s12, $0x2;
	s23 =	sshrl.u32 s13, $0x2;
	[dreg:$0xe] =	wrdreg s18  }
0x24: {  	v13 =	vlaneseq.u32;
	v2 =	vunpack.c.l.s4.s8 v0;
	v3 =	vunpack.c.l.s4.s8 v3;
	s13 =	simm.s32 $0x15100;
	s19 =	sand.u32 $0xE, s4;
	[dreg:$0x16] =	wrdreg s22  }
0x25: {  	v4 =	vunpack.c.l.s4.s8 v4;
	v7 =	vunpack.c.l.s2.s4 v7;
	v8 =	vunpack.c.l.s4.s8 v8;
	s20 =	sshrl.u32 s20, $0x3;
	s29 =	sshll.u32 s21, $0xE;
	[dreg:$0x17] =	wrdreg s23  }
0x26: {  	v9 =	vunpack.c.l.s4.s8 v9;
	v10 =	vunpack.c.0.s8.s32 v10;
	v12 =	vshrl.u32 v13, $0x3;
	s24 =	sadd.s32 s1, s20;
	s25 =	sshll.u32 s19, $0xE;
	s18 =	sor.u32 s11, s29  }
0x27: {  	v2 =	vunpack.c.0.s8.s32 v2;
	v3 =	vunpack.c.0.s8.s32 v3;
	v4 =	vunpack.c.0.s8.s32 v4;
	s8 =	sshll.u32 s19, $0x9;
	s19 =	sshll.u32 s21, $0x9;
	s20 =	simm.s32 $0x800  }
0x28: {  	v7 =	vunpack.c.l.s4.s8 v7;
	v8 =	vunpack.c.0.s8.s32 v8;
	v1 =	vmov s0;
	s21 =	sshrl.u32 s2, $0x2;
	[dreg:$0xf] =	wrdreg s24;
	s26 =	sor.u32 s11, s25  }
0x29: {  	v9 =	vunpack.c.0.s8.s32 v9;
	v0 =	vmin.u32 v1, $0x1;
	vm0 =	veq.s32 v1, $0x7;
	s18 =	sshrl.u32 s18, $0x3;
	s11 =	sor.u32 s11, s30;
	[dreg:$0x14] =	wrdreg s20  }
0x2a: {  	vm1 =	vgt.u32 v1, $0x5;
	vm2 =	vgt.u32 v1, $0x4;
	vm3 =	vgt.u32 v1, $0x3;
	[dreg:$0x15] =	wrdreg s21;
	s24 =	sshrl.u32 s14, $0x2;
	s25 =	sshrl.u32 s15, $0x2  }
0x2b: {  	vm4 =	vgt.u32 v1, $0x2;
	vm5 =	vgt.u32 v1, $0x1;
	v1 =	vimm.s32 $0x54321000;
	s29 =	sshrl.u32 s19, $0x2;
	s30 =	sshrl.u32 s16, $0x2;
	s21 =	simm.s32 $0x11900  }
0x2c: {  	v2 =	vand.u32 $0xF, v2;
	v4 =	vand.u32 $0xF, v4;
	v5 =	vunpack.c.l.s4.s8 v1;
	s14 =	simm.s32 $0x15900;
	s15 =	simm.s32 $0x16100;
	[dreg:$0x18] =	wrdreg s24  }
0x2d: {  	v7 =	vunpack.c.0.s8.s32 v7;
	v9 =	vand.u32 $0xF, v9;
	v1 =	vimm.s32 $0x0;
	s16 =	simm.s32 $0x16900;
	s19 =	simm.s32 $0x18100;
	[dreg:$0x19] =	wrdreg s25  }
0x2e: {  	v2 =	vcombine.low v3, v2;
	v3 =	vsel vm6, $0x0, v6;
	v5 =	vunpack.c.0.s8.s32 v5;
	s20 =	simm.s32 $0x18900;
	s17 =	sshrl.u32 s26, $0x3;
	[dreg:$0x1b] =	wrdreg s29  }
0x2f: {  	vm6 =	vcmask $0x700;
	v11 =	vand.u32 $0x3, v7;
	v7 =	vcombine.low v8, v9;
	s4 =	sadd.s32 s1, s18;
	s11 =	sshrl.u32 s11, $0x3;
	[dreg:$0x1c] =	wrdreg s30  }
0x30: {  	v4 =	vcombine.low v5, v4;
	v5 =	vsel vm6, $0x0, v6;
	vm6 =	vcmask $0xF00;
	s26 =	sshrl.u32 s8, $0x2;
	s8 =	simm.s32 $0x1;
	[dreg:$0x12] =	wrdreg s4  }
0x31: {  	v9 =	vmul.u32 $0xFFFFFFFF, v12;
	v6 =	vsel vm6, $0x0, v6;
	vm6 =	vcmask $0x3F30;
	s18 =	simm.s32 $0x17900;
	s17 =	sadd.s32 s1, s17;
	[dreg:$0x1a] =	wrdreg s26  }
0x32: {  	v12 =	vmul.u32 $0x8, v12;
	v8 =	vsel vm6, v10, v11;
	v10 =	vimm.s32 $0xF;
	s1 =	sadd.s32 s1, s11;
	s11 =	simm.s32 $0x14100;
	[dreg:$0x11] =	wrdreg s17  }
0x33: {  	v11 =	vand.u32 $0x7, v13;
	vm6 =	vmmov $0xffff;
	v13 =	vor.u32 $0x8, v13;
	s4 =	simm.s32 $0x2;
	[dreg:$0x13] =	wrdreg s1;
	s17 =	simm.s32 $0x17100  }
.LBB2_1:
0x34: {  	[dreg:$0x1e] =	wrdreg s9  }
0x35: {  	s1 =	rddreg [dreg:$0x4]  }
0x36: {  	s0 =	rddreg [dreg:$0x5]  }
0x37: {  	[tilespmem:s3], [sflag:$0x1] =	stream.linear.gather [hbm4b:s1+s3], $0x800, $0x38;
	[tilespmem:$0x19100] =	vst v63  }
0x38: {  	s12 =	rddreg [dreg:$0x14];
	s2 =	simm.s32 $0x1  }
0x39: {  	[tilespmem:s12], [sflag:$0x2] =	stream.linear.gather [hbm4b:s0+s3], $0x100, $0x38;
	[tilespmem:$0x19100] =	vst v63  }
0x3a: {  	_ =	swait.ge [sflag:s2], $0x800  }
0x3b: {  	[sflag:s2] =	ssyncset.done $0x0  }
0x3c: {  	s9 =	simm.s32 $0x2;
	[sflag:s2] =	ssyncadd.s32 $0xFFFFF800  }
0x3d: {  	_ =	swait.ge [sflag:s9], $0x100  }
0x3e: {  	[sflag:s9] =	ssyncset.done $0x0  }
0x3f: {  	[sflag:s9] =	ssyncadd.s32 $0xFFFFFF00  }
0x40: {  	v14 =	vld [tilespmem:$0x0]  }
0x41: {  	v15 =	vld [tilespmem:$0x10]  }
0x42: {  	v16 =	vld [tilespmem:$0x20]  }
0x43: {  	v17 =	vld [tilespmem:$0x30]  }
0x44: {  	v49 =	vld [tilespmem:$0x110]  }
0x45: {  	v18 =	vld [tilespmem:$0x40]  }
0x46: {  	v19 =	vld [tilespmem:$0x50]  }
0x47: {  	v31 =	vld [tilespmem:$0x70];
	vm7 =	vne.s32 v14, $0x0;
	vm8 =	vne.s32 v15, $0x0  }
0x48: {  	v14 =	vld [tilespmem:$0x60];
	v15 =	vsel vm7, $0x1, v1;
	v20 =	vsel vm8, $0x1, v1  }
0x49: {  	v33 =	vld [tilespmem:$0x80];
	vm7 =	vne.s32 v16, $0x0;
	vm8 =	vne.s32 v49, $0x0;
	v15 =	vadd.s32 v15, v20  }
0x4a: {  	v35 =	vld [tilespmem:$0x90];
	v32 =	vsel vm7, $0x1, v1;
	vm7 =	vne.s32 v17, $0x0;
	v58 =	vsel vm8, $0x1, v1  }
0x4b: {  	v37 =	vld [tilespmem:$0xA0];
	v15 =	vadd.s32 v32, v15;
	v34 =	vsel vm7, $0x1, v1;
	vm7 =	vne.s32 v18, $0x0  }
0x4c: {  	v40 =	vld [tilespmem:$0xC0];
	v15 =	vadd.s32 v34, v15;
	v36 =	vsel vm7, $0x1, v1;
	vm7 =	vne.s32 v19, $0x0  }
0x4d: {  	v15 =	vadd.s32 v36, v15;
	v38 =	vsel vm7, $0x1, v1;
	vm7 =	vne.s32 v14, $0x0;
	v14 =	vld [tilespmem:$0xB0]  }
0x4e: {  	v42 =	vld [tilespmem:$0xD0];
	v15 =	vadd.s32 v38, v15;
	v39 =	vsel vm7, $0x1, v1;
	vm7 =	vne.s32 v31, $0x0  }
0x4f: {  	v44 =	vld [tilespmem:$0xE0];
	v15 =	vadd.s32 v39, v15;
	v41 =	vsel vm7, $0x1, v1;
	vm7 =	vne.s32 v33, $0x0  }
0x50: {  	v46 =	vld [tilespmem:$0xF0];
	v15 =	vadd.s32 v41, v15;
	v43 =	vsel vm7, $0x1, v1;
	vm7 =	vne.s32 v35, $0x0  }
0x51: {  	v15 =	vadd.s32 v43, v15;
	v45 =	vsel vm7, $0x1, v1;
	vm7 =	vne.s32 v37, $0x0;
	v37 =	vld [tilespmem:$0x210]  }
0x52: {  	v15 =	vadd.s32 v45, v15;
	v47 =	vsel vm7, $0x1, v1;
	vm7 =	vne.s32 v14, $0x0;
	v14 =	vld [tilespmem:$0x100]  }
0x53: {  	v51 =	vld [tilespmem:$0x120];
	v15 =	vadd.s32 v47, v15;
	v48 =	vsel vm7, $0x1, v1;
	vm7 =	vne.s32 v40, $0x0  }
0x54: {  	v53 =	vld [tilespmem:$0x130];
	v15 =	vadd.s32 v48, v15;
	v50 =	vsel vm7, $0x1, v1;
	vm7 =	vne.s32 v42, $0x0  }
0x55: {  	v55 =	vld [tilespmem:$0x140];
	v15 =	vadd.s32 v50, v15;
	v52 =	vsel vm7, $0x1, v1;
	vm7 =	vne.s32 v44, $0x0  }
0x56: {  	v21 =	vld [tilespmem:$0x150];
	v15 =	vadd.s32 v52, v15;
	v54 =	vsel vm7, $0x1, v1;
	vm7 =	vne.s32 v46, $0x0  }
0x57: {  	v59 =	vld [tilespmem:$0x170];
	vm8 =	vne.s32 v37, $0x0;
	v56 =	vsel vm7, $0x1, v1;
	vm7 =	vne.s32 v14, $0x0  }
0x58: {  	v15 =	vadd.s32 v54, v15;
	v14 =	vld [tilespmem:$0x160];
	v46 =	vsel vm8, $0x1, v1;
	v57 =	vsel vm7, $0x1, v1  }
0x59: {  	v61 =	vld [tilespmem:$0x180];
	v15 =	vadd.s32 v56, v15;
	vm7 =	vne.s32 v51, $0x0;
	v16 =	vadd.s32 v57, v58  }
0x5a: {  	v63 =	vld [tilespmem:$0x190];
	v60 =	vsel vm7, $0x1, v1;
	vm7 =	vne.s32 v53, $0x0;
	v15 =	vmul.u32 v0, v15  }
0x5b: {  	v25 =	vld [tilespmem:$0x1A0];
	v16 =	vadd.s32 v60, v16;
	v62 =	vsel vm7, $0x1, v1;
	vm7 =	vne.s32 v55, $0x0  }
0x5c: {  	v28 =	vld [tilespmem:$0x1C0];
	v16 =	vadd.s32 v62, v16;
	v24 =	vsel vm7, $0x1, v1;
	vm7 =	vne.s32 v21, $0x0  }
0x5d: {  	v16 =	vadd.s32 v24, v16;
	v26 =	vsel vm7, $0x1, v1;
	vm7 =	vne.s32 v14, $0x0;
	v14 =	vld [tilespmem:$0x1B0]  }
0x5e: {  	v30 =	vld [tilespmem:$0x1D0];
	v16 =	vadd.s32 v26, v16;
	v27 =	vsel vm7, $0x1, v1;
	vm7 =	vne.s32 v59, $0x0  }
0x5f: {  	v26 =	vld [tilespmem:$0x310];
	v16 =	vadd.s32 v27, v16;
	v29 =	vsel vm7, $0x1, v1;
	vm7 =	vne.s32 v61, $0x0  }
0x60: {  	v32 =	vld [tilespmem:$0x1E0];
	v16 =	vadd.s32 v29, v16;
	v31 =	vsel vm7, $0x1, v1;
	vm7 =	vne.s32 v63, $0x0  }
0x61: {  	v34 =	vld [tilespmem:$0x1F0];
	v16 =	vadd.s32 v31, v16;
	v33 =	vsel vm7, $0x1, v1;
	vm7 =	vne.s32 v25, $0x0  }
0x62: {  	v16 =	vadd.s32 v33, v16;
	v35 =	vsel vm7, $0x1, v1;
	vm7 =	vne.s32 v14, $0x0;
	v14 =	vld [tilespmem:$0x200]  }
0x63: {  	v16 =	vadd.s32 v35, v16;
	v36 =	vsel vm7, $0x1, v1;
	vm7 =	vne.s32 v28, $0x0  }
0x64: {  	v39 =	vld [tilespmem:$0x220];
	vm8 =	vne.s32 v26, $0x0;
	v38 =	vsel vm7, $0x1, v1;
	vm7 =	vne.s32 v30, $0x0  }
0x65: {  	v41 =	vld [tilespmem:$0x230];
	v16 =	vadd.s32 v36, v16;
	v40 =	vsel vm7, $0x1, v1;
	vm7 =	vne.s32 v32, $0x0  }
0x66: {  	v43 =	vld [tilespmem:$0x240];
	v16 =	vadd.s32 v38, v16;
	v42 =	vsel vm7, $0x1, v1;
	vm7 =	vne.s32 v34, $0x0  }
0x67: {  	v22 =	vld [tilespmem:$0x250];
	v16 =	vadd.s32 v40, v16;
	v44 =	vsel vm7, $0x1, v1;
	vm7 =	vne.s32 v14, $0x0  }
0x68: {  	v19 =	vsel vm8, $0x1, v1;
	v16 =	vadd.s32 v42, v16;
	v14 =	vld [tilespmem:$0x260];
	v45 =	vsel vm7, $0x1, v1  }
0x69: {  	v47 =	vld [tilespmem:$0x270];
	v16 =	vadd.s32 v44, v16;
	vm7 =	vne.s32 v39, $0x0;
	v17 =	vadd.s32 v45, v46  }
0x6a: {  	v49 =	vld [tilespmem:$0x280];
	v48 =	vsel vm7, $0x1, v1;
	vm7 =	vne.s32 v41, $0x0;
	v16 =	vnsel vm5, $0x0, v16  }
0x6b: {  	v51 =	vld [tilespmem:$0x290];
	v17 =	vadd.s32 v48, v17;
	v50 =	vsel vm7, $0x1, v1;
	vm7 =	vne.s32 v43, $0x0  }
0x6c: {  	v53 =	vld [tilespmem:$0x2A0];
	v17 =	vadd.s32 v50, v17;
	v52 =	vsel vm7, $0x1, v1;
	vm7 =	vne.s32 v22, $0x0  }
0x6d: {  	v17 =	vadd.s32 v52, v17;
	v54 =	vsel vm7, $0x1, v1;
	vm7 =	vne.s32 v14, $0x0;
	v14 =	vld [tilespmem:$0x2B0]  }
0x6e: {  	v56 =	vld [tilespmem:$0x2C0];
	v17 =	vadd.s32 v54, v17;
	v55 =	vsel vm7, $0x1, v1;
	vm7 =	vne.s32 v47, $0x0  }
0x6f: {  	v58 =	vld [tilespmem:$0x2D0];
	v17 =	vadd.s32 v55, v17;
	v57 =	vsel vm7, $0x1, v1;
	vm7 =	vne.s32 v49, $0x0  }
0x70: {  	v55 =	vld [tilespmem:$0x410];
	v17 =	vadd.s32 v57, v17;
	v59 =	vsel vm7, $0x1, v1;
	vm7 =	vne.s32 v51, $0x0  }
0x71: {  	v60 =	vld [tilespmem:$0x2E0];
	v17 =	vadd.s32 v59, v17;
	v61 =	vsel vm7, $0x1, v1;
	vm7 =	vne.s32 v53, $0x0  }
0x72: {  	v62 =	vld [tilespmem:$0x2F0];
	v17 =	vadd.s32 v61, v17;
	v63 =	vsel vm7, $0x1, v1;
	vm7 =	vne.s32 v14, $0x0  }
0x73: {  	v24 =	vld [tilespmem:$0x300];
	v14 =	vadd.s32 v63, v17;
	v23 =	vsel vm7, $0x1, v1;
	vm7 =	vne.s32 v56, $0x0  }
0x74: {  	v28 =	vld [tilespmem:$0x320];
	v15 =	vadd.s32 v15, v16;
	v14 =	vadd.s32 v23, v14;
	v25 =	vsel vm7, $0x1, v1  }
0x75: {  	v30 =	vld [tilespmem:$0x330];
	vm7 =	vne.s32 v58, $0x0;
	vm8 =	vne.s32 v55, $0x0;
	v14 =	vadd.s32 v25, v14  }
0x76: {  	v32 =	vld [tilespmem:$0x340];
	v27 =	vsel vm7, $0x1, v1;
	vm7 =	vne.s32 v60, $0x0;
	v20 =	vsel vm8, $0x1, v1  }
0x77: {  	v33 =	vld [tilespmem:$0x350];
	v14 =	vadd.s32 v27, v14;
	v29 =	vsel vm7, $0x1, v1;
	vm7 =	vne.s32 v62, $0x0  }
0x78: {  	v34 =	vld [tilespmem:$0x360];
	v14 =	vadd.s32 v29, v14;
	v31 =	vsel vm7, $0x1, v1;
	vm7 =	vne.s32 v24, $0x0  }
0x79: {  	v35 =	vld [tilespmem:$0x370];
	v14 =	vadd.s32 v31, v14;
	v18 =	vsel vm7, $0x1, v1;
	vm7 =	vne.s32 v28, $0x0  }
0x7a: {  	v37 =	vld [tilespmem:$0x380];
	v18 =	vadd.s32 v18, v19;
	v36 =	vsel vm7, $0x1, v1;
	vm7 =	vne.s32 v30, $0x0  }
0x7b: {  	v39 =	vld [tilespmem:$0x390];
	v18 =	vadd.s32 v36, v18;
	v38 =	vsel vm7, $0x1, v1;
	vm7 =	vne.s32 v32, $0x0  }
0x7c: {  	v41 =	vld [tilespmem:$0x3A0];
	v18 =	vadd.s32 v38, v18;
	v40 =	vsel vm7, $0x1, v1;
	vm7 =	vne.s32 v33, $0x0  }
0x7d: {  	v43 =	vld [tilespmem:$0x3B0];
	v18 =	vadd.s32 v40, v18;
	v42 =	vsel vm7, $0x1, v1;
	vm7 =	vne.s32 v34, $0x0  }
0x7e: {  	v45 =	vld [tilespmem:$0x3C0];
	v18 =	vadd.s32 v42, v18;
	v44 =	vsel vm7, $0x1, v1;
	vm7 =	vne.s32 v35, $0x0  }
0x7f: {  	v47 =	vld [tilespmem:$0x3D0];
	v18 =	vadd.s32 v44, v18;
	v46 =	vsel vm7, $0x1, v1;
	vm7 =	vne.s32 v37, $0x0  }
0x80: {  	v49 =	vld [tilespmem:$0x3E0];
	v18 =	vadd.s32 v46, v18;
	v48 =	vsel vm7, $0x1, v1;
	vm7 =	vne.s32 v39, $0x0  }
0x81: {  	v46 =	vld [tilespmem:$0x510];
	v18 =	vadd.s32 v48, v18;
	v50 =	vsel vm7, $0x1, v1;
	vm7 =	vne.s32 v41, $0x0  }
0x82: {  	v51 =	vld [tilespmem:$0x3F0];
	v18 =	vadd.s32 v50, v18;
	v52 =	vsel vm7, $0x1, v1;
	vm7 =	vne.s32 v43, $0x0  }
0x83: {  	v53 =	vld [tilespmem:$0x400];
	v18 =	vadd.s32 v52, v18;
	v54 =	vsel vm7, $0x1, v1;
	vm7 =	vne.s32 v45, $0x0  }
0x84: {  	v57 =	vld [tilespmem:$0x420];
	v14 =	vnsel vm4, $0x0, v14;
	v18 =	vadd.s32 v54, v18;
	v56 =	vsel vm7, $0x1, v1  }
0x85: {  	v26 =	vld [tilespmem:$0x470];
	v14 =	vadd.s32 v14, v15;
	vm7 =	vne.s32 v47, $0x0;
	v18 =	vadd.s32 v56, v18  }
0x86: {  	v59 =	vld [tilespmem:$0x430];
	v58 =	vsel vm7, $0x1, v1;
	vm7 =	vne.s32 v49, $0x0;
	vm8 =	vne.s32 v46, $0x0  }
0x87: {  	v61 =	vld [tilespmem:$0x440];
	v18 =	vadd.s32 v58, v18;
	v60 =	vsel vm7, $0x1, v1;
	vm7 =	vne.s32 v51, $0x0  }
0x88: {  	v63 =	vld [tilespmem:$0x450];
	v21 =	vsel vm8, $0x1, v1;
	v62 =	vsel vm7, $0x1, v1;
	vm7 =	vne.s32 v53, $0x0  }
0x89: {  	v24 =	vld [tilespmem:$0x460];
	v15 =	vadd.s32 v60, v18;
	v25 =	vsel vm7, $0x1, v1;
	vm7 =	vne.s32 v57, $0x0  }
0x8a: {  	v28 =	vld [tilespmem:$0x480];
	v15 =	vadd.s32 v62, v15;
	v18 =	vadd.s32 v25, v20;
	v27 =	vsel vm7, $0x1, v1  }
0x8b: {  	v30 =	vld [tilespmem:$0x490];
	vm7 =	vne.s32 v59, $0x0;
	v15 =	vnsel vm3, $0x0, v15;
	v18 =	vadd.s32 v27, v18  }
0x8c: {  	v32 =	vld [tilespmem:$0x4A0];
	v29 =	vsel vm7, $0x1, v1;
	vm7 =	vne.s32 v61, $0x0;
	v14 =	vadd.s32 v15, v14  }
0x8d: {  	v36 =	vld [tilespmem:$0x4C0];
	v18 =	vadd.s32 v29, v18;
	v31 =	vsel vm7, $0x1, v1;
	vm7 =	vne.s32 v63, $0x0  }
0x8e: {  	v34 =	vld [tilespmem:$0x4B0];
	v18 =	vadd.s32 v31, v18;
	v33 =	vsel vm7, $0x1, v1;
	vm7 =	vne.s32 v24, $0x0  }
0x8f: {  	v38 =	vld [tilespmem:$0x4D0];
	v18 =	vadd.s32 v33, v18;
	v35 =	vsel vm7, $0x1, v1;
	vm7 =	vne.s32 v26, $0x0  }
0x90: {  	v40 =	vld [tilespmem:$0x4E0];
	v18 =	vadd.s32 v35, v18;
	v37 =	vsel vm7, $0x1, v1;
	vm7 =	vne.s32 v28, $0x0  }
0x91: {  	v35 =	vld [tilespmem:$0x610];
	v18 =	vadd.s32 v37, v18;
	v39 =	vsel vm7, $0x1, v1;
	vm7 =	vne.s32 v30, $0x0  }
0x92: {  	v42 =	vld [tilespmem:$0x4F0];
	v18 =	vadd.s32 v39, v18;
	v41 =	vsel vm7, $0x1, v1;
	vm7 =	vne.s32 v32, $0x0  }
0x93: {  	v44 =	vld [tilespmem:$0x500];
	v18 =	vadd.s32 v41, v18;
	v43 =	vsel vm7, $0x1, v1;
	vm7 =	vne.s32 v34, $0x0  }
0x94: {  	v48 =	vld [tilespmem:$0x520];
	v18 =	vadd.s32 v43, v18;
	v45 =	vsel vm7, $0x1, v1;
	vm7 =	vne.s32 v36, $0x0  }
0x95: {  	v18 =	vadd.s32 v45, v18;
	v47 =	vsel vm7, $0x1, v1;
	vm7 =	vne.s32 v38, $0x0  }
0x96: {  	v50 =	vld [tilespmem:$0x530];
	vm8 =	vne.s32 v35, $0x0;
	v49 =	vsel vm7, $0x1, v1;
	vm7 =	vne.s32 v40, $0x0  }
0x97: {  	v23 =	vld [tilespmem:$0x540];
	v18 =	vadd.s32 v47, v18;
	v51 =	vsel vm7, $0x1, v1;
	vm7 =	vne.s32 v42, $0x0  }
0x98: {  	v52 =	vld [tilespmem:$0x550];
	v18 =	vadd.s32 v49, v18;
	v19 =	vsel vm7, $0x1, v1;
	vm7 =	vne.s32 v44, $0x0  }
0x99: {  	v53 =	vld [tilespmem:$0x560];
	v15 =	vadd.s32 v51, v18;
	v54 =	vsel vm7, $0x1, v1;
	vm7 =	vne.s32 v48, $0x0  }
0x9a: {  	v55 =	vld [tilespmem:$0x570];
	v15 =	vadd.s32 v19, v15;
	v20 =	vadd.s32 v54, v21;
	v56 =	vsel vm7, $0x1, v1  }
0x9b: {  	v57 =	vld [tilespmem:$0x580];
	vm7 =	vne.s32 v50, $0x0;
	v15 =	vnsel vm2, $0x0, v15;
	v20 =	vadd.s32 v56, v20  }
0x9c: {  	v59 =	vld [tilespmem:$0x590];
	v58 =	vsel vm7, $0x1, v1;
	vm7 =	vne.s32 v23, $0x0;
	v14 =	vadd.s32 v15, v14  }
0x9d: {  	v61 =	vld [tilespmem:$0x5A0];
	v20 =	vadd.s32 v58, v20;
	v60 =	vsel vm7, $0x1, v1;
	vm7 =	vne.s32 v52, $0x0  }
0x9e: {  	v63 =	vld [tilespmem:$0x5B0];
	v20 =	vadd.s32 v60, v20;
	v62 =	vsel vm7, $0x1, v1;
	vm7 =	vne.s32 v53, $0x0  }
0x9f: {  	v25 =	vld [tilespmem:$0x5C0];
	v20 =	vadd.s32 v62, v20;
	v24 =	vsel vm7, $0x1, v1;
	vm7 =	vne.s32 v55, $0x0  }
0xa0: {  	v27 =	vld [tilespmem:$0x5D0];
	v20 =	vadd.s32 v24, v20;
	v26 =	vsel vm7, $0x1, v1;
	vm7 =	vne.s32 v57, $0x0  }
0xa1: {  	v29 =	vld [tilespmem:$0x5E0];
	v24 =	vsel vm8, $0x1, v1;
	v28 =	vsel vm7, $0x1, v1;
	vm7 =	vne.s32 v59, $0x0  }
0xa2: {  	v31 =	vld [tilespmem:$0x5F0];
	v20 =	vadd.s32 v26, v20;
	v30 =	vsel vm7, $0x1, v1;
	vm7 =	vne.s32 v61, $0x0  }
0xa3: {  	v33 =	vld [tilespmem:$0x600];
	v20 =	vadd.s32 v28, v20;
	v32 =	vsel vm7, $0x1, v1;
	vm7 =	vne.s32 v63, $0x0  }
0xa4: {  	v37 =	vld [tilespmem:$0x620];
	v20 =	vadd.s32 v30, v20;
	v34 =	vsel vm7, $0x1, v1;
	vm7 =	vne.s32 v25, $0x0  }
0xa5: {  	v39 =	vld [tilespmem:$0x630];
	v20 =	vadd.s32 v32, v20;
	v36 =	vsel vm7, $0x1, v1;
	vm7 =	vne.s32 v27, $0x0  }
0xa6: {  	v42 =	vld [tilespmem:$0x640];
	v20 =	vadd.s32 v34, v20;
	v38 =	vsel vm7, $0x1, v1;
	vm7 =	vne.s32 v29, $0x0  }
0xa7: {  	v43 =	vld [tilespmem:$0x650];
	v20 =	vadd.s32 v36, v20;
	v41 =	vsel vm7, $0x1, v1;
	vm7 =	vne.s32 v31, $0x0  }
0xa8: {  	v45 =	vld [tilespmem:$0x660];
	v40 =	vadd.s32 v38, v20;
	v44 =	vsel vm7, $0x1, v1;
	vm7 =	vne.s32 v33, $0x0  }
0xa9: {  	v47 =	vld [tilespmem:$0x670];
	v19 =	vadd.s32 v41, v40;
	v46 =	vsel vm7, $0x1, v1;
	vm7 =	vne.s32 v37, $0x0  }
0xaa: {  	v49 =	vld [tilespmem:$0x680];
	v22 =	vadd.s32 v46, v24;
	v48 =	vsel vm7, $0x1, v1;
	vm7 =	vne.s32 v39, $0x0  }
0xab: {  	v51 =	vld [tilespmem:$0x690];
	v22 =	vadd.s32 v48, v22;
	v50 =	vsel vm7, $0x1, v1;
	vm7 =	vne.s32 v42, $0x0  }
0xac: {  	v53 =	vld [tilespmem:$0x6A0];
	v22 =	vadd.s32 v50, v22;
	v52 =	vsel vm7, $0x1, v1;
	vm7 =	vne.s32 v43, $0x0  }
0xad: {  	v55 =	vld [tilespmem:$0x6B0];
	v22 =	vadd.s32 v52, v22;
	v54 =	vsel vm7, $0x1, v1;
	vm7 =	vne.s32 v45, $0x0  }
0xae: {  	v57 =	vld [tilespmem:$0x6C0];
	v22 =	vadd.s32 v54, v22;
	v56 =	vsel vm7, $0x1, v1;
	vm7 =	vne.s32 v47, $0x0  }
0xaf: {  	v59 =	vld [tilespmem:$0x6D0];
	v22 =	vadd.s32 v56, v22;
	v58 =	vsel vm7, $0x1, v1;
	vm7 =	vne.s32 v49, $0x0  }
0xb0: {  	v61 =	vld [tilespmem:$0x6E0];
	v22 =	vadd.s32 v58, v22;
	v60 =	vsel vm7, $0x1, v1;
	vm7 =	vne.s32 v51, $0x0  }
0xb1: {  	v63 =	vld [tilespmem:$0x6F0];
	v22 =	vadd.s32 v60, v22;
	v62 =	vsel vm7, $0x1, v1;
	vm7 =	vne.s32 v53, $0x0  }
0xb2: {  	v22 =	vadd.s32 v62, v22;
	v28 =	vsel vm7, $0x1, v1;
	vm7 =	vne.s32 v55, $0x0  }
0xb3: {  	v38 =	vld [tilespmem:$0x810];
	v29 =	vadd.s32 v28, v22;
	v30 =	vsel vm7, $0x1, v1;
	vm7 =	vne.s32 v57, $0x0  }
0xb4: {  	v31 =	vadd.s32 v30, v29;
	v32 =	vsel vm7, $0x1, v1;
	vm7 =	vne.s32 v59, $0x0  }
0xb5: {  	v25 =	vld [tilespmem:$0x850];
	v16 =	vadd.s32 v32, v31;
	v33 =	vsel vm7, $0x1, v1;
	vm7 =	vne.s32 v61, $0x0  }
0xb6: {  	v37 =	vld [tilespmem:$0x800];
	v16 =	vadd.s32 v33, v16;
	v34 =	vsel vm7, $0x1, v1;
	vm7 =	vne.s32 v63, $0x0  }
0xb7: {  	v35 =	vadd.s32 v44, v19;
	v49 =	vld [tilespmem:$0x830];
	v16 =	vadd.s32 v34, v16;
	v36 =	vsel vm7, $0x1, v1  }
0xb8: {  	v15 =	vnsel vm1, $0x0, v35;
	vm10 =	vne.s32 v38, $0x0;
	v16 =	vadd.s32 v36, v16  }
0xb9: {  	v14 =	vadd.s32 v15, v14;
	v41 =	vsel vm10, $0x1, v1;
	v53 =	vld [tilespmem:$0x840];
	v15 =	vnsel vm0, $0x0, v16  }
0xba: {  	v43 =	vperm.xlane v41, v2;
	v14 =	vadd.s32 v15, v14  }
0xbb: {  	v44 =	vld [tilespmem:$0x820];
	vm14 =	vne.s32 v25, $0x0;
	v15 =	vperm.xlane v14, v2  }
0xbc: {  	vm9 =	vne.s32 v37, $0x0;
	v46 =	vand.u32 v3, v43;
	vm8 =	vne.s32 v49, $0x0  }
0xbd: {  	v57 =	vsel vm8, $0x1, v1;
	v31 =	vsel vm14, $0x1, v1;
	v15 =	vand.u32 v3, v15  }
0xbe: {  	v58 =	vperm.xlane v57, v2;
	vm11 =	vne.s32 v53, $0x0;
	v14 =	vadd.s32 v15, v14  }
0xbf: {  	v32 =	vperm.xlane v31, v2;
	v16 =	vsel vm9, $0x1, v1;
	v15 =	vperm.xlane v14, v4  }
0xc0: {  	v33 =	vld [tilespmem:$0x860];
	vm7 =	vne.s32 v44, $0x0;
	v61 =	vsel vm11, $0x1, v1;
	v39 =	vperm.xlane v16, v2  }
0xc1: {  	v20 =	vsel vm7, $0x1, v1;
	v60 =	vand.u32 v3, v58;
	v15 =	vand.u32 v5, v15  }
0xc2: {  	v63 =	vperm.xlane v61, v2;
	v14 =	vadd.s32 v15, v14;
	v15 =	vand.u32 v3, v39  }
0xc3: {  	v48 =	vperm.xlane v20, v2;
	v40 =	vperm.xlane v14, v7;
	v15 =	vadd.s32 v16, v15  }
0xc4: {  	v27 =	vand.u32 v3, v63;
	v16 =	vadd.s32 v41, v46;
	v42 =	vperm.xlane v15, v4  }
0xc5: {  	vm15 =	vne.s32 v33, $0x0;
	v18 =	vperm.xlane v16, v4;
	v17 =	vand.u32 v6, v40  }
0xc6: {  	v24 =	vsel vm15, $0x1, v1;
	v14 =	vadd.s32 v17, v14;
	v45 =	vand.u32 v5, v42  }
0xc7: {  	v18 =	vand.u32 v5, v18;
	v47 =	vperm.xlane v14, v8;
	v15 =	vadd.s32 v45, v15  }
0xc8: {  	v42 =	vperm.xlane v24, v2;
	v16 =	vadd.s32 v18, v16;
	v17 =	vperm.xlane v15, v7  }
0xc9: {  	v18 =	vadd.s32 v57, v60;
	v51 =	vperm.xlane v16, v7;
	v19 =	vand.u32 v9, v47  }
0xca: {  	v62 =	vperm.xlane v18, v4;
	v17 =	vand.u32 v6, v17;
	v14 =	vadd.s32 v19, v14  }
0xcb: {  	v21 =	vand.u32 v6, v51;
	v15 =	vadd.s32 v17, v15;
	v17 =	vand.u32 v3, v48  }
0xcc: {  	v16 =	vadd.s32 v21, v16;
	v50 =	vperm.xlane v15, v8;
	v17 =	vadd.s32 v20, v17  }
0xcd: {  	v55 =	vperm.xlane v16, v8;
	v20 =	vand.u32 v5, v62;
	v52 =	vperm.xlane v17, v4  }
0xce: {  	v14 =	vperm.xlane v14, v10;
	v18 =	vadd.s32 v20, v18;
	v19 =	vand.u32 v9, v50  }
0xcf: {  	v22 =	vand.u32 v9, v55;
	v15 =	vadd.s32 v19, v15;
	v56 =	vand.u32 v5, v52  }
0xd0: {  	v19 =	vadd.s32 v61, v27;
	v54 =	vadd.s32 v14, v15;
	v15 =	vperm.xlane v15, v10  }
0xd1: {  	v20 =	vperm.xlane v18, v7;
	v17 =	vadd.s32 v56, v17;
	v28 =	vperm.xlane v19, v4  }
0xd2: {  	v22 =	vadd.s32 v22, v16;
	v15 =	vadd.s32 v14, v15;
	v14 =	vperm.xlane v17, v7  }
0xd3: {  	v16 =	vnsel vm9, $0x0, v54;
	v54 =	vld [tilespmem:$0x890];
	v30 =	vand.u32 v5, v28;
	v59 =	vadd.s32 v15, v22  }
0xd4: {  	v22 =	vperm.xlane v22, v10;
	v19 =	vadd.s32 v30, v19;
	v14 =	vand.u32 v6, v14  }
0xd5: {  	v35 =	vperm.xlane v19, v7;
	v17 =	vadd.s32 v14, v17;
	v14 =	vnsel vm10, $0x0, v59  }
0xd6: {  	v22 =	vadd.s32 v15, v22;
	v15 =	vand.u32 v6, v20;
	v20 =	vand.u32 v3, v32  }
0xd7: {  	v26 =	vperm.xlane v17, v8;
	v18 =	vadd.s32 v15, v18;
	v36 =	vand.u32 v6, v35  }
0xd8: {  	v20 =	vadd.s32 v31, v20;
	vm9 =	vne.s32 v54, $0x0;
	v34 =	vperm.xlane v18, v8  }
0xd9: {  	v39 =	vld [tilespmem:$0x870];
	v37 =	vadd.s32 v36, v19;
	v38 =	vperm.xlane v20, v4;
	v21 =	vand.u32 v9, v26  }
0xda: {  	v61 =	vsel vm9, $0x1, v1;
	v41 =	vperm.xlane v37, v8;
	v17 =	vadd.s32 v21, v17  }
0xdb: {  	v63 =	vperm.xlane v61, v2;
	v19 =	vand.u32 v5, v38;
	v29 =	vperm.xlane v17, v10  }
0xdc: {  	v15 =	vadd.s32 v22, v17;
	v17 =	vand.u32 v9, v34;
	v25 =	vand.u32 v9, v41  }
0xdd: {  	v19 =	vadd.s32 v19, v20;
	v20 =	vand.u32 v3, v42;
	v15 =	vnsel vm7, $0x0, v15  }
0xde: {  	v17 =	vadd.s32 v17, v18;
	v43 =	vperm.xlane v19, v7;
	vm7 =	vne.s32 v39, $0x0  }
0xdf: {  	v20 =	vadd.s32 v24, v20;
	v22 =	vadd.s32 v22, v29;
	v21 =	vsel vm7, $0x1, v1  }
0xe0: {  	v36 =	vld [tilespmem:$0x8B0];
	v26 =	vperm.xlane v20, v4;
	v40 =	vadd.s32 v22, v17;
	v17 =	vperm.xlane v17, v10  }
0xe1: {  	v28 =	vld [tilespmem:$0x880];
	v35 =	vand.u32 v3, v63;
	v18 =	vadd.s32 v25, v37;
	v27 =	vperm.xlane v21, v2  }
0xe2: {  	v29 =	vld [tilespmem:$0x8A0];
	v46 =	vand.u32 v5, v26;
	v22 =	vadd.s32 v22, v17;
	v17 =	vand.u32 v6, v43  }
0xe3: {  	v47 =	vand.u32 v3, v27;
	v20 =	vadd.s32 v46, v20;
	v25 =	vadd.s32 v22, v18  }
0xe4: {  	v44 =	vadd.s32 v17, v19;
	v17 =	vnsel vm8, $0x0, v40;
	v18 =	vperm.xlane v18, v10  }
0xe5: {  	v21 =	vadd.s32 v21, v47;
	v48 =	vperm.xlane v20, v7;
	vm8 =	vne.s32 v36, $0x0  }
0xe6: {  	v19 =	vnsel vm11, $0x0, v25;
	v45 =	vperm.xlane v44, v8;
	v49 =	vperm.xlane v21, v4  }
0xe7: {  	vm11 =	vne.s32 v28, $0x0;
	vm10 =	vne.s32 v29, $0x0;
	v31 =	vsel vm8, $0x1, v1  }
0xe8: {  	v22 =	vadd.s32 v22, v18;
	v51 =	vand.u32 v6, v48;
	v53 =	vsel vm11, $0x1, v1  }
0xe9: {  	v29 =	vsel vm10, $0x1, v1;
	v42 =	vperm.xlane v31, v2;
	v23 =	vand.u32 v9, v45  }
0xea: {  	v38 =	vld [tilespmem:$0x8C0];
	v52 =	vand.u32 v5, v49;
	v20 =	vadd.s32 v51, v20;
	v55 =	vperm.xlane v53, v2  }
0xeb: {  	v39 =	vperm.xlane v29, v2;
	v23 =	vadd.s32 v23, v44;
	v21 =	vadd.s32 v52, v21  }
0xec: {  	v57 =	vperm.xlane v20, v8;
	v50 =	vperm.xlane v23, v10;
	v56 =	vadd.s32 v22, v23  }
0xed: {  	v58 =	vperm.xlane v21, v7;
	v24 =	vand.u32 v3, v55;
	v41 =	vand.u32 v3, v39  }
0xee: {  	v52 =	vld [tilespmem:$0x8F0];
	v18 =	vnsel vm14, $0x0, v56;
	v23 =	vand.u32 v9, v57;
	v24 =	vadd.s32 v53, v24  }
0xef: {  	vm14 =	vne.s32 v38, $0x0;
	v22 =	vadd.s32 v22, v50;
	v59 =	vand.u32 v6, v58  }
0xf0: {  	v25 =	vperm.xlane v24, v4;
	v20 =	vadd.s32 v23, v20;
	v43 =	vsel vm14, $0x1, v1  }
0xf1: {  	v50 =	vld [tilespmem:$0x8E0];
	v21 =	vadd.s32 v59, v21;
	v62 =	vadd.s32 v22, v20;
	v30 =	vperm.xlane v20, v10  }
0xf2: {  	v45 =	vperm.xlane v43, v2;
	v60 =	vperm.xlane v21, v8;
	v25 =	vand.u32 v5, v25  }
0xf3: {  	v20 =	vnsel vm15, $0x0, v62;
	vm13 =	vne.s32 v52, $0x0;
	v34 =	vadd.s32 v25, v24  }
0xf4: {  	v25 =	vadd.s32 v61, v35;
	v22 =	vadd.s32 v22, v30;
	v59 =	vsel vm13, $0x1, v1  }
0xf5: {  	v33 =	vand.u32 v9, v60;
	v24 =	vperm.xlane v34, v7;
	v26 =	vperm.xlane v25, v4  }
0xf6: {  	v38 =	vperm.xlane v59, v2;
	v21 =	vadd.s32 v33, v21;
	vm12 =	vne.s32 v50, $0x0  }
0xf7: {  	v37 =	vperm.xlane v21, v10;
	v24 =	vand.u32 v6, v24;
	v26 =	vand.u32 v5, v26  }
0xf8: {  	v36 =	vsel vm12, $0x1, v1;
	v21 =	vadd.s32 v22, v21;
	v39 =	vand.u32 v3, v38  }
0xf9: {  	v23 =	vadd.s32 v24, v34;
	v25 =	vadd.s32 v26, v25;
	v26 =	vand.u32 v3, v42  }
0xfa: {  	v27 =	vadd.s32 v22, v37;
	v24 =	vperm.xlane v23, v8;
	v40 =	vperm.xlane v25, v7  }
0xfb: {  	v26 =	vadd.s32 v31, v26;
	v31 =	vand.u32 v3, v45;
	v37 =	vperm.xlane v36, v2  }
0xfc: {  	v44 =	vperm.xlane v26, v4;
	v24 =	vand.u32 v9, v24;
	v28 =	vand.u32 v6, v40  }
0xfd: {  	v49 =	vld [tilespmem:$0x8D0];
	v23 =	vadd.s32 v24, v23;
	v24 =	vadd.s32 v29, v41;
	v25 =	vadd.s32 v28, v25  }
0xfe: {  	v30 =	vand.u32 v5, v44;
	v28 =	vadd.s32 v43, v31;
	v41 =	vadd.s32 v59, v39  }
0xff: {  	v32 =	vadd.s32 v27, v23;
	v29 =	vperm.xlane v24, v4;
	v23 =	vperm.xlane v23, v10  }
0x100: {  	v33 =	vperm.xlane v25, v8;
	v26 =	vadd.s32 v30, v26;
	v31 =	vperm.xlane v28, v4  }
0x101: {  	v57 =	vand.u32 v3, v37;
	v44 =	vperm.xlane v41, v4;
	v30 =	vperm.xlane v26, v7  }
0x102: {  	v32 =	vnsel vm11, $0x0, v32;
	vm11 =	vne.s32 v49, $0x0;
	v29 =	vand.u32 v5, v29  }
0x103: {  	v33 =	vand.u32 v9, v33;
	v48 =	vand.u32 v5, v31;
	v24 =	vadd.s32 v29, v24  }
0x104: {  	v54 =	vsel vm11, $0x1, v1;
	v28 =	vadd.s32 v48, v28;
	v29 =	vperm.xlane v24, v7  }
0x105: {  	v25 =	vadd.s32 v33, v25;
	v47 =	vand.u32 v6, v30;
	v34 =	vperm.xlane v28, v7  }
0x106: {  	v35 =	vperm.xlane v54, v2;
	v33 =	vperm.xlane v25, v10;
	v29 =	vand.u32 v6, v29  }
0x107: {  	v26 =	vadd.s32 v47, v26;
	v34 =	vand.u32 v6, v34;
	v24 =	vadd.s32 v29, v24  }
0x108: {  	v51 =	vperm.xlane v26, v8;
	v28 =	vadd.s32 v34, v28;
	v46 =	vperm.xlane v24, v8  }
0x109: {  	v23 =	vadd.s32 v27, v23;
	v56 =	vand.u32 v3, v35;
	v53 =	vperm.xlane v28, v8  }
0x10a: {  	v33 =	vadd.s32 v23, v33;
	v30 =	vand.u32 v9, v51;
	v27 =	vand.u32 v9, v46  }
0x10b: {  	v26 =	vadd.s32 v30, v26;
	v31 =	vand.u32 v9, v53;
	v24 =	vadd.s32 v27, v24  }
0x10c: {  	v28 =	vadd.s32 v31, v28;
	v31 =	vadd.s32 v54, v56;
	v27 =	vperm.xlane v24, v10  }
0x10d: {  	v34 =	vadd.s32 v36, v57;
	v55 =	vperm.xlane v26, v10;
	v58 =	vperm.xlane v31, v4  }
0x10e: {  	v45 =	vand.u32 v5, v44;
	v61 =	vperm.xlane v34, v4;
	v27 =	vadd.s32 v33, v27  }
0x10f: {  	[tilespmem:$0x900] =	vst v16;
	v22 =	vadd.s32 v45, v41;
	v62 =	vand.u32 v5, v58;
	v29 =	vadd.s32 v27, v55  }
0x110: {  	[tilespmem:$0xB00] =	vst v19;
	v37 =	vand.u32 v5, v61;
	v63 =	vadd.s32 v62, v31;
	v60 =	vadd.s32 v29, v28  }
0x111: {  	[tilespmem:$0xD00] =	vst v32;
	v40 =	vadd.s32 v37, v34;
	v42 =	vperm.xlane v63, v7;
	v36 =	vnsel vm14, $0x0, v60  }
0x112: {  	s12 =	rddreg [dreg:$0x15];
	v49 =	vperm.xlane v22, v7;
	v23 =	vadd.s32 v23, v25;
	v43 =	vperm.xlane v40, v7;
	[tilespmem:$0xF00] =	vst v36  }
0x113: {  	v21 =	vnsel vm7, $0x0, v21;
	v23 =	vnsel vm9, $0x0, v23;
	v30 =	vand.u32 v6, v42;
	v46 =	vld [tilespmem:s12+$0x900]  }
0x114: {  	v51 =	vand.u32 v6, v49;
	v25 =	vand.u32 v6, v43;
	v16 =	vadd.s32 v30, v63  }
0x115: {  	v52 =	vadd.s32 v51, v22;
	v19 =	vadd.s32 v25, v40;
	v47 =	vperm.xlane v16, v8  }
0x116: {  	[tilespmem:$0x980] =	vst v14;
	v24 =	vadd.s32 v33, v24;
	v54 =	vperm.xlane v28, v10;
	v48 =	vperm.xlane v19, v8  }
0x117: {  	[tilespmem:$0xA00] =	vst v15;
	v24 =	vnsel vm10, $0x0, v24;
	v58 =	vperm.xlane v52, v8;
	v25 =	vand.u32 v9, v47  }
0x118: {  	[tilespmem:$0xA80] =	vst v17;
	v50 =	vand.u32 v9, v48;
	v15 =	vadd.s32 v25, v16;
	v53 =	vshll.u32 v46, $0x3  }
0x119: {  	[tilespmem:$0xB80] =	vst v18;
	v16 =	vadd.s32 v50, v19;
	v55 =	vand.u32 $0x7, v46;
	v19 =	vand.u32 $0xFFFFFFC0, v53  }
0x11a: {  	[tilespmem:$0xC00] =	vst v20;
	v14 =	vadd.s32 v27, v26;
	v56 =	vperm.xlane v15, v10;
	v19 =	vor.u32 v55, v19  }
0x11b: {  	[tilespmem:$0xC80] =	vst v21;
	v18 =	vadd.s32 v29, v54;
	v57 =	vperm.xlane v16, v10;
	v59 =	vperm.xlane v19, v11  }
0x11c: {  	[tilespmem:$0xD80] =	vst v23;
	v14 =	vnsel vm8, $0x0, v14;
	v15 =	vadd.s32 v18, v15;
	v18 =	vadd.s32 v18, v56  }
0x11d: {  	[tilespmem:$0xE00] =	vst v24;
	v60 =	vand.u32 v9, v58;
	v61 =	vadd.s32 v18, v57;
	v62 =	vadd.s32 v12, v59  }
0x11e: {  	[tilespmem:$0xE80] =	vst v14;
	v15 =	vnsel vm11, $0x0, v15;
	v14 =	vadd.s32 v18, v16;
	v63 =	vadd.s32 v60, v61  }
0x11f: {  	[tilespmem:$0xF80] =	vst v15;
	v14 =	vnsel vm12, $0x0, v14;
	v15 =	vadd.s32 v52, v63  }
0x120: {  	[tilespmem:$0x1000] =	vst v14;
	v14 =	vnsel vm13, $0x0, v15  }
0x121: {  	[tilespmem:$0x1080] =	vst v14  }
0x122: {  	[tilespmem:s28], [sflag:$0x1] =	stream.indirect_vreg.gather [hbm4b:s10+s3], $0x80, v62, vm6, $0xb8;
	[tilespmem:$0x19100] =	vst v63  }
0x123: {  	s22 =	simm.s32 $0x1900;
	v14 =	vperm.xlane v19, v13  }
0x124: {  	[tilespmem:s22], [sflag:$0x1] =	stream.indirect_vreg.gather [hbm4b:s5+s3], $0x80, v62, vm6, $0xb8;
	[tilespmem:$0x19100] =	vst v63  }
0x125: {  	s23 =	simm.s32 $0x2100;
	v14 =	vadd.s32 v12, v14  }
0x126: {  	[tilespmem:s23], [sflag:$0x1] =	stream.indirect_vreg.gather [hbm4b:s6+s3], $0x80, v62, vm6, $0xb8;
	[tilespmem:$0x19100] =	vst v63  }
0x127: {  	s24 =	simm.s32 $0x2900  }
0x128: {  	[tilespmem:s24], [sflag:$0x1] =	stream.indirect_vreg.gather [hbm4b:s7+s3], $0x80, v62, vm6, $0xb8;
	[tilespmem:$0x19100] =	vst v63  }
0x129: {  	s25 =	simm.s32 $0x3100  }
0x12a: {  	[tilespmem:s25], [sflag:$0x1] =	stream.indirect_vreg.gather [hbm4b:s10+s3], $0x80, v14, vm6, $0xb8;
	[tilespmem:$0x19100] =	vst v63  }
0x12b: {  	s26 =	simm.s32 $0x3900  }
0x12c: {  	[tilespmem:s26], [sflag:$0x1] =	stream.indirect_vreg.gather [hbm4b:s5+s3], $0x80, v14, vm6, $0xb8;
	[tilespmem:$0x19100] =	vst v63  }
0x12d: {  	s29 =	simm.s32 $0x4100  }
0x12e: {  	[tilespmem:s29], [sflag:$0x1] =	stream.indirect_vreg.gather [hbm4b:s6+s3], $0x80, v14, vm6, $0xb8;
	[tilespmem:$0x19100] =	vst v63  }
0x12f: {  	s1 =	simm.s32 $0x4900;
	s22 =	rddreg [dreg:$0x1d]  }
0x130: {  	[tilespmem:s1], [sflag:$0x1] =	stream.indirect_vreg.gather [hbm4b:s7+s3], $0x80, v14, vm6, $0xb8;
	[tilespmem:$0x19100] =	vst v63  }
0x131: {  	v14 =	vld [tilespmem:s22+$0x980];
	_ =	sdelay $0x4  }
0x132: {  	v15 =	vshll.u32 v14, $0x3  }
0x133: {  	v14 =	vand.u32 $0x7, v14;
	v15 =	vand.u32 $0xFFFFFFC0, v15  }
0x134: {  	v14 =	vor.u32 v14, v15  }
0x135: {  	v15 =	vperm.xlane v14, v11;
	_ =	sdelay $0x1  }
0x136: {  	v15 =	vadd.s32 v12, v15;
	_ =	sdelay $0x3  }
0x137: {  	s9 =	simm.s32 $0x5100  }
0x138: {  	[tilespmem:s9], [sflag:$0x2] =	stream.indirect_vreg.gather [hbm4b:s10+s3], $0x80, v15, vm6, $0xb8;
	[tilespmem:$0x19100] =	vst v63  }
0x139: {  	s12 =	simm.s32 $0x5900;
	v14 =	vperm.xlane v14, v13  }
0x13a: {  	[tilespmem:s12], [sflag:$0x2] =	stream.indirect_vreg.gather [hbm4b:s5+s3], $0x80, v15, vm6, $0xb8;
	[tilespmem:$0x19100] =	vst v63  }
0x13b: {  	s1 =	simm.s32 $0x6100;
	v14 =	vadd.s32 v12, v14  }
0x13c: {  	[tilespmem:s1], [sflag:$0x2] =	stream.indirect_vreg.gather [hbm4b:s6+s3], $0x80, v15, vm6, $0xb8;
	[tilespmem:$0x19100] =	vst v63  }
0x13d: {  	s9 =	simm.s32 $0x6900  }
0x13e: {  	[tilespmem:s9], [sflag:$0x2] =	stream.indirect_vreg.gather [hbm4b:s7+s3], $0x80, v15, vm6, $0xb8;
	[tilespmem:$0x19100] =	vst v63  }
0x13f: {  	s12 =	simm.s32 $0x7100  }
0x140: {  	[tilespmem:s12], [sflag:$0x2] =	stream.indirect_vreg.gather [hbm4b:s10+s3], $0x80, v14, vm6, $0xb8;
	[tilespmem:$0x19100] =	vst v63  }
0x141: {  	s1 =	simm.s32 $0x7900  }
0x142: {  	[tilespmem:s1], [sflag:$0x2] =	stream.indirect_vreg.gather [hbm4b:s5+s3], $0x80, v14, vm6, $0xb8;
	[tilespmem:$0x19100] =	vst v63  }
0x143: {  	s9 =	simm.s32 $0x8100  }
0x144: {  	[tilespmem:s9], [sflag:$0x2] =	stream.indirect_vreg.gather [hbm4b:s6+s3], $0x80, v14, vm6, $0xb8;
	[tilespmem:$0x19100] =	vst v63  }
0x145: {  	s12 =	rddreg [dreg:$0x16];
	s9 =	simm.s32 $0x8900  }
0x146: {  	[tilespmem:s9], [sflag:$0x2] =	stream.indirect_vreg.gather [hbm4b:s7+s3], $0x80, v14, vm6, $0xb8;
	[tilespmem:$0x19100] =	vst v63  }
0x147: {  	v14 =	vld [tilespmem:s12+$0x900];
	_ =	sdelay $0x4  }
0x148: {  	v15 =	vshll.u32 v14, $0x3  }
0x149: {  	v14 =	vand.u32 $0x7, v14;
	v15 =	vand.u32 $0xFFFFFFC0, v15  }
0x14a: {  	v14 =	vor.u32 v14, v15  }
0x14b: {  	v15 =	vperm.xlane v14, v11;
	_ =	sdelay $0x1  }
0x14c: {  	v15 =	vadd.s32 v12, v15;
	_ =	sdelay $0x4  }
0x14d: {  	[tilespmem:s31], [sflag:$0x3] =	stream.indirect_vreg.gather [hbm4b:s10+s3], $0x80, v15, vm6, $0xb8;
	[tilespmem:$0x19100] =	vst v63  }
0x14e: {  	s12 =	simm.s32 $0x9900;
	v14 =	vperm.xlane v14, v13  }
0x14f: {  	[tilespmem:s12], [sflag:$0x3] =	stream.indirect_vreg.gather [hbm4b:s5+s3], $0x80, v15, vm6, $0xb8;
	[tilespmem:$0x19100] =	vst v63  }
0x150: {  	s1 =	simm.s32 $0xA100;
	v14 =	vadd.s32 v12, v14  }
0x151: {  	[tilespmem:s1], [sflag:$0x3] =	stream.indirect_vreg.gather [hbm4b:s6+s3], $0x80, v15, vm6, $0xb8;
	[tilespmem:$0x19100] =	vst v63  }
0x152: {  	s9 =	simm.s32 $0xA900  }
0x153: {  	[tilespmem:s9], [sflag:$0x3] =	stream.indirect_vreg.gather [hbm4b:s7+s3], $0x80, v15, vm6, $0xb8;
	[tilespmem:$0x19100] =	vst v63  }
0x154: {  	s12 =	simm.s32 $0xB100  }
0x155: {  	[tilespmem:s12], [sflag:$0x3] =	stream.indirect_vreg.gather [hbm4b:s10+s3], $0x80, v14, vm6, $0xb8;
	[tilespmem:$0x19100] =	vst v63  }
0x156: {  	s1 =	simm.s32 $0xB900  }
0x157: {  	[tilespmem:s1], [sflag:$0x3] =	stream.indirect_vreg.gather [hbm4b:s5+s3], $0x80, v14, vm6, $0xb8;
	[tilespmem:$0x19100] =	vst v63  }
0x158: {  	s9 =	simm.s32 $0xC100  }
0x159: {  	[tilespmem:s9], [sflag:$0x3] =	stream.indirect_vreg.gather [hbm4b:s6+s3], $0x80, v14, vm6, $0xb8;
	[tilespmem:$0x19100] =	vst v63  }
0x15a: {  	s12 =	simm.s32 $0xC900  }
0x15b: {  	[tilespmem:s12], [sflag:$0x3] =	stream.indirect_vreg.gather [hbm4b:s7+s3], $0x80, v14, vm6, $0xb8;
	[tilespmem:$0x19100] =	vst v63  }
0x15c: {  	v14 =	vld [tilespmem:s22+$0xA80];
	_ =	sdelay $0x4  }
0x15d: {  	v15 =	vshll.u32 v14, $0x3  }
0x15e: {  	v14 =	vand.u32 $0x7, v14;
	v15 =	vand.u32 $0xFFFFFFC0, v15  }
0x15f: {  	v14 =	vor.u32 v14, v15  }
0x160: {  	v15 =	vperm.xlane v14, v11;
	_ =	sdelay $0x1  }
0x161: {  	v15 =	vadd.s32 v12, v15;
	_ =	sdelay $0x3  }
0x162: {  	s22 =	simm.s32 $0xD100  }
0x163: {  	[tilespmem:s22], [sflag:$0x4] =	stream.indirect_vreg.gather [hbm4b:s10+s3], $0x80, v15, vm6, $0xb8;
	[tilespmem:$0x19100] =	vst v63  }
0x164: {  	s1 =	simm.s32 $0xD900;
	v14 =	vperm.xlane v14, v13  }
0x165: {  	[tilespmem:s1], [sflag:$0x4] =	stream.indirect_vreg.gather [hbm4b:s5+s3], $0x80, v15, vm6, $0xb8;
	[tilespmem:$0x19100] =	vst v63  }
0x166: {  	s9 =	simm.s32 $0xE100;
	v14 =	vadd.s32 v12, v14  }
0x167: {  	[tilespmem:s9], [sflag:$0x4] =	stream.indirect_vreg.gather [hbm4b:s6+s3], $0x80, v15, vm6, $0xb8;
	[tilespmem:$0x19100] =	vst v63  }
0x168: {  	s12 =	simm.s32 $0xE900  }
0x169: {  	[tilespmem:s12], [sflag:$0x4] =	stream.indirect_vreg.gather [hbm4b:s7+s3], $0x80, v15, vm6, $0xb8;
	[tilespmem:$0x19100] =	vst v63  }
0x16a: {  	s22 =	simm.s32 $0xF100  }
0x16b: {  	[tilespmem:s22], [sflag:$0x4] =	stream.indirect_vreg.gather [hbm4b:s10+s3], $0x80, v14, vm6, $0xb8;
	[tilespmem:$0x19100] =	vst v63  }
0x16c: {  	s1 =	simm.s32 $0xF900  }
0x16d: {  	[tilespmem:s1], [sflag:$0x4] =	stream.indirect_vreg.gather [hbm4b:s5+s3], $0x80, v14, vm6, $0xb8;
	[tilespmem:$0x19100] =	vst v63  }
0x16e: {  	s9 =	simm.s32 $0x10100  }
0x16f: {  	[tilespmem:s9], [sflag:$0x4] =	stream.indirect_vreg.gather [hbm4b:s6+s3], $0x80, v14, vm6, $0xb8;
	[tilespmem:$0x19100] =	vst v63  }
0x170: {  	s12 =	rddreg [dreg:$0x17];
	s22 =	simm.s32 $0x10900  }
0x171: {  	[tilespmem:s22], [sflag:$0x4] =	stream.indirect_vreg.gather [hbm4b:s7+s3], $0x80, v14, vm6, $0xb8;
	[tilespmem:$0x19100] =	vst v63  }
0x172: {  	v14 =	vld [tilespmem:s12+$0x900];
	_ =	sdelay $0x4  }
0x173: {  	v15 =	vshll.u32 v14, $0x3  }
0x174: {  	v14 =	vand.u32 $0x7, v14;
	v15 =	vand.u32 $0xFFFFFFC0, v15  }
0x175: {  	v14 =	vor.u32 v14, v15  }
0x176: {  	v15 =	vperm.xlane v14, v11;
	_ =	sdelay $0x1  }
0x177: {  	v15 =	vadd.s32 v12, v15;
	_ =	sdelay $0x3  }
0x178: {  	s1 =	simm.s32 $0x11100  }
0x179: {  	[tilespmem:s1], [sflag:$0x5] =	stream.indirect_vreg.gather [hbm4b:s10+s3], $0x80, v15, vm6, $0xb8;
	[tilespmem:$0x19100] =	vst v63  }
0x17a: {  	v14 =	vperm.xlane v14, v13  }
0x17b: {  	[tilespmem:s21], [sflag:$0x5] =	stream.indirect_vreg.gather [hbm4b:s5+s3], $0x80, v15, vm6, $0xb8;
	[tilespmem:$0x19100] =	vst v63  }
0x17c: {  	s22 =	simm.s32 $0x12100;
	v14 =	vadd.s32 v12, v14  }
0x17d: {  	[tilespmem:s22], [sflag:$0x5] =	stream.indirect_vreg.gather [hbm4b:s6+s3], $0x80, v15, vm6, $0xb8;
	[tilespmem:$0x19100] =	vst v63  }
0x17e: {  	s9 =	simm.s32 $0x12900  }
0x17f: {  	[tilespmem:s9], [sflag:$0x5] =	stream.indirect_vreg.gather [hbm4b:s7+s3], $0x80, v15, vm6, $0xb8;
	[tilespmem:$0x19100] =	vst v63  }
0x180: {  	s9 =	simm.s32 $0x13100  }
0x181: {  	[tilespmem:s9], [sflag:$0x5] =	stream.indirect_vreg.gather [hbm4b:s10+s3], $0x80, v14, vm6, $0xb8;
	[tilespmem:$0x19100] =	vst v63  }
0x182: {  	s12 =	simm.s32 $0x13900  }
0x183: {  	[tilespmem:s12], [sflag:$0x5] =	stream.indirect_vreg.gather [hbm4b:s5+s3], $0x80, v14, vm6, $0xb8;
	[tilespmem:$0x19100] =	vst v63  }
0x184: {  	_ = 	snop  }
0x185: {  	[tilespmem:s11], [sflag:$0x5] =	stream.indirect_vreg.gather [hbm4b:s6+s3], $0x80, v14, vm6, $0xb8;
	[tilespmem:$0x19100] =	vst v63  }
0x186: {  	s1 =	simm.s32 $0x1;
	s12 =	simm.s32 $0x14900  }
0x187: {  	[tilespmem:s12], [sflag:$0x5] =	stream.indirect_vreg.gather [hbm4b:s7+s3], $0x80, v14, vm6, $0xb8;
	[tilespmem:$0x19100] =	vst v63  }
0x188: {  	_ =	swait.ge [sflag:s1], $0x4000  }
0x189: {  	[sflag:s1] =	ssyncset.done $0x0  }
0x18a: {  	s0 =	rddreg [dreg:$0x6];
	[sflag:s1] =	ssyncadd.s32 $0xFFFFC000  }
0x18b: {  	v14 =	vld [tilespmem:s0+$0x900];
	_ =	sdelay $0x4  }
0x18c: {  	v15 =	vshll.u32 v14, $0x3  }
0x18d: {  	v14 =	vand.u32 $0x7, v14;
	v15 =	vand.u32 $0xFFFFFFC0, v15  }
0x18e: {  	v14 =	vor.u32 v14, v15  }
0x18f: {  	v15 =	vperm.xlane v14, v11;
	_ =	sdelay $0x1  }
0x190: {  	v15 =	vadd.s32 v12, v15;
	_ =	sdelay $0x4  }
0x191: {  	[tilespmem:s13], [sflag:$0x6] =	stream.indirect_vreg.gather [hbm4b:s10+s3], $0x80, v15, vm6, $0xb8;
	[tilespmem:$0x19100] =	vst v63  }
0x192: {  	v14 =	vperm.xlane v14, v13  }
0x193: {  	[tilespmem:s14], [sflag:$0x6] =	stream.indirect_vreg.gather [hbm4b:s5+s3], $0x80, v15, vm6, $0xb8;
	[tilespmem:$0x19100] =	vst v63  }
0x194: {  	v14 =	vadd.s32 v12, v14  }
0x195: {  	[tilespmem:s15], [sflag:$0x6] =	stream.indirect_vreg.gather [hbm4b:s6+s3], $0x80, v15, vm6, $0xb8;
	[tilespmem:$0x19100] =	vst v63  }
0x196: {  	_ = 	snop  }
0x197: {  	[tilespmem:s16], [sflag:$0x6] =	stream.indirect_vreg.gather [hbm4b:s7+s3], $0x80, v15, vm6, $0xb8;
	[tilespmem:$0x19100] =	vst v63  }
0x198: {  	_ = 	snop  }
0x199: {  	[tilespmem:s17], [sflag:$0x6] =	stream.indirect_vreg.gather [hbm4b:s10+s3], $0x80, v14, vm6, $0xb8;
	[tilespmem:$0x19100] =	vst v63  }
0x19a: {  	_ = 	snop  }
0x19b: {  	[tilespmem:s18], [sflag:$0x6] =	stream.indirect_vreg.gather [hbm4b:s5+s3], $0x80, v14, vm6, $0xb8;
	[tilespmem:$0x19100] =	vst v63  }
0x19c: {  	_ = 	snop  }
0x19d: {  	[tilespmem:s19], [sflag:$0x6] =	stream.indirect_vreg.gather [hbm4b:s6+s3], $0x80, v14, vm6, $0xb8;
	[tilespmem:$0x19100] =	vst v63  }
0x19e: {  	s1 =	simm.s32 $0x2  }
0x19f: {  	[tilespmem:s20], [sflag:$0x6] =	stream.indirect_vreg.gather [hbm4b:s7+s3], $0x80, v14, vm6, $0xb8;
	[tilespmem:$0x19100] =	vst v63  }
0x1a0: {  	_ =	swait.ge [sflag:s1], $0x4000  }
0x1a1: {  	[sflag:s1] =	ssyncset.done $0x0  }
0x1a2: {  	s0 =	rddreg [dreg:$0x7];
	[sflag:s1] =	ssyncadd.s32 $0xFFFFC000;
	s1 =	simm.s32 $0x7  }
0x1a3: {  	[hbm4b:s0+s3] =	stream.linear.scatter [tilespmem:s28], [sflag:$0x7], $0x8000, $0x38;
	[tilespmem:$0x19100] =	vst v63  }
0x1a4: {  	_ =	swait.ge [sflag:s1], $0x8000  }
0x1a5: {  	[sflag:s1] =	ssyncset.done $0x0  }
0x1a6: {  	s0 =	rddreg [dreg:$0x18];
	[sflag:s1] =	ssyncadd.s32 $0xFFFF8000  }
0x1a7: {  	v14 =	vld [tilespmem:s0+$0x900];
	_ =	sdelay $0x4  }
0x1a8: {  	v15 =	vshll.u32 v14, $0x3  }
0x1a9: {  	v14 =	vand.u32 $0x7, v14;
	v15 =	vand.u32 $0xFFFFFFC0, v15  }
0x1aa: {  	v14 =	vor.u32 v14, v15  }
0x1ab: {  	v15 =	vperm.xlane v14, v11;
	_ =	sdelay $0x1  }
0x1ac: {  	v15 =	vadd.s32 v12, v15;
	_ =	sdelay $0x4  }
0x1ad: {  	[tilespmem:s28], [sflag:$0x1] =	stream.indirect_vreg.gather [hbm4b:s10+s3], $0x80, v15, vm6, $0xb8;
	[tilespmem:$0x19100] =	vst v63  }
0x1ae: {  	s2 =	simm.s32 $0x1900;
	v14 =	vperm.xlane v14, v13  }
0x1af: {  	[tilespmem:s2], [sflag:$0x1] =	stream.indirect_vreg.gather [hbm4b:s5+s3], $0x80, v15, vm6, $0xb8;
	[tilespmem:$0x19100] =	vst v63  }
0x1b0: {  	s30 =	simm.s32 $0x2100;
	v14 =	vadd.s32 v12, v14  }
0x1b1: {  	[tilespmem:s30], [sflag:$0x1] =	stream.indirect_vreg.gather [hbm4b:s6+s3], $0x80, v15, vm6, $0xb8;
	[tilespmem:$0x19100] =	vst v63  }
0x1b2: {  	s23 =	simm.s32 $0x2900  }
0x1b3: {  	[tilespmem:s23], [sflag:$0x1] =	stream.indirect_vreg.gather [hbm4b:s7+s3], $0x80, v15, vm6, $0xb8;
	[tilespmem:$0x19100] =	vst v63  }
0x1b4: {  	s24 =	simm.s32 $0x3100  }
0x1b5: {  	[tilespmem:s24], [sflag:$0x1] =	stream.indirect_vreg.gather [hbm4b:s10+s3], $0x80, v14, vm6, $0xb8;
	[tilespmem:$0x19100] =	vst v63  }
0x1b6: {  	s25 =	simm.s32 $0x3900  }
0x1b7: {  	[tilespmem:s25], [sflag:$0x1] =	stream.indirect_vreg.gather [hbm4b:s5+s3], $0x80, v14, vm6, $0xb8;
	[tilespmem:$0x19100] =	vst v63  }
0x1b8: {  	s26 =	simm.s32 $0x4100  }
0x1b9: {  	[tilespmem:s26], [sflag:$0x1] =	stream.indirect_vreg.gather [hbm4b:s6+s3], $0x80, v14, vm6, $0xb8;
	[tilespmem:$0x19100] =	vst v63  }
0x1ba: {  	s29 =	simm.s32 $0x4900;
	s2 =	simm.s32 $0x3  }
0x1bb: {  	[tilespmem:s29], [sflag:$0x1] =	stream.indirect_vreg.gather [hbm4b:s7+s3], $0x80, v14, vm6, $0xb8;
	[tilespmem:$0x19100] =	vst v63  }
0x1bc: {  	_ =	swait.ge [sflag:s2], $0x4000  }
0x1bd: {  	[sflag:s2] =	ssyncset.done $0x0  }
0x1be: {  	s23 =	rddreg [dreg:$0x8];
	[sflag:s2] =	ssyncadd.s32 $0xFFFFC000  }
0x1bf: {  	v14 =	vld [tilespmem:s23+$0x900];
	_ =	sdelay $0x4  }
0x1c0: {  	v15 =	vshll.u32 v14, $0x3  }
0x1c1: {  	v14 =	vand.u32 $0x7, v14;
	v15 =	vand.u32 $0xFFFFFFC0, v15  }
0x1c2: {  	v14 =	vor.u32 v14, v15  }
0x1c3: {  	v15 =	vperm.xlane v14, v11;
	_ =	sdelay $0x1  }
0x1c4: {  	v15 =	vadd.s32 v12, v15;
	_ =	sdelay $0x3  }
0x1c5: {  	s24 =	simm.s32 $0x5100  }
0x1c6: {  	[tilespmem:s24], [sflag:$0x2] =	stream.indirect_vreg.gather [hbm4b:s10+s3], $0x80, v15, vm6, $0xb8;
	[tilespmem:$0x19100] =	vst v63  }
0x1c7: {  	s25 =	simm.s32 $0x5900;
	v14 =	vperm.xlane v14, v13  }
0x1c8: {  	[tilespmem:s25], [sflag:$0x2] =	stream.indirect_vreg.gather [hbm4b:s5+s3], $0x80, v15, vm6, $0xb8;
	[tilespmem:$0x19100] =	vst v63  }
0x1c9: {  	s26 =	simm.s32 $0x6100;
	v14 =	vadd.s32 v12, v14  }
0x1ca: {  	[tilespmem:s26], [sflag:$0x2] =	stream.indirect_vreg.gather [hbm4b:s6+s3], $0x80, v15, vm6, $0xb8;
	[tilespmem:$0x19100] =	vst v63  }
0x1cb: {  	s29 =	simm.s32 $0x6900  }
0x1cc: {  	[tilespmem:s29], [sflag:$0x2] =	stream.indirect_vreg.gather [hbm4b:s7+s3], $0x80, v15, vm6, $0xb8;
	[tilespmem:$0x19100] =	vst v63  }
0x1cd: {  	s30 =	simm.s32 $0x7100  }
0x1ce: {  	[tilespmem:s30], [sflag:$0x2] =	stream.indirect_vreg.gather [hbm4b:s10+s3], $0x80, v14, vm6, $0xb8;
	[tilespmem:$0x19100] =	vst v63  }
0x1cf: {  	s23 =	simm.s32 $0x7900  }
0x1d0: {  	[tilespmem:s23], [sflag:$0x2] =	stream.indirect_vreg.gather [hbm4b:s5+s3], $0x80, v14, vm6, $0xb8;
	[tilespmem:$0x19100] =	vst v63  }
0x1d1: {  	s24 =	simm.s32 $0x8100  }
0x1d2: {  	[tilespmem:s24], [sflag:$0x2] =	stream.indirect_vreg.gather [hbm4b:s6+s3], $0x80, v14, vm6, $0xb8;
	[tilespmem:$0x19100] =	vst v63  }
0x1d3: {  	s25 =	simm.s32 $0x8900;
	s23 =	simm.s32 $0x4  }
0x1d4: {  	[tilespmem:s25], [sflag:$0x2] =	stream.indirect_vreg.gather [hbm4b:s7+s3], $0x80, v14, vm6, $0xb8;
	[tilespmem:$0x19100] =	vst v63  }
0x1d5: {  	_ =	swait.ge [sflag:s23], $0x4000  }
0x1d6: {  	[sflag:s23] =	ssyncset.done $0x0  }
0x1d7: {  	s24 =	simm.s32 $0x8;
	s26 =	rddreg [dreg:$0x9];
	[sflag:s23] =	ssyncadd.s32 $0xFFFFC000  }
0x1d8: {  	[hbm4b:s26+s3] =	stream.linear.scatter [tilespmem:s31], [sflag:$0x8], $0x8000, $0x38;
	[tilespmem:$0x19100] =	vst v63  }
0x1d9: {  	_ =	swait.ge [sflag:s24], $0x8000  }
0x1da: {  	[sflag:s24] =	ssyncset.done $0x0  }
0x1db: {  	s29 =	rddreg [dreg:$0x19];
	[sflag:s24] =	ssyncadd.s32 $0xFFFF8000  }
0x1dc: {  	v14 =	vld [tilespmem:s29+$0x900];
	_ =	sdelay $0x4  }
0x1dd: {  	v15 =	vshll.u32 v14, $0x3  }
0x1de: {  	v14 =	vand.u32 $0x7, v14;
	v15 =	vand.u32 $0xFFFFFFC0, v15  }
0x1df: {  	v14 =	vor.u32 v14, v15  }
0x1e0: {  	v15 =	vperm.xlane v14, v11;
	_ =	sdelay $0x1  }
0x1e1: {  	v15 =	vadd.s32 v12, v15;
	_ =	sdelay $0x4  }
0x1e2: {  	[tilespmem:s31], [sflag:$0x3] =	stream.indirect_vreg.gather [hbm4b:s10+s3], $0x80, v15, vm6, $0xb8;
	[tilespmem:$0x19100] =	vst v63  }
0x1e3: {  	s30 =	simm.s32 $0x9900;
	v14 =	vperm.xlane v14, v13  }
0x1e4: {  	[tilespmem:s30], [sflag:$0x3] =	stream.indirect_vreg.gather [hbm4b:s5+s3], $0x80, v15, vm6, $0xb8;
	[tilespmem:$0x19100] =	vst v63  }
0x1e5: {  	s25 =	simm.s32 $0xA100;
	v14 =	vadd.s32 v12, v14  }
0x1e6: {  	[tilespmem:s25], [sflag:$0x3] =	stream.indirect_vreg.gather [hbm4b:s6+s3], $0x80, v15, vm6, $0xb8;
	[tilespmem:$0x19100] =	vst v63  }
0x1e7: {  	s26 =	simm.s32 $0xA900  }
0x1e8: {  	[tilespmem:s26], [sflag:$0x3] =	stream.indirect_vreg.gather [hbm4b:s7+s3], $0x80, v15, vm6, $0xb8;
	[tilespmem:$0x19100] =	vst v63  }
0x1e9: {  	s29 =	simm.s32 $0xB100  }
0x1ea: {  	[tilespmem:s29], [sflag:$0x3] =	stream.indirect_vreg.gather [hbm4b:s10+s3], $0x80, v14, vm6, $0xb8;
	[tilespmem:$0x19100] =	vst v63  }
0x1eb: {  	s30 =	simm.s32 $0xB900  }
0x1ec: {  	[tilespmem:s30], [sflag:$0x3] =	stream.indirect_vreg.gather [hbm4b:s5+s3], $0x80, v14, vm6, $0xb8;
	[tilespmem:$0x19100] =	vst v63  }
0x1ed: {  	s25 =	simm.s32 $0xC100  }
0x1ee: {  	[tilespmem:s25], [sflag:$0x3] =	stream.indirect_vreg.gather [hbm4b:s6+s3], $0x80, v14, vm6, $0xb8;
	[tilespmem:$0x19100] =	vst v63  }
0x1ef: {  	s26 =	simm.s32 $0xC900;
	s25 =	simm.s32 $0x5  }
0x1f0: {  	[tilespmem:s26], [sflag:$0x3] =	stream.indirect_vreg.gather [hbm4b:s7+s3], $0x80, v14, vm6, $0xb8;
	[tilespmem:$0x19100] =	vst v63  }
0x1f1: {  	_ =	swait.ge [sflag:s25], $0x4000  }
0x1f2: {  	[sflag:s25] =	ssyncset.done $0x0  }
0x1f3: {  	s29 =	rddreg [dreg:$0xa];
	[sflag:s25] =	ssyncadd.s32 $0xFFFFC000  }
0x1f4: {  	v14 =	vld [tilespmem:s29+$0x900];
	_ =	sdelay $0x4  }
0x1f5: {  	v15 =	vshll.u32 v14, $0x3  }
0x1f6: {  	v14 =	vand.u32 $0x7, v14;
	v15 =	vand.u32 $0xFFFFFFC0, v15  }
0x1f7: {  	v14 =	vor.u32 v14, v15  }
0x1f8: {  	v15 =	vperm.xlane v14, v11;
	_ =	sdelay $0x1  }
0x1f9: {  	v15 =	vadd.s32 v12, v15;
	_ =	sdelay $0x3  }
0x1fa: {  	s30 =	simm.s32 $0xD100  }
0x1fb: {  	[tilespmem:s30], [sflag:$0x4] =	stream.indirect_vreg.gather [hbm4b:s10+s3], $0x80, v15, vm6, $0xb8;
	[tilespmem:$0x19100] =	vst v63  }
0x1fc: {  	s26 =	simm.s32 $0xD900;
	v14 =	vperm.xlane v14, v13  }
0x1fd: {  	[tilespmem:s26], [sflag:$0x4] =	stream.indirect_vreg.gather [hbm4b:s5+s3], $0x80, v15, vm6, $0xb8;
	[tilespmem:$0x19100] =	vst v63  }
0x1fe: {  	s29 =	simm.s32 $0xE100;
	v14 =	vadd.s32 v12, v14  }
0x1ff: {  	[tilespmem:s29], [sflag:$0x4] =	stream.indirect_vreg.gather [hbm4b:s6+s3], $0x80, v15, vm6, $0xb8;
	[tilespmem:$0x19100] =	vst v63  }
0x200: {  	s30 =	simm.s32 $0xE900  }
0x201: {  	[tilespmem:s30], [sflag:$0x4] =	stream.indirect_vreg.gather [hbm4b:s7+s3], $0x80, v15, vm6, $0xb8;
	[tilespmem:$0x19100] =	vst v63  }
0x202: {  	s26 =	simm.s32 $0xF100  }
0x203: {  	[tilespmem:s26], [sflag:$0x4] =	stream.indirect_vreg.gather [hbm4b:s10+s3], $0x80, v14, vm6, $0xb8;
	[tilespmem:$0x19100] =	vst v63  }
0x204: {  	s29 =	simm.s32 $0xF900  }
0x205: {  	[tilespmem:s29], [sflag:$0x4] =	stream.indirect_vreg.gather [hbm4b:s5+s3], $0x80, v14, vm6, $0xb8;
	[tilespmem:$0x19100] =	vst v63  }
0x206: {  	s30 =	simm.s32 $0x10100  }
0x207: {  	[tilespmem:s30], [sflag:$0x4] =	stream.indirect_vreg.gather [hbm4b:s6+s3], $0x80, v14, vm6, $0xb8;
	[tilespmem:$0x19100] =	vst v63  }
0x208: {  	s26 =	simm.s32 $0x10900  }
0x209: {  	[tilespmem:s26], [sflag:$0x4] =	stream.indirect_vreg.gather [hbm4b:s7+s3], $0x80, v14, vm6, $0xb8;
	[tilespmem:$0x19100] =	vst v63  }
0x20a: {  	s26 =	simm.s32 $0x6  }
0x20b: {  	_ =	swait.ge [sflag:s26], $0x4000  }
0x20c: {  	[sflag:s26] =	ssyncset.done $0x0  }
0x20d: {  	s30 =	simm.s32 $0x11100;
	s29 =	rddreg [dreg:$0xb];
	[sflag:s26] =	ssyncadd.s32 $0xFFFFC000  }
0x20e: {  	[hbm4b:s29+s3] =	stream.linear.scatter [tilespmem:s30], [sflag:$0x9], $0x8000, $0x38;
	[tilespmem:$0x19100] =	vst v63  }
0x20f: {  	s29 =	simm.s32 $0x9  }
0x210: {  	_ =	swait.ge [sflag:s29], $0x8000  }
0x211: {  	[sflag:s29] =	ssyncset.done $0x0  }
0x212: {  	s0 =	rddreg [dreg:$0x1a];
	[sflag:s29] =	ssyncadd.s32 $0xFFFF8000  }
0x213: {  	v14 =	vld [tilespmem:s0+$0x900];
	_ =	sdelay $0x4  }
0x214: {  	v15 =	vshll.u32 v14, $0x3  }
0x215: {  	v14 =	vand.u32 $0x7, v14;
	v15 =	vand.u32 $0xFFFFFFC0, v15  }
0x216: {  	v14 =	vor.u32 v14, v15  }
0x217: {  	v15 =	vperm.xlane v14, v11;
	_ =	sdelay $0x1  }
0x218: {  	v15 =	vadd.s32 v12, v15;
	_ =	sdelay $0x4  }
0x219: {  	[tilespmem:s30], [sflag:$0x5] =	stream.indirect_vreg.gather [hbm4b:s10+s3], $0x80, v15, vm6, $0xb8;
	[tilespmem:$0x19100] =	vst v63  }
0x21a: {  	v14 =	vperm.xlane v14, v13  }
0x21b: {  	[tilespmem:s21], [sflag:$0x5] =	stream.indirect_vreg.gather [hbm4b:s5+s3], $0x80, v15, vm6, $0xb8;
	[tilespmem:$0x19100] =	vst v63  }
0x21c: {  	v14 =	vadd.s32 v12, v14  }
0x21d: {  	[tilespmem:s22], [sflag:$0x5] =	stream.indirect_vreg.gather [hbm4b:s6+s3], $0x80, v15, vm6, $0xb8;
	[tilespmem:$0x19100] =	vst v63  }
0x21e: {  	s22 =	simm.s32 $0x12900  }
0x21f: {  	[tilespmem:s22], [sflag:$0x5] =	stream.indirect_vreg.gather [hbm4b:s7+s3], $0x80, v15, vm6, $0xb8;
	[tilespmem:$0x19100] =	vst v63  }
0x220: {  	_ = 	snop  }
0x221: {  	[tilespmem:s9], [sflag:$0x5] =	stream.indirect_vreg.gather [hbm4b:s10+s3], $0x80, v14, vm6, $0xb8;
	[tilespmem:$0x19100] =	vst v63  }
0x222: {  	s22 =	simm.s32 $0x13900  }
0x223: {  	[tilespmem:s22], [sflag:$0x5] =	stream.indirect_vreg.gather [hbm4b:s5+s3], $0x80, v14, vm6, $0xb8;
	[tilespmem:$0x19100] =	vst v63  }
0x224: {  	_ = 	snop  }
0x225: {  	[tilespmem:s11], [sflag:$0x5] =	stream.indirect_vreg.gather [hbm4b:s6+s3], $0x80, v14, vm6, $0xb8;
	[tilespmem:$0x19100] =	vst v63  }
0x226: {  	_ = 	snop  }
0x227: {  	[tilespmem:s12], [sflag:$0x5] =	stream.indirect_vreg.gather [hbm4b:s7+s3], $0x80, v14, vm6, $0xb8;
	[tilespmem:$0x19100] =	vst v63  }
0x228: {  	_ =	swait.ge [sflag:s8], $0x4000  }
0x229: {  	[sflag:s8] =	ssyncset.done $0x0  }
0x22a: {  	s9 =	rddreg [dreg:$0xc];
	[sflag:s8] =	ssyncadd.s32 $0xFFFFC000  }
0x22b: {  	v14 =	vld [tilespmem:s9+$0x900];
	_ =	sdelay $0x4  }
0x22c: {  	v15 =	vshll.u32 v14, $0x3  }
0x22d: {  	v14 =	vand.u32 $0x7, v14;
	v15 =	vand.u32 $0xFFFFFFC0, v15  }
0x22e: {  	v14 =	vor.u32 v14, v15  }
0x22f: {  	v15 =	vperm.xlane v14, v11;
	_ =	sdelay $0x1  }
0x230: {  	v15 =	vadd.s32 v12, v15;
	_ =	sdelay $0x4  }
0x231: {  	[tilespmem:s13], [sflag:$0x6] =	stream.indirect_vreg.gather [hbm4b:s10+s3], $0x80, v15, vm6, $0xb8;
	[tilespmem:$0x19100] =	vst v63  }
0x232: {  	v14 =	vperm.xlane v14, v13  }
0x233: {  	[tilespmem:s14], [sflag:$0x6] =	stream.indirect_vreg.gather [hbm4b:s5+s3], $0x80, v15, vm6, $0xb8;
	[tilespmem:$0x19100] =	vst v63  }
0x234: {  	v14 =	vadd.s32 v12, v14  }
0x235: {  	[tilespmem:s15], [sflag:$0x6] =	stream.indirect_vreg.gather [hbm4b:s6+s3], $0x80, v15, vm6, $0xb8;
	[tilespmem:$0x19100] =	vst v63  }
0x236: {  	_ = 	snop  }
0x237: {  	[tilespmem:s16], [sflag:$0x6] =	stream.indirect_vreg.gather [hbm4b:s7+s3], $0x80, v15, vm6, $0xb8;
	[tilespmem:$0x19100] =	vst v63  }
0x238: {  	_ = 	snop  }
0x239: {  	[tilespmem:s17], [sflag:$0x6] =	stream.indirect_vreg.gather [hbm4b:s10+s3], $0x80, v14, vm6, $0xb8;
	[tilespmem:$0x19100] =	vst v63  }
0x23a: {  	_ = 	snop  }
0x23b: {  	[tilespmem:s18], [sflag:$0x6] =	stream.indirect_vreg.gather [hbm4b:s5+s3], $0x80, v14, vm6, $0xb8;
	[tilespmem:$0x19100] =	vst v63  }
0x23c: {  	_ = 	snop  }
0x23d: {  	[tilespmem:s19], [sflag:$0x6] =	stream.indirect_vreg.gather [hbm4b:s6+s3], $0x80, v14, vm6, $0xb8;
	[tilespmem:$0x19100] =	vst v63  }
0x23e: {  	_ = 	snop  }
0x23f: {  	[tilespmem:s20], [sflag:$0x6] =	stream.indirect_vreg.gather [hbm4b:s7+s3], $0x80, v14, vm6, $0xb8;
	[tilespmem:$0x19100] =	vst v63  }
0x240: {  	_ =	swait.ge [sflag:s4], $0x4000  }
0x241: {  	[sflag:s4] =	ssyncset.done $0x0  }
0x242: {  	s12 =	rddreg [dreg:$0xd];
	[sflag:s4] =	ssyncadd.s32 $0xFFFFC000  }
0x243: {  	[hbm4b:s12+s3] =	stream.linear.scatter [tilespmem:s28], [sflag:$0x7], $0x8000, $0x38;
	[tilespmem:$0x19100] =	vst v63  }
0x244: {  	_ =	swait.ge [sflag:s1], $0x8000  }
0x245: {  	[sflag:s1] =	ssyncset.done $0x0  }
0x246: {  	s22 =	rddreg [dreg:$0x1b];
	[sflag:s1] =	ssyncadd.s32 $0xFFFF8000  }
0x247: {  	v14 =	vld [tilespmem:s22+$0x900];
	_ =	sdelay $0x4  }
0x248: {  	v15 =	vshll.u32 v14, $0x3  }
0x249: {  	v14 =	vand.u32 $0x7, v14;
	v15 =	vand.u32 $0xFFFFFFC0, v15  }
0x24a: {  	v14 =	vor.u32 v14, v15  }
0x24b: {  	v15 =	vperm.xlane v14, v11;
	_ =	sdelay $0x1  }
0x24c: {  	v15 =	vadd.s32 v12, v15;
	_ =	sdelay $0x4  }
0x24d: {  	[tilespmem:s28], [sflag:$0x1] =	stream.indirect_vreg.gather [hbm4b:s10+s3], $0x80, v15, vm6, $0xb8;
	[tilespmem:$0x19100] =	vst v63  }
0x24e: {  	s9 =	simm.s32 $0x1900;
	v14 =	vperm.xlane v14, v13  }
0x24f: {  	[tilespmem:s9], [sflag:$0x1] =	stream.indirect_vreg.gather [hbm4b:s5+s3], $0x80, v15, vm6, $0xb8;
	[tilespmem:$0x19100] =	vst v63  }
0x250: {  	s12 =	simm.s32 $0x2100;
	v14 =	vadd.s32 v12, v14  }
0x251: {  	[tilespmem:s12], [sflag:$0x1] =	stream.indirect_vreg.gather [hbm4b:s6+s3], $0x80, v15, vm6, $0xb8;
	[tilespmem:$0x19100] =	vst v63  }
0x252: {  	s22 =	simm.s32 $0x2900  }
0x253: {  	[tilespmem:s22], [sflag:$0x1] =	stream.indirect_vreg.gather [hbm4b:s7+s3], $0x80, v15, vm6, $0xb8;
	[tilespmem:$0x19100] =	vst v63  }
0x254: {  	s9 =	simm.s32 $0x3100  }
0x255: {  	[tilespmem:s9], [sflag:$0x1] =	stream.indirect_vreg.gather [hbm4b:s10+s3], $0x80, v14, vm6, $0xb8;
	[tilespmem:$0x19100] =	vst v63  }
0x256: {  	s12 =	simm.s32 $0x3900  }
0x257: {  	[tilespmem:s12], [sflag:$0x1] =	stream.indirect_vreg.gather [hbm4b:s5+s3], $0x80, v14, vm6, $0xb8;
	[tilespmem:$0x19100] =	vst v63  }
0x258: {  	s22 =	simm.s32 $0x4100  }
0x259: {  	[tilespmem:s22], [sflag:$0x1] =	stream.indirect_vreg.gather [hbm4b:s6+s3], $0x80, v14, vm6, $0xb8;
	[tilespmem:$0x19100] =	vst v63  }
0x25a: {  	s9 =	simm.s32 $0x4900  }
0x25b: {  	[tilespmem:s9], [sflag:$0x1] =	stream.indirect_vreg.gather [hbm4b:s7+s3], $0x80, v14, vm6, $0xb8;
	[tilespmem:$0x19100] =	vst v63  }
0x25c: {  	_ =	swait.ge [sflag:s2], $0x4000  }
0x25d: {  	[sflag:s2] =	ssyncset.done $0x0  }
0x25e: {  	s12 =	rddreg [dreg:$0xe];
	[sflag:s2] =	ssyncadd.s32 $0xFFFFC000  }
0x25f: {  	v14 =	vld [tilespmem:s12+$0x900];
	_ =	sdelay $0x4  }
0x260: {  	v15 =	vshll.u32 v14, $0x3  }
0x261: {  	v14 =	vand.u32 $0x7, v14;
	v15 =	vand.u32 $0xFFFFFFC0, v15  }
0x262: {  	v14 =	vor.u32 v14, v15  }
0x263: {  	v15 =	vperm.xlane v14, v11;
	_ =	sdelay $0x1  }
0x264: {  	v15 =	vadd.s32 v12, v15;
	_ =	sdelay $0x3  }
0x265: {  	s22 =	simm.s32 $0x5100  }
0x266: {  	[tilespmem:s22], [sflag:$0x2] =	stream.indirect_vreg.gather [hbm4b:s10+s3], $0x80, v15, vm6, $0xb8;
	[tilespmem:$0x19100] =	vst v63  }
0x267: {  	s9 =	simm.s32 $0x5900;
	v14 =	vperm.xlane v14, v13  }
0x268: {  	[tilespmem:s9], [sflag:$0x2] =	stream.indirect_vreg.gather [hbm4b:s5+s3], $0x80, v15, vm6, $0xb8;
	[tilespmem:$0x19100] =	vst v63  }
0x269: {  	s12 =	simm.s32 $0x6100;
	v14 =	vadd.s32 v12, v14  }
0x26a: {  	[tilespmem:s12], [sflag:$0x2] =	stream.indirect_vreg.gather [hbm4b:s6+s3], $0x80, v15, vm6, $0xb8;
	[tilespmem:$0x19100] =	vst v63  }
0x26b: {  	s22 =	simm.s32 $0x6900  }
0x26c: {  	[tilespmem:s22], [sflag:$0x2] =	stream.indirect_vreg.gather [hbm4b:s7+s3], $0x80, v15, vm6, $0xb8;
	[tilespmem:$0x19100] =	vst v63  }
0x26d: {  	s9 =	simm.s32 $0x7100  }
0x26e: {  	[tilespmem:s9], [sflag:$0x2] =	stream.indirect_vreg.gather [hbm4b:s10+s3], $0x80, v14, vm6, $0xb8;
	[tilespmem:$0x19100] =	vst v63  }
0x26f: {  	s12 =	simm.s32 $0x7900  }
0x270: {  	[tilespmem:s12], [sflag:$0x2] =	stream.indirect_vreg.gather [hbm4b:s5+s3], $0x80, v14, vm6, $0xb8;
	[tilespmem:$0x19100] =	vst v63  }
0x271: {  	s22 =	simm.s32 $0x8100  }
0x272: {  	[tilespmem:s22], [sflag:$0x2] =	stream.indirect_vreg.gather [hbm4b:s6+s3], $0x80, v14, vm6, $0xb8;
	[tilespmem:$0x19100] =	vst v63  }
0x273: {  	s9 =	simm.s32 $0x8900  }
0x274: {  	[tilespmem:s9], [sflag:$0x2] =	stream.indirect_vreg.gather [hbm4b:s7+s3], $0x80, v14, vm6, $0xb8;
	[tilespmem:$0x19100] =	vst v63  }
0x275: {  	_ =	swait.ge [sflag:s23], $0x4000  }
0x276: {  	[sflag:s23] =	ssyncset.done $0x0  }
0x277: {  	s12 =	rddreg [dreg:$0xf];
	[sflag:s23] =	ssyncadd.s32 $0xFFFFC000  }
0x278: {  	[hbm4b:s12+s3] =	stream.linear.scatter [tilespmem:s31], [sflag:$0x8], $0x8000, $0x38;
	[tilespmem:$0x19100] =	vst v63  }
0x279: {  	_ =	swait.ge [sflag:s24], $0x8000  }
0x27a: {  	[sflag:s24] =	ssyncset.done $0x0  }
0x27b: {  	s22 =	rddreg [dreg:$0x1c];
	[sflag:s24] =	ssyncadd.s32 $0xFFFF8000  }
0x27c: {  	v14 =	vld [tilespmem:s22+$0x900];
	_ =	sdelay $0x4  }
0x27d: {  	v15 =	vshll.u32 v14, $0x3  }
0x27e: {  	v14 =	vand.u32 $0x7, v14;
	v15 =	vand.u32 $0xFFFFFFC0, v15  }
0x27f: {  	v14 =	vor.u32 v14, v15  }
0x280: {  	v15 =	vperm.xlane v14, v11;
	_ =	sdelay $0x1  }
0x281: {  	v15 =	vadd.s32 v12, v15;
	_ =	sdelay $0x4  }
0x282: {  	[tilespmem:s31], [sflag:$0x3] =	stream.indirect_vreg.gather [hbm4b:s10+s3], $0x80, v15, vm6, $0xb8;
	[tilespmem:$0x19100] =	vst v63  }
0x283: {  	s9 =	simm.s32 $0x9900;
	v14 =	vperm.xlane v14, v13  }
0x284: {  	[tilespmem:s9], [sflag:$0x3] =	stream.indirect_vreg.gather [hbm4b:s5+s3], $0x80, v15, vm6, $0xb8;
	[tilespmem:$0x19100] =	vst v63  }
0x285: {  	s12 =	simm.s32 $0xA100;
	v14 =	vadd.s32 v12, v14  }
0x286: {  	[tilespmem:s12], [sflag:$0x3] =	stream.indirect_vreg.gather [hbm4b:s6+s3], $0x80, v15, vm6, $0xb8;
	[tilespmem:$0x19100] =	vst v63  }
0x287: {  	s22 =	simm.s32 $0xA900  }
0x288: {  	[tilespmem:s22], [sflag:$0x3] =	stream.indirect_vreg.gather [hbm4b:s7+s3], $0x80, v15, vm6, $0xb8;
	[tilespmem:$0x19100] =	vst v63  }
0x289: {  	s9 =	simm.s32 $0xB100  }
0x28a: {  	[tilespmem:s9], [sflag:$0x3] =	stream.indirect_vreg.gather [hbm4b:s10+s3], $0x80, v14, vm6, $0xb8;
	[tilespmem:$0x19100] =	vst v63  }
0x28b: {  	s12 =	simm.s32 $0xB900  }
0x28c: {  	[tilespmem:s12], [sflag:$0x3] =	stream.indirect_vreg.gather [hbm4b:s5+s3], $0x80, v14, vm6, $0xb8;
	[tilespmem:$0x19100] =	vst v63  }
0x28d: {  	s22 =	simm.s32 $0xC100  }
0x28e: {  	[tilespmem:s22], [sflag:$0x3] =	stream.indirect_vreg.gather [hbm4b:s6+s3], $0x80, v14, vm6, $0xb8;
	[tilespmem:$0x19100] =	vst v63  }
0x28f: {  	s12 =	simm.s32 $0xC900  }
0x290: {  	[tilespmem:s12], [sflag:$0x3] =	stream.indirect_vreg.gather [hbm4b:s7+s3], $0x80, v14, vm6, $0xb8;
	[tilespmem:$0x19100] =	vst v63  }
0x291: {  	s9 =	rddreg [dreg:$0x1e];
	_ =	swait.ge [sflag:s25], $0x4000  }
0x292: {  	[sflag:s25] =	ssyncset.done $0x0  }
0x293: {  	s22 =	rddreg [dreg:$0x10];
	[sflag:s25] =	ssyncadd.s32 $0xFFFFC000  }
0x294: {  	v14 =	vld [tilespmem:s22+$0x900];
	_ =	sdelay $0x4  }
0x295: {  	v15 =	vshll.u32 v14, $0x3  }
0x296: {  	v14 =	vand.u32 $0x7, v14;
	v15 =	vand.u32 $0xFFFFFFC0, v15  }
0x297: {  	v14 =	vor.u32 v14, v15  }
0x298: {  	v15 =	vperm.xlane v14, v11;
	_ =	sdelay $0x1  }
0x299: {  	v15 =	vadd.s32 v12, v15;
	_ =	sdelay $0x3  }
0x29a: {  	s12 =	simm.s32 $0xD100  }
0x29b: {  	[tilespmem:s12], [sflag:$0x4] =	stream.indirect_vreg.gather [hbm4b:s10+s3], $0x80, v15, vm6, $0xb8;
	[tilespmem:$0x19100] =	vst v63  }
0x29c: {  	s22 =	simm.s32 $0xD900;
	v14 =	vperm.xlane v14, v13  }
0x29d: {  	[tilespmem:s22], [sflag:$0x4] =	stream.indirect_vreg.gather [hbm4b:s5+s3], $0x80, v15, vm6, $0xb8;
	[tilespmem:$0x19100] =	vst v63  }
0x29e: {  	s25 =	simm.s32 $0xE100;
	v14 =	vadd.s32 v12, v14  }
0x29f: {  	[tilespmem:s25], [sflag:$0x4] =	stream.indirect_vreg.gather [hbm4b:s6+s3], $0x80, v15, vm6, $0xb8;
	[tilespmem:$0x19100] =	vst v63  }
0x2a0: {  	s12 =	simm.s32 $0xE900  }
0x2a1: {  	[tilespmem:s12], [sflag:$0x4] =	stream.indirect_vreg.gather [hbm4b:s7+s3], $0x80, v15, vm6, $0xb8;
	[tilespmem:$0x19100] =	vst v63  }
0x2a2: {  	s22 =	simm.s32 $0xF100  }
0x2a3: {  	[tilespmem:s22], [sflag:$0x4] =	stream.indirect_vreg.gather [hbm4b:s10+s3], $0x80, v14, vm6, $0xb8;
	[tilespmem:$0x19100] =	vst v63  }
0x2a4: {  	s25 =	simm.s32 $0xF900  }
0x2a5: {  	[tilespmem:s25], [sflag:$0x4] =	stream.indirect_vreg.gather [hbm4b:s5+s3], $0x80, v14, vm6, $0xb8;
	[tilespmem:$0x19100] =	vst v63  }
0x2a6: {  	s12 =	simm.s32 $0x10100  }
0x2a7: {  	[tilespmem:s12], [sflag:$0x4] =	stream.indirect_vreg.gather [hbm4b:s6+s3], $0x80, v14, vm6, $0xb8;
	[tilespmem:$0x19100] =	vst v63  }
0x2a8: {  	s22 =	simm.s32 $0x10900  }
0x2a9: {  	[tilespmem:s22], [sflag:$0x4] =	stream.indirect_vreg.gather [hbm4b:s7+s3], $0x80, v14, vm6, $0xb8;
	[tilespmem:$0x19100] =	vst v63  }
0x2aa: {  	_ =	swait.ge [sflag:s26], $0x4000  }
0x2ab: {  	[sflag:s26] =	ssyncset.done $0x0  }
0x2ac: {  	s30 =	simm.s32 $0x11100;
	s25 =	rddreg [dreg:$0x11];
	[sflag:s26] =	ssyncadd.s32 $0xFFFFC000  }
0x2ad: {  	[hbm4b:s25+s3] =	stream.linear.scatter [tilespmem:s30], [sflag:$0x9], $0x8000, $0x38;
	[tilespmem:$0x19100] =	vst v63  }
0x2ae: {  	_ =	swait.ge [sflag:s8], $0x4000  }
0x2af: {  	[sflag:s8] =	ssyncset.done $0x0  }
0x2b0: {  	[sflag:s8] =	ssyncadd.s32 $0xFFFFC000  }
0x2b1: {  	_ =	swait.ge [sflag:s4], $0x4000  }
0x2b2: {  	[sflag:s4] =	ssyncset.done $0x0  }
0x2b3: {  	s26 =	rddreg [dreg:$0x12];
	[sflag:s4] =	ssyncadd.s32 $0xFFFFC000  }
0x2b4: {  	[hbm4b:s26+s3] =	stream.linear.scatter [tilespmem:s28], [sflag:$0x7], $0x8000, $0x38;
	[tilespmem:$0x19100] =	vst v63  }
0x2b5: {  	_ =	swait.ge [sflag:s2], $0x4000  }
0x2b6: {  	[sflag:s2] =	ssyncset.done $0x0  }
0x2b7: {  	[sflag:s2] =	ssyncadd.s32 $0xFFFFC000  }
0x2b8: {  	_ =	swait.ge [sflag:s23], $0x4000  }
0x2b9: {  	[sflag:s23] =	ssyncset.done $0x0  }
0x2ba: {  	s30 =	rddreg [dreg:$0x13];
	[sflag:s23] =	ssyncadd.s32 $0xFFFFC000  }
0x2bb: {  	[hbm4b:s30+s3] =	stream.linear.scatter [tilespmem:s31], [sflag:$0x8], $0x8000, $0x38;
	[tilespmem:$0x19100] =	vst v63  }
0x2bc: {  	_ =	swait.ge [sflag:s29], $0x8000  }
0x2bd: {  	[sflag:s29] =	ssyncset.done $0x0  }
0x2be: {  	[sflag:s29] =	ssyncadd.s32 $0xFFFF8000  }
0x2bf: {  	p0 =	sne.s32 s9, $0x1;
	_ =	swait.ge [sflag:s1], $0x8000  }
.Ltmp0:
0x2c0: {  	[sflag:s1] =	ssyncset.done $0x0;
	(pc) =	sbr.rel @p0 .LBB2_1-.Ltmp0, $4  }
0x2c1: {  	[sflag:s1] =	ssyncadd.s32 $0xFFFF8000  }
0x2c2: {  	_ =	swait.ge [sflag:s24], $0x8000  }
0x2c3: {  	[sflag:s24] =	ssyncset.done $0x0  }
0x2c4: {  	s9 =	sadd.s32 $0xFFFFFFFF, s9;
	[sflag:s24] =	ssyncadd.s32 $0xFFFF8000  }
0x2c5: {  	_ =	sfence.sel $0x180000  }
0x2c6: {  	[bflag:$0x0] =	sbarrier.arrive $0xFFFF  }
0x2c7: {  	_ =	strace $0x90000047  }
0x2c8: {  	s0 =	stileid.u32;
	[bflag:$0x2] =	sbarrier.arrive $0xFFFF  }
0x2c9: {  	p0 =	sne.s32 s0, $0x0;
	s0 =	rddreg [dreg:$0x3]  }
0x2ca: {  	s0 =	sadd.s32 @!p0 $0x100000, s0  }
0x2cb: {  	[sflag:s0] =	ssyncadd.tile.s32 @!p0 $0x1;
	_ =	shalt  }
.Lfunc_end2:
_tile_overlayer_lowered:
.L_overlay_start_2:
0x2cc: {  	(tag) =	ssettag $0x2  }
0x2cd: {  	s0 =	rddreg [dreg:$0x0];
	s2 =	stileid.u32  }
0x2ce: {  	s1 =	rddreg [dreg:$0x1];
	p0 =	sne.s32 s2, $0x0  }
0x2cf: {  	s3 =	rddreg [dreg:$0x2];
	[bflag:$0x3] =	sbarrier.arrive $0xFFFF;
	s2 =	simm.s32 @!p0 $0x1C0A  }
0x2d0: {  	[timem:s3], [sflag:s2] =	dma.local @!p0 [hbm:s0], s1  }
0x2d1: {  	s0 =	simm.s32 @!p0 $0xA  }
0x2d2: {  	_ =	swait.ge @!p0 [sflag:s0], s1  }
0x2d3: {  	s1 =	ssub.s32 @!p0 $0x0, s1;
	[sflag:s0] =	ssyncset.done @!p0 $0x0  }
0x2d4: {  	[sflag:s0] =	ssyncadd.s32 @!p0 s1  }
0x2d5: {  	[bflag:$0x3] =	sbarrier.arrive $0xFFFF  }
0x2d6: {  	_ =	shalt  }

</sc_bundles>
